<compile_context>
chip_gen: v7x
topology: tpu7x:2x2x1
jax: 0.10.2.dev20260603
libtpu: 0.0.44.dev20260713+nightly
codegen_flags: <defaults>
</compile_context>

<pallas_src>
import functools

import numpy as np
import jax
import jax.numpy as jnp
from jax import lax
from jax.experimental import pallas as pl
from jax.experimental.pallas import tpu as pltpu
from jax.experimental.pallas import tpu_sc as plsc

NUM_EMB = 1000000
EMB_DIM = 64
N_PAD = 64
CB_SIZE = 65536


def _hadamard_np(n):
    H = np.array([[1.0]], dtype=np.float32)
    while H.shape[0] < n:
        H = np.kron(H, np.array([[1.0, 1.0], [1.0, -1.0]], dtype=np.float32))
    return H

_H_SCALED = _hadamard_np(N_PAD) * (float(N_PAD) ** -0.5)
_D = np.arange(N_PAD)
_HE_NP = np.ascontiguousarray(_H_SCALED[_D[(_D // 8) % 2 == 0]])
_HO_NP = np.ascontiguousarray(_H_SCALED[_D[(_D // 8) % 2 == 1]])
_HEBIG_NP = np.zeros((128, 256), np.float32)
_HOBIG_NP = np.zeros((128, 256), np.float32)
for _w in range(4):
    _HEBIG_NP[32 * _w:32 * _w + 32, 64 * _w:64 * _w + 64] = _HE_NP
    _HOBIG_NP[32 * _w:32 * _w + 32, 64 * _w:64 * _w + 64] = _HO_NP


_NC = 2
_NS = 16
_NW = _NC * _NS
_CHUNK = 256
_HALF = _CHUNK * 4


def _sc_gather1(ids_flat, qpair, T):
    tpt = T // _NW
    n_g = tpt // 128

    mesh = plsc.VectorSubcoreMesh(core_axis_name="c", subcore_axis_name="s")

    @functools.partial(
        pl.kernel,
        mesh=mesh,
        compiler_params=pltpu.CompilerParams(use_tc_tiling_on_sc=False),
        out_type=jax.ShapeDtypeStruct((T, 8), jnp.int32),
        scratch_types=[
            pltpu.VMEM((tpt,), jnp.int32),
            pltpu.VMEM((tpt,), jnp.int32),
            pltpu.VMEM((tpt, 8), jnp.int32),
            pltpu.SemaphoreType.DMA,
            pltpu.SemaphoreType.DMA,
        ],
    )
    def k(ids_hbm, q_hbm, qout_hbm, ids_v, idp_v, qrows_v, sem1, sem2):
        wid = lax.axis_index("s") * _NC + lax.axis_index("c")
        pltpu.sync_copy(ids_hbm.at[pl.ds(wid * tpt, tpt)], ids_v)

        def half_body(i, carry):
            off = pl.multiple_of(i * 16, 16)
            sl = pl.ds(off, 16)
            idp_v[sl] = lax.shift_right_logical(ids_v[sl], 1)
            return carry

        lax.fori_loop(0, tpt // 16, half_body, 0)

        descs = [
            pltpu.async_copy(
                q_hbm.at[idp_v.at[pl.ds(j * 128, 128)]],
                qrows_v.at[pl.ds(j * 128, 128)],
                sem1,
            )
            for j in range(n_g)
        ]
        for d in descs:
            d.wait()
        pltpu.async_copy(qrows_v, qout_hbm.at[pl.ds(wid * tpt, tpt)], sem2).wait()

    return k(ids_flat, qpair)


def _sc_gather2(qflat, ids_flat, codebook, T):
    tpt = T // _NW
    n_chunks = tpt // _CHUNK

    mesh = plsc.VectorSubcoreMesh(core_axis_name="c", subcore_axis_name="s")

    @functools.partial(
        pl.kernel,
        mesh=mesh,
        compiler_params=pltpu.CompilerParams(
            use_tc_tiling_on_sc=False, needs_layout_passes=False),
        out_type=(
            jax.ShapeDtypeStruct((T * 32 // 128, 128), jnp.float32),
            jax.ShapeDtypeStruct((T * 32 // 128, 128), jnp.float32),
        ),
        scratch_types=[
            pltpu.VMEM((_CHUNK * 8,), jnp.int32),
            pltpu.VMEM((_CHUNK,), jnp.int32),
            pltpu.VMEM((_HALF,), jnp.int32),
            pltpu.VMEM((_HALF,), jnp.int32),
            pltpu.VMEM((_HALF, 8), jnp.float32),
            pltpu.VMEM((_HALF, 8), jnp.float32),
            pltpu.VMEM((_HALF // 16, 128), jnp.float32),
            pltpu.VMEM((_HALF // 16, 128), jnp.float32),
            pltpu.SemaphoreType.DMA,
            pltpu.SemaphoreType.DMA,
            pltpu.SemaphoreType.DMA,
        ],
    )
    def k(q_hbm, ids_hbm, cb_hbm, outE_hbm, outO_hbm,
          qv, idv, idxE_v, idxO_v, rowsE_v, rowsO_v, rowsEw_v, rowsOw_v,
          sem1, sem2, sem3):
        wid = lax.axis_index("s") * _NC + lax.axis_index("c")
        lanes = lax.iota(jnp.int32, 16)
        tok_of_lane = lax.shift_right_logical(lanes, 2)
        word_of_lane = lanes & 3

        def chunk_body(c, carry):
            t0 = wid * tpt + c * _CHUNK
            dq = pltpu.async_copy(q_hbm.at[pl.ds(t0 * 8, _CHUNK * 8)], qv, sem1)
            di = pltpu.async_copy(ids_hbm.at[pl.ds(t0, _CHUNK)], idv, sem1)
            dq.wait()
            di.wait()
            for m in range(_HALF // 16):
                tok = tok_of_lane + (4 * m)
                idt = plsc.load_gather(idv, [tok])
                shift = lax.shift_left(idt & 1, 4)
                base = tok * 8 + 2 * word_of_lane
                wE = plsc.load_gather(qv, [base])
                wO = plsc.load_gather(qv, [base + 1])
                sl = pl.ds(m * 16, 16)
                idxE_v[sl] = lax.shift_right_logical(wE, shift) & 0xFFFF
                idxO_v[sl] = lax.shift_right_logical(wO, shift) & 0xFFFF
            d2 = []
            for j in range(8):
                sl = pl.ds(j * 128, 128)
                d2.append(pltpu.async_copy(
                    cb_hbm.at[idxE_v.at[sl]], rowsE_v.at[sl], sem2))
                d2.append(pltpu.async_copy(
                    cb_hbm.at[idxO_v.at[sl]], rowsO_v.at[sl], sem2))
            for d in d2:
                d.wait()
            def rel_body(i, cc):
                p = i * 16 + lanes
                pr = lax.shift_right_logical(p, 3)
                pc = p & 7
                vE = plsc.load_gather(rowsE_v, [pr, pc])
                vO = plsc.load_gather(rowsO_v, [pr, pc])
                row = lax.shift_right_logical(i, 3)
                cs = (i & 7) * 16
                rowsEw_v[row, pl.ds(cs, 16)] = vE
                rowsOw_v[row, pl.ds(cs, 16)] = vO
                return cc

            lax.fori_loop(0, _HALF * 8 // 16, rel_body, 0)
            wb = t0 // 4
            nr = _HALF // 16
            dE = pltpu.async_copy(rowsEw_v, outE_hbm.at[pl.ds(wb, nr)], sem3)
            dO = pltpu.async_copy(rowsOw_v, outO_hbm.at[pl.ds(wb, nr)], sem3)
            dE.wait()
            dO.wait()
            return carry

        lax.fori_loop(0, n_chunks, chunk_body, 0)

    return k(qflat, ids_flat, codebook)



_BQ = 8000


def _pack_body(q_ref, o_ref):
    o_ref[...] = pltpu.bitcast(q_ref[...], jnp.int32)


def _tc_pack(Qidxs):
    grid = (NUM_EMB // _BQ,)
    return pl.pallas_call(
        _pack_body,
        grid=grid,
        in_specs=[pl.BlockSpec((_BQ, 8), lambda i: (i, 0))],
        out_specs=pl.BlockSpec((_BQ // 2, 8), lambda i: (i, 0)),
        out_shape=jax.ShapeDtypeStruct((NUM_EMB // 2, 8), jnp.int32),
    )(Qidxs)


_BR = 1024


def _tc_body(gE_ref, gO_ref, hE_ref, hO_ref, svw_ref, o_ref):
    mE = hE_ref[...] * svw_ref[...]
    mO = hO_ref[...] * svw_ref[...]
    acc = lax.dot(gE_ref[...], mE, preferred_element_type=jnp.float32)
    acc = acc + lax.dot(gO_ref[...], mO, preferred_element_type=jnp.float32)
    bits = lax.bitcast_convert_type(acc, jnp.int32)
    sgn = lax.shift_right_logical(bits, 16) & 0x8000
    mag = (bits & 0x7FFFFFFF) + 0x1000
    half = lax.shift_right_logical(mag, 13) - (112 << 10)
    half = jnp.maximum(half, 0)
    o_ref[...] = (sgn | half).astype(jnp.int16)


def _tc_transform(gE, gO, hE, hO, svw4, T):
    rows = T * 32 // 128
    grid = (rows // _BR,)
    return pl.pallas_call(
        _tc_body,
        grid=grid,
        in_specs=[
            pl.BlockSpec((_BR, 128), lambda i: (i, 0)),
            pl.BlockSpec((_BR, 128), lambda i: (i, 0)),
            pl.BlockSpec((128, 256), lambda i: (0, 0)),
            pl.BlockSpec((128, 256), lambda i: (0, 0)),
            pl.BlockSpec((1, 256), lambda i: (0, 0)),
        ],
        out_specs=pl.BlockSpec((_BR, 256), lambda i: (i, 0)),
        out_shape=jax.ShapeDtypeStruct((rows, 256), jnp.int16),
    )(gE, gO, hE, hO, svw4)


def kernel(input_ids, Qidxs, codebook, SV, Wscale):
    B = input_ids.shape
    T = input_ids.size
    flat_ids = input_ids.reshape(T)
    qpair = _tc_pack(Qidxs)
    qrows = _sc_gather1(flat_ids, qpair, T)
    gE, gO = _sc_gather2(qrows.reshape(T * 8), flat_ids, codebook, T)
    svw = (SV.astype(jnp.float32) * Wscale).reshape(1, N_PAD)
    svw4 = jnp.tile(svw, (1, 4))
    hE = jnp.asarray(_HEBIG_NP)
    hO = jnp.asarray(_HOBIG_NP)
    out = _tc_transform(gE, gO, hE, hO, svw4, T)
    out = lax.bitcast_convert_type(out, jnp.float16)
    return out.reshape(B + (EMB_DIM,))

# --- scband reference (transcript-rebuilt; emitter-appended) ---
"""Pipeline reference for scband-e8-rhtembedding-3212635537649 (READ-ONLY COPY).

The authoritative reference and input builder live on the scoring server;
editing this copy changes nothing except your own understanding.
"""

import jax, jax.numpy as jnp
import numpy as np

NUM_EMB = 1000000
EMB_DIM = 64
N_PAD = 64  # 1 << (EMB_DIM - 1).bit_length()
CB_SIZE = 65536


def _hadamard(n):
    H = np.array([[1.0]], dtype=np.float32)
    while H.shape[0] < n:
        H = np.kron(H, np.array([[1.0, 1.0], [1.0, -1.0]], dtype=np.float32))
    return H

_H = jnp.asarray(_hadamard(N_PAD))
_RSQRT_N = float(N_PAD) ** -0.5


def setup_inputs(seed: int = 0):
    key = jax.random.key(seed)
    k1, k2, k3, k4 = jax.random.split(key, 4)
    input_ids = jax.random.randint(k1, (16384, 20), 0, NUM_EMB, dtype=jnp.int32)
    # Quantized per-row codes: [vocab, n_pad//8] int16 (each int16 indexes an 8-dim codebook vector)
    Qidxs = jax.random.randint(k2, (NUM_EMB, N_PAD // 8), 0, CB_SIZE, dtype=jnp.int32).astype(jnp.int16)
    # Shared E8 shell codebook stand-in: [65536, 8] float32
    codebook = jax.random.normal(k3, (CB_SIZE, 8), dtype=jnp.float32) * 0.3
    # Per-column SV scales (stored fp16)
    SV = (jax.random.uniform(k4, (N_PAD,), dtype=jnp.float32) * 0.5 + 0.75).astype(jnp.float16)
    Wscale = jnp.asarray(0.02, dtype=jnp.float32)
    return {"input_ids": input_ids, "Qidxs": Qidxs, "codebook": codebook, "SV": SV, "Wscale": Wscale}


def reference(input_ids, Qidxs, codebook, SV, Wscale):
    # Gather + dequant per requested row (single-stage: inv_resid_scale == 0 => no Qidxs2 path)
    flat_ids = input_ids.reshape(-1)
    rows1 = jnp.take(Qidxs, flat_ids, axis=0)                       # [T, n_pad//8] int16
    idx1 = rows1.astype(jnp.int32) & 65535                          # .long() & 0xFFFF
    deq1 = jnp.take(codebook, idx1.reshape(-1), axis=0)             # [T*n_pad//8, 8]
    deq = deq1.reshape(flat_ids.shape[0], N_PAD).astype(jnp.float32)
    deq = deq * Wscale                                              # * _wscale_float
    deq = (deq @ _H) * _RSQRT_N                                     # normalized fast Hadamard transform (columns)
    deq = deq * SV.astype(jnp.float32)                              # * SV.float()
    out = deq[:, :EMB_DIM].astype(jnp.float16)                      # out dtype = SV.dtype (fp16)
    return out.reshape(input_ids.shape + (EMB_DIM,))

if __name__ == "__main__":
    import jax
    _d = setup_inputs()
    print(jax.jit(kernel)(*tuple(_d.values())))

</pallas_src>

<mosaic_0001>
#map = affine_map<(d0, d1) -> (0)>
#map1 = affine_map<(d0, d1) -> (0, 0)>
module attributes {stable_mosaic.version = 14 : i64} {
  func.func @k(%arg0: i32, %arg1: i32, %arg2: memref<327680xi32, #tpu.memory_space<hbm>>, %arg3: memref<500000x8xi32, #tpu.memory_space<hbm>>, %arg4: memref<327680x8xi32, #tpu.memory_space<hbm>>, %arg5: memref<10240xi32, #tpu.memory_space<vmem>>, %arg6: memref<10240xi32, #tpu.memory_space<vmem>>, %arg7: memref<10240x8xi32, #tpu.memory_space<vmem>>, %arg8: memref<!tpu.dma_semaphore, #tpu.memory_space<semaphore_mem>>, %arg9: memref<!tpu.dma_semaphore, #tpu.memory_space<semaphore_mem>>) attributes {dimension_semantics = [#tpu.dimension_semantics<core_parallel>, #tpu.dimension_semantics<subcore_parallel>], iteration_bounds = array<i64: 2, 16>, scalar_prefetch = 0 : i64, scratch_operands = 5 : i64, tpu.core_type = #tpu.core_type<sc_vector_subcore>, window_params = [{transform_indices = #map}, {transform_indices = #map1}, {transform_indices = #map1}]} {
    %mul3A = arith.constant 2 : i32
    %mul3A_0 = arith.muli %arg1, %mul3A : i32
    %add3A = arith.addi %mul3A_0, %arg0 : i32
    %mul3A_1 = arith.constant 10240 : i32
    %mul3A_2 = arith.muli %add3A, %mul3A_1 : i32
    "tpu.region"() ({
      %run_scoped3A = tpu.sem_alloc : memref<!tpu.dma_semaphore, #tpu.memory_space<semaphore_mem>>
      %dma_start3A_1296 = tpu.memref_slice %arg2[%mul3A_2] : memref<327680xi32, #tpu.memory_space<hbm>> -> memref<10240xi32, #tpu.memory_space<hbm>>
      %dma_start3A_1297 = tpu.memref_slice %arg2[%mul3A_2] : memref<327680xi32, #tpu.memory_space<hbm>> -> memref<10240xi32, #tpu.memory_space<hbm>>
      tpu.enqueue_dma source(%dma_start3A_1297 : memref<10240xi32, #tpu.memory_space<hbm>>) target(%arg5 : memref<10240xi32, #tpu.memory_space<vmem>>) target_semaphore(%run_scoped3A : memref<!tpu.dma_semaphore, #tpu.memory_space<semaphore_mem>>)
      %dma_wait3A_1298 = tpu.memref_slice %arg2[%mul3A_2] : memref<327680xi32, #tpu.memory_space<hbm>> -> memref<10240xi32, #tpu.memory_space<hbm>>
      %dma_wait3A_1299 = tpu.memref_slice %arg2[%mul3A_2] : memref<327680xi32, #tpu.memory_space<hbm>> -> memref<10240xi32, #tpu.memory_space<hbm>>
      tpu.wait_dma2 semaphore(%run_scoped3A : memref<!tpu.dma_semaphore, #tpu.memory_space<semaphore_mem>>) src(%dma_wait3A_1299 : memref<10240xi32, #tpu.memory_space<hbm>>) dst(%arg5 : memref<10240xi32, #tpu.memory_space<vmem>>)
      tpu.yield
    }) : () -> ()
    %scan3A = arith.constant 0 : i32
    %scan3A_3 = arith.constant 0 : i32
    %scan3A_4 = arith.constant 640 : i32
    %scan3A_5 = arith.addi %scan3A_3, %scan3A_4 : i32
    %scan3A_6 = arith.constant 1 : i32
    scf.for %scan3A_1296 = %scan3A_3 to %scan3A_5 step %scan3A_6  : i32 {
      %mul3A_1297 = arith.constant 16 : i32
      %mul3A_1298 = arith.muli %scan3A_1296, %mul3A_1297 : i32
      %multiple_of3A = tpu.assume_multiple %mul3A_1298, 16 : i32
      %get3A = arith.index_cast %multiple_of3A : i32 to index
      %get3A_1299 = tpu.vector_load %arg5[%get3A] {strides = array<i32>} : memref<10240xi32, #tpu.memory_space<vmem>>, vector<16xi32>,
      %get3A_1300 = vector.shape_cast %get3A_1299 : vector<16xi32> to vector<16xi32>
      %shift_right_logical3A = arith.constant 1 : i32
      %shift_right_logical3A_1301 = vector.broadcast %shift_right_logical3A : i32 to vector<16xi32>
      %shift_right_logical3A_1302 = arith.shrui %get3A_1300, %shift_right_logical3A_1301 : vector<16xi32>
      %swap3A = arith.index_cast %multiple_of3A : i32 to index
      %swap3A_1303 = tpu.vector_load %arg6[%swap3A] {strides = array<i32>} : memref<10240xi32, #tpu.memory_space<vmem>>, vector<16xi32>,
      %swap3A_1304 = vector.shape_cast %swap3A_1303 : vector<16xi32> to vector<16xi32>
      %swap3A_1305 = vector.shape_cast %shift_right_logical3A_1302 : vector<16xi32> to vector<16xi32>
      tpu.vector_store %arg6[%swap3A], %swap3A_1305 {strides = array<i32>} : memref<10240xi32, #tpu.memory_space<vmem>>, vector<16xi32>,
    }
    %scan3A_7 = arith.constant 640 : i32
    %dma_start3A = arith.constant 0 : i32
    %dma_start3A_8 = arith.constant 0 : i32
    %dma_start3A_9 = tpu.memref_slice %arg7[%dma_start3A, %dma_start3A_8] : memref<10240x8xi32, #tpu.memory_space<vmem>> -> memref<128x8xi32, #tpu.memory_space<vmem>>
    %dma_start3A_10 = arith.constant 0 : i32
    %dma_start3A_11 = tpu.memref_slice %arg6[%dma_start3A_10] : memref<10240xi32, #tpu.memory_space<vmem>> -> memref<128xi32, #tpu.memory_space<vmem>>
    %dma_start3A_12 = arith.constant 0 : i32
    %dma_start3A_13 = arith.constant 0 : i32
    %dma_start3A_14 = tpu.memref_slice %arg3[%dma_start3A_12, %dma_start3A_13] : memref<500000x8xi32, #tpu.memory_space<hbm>> -> memref<500000x8xi32, #tpu.memory_space<hbm>>
    tpu.enqueue_indirect_dma source(%dma_start3A_14 : memref<500000x8xi32, #tpu.memory_space<hbm>>) target(%dma_start3A_9 : memref<128x8xi32, #tpu.memory_space<vmem>>) offsets(%dma_start3A_11 : memref<128xi32, #tpu.memory_space<vmem>>) semaphore(%arg8 : memref<!tpu.dma_semaphore, #tpu.memory_space<semaphore_mem>>)
    %dma_start3A_15 = arith.constant 128 : i32
    %dma_start3A_16 = arith.constant 0 : i32
    %dma_start3A_17 = tpu.memref_slice %arg7[%dma_start3A_15, %dma_start3A_16] : memref<10240x8xi32, #tpu.memory_space<vmem>> -> memref<128x8xi32, #tpu.memory_space<vmem>>
    %dma_start3A_18 = arith.constant 128 : i32
    %dma_start3A_19 = tpu.memref_slice %arg6[%dma_start3A_18] : memref<10240xi32, #tpu.memory_space<vmem>> -> memref<128xi32, #tpu.memory_space<vmem>>
    %dma_start3A_20 = arith.constant 0 : i32
    %dma_start3A_21 = arith.constant 0 : i32
    %dma_start3A_22 = tpu.memref_slice %arg3[%dma_start3A_20, %dma_start3A_21] : memref<500000x8xi32, #tpu.memory_space<hbm>> -> memref<500000x8xi32, #tpu.memory_space<hbm>>
    tpu.enqueue_indirect_dma source(%dma_start3A_22 : memref<500000x8xi32, #tpu.memory_space<hbm>>) target(%dma_start3A_17 : memref<128x8xi32, #tpu.memory_space<vmem>>) offsets(%dma_start3A_19 : memref<128xi32, #tpu.memory_space<vmem>>) semaphore(%arg8 : memref<!tpu.dma_semaphore, #tpu.memory_space<semaphore_mem>>)
    %dma_start3A_23 = arith.constant 256 : i32
    %dma_start3A_24 = arith.constant 0 : i32
    %dma_start3A_25 = tpu.memref_slice %arg7[%dma_start3A_23, %dma_start3A_24] : memref<10240x8xi32, #tpu.memory_space<vmem>> -> memref<128x8xi32, #tpu.memory_space<vmem>>
    %dma_start3A_26 = arith.constant 256 : i32
    %dma_start3A_27 = tpu.memref_slice %arg6[%dma_start3A_26] : memref<10240xi32, #tpu.memory_space<vmem>> -> memref<128xi32, #tpu.memory_space<vmem>>
    %dma_start3A_28 = arith.constant 0 : i32
    %dma_start3A_29 = arith.constant 0 : i32
    %dma_start3A_30 = tpu.memref_slice %arg3[%dma_start3A_28, %dma_start3A_29] : memref<500000x8xi32, #tpu.memory_space<hbm>> -> memref<500000x8xi32, #tpu.memory_space<hbm>>
    tpu.enqueue_indirect_dma source(%dma_start3A_30 : memref<500000x8xi32, #tpu.memory_space<hbm>>) target(%dma_start3A_25 : memref<128x8xi32, #tpu.memory_space<vmem>>) offsets(%dma_start3A_27 : memref<128xi32, #tpu.memory_space<vmem>>) semaphore(%arg8 : memref<!tpu.dma_semaphore, #tpu.memory_space<semaphore_mem>>)
    %dma_start3A_31 = arith.constant 384 : i32
    %dma_start3A_32 = arith.constant 0 : i32
    %dma_start3A_33 = tpu.memref_slice %arg7[%dma_start3A_31, %dma_start3A_32] : memref<10240x8xi32, #tpu.memory_space<vmem>> -> memref<128x8xi32, #tpu.memory_space<vmem>>
    %dma_start3A_34 = arith.constant 384 : i32
    %dma_start3A_35 = tpu.memref_slice %arg6[%dma_start3A_34] : memref<10240xi32, #tpu.memory_space<vmem>> -> memref<128xi32, #tpu.memory_space<vmem>>
    %dma_start3A_36 = arith.constant 0 : i32
    %dma_start3A_37 = arith.constant 0 : i32
    %dma_start3A_38 = tpu.memref_slice %arg3[%dma_start3A_36, %dma_start3A_37] : memref<500000x8xi32, #tpu.memory_space<hbm>> -> memref<500000x8xi32, #tpu.memory_space<hbm>>
    tpu.enqueue_indirect_dma source(%dma_start3A_38 : memref<500000x8xi32, #tpu.memory_space<hbm>>) target(%dma_start3A_33 : memref<128x8xi32, #tpu.memory_space<vmem>>) offsets(%dma_start3A_35 : memref<128xi32, #tpu.memory_space<vmem>>) semaphore(%arg8 : memref<!tpu.dma_semaphore, #tpu.memory_space<semaphore_mem>>)
    %dma_start3A_39 = arith.constant 512 : i32
    %dma_start3A_40 = arith.constant 0 : i32
    %dma_start3A_41 = tpu.memref_slice %arg7[%dma_start3A_39, %dma_start3A_40] : memref<10240x8xi32, #tpu.memory_space<vmem>> -> memref<128x8xi32, #tpu.memory_space<vmem>>
    %dma_start3A_42 = arith.constant 512 : i32
    %dma_start3A_43 = tpu.memref_slice %arg6[%dma_start3A_42] : memref<10240xi32, #tpu.memory_space<vmem>> -> memref<128xi32, #tpu.memory_space<vmem>>
    %dma_start3A_44 = arith.constant 0 : i32
    %dma_start3A_45 = arith.constant 0 : i32
    %dma_start3A_46 = tpu.memref_slice %arg3[%dma_start3A_44, %dma_start3A_45] : memref<500000x8xi32, #tpu.memory_space<hbm>> -> memref<500000x8xi32, #tpu.memory_space<hbm>>
    tpu.enqueue_indirect_dma source(%dma_start3A_46 : memref<500000x8xi32, #tpu.memory_space<hbm>>) target(%dma_start3A_41 : memref<128x8xi32, #tpu.memory_space<vmem>>) offsets(%dma_start3A_43 : memref<128xi32, #tpu.memory_space<vmem>>) semaphore(%arg8 : memref<!tpu.dma_semaphore, #tpu.memory_space<semaphore_mem>>)
    %dma_start3A_47 = arith.constant 640 : i32
    %dma_start3A_48 = arith.constant 0 : i32
    %dma_start3A_49 = tpu.memref_slice %arg7[%dma_start3A_47, %dma_start3A_48] : memref<10240x8xi32, #tpu.memory_space<vmem>> -> memref<128x8xi32, #tpu.memory_space<vmem>>
    %dma_start3A_50 = arith.constant 640 : i32
    %dma_start3A_51 = tpu.memref_slice %arg6[%dma_start3A_50] : memref<10240xi32, #tpu.memory_space<vmem>> -> memref<128xi32, #tpu.memory_space<vmem>>
    %dma_start3A_52 = arith.constant 0 : i32
    %dma_start3A_53 = arith.constant 0 : i32
    %dma_start3A_54 = tpu.memref_slice %arg3[%dma_start3A_52, %dma_start3A_53] : memref<500000x8xi32, #tpu.memory_space<hbm>> -> memref<500000x8xi32, #tpu.memory_space<hbm>>
    tpu.enqueue_indirect_dma source(%dma_start3A_54 : memref<500000x8xi32, #tpu.memory_space<hbm>>) target(%dma_start3A_49 : memref<128x8xi32, #tpu.memory_space<vmem>>) offsets(%dma_start3A_51 : memref<128xi32, #tpu.memory_space<vmem>>) semaphore(%arg8 : memref<!tpu.dma_semaphore, #tpu.memory_space<semaphore_mem>>)
    %dma_start3A_55 = arith.constant 768 : i32
    %dma_start3A_56 = arith.constant 0 : i32
    %dma_start3A_57 = tpu.memref_slice %arg7[%dma_start3A_55, %dma_start3A_56] : memref<10240x8xi32, #tpu.memory_space<vmem>> -> memref<128x8xi32, #tpu.memory_space<vmem>>
    %dma_start3A_58 = arith.constant 768 : i32
    %dma_start3A_59 = tpu.memref_slice %arg6[%dma_start3A_58] : memref<10240xi32, #tpu.memory_space<vmem>> -> memref<128xi32, #tpu.memory_space<vmem>>
    %dma_start3A_60 = arith.constant 0 : i32
    %dma_start3A_61 = arith.constant 0 : i32
    %dma_start3A_62 = tpu.memref_slice %arg3[%dma_start3A_60, %dma_start3A_61] : memref<500000x8xi32, #tpu.memory_space<hbm>> -> memref<500000x8xi32, #tpu.memory_space<hbm>>
    tpu.enqueue_indirect_dma source(%dma_start3A_62 : memref<500000x8xi32, #tpu.memory_space<hbm>>) target(%dma_start3A_57 : memref<128x8xi32, #tpu.memory_space<vmem>>) offsets(%dma_start3A_59 : memref<128xi32, #tpu.memory_space<vmem>>) semaphore(%arg8 : memref<!tpu.dma_semaphore, #tpu.memory_space<semaphore_mem>>)
    %dma_start3A_63 = arith.constant 896 : i32
    %dma_start3A_64 = arith.constant 0 : i32
    %dma_start3A_65 = tpu.memref_slice %arg7[%dma_start3A_63, %dma_start3A_64] : memref<10240x8xi32, #tpu.memory_space<vmem>> -> memref<128x8xi32, #tpu.memory_space<vmem>>
    %dma_start3A_66 = arith.constant 896 : i32
    %dma_start3A_67 = tpu.memref_slice %arg6[%dma_start3A_66] : memref<10240xi32, #tpu.memory_space<vmem>> -> memref<128xi32, #tpu.memory_space<vmem>>
    %dma_start3A_68 = arith.constant 0 : i32
    %dma_start3A_69 = arith.constant 0 : i32
    %dma_start3A_70 = tpu.memref_slice %arg3[%dma_start3A_68, %dma_start3A_69] : memref<500000x8xi32, #tpu.memory_space<hbm>> -> memref<500000x8xi32, #tpu.memory_space<hbm>>
    tpu.enqueue_indirect_dma source(%dma_start3A_70 : memref<500000x8xi32, #tpu.memory_space<hbm>>) target(%dma_start3A_65 : memref<128x8xi32, #tpu.memory_space<vmem>>) offsets(%dma_start3A_67 : memref<128xi32, #tpu.memory_space<vmem>>) semaphore(%arg8 : memref<!tpu.dma_semaphore, #tpu.memory_space<semaphore_mem>>)
    %dma_start3A_71 = arith.constant 1024 : i32
    %dma_start3A_72 = arith.constant 0 : i32
    %dma_start3A_73 = tpu.memref_slice %arg7[%dma_start3A_71, %dma_start3A_72] : memref<10240x8xi32, #tpu.memory_space<vmem>> -> memref<128x8xi32, #tpu.memory_space<vmem>>
    %dma_start3A_74 = arith.constant 1024 : i32
    %dma_start3A_75 = tpu.memref_slice %arg6[%dma_start3A_74] : memref<10240xi32, #tpu.memory_space<vmem>> -> memref<128xi32, #tpu.memory_space<vmem>>
    %dma_start3A_76 = arith.constant 0 : i32
    %dma_start3A_77 = arith.constant 0 : i32
    %dma_start3A_78 = tpu.memref_slice %arg3[%dma_start3A_76, %dma_start3A_77] : memref<500000x8xi32, #tpu.memory_space<hbm>> -> memref<500000x8xi32, #tpu.memory_space<hbm>>
    tpu.enqueue_indirect_dma source(%dma_start3A_78 : memref<500000x8xi32, #tpu.memory_space<hbm>>) target(%dma_start3A_73 : memref<128x8xi32, #tpu.memory_space<vmem>>) offsets(%dma_start3A_75 : memref<128xi32, #tpu.memory_space<vmem>>) semaphore(%arg8 : memref<!tpu.dma_semaphore, #tpu.memory_space<semaphore_mem>>)
    %dma_start3A_79 = arith.constant 1152 : i32
    %dma_start3A_80 = arith.constant 0 : i32
    %dma_start3A_81 = tpu.memref_slice %arg7[%dma_start3A_79, %dma_start3A_80] : memref<10240x8xi32, #tpu.memory_space<vmem>> -> memref<128x8xi32, #tpu.memory_space<vmem>>
    %dma_start3A_82 = arith.constant 1152 : i32
    %dma_start3A_83 = tpu.memref_slice %arg6[%dma_start3A_82] : memref<10240xi32, #tpu.memory_space<vmem>> -> memref<128xi32, #tpu.memory_space<vmem>>
    %dma_start3A_84 = arith.constant 0 : i32
    %dma_start3A_85 = arith.constant 0 : i32
    %dma_start3A_86 = tpu.memref_slice %arg3[%dma_start3A_84, %dma_start3A_85] : memref<500000x8xi32, #tpu.memory_space<hbm>> -> memref<500000x8xi32, #tpu.memory_space<hbm>>
    tpu.enqueue_indirect_dma source(%dma_start3A_86 : memref<500000x8xi32, #tpu.memory_space<hbm>>) target(%dma_start3A_81 : memref<128x8xi32, #tpu.memory_space<vmem>>) offsets(%dma_start3A_83 : memref<128xi32, #tpu.memory_space<vmem>>) semaphore(%arg8 : memref<!tpu.dma_semaphore, #tpu.memory_space<semaphore_mem>>)
    %dma_start3A_87 = arith.constant 1280 : i32
    %dma_start3A_88 = arith.constant 0 : i32
    %dma_start3A_89 = tpu.memref_slice %arg7[%dma_start3A_87, %dma_start3A_88] : memref<10240x8xi32, #tpu.memory_space<vmem>> -> memref<128x8xi32, #tpu.memory_space<vmem>>
    %dma_start3A_90 = arith.constant 1280 : i32
    %dma_start3A_91 = tpu.memref_slice %arg6[%dma_start3A_90] : memref<10240xi32, #tpu.memory_space<vmem>> -> memref<128xi32, #tpu.memory_space<vmem>>
    %dma_start3A_92 = arith.constant 0 : i32
    %dma_start3A_93 = arith.constant 0 : i32
    %dma_start3A_94 = tpu.memref_slice %arg3[%dma_start3A_92, %dma_start3A_93] : memref<500000x8xi32, #tpu.memory_space<hbm>> -> memref<500000x8xi32, #tpu.memory_space<hbm>>
    tpu.enqueue_indirect_dma source(%dma_start3A_94 : memref<500000x8xi32, #tpu.memory_space<hbm>>) target(%dma_start3A_89 : memref<128x8xi32, #tpu.memory_space<vmem>>) offsets(%dma_start3A_91 : memref<128xi32, #tpu.memory_space<vmem>>) semaphore(%arg8 : memref<!tpu.dma_semaphore, #tpu.memory_space<semaphore_mem>>)
    %dma_start3A_95 = arith.constant 1408 : i32
    %dma_start3A_96 = arith.constant 0 : i32
    %dma_start3A_97 = tpu.memref_slice %arg7[%dma_start3A_95, %dma_start3A_96] : memref<10240x8xi32, #tpu.memory_space<vmem>> -> memref<128x8xi32, #tpu.memory_space<vmem>>
    %dma_start3A_98 = arith.constant 1408 : i32
    %dma_start3A_99 = tpu.memref_slice %arg6[%dma_start3A_98] : memref<10240xi32, #tpu.memory_space<vmem>> -> memref<128xi32, #tpu.memory_space<vmem>>
    %dma_start3A_100 = arith.constant 0 : i32
    %dma_start3A_101 = arith.constant 0 : i32
    %dma_start3A_102 = tpu.memref_slice %arg3[%dma_start3A_100, %dma_start3A_101] : memref<500000x8xi32, #tpu.memory_space<hbm>> -> memref<500000x8xi32, #tpu.memory_space<hbm>>
    tpu.enqueue_indirect_dma source(%dma_start3A_102 : memref<500000x8xi32, #tpu.memory_space<hbm>>) target(%dma_start3A_97 : memref<128x8xi32, #tpu.memory_space<vmem>>) offsets(%dma_start3A_99 : memref<128xi32, #tpu.memory_space<vmem>>) semaphore(%arg8 : memref<!tpu.dma_semaphore, #tpu.memory_space<semaphore_mem>>)
    %dma_start3A_103 = arith.constant 1536 : i32
    %dma_start3A_104 = arith.constant 0 : i32
    %dma_start3A_105 = tpu.memref_slice %arg7[%dma_start3A_103, %dma_start3A_104] : memref<10240x8xi32, #tpu.memory_space<vmem>> -> memref<128x8xi32, #tpu.memory_space<vmem>>
    %dma_start3A_106 = arith.constant 1536 : i32
    %dma_start3A_107 = tpu.memref_slice %arg6[%dma_start3A_106] : memref<10240xi32, #tpu.memory_space<vmem>> -> memref<128xi32, #tpu.memory_space<vmem>>
    %dma_start3A_108 = arith.constant 0 : i32
    %dma_start3A_109 = arith.constant 0 : i32
    %dma_start3A_110 = tpu.memref_slice %arg3[%dma_start3A_108, %dma_start3A_109] : memref<500000x8xi32, #tpu.memory_space<hbm>> -> memref<500000x8xi32, #tpu.memory_space<hbm>>
    tpu.enqueue_indirect_dma source(%dma_start3A_110 : memref<500000x8xi32, #tpu.memory_space<hbm>>) target(%dma_start3A_105 : memref<128x8xi32, #tpu.memory_space<vmem>>) offsets(%dma_start3A_107 : memref<128xi32, #tpu.memory_space<vmem>>) semaphore(%arg8 : memref<!tpu.dma_semaphore, #tpu.memory_space<semaphore_mem>>)
    %dma_start3A_111 = arith.constant 1664 : i32
    %dma_start3A_112 = arith.constant 0 : i32
    %dma_start3A_113 = tpu.memref_slice %arg7[%dma_start3A_111, %dma_start3A_112] : memref<10240x8xi32, #tpu.memory_space<vmem>> -> memref<128x8xi32, #tpu.memory_space<vmem>>
    %dma_start3A_114 = arith.constant 1664 : i32
    %dma_start3A_115 = tpu.memref_slice %arg6[%dma_start3A_114] : memref<10240xi32, #tpu.memory_space<vmem>> -> memref<128xi32, #tpu.memory_space<vmem>>
    %dma_start3A_116 = arith.constant 0 : i32
    %dma_start3A_117 = arith.constant 0 : i32
    %dma_start3A_118 = tpu.memref_slice %arg3[%dma_start3A_116, %dma_start3A_117] : memref<500000x8xi32, #tpu.memory_space<hbm>> -> memref<500000x8xi32, #tpu.memory_space<hbm>>
    tpu.enqueue_indirect_dma source(%dma_start3A_118 : memref<500000x8xi32, #tpu.memory_space<hbm>>) target(%dma_start3A_113 : memref<128x8xi32, #tpu.memory_space<vmem>>) offsets(%dma_start3A_115 : memref<128xi32, #tpu.memory_space<vmem>>) semaphore(%arg8 : memref<!tpu.dma_semaphore, #tpu.memory_space<semaphore_mem>>)
    %dma_start3A_119 = arith.constant 1792 : i32
    %dma_start3A_120 = arith.constant 0 : i32
    %dma_start3A_121 = tpu.memref_slice %arg7[%dma_start3A_119, %dma_start3A_120] : memref<10240x8xi32, #tpu.memory_space<vmem>> -> memref<128x8xi32, #tpu.memory_space<vmem>>
    %dma_start3A_122 = arith.constant 1792 : i32
    %dma_start3A_123 = tpu.memref_slice %arg6[%dma_start3A_122] : memref<10240xi32, #tpu.memory_space<vmem>> -> memref<128xi32, #tpu.memory_space<vmem>>
    %dma_start3A_124 = arith.constant 0 : i32
    %dma_start3A_125 = arith.constant 0 : i32
    %dma_start3A_126 = tpu.memref_slice %arg3[%dma_start3A_124, %dma_start3A_125] : memref<500000x8xi32, #tpu.memory_space<hbm>> -> memref<500000x8xi32, #tpu.memory_space<hbm>>
    tpu.enqueue_indirect_dma source(%dma_start3A_126 : memref<500000x8xi32, #tpu.memory_space<hbm>>) target(%dma_start3A_121 : memref<128x8xi32, #tpu.memory_space<vmem>>) offsets(%dma_start3A_123 : memref<128xi32, #tpu.memory_space<vmem>>) semaphore(%arg8 : memref<!tpu.dma_semaphore, #tpu.memory_space<semaphore_mem>>)
    %dma_start3A_127 = arith.constant 1920 : i32
    %dma_start3A_128 = arith.constant 0 : i32
    %dma_start3A_129 = tpu.memref_slice %arg7[%dma_start3A_127, %dma_start3A_128] : memref<10240x8xi32, #tpu.memory_space<vmem>> -> memref<128x8xi32, #tpu.memory_space<vmem>>
    %dma_start3A_130 = arith.constant 1920 : i32
    %dma_start3A_131 = tpu.memref_slice %arg6[%dma_start3A_130] : memref<10240xi32, #tpu.memory_space<vmem>> -> memref<128xi32, #tpu.memory_space<vmem>>
    %dma_start3A_132 = arith.constant 0 : i32
    %dma_start3A_133 = arith.constant 0 : i32
    %dma_start3A_134 = tpu.memref_slice %arg3[%dma_start3A_132, %dma_start3A_133] : memref<500000x8xi32, #tpu.memory_space<hbm>> -> memref<500000x8xi32, #tpu.memory_space<hbm>>
    tpu.enqueue_indirect_dma source(%dma_start3A_134 : memref<500000x8xi32, #tpu.memory_space<hbm>>) target(%dma_start3A_129 : memref<128x8xi32, #tpu.memory_space<vmem>>) offsets(%dma_start3A_131 : memref<128xi32, #tpu.memory_space<vmem>>) semaphore(%arg8 : memref<!tpu.dma_semaphore, #tpu.memory_space<semaphore_mem>>)
    %dma_start3A_135 = arith.constant 2048 : i32
    %dma_start3A_136 = arith.constant 0 : i32
    %dma_start3A_137 = tpu.memref_slice %arg7[%dma_start3A_135, %dma_start3A_136] : memref<10240x8xi32, #tpu.memory_space<vmem>> -> memref<128x8xi32, #tpu.memory_space<vmem>>
    %dma_start3A_138 = arith.constant 2048 : i32
    %dma_start3A_139 = tpu.memref_slice %arg6[%dma_start3A_138] : memref<10240xi32, #tpu.memory_space<vmem>> -> memref<128xi32, #tpu.memory_space<vmem>>
    %dma_start3A_140 = arith.constant 0 : i32
    %dma_start3A_141 = arith.constant 0 : i32
    %dma_start3A_142 = tpu.memref_slice %arg3[%dma_start3A_140, %dma_start3A_141] : memref<500000x8xi32, #tpu.memory_space<hbm>> -> memref<500000x8xi32, #tpu.memory_space<hbm>>
    tpu.enqueue_indirect_dma source(%dma_start3A_142 : memref<500000x8xi32, #tpu.memory_space<hbm>>) target(%dma_start3A_137 : memref<128x8xi32, #tpu.memory_space<vmem>>) offsets(%dma_start3A_139 : memref<128xi32, #tpu.memory_space<vmem>>) semaphore(%arg8 : memref<!tpu.dma_semaphore, #tpu.memory_space<semaphore_mem>>)
    %dma_start3A_143 = arith.constant 2176 : i32
    %dma_start3A_144 = arith.constant 0 : i32
    %dma_start3A_145 = tpu.memref_slice %arg7[%dma_start3A_143, %dma_start3A_144] : memref<10240x8xi32, #tpu.memory_space<vmem>> -> memref<128x8xi32, #tpu.memory_space<vmem>>
    %dma_start3A_146 = arith.constant 2176 : i32
    %dma_start3A_147 = tpu.memref_slice %arg6[%dma_start3A_146] : memref<10240xi32, #tpu.memory_space<vmem>> -> memref<128xi32, #tpu.memory_space<vmem>>
    %dma_start3A_148 = arith.constant 0 : i32
    %dma_start3A_149 = arith.constant 0 : i32
    %dma_start3A_150 = tpu.memref_slice %arg3[%dma_start3A_148, %dma_start3A_149] : memref<500000x8xi32, #tpu.memory_space<hbm>> -> memref<500000x8xi32, #tpu.memory_space<hbm>>
    tpu.enqueue_indirect_dma source(%dma_start3A_150 : memref<500000x8xi32, #tpu.memory_space<hbm>>) target(%dma_start3A_145 : memref<128x8xi32, #tpu.memory_space<vmem>>) offsets(%dma_start3A_147 : memref<128xi32, #tpu.memory_space<vmem>>) semaphore(%arg8 : memref<!tpu.dma_semaphore, #tpu.memory_space<semaphore_mem>>)
    %dma_start3A_151 = arith.constant 2304 : i32
    %dma_start3A_152 = arith.constant 0 : i32
    %dma_start3A_153 = tpu.memref_slice %arg7[%dma_start3A_151, %dma_start3A_152] : memref<10240x8xi32, #tpu.memory_space<vmem>> -> memref<128x8xi32, #tpu.memory_space<vmem>>
    %dma_start3A_154 = arith.constant 2304 : i32
    %dma_start3A_155 = tpu.memref_slice %arg6[%dma_start3A_154] : memref<10240xi32, #tpu.memory_space<vmem>> -> memref<128xi32, #tpu.memory_space<vmem>>
    %dma_start3A_156 = arith.constant 0 : i32
    %dma_start3A_157 = arith.constant 0 : i32
    %dma_start3A_158 = tpu.memref_slice %arg3[%dma_start3A_156, %dma_start3A_157] : memref<500000x8xi32, #tpu.memory_space<hbm>> -> memref<500000x8xi32, #tpu.memory_space<hbm>>
    tpu.enqueue_indirect_dma source(%dma_start3A_158 : memref<500000x8xi32, #tpu.memory_space<hbm>>) target(%dma_start3A_153 : memref<128x8xi32, #tpu.memory_space<vmem>>) offsets(%dma_start3A_155 : memref<128xi32, #tpu.memory_space<vmem>>) semaphore(%arg8 : memref<!tpu.dma_semaphore, #tpu.memory_space<semaphore_mem>>)
    %dma_start3A_159 = arith.constant 2432 : i32
    %dma_start3A_160 = arith.constant 0 : i32
    %dma_start3A_161 = tpu.memref_slice %arg7[%dma_start3A_159, %dma_start3A_160] : memref<10240x8xi32, #tpu.memory_space<vmem>> -> memref<128x8xi32, #tpu.memory_space<vmem>>
    %dma_start3A_162 = arith.constant 2432 : i32
    %dma_start3A_163 = tpu.memref_slice %arg6[%dma_start3A_162] : memref<10240xi32, #tpu.memory_space<vmem>> -> memref<128xi32, #tpu.memory_space<vmem>>
    %dma_start3A_164 = arith.constant 0 : i32
    %dma_start3A_165 = arith.constant 0 : i32
    %dma_start3A_166 = tpu.memref_slice %arg3[%dma_start3A_164, %dma_start3A_165] : memref<500000x8xi32, #tpu.memory_space<hbm>> -> memref<500000x8xi32, #tpu.memory_space<hbm>>
    tpu.enqueue_indirect_dma source(%dma_start3A_166 : memref<500000x8xi32, #tpu.memory_space<hbm>>) target(%dma_start3A_161 : memref<128x8xi32, #tpu.memory_space<vmem>>) offsets(%dma_start3A_163 : memref<128xi32, #tpu.memory_space<vmem>>) semaphore(%arg8 : memref<!tpu.dma_semaphore, #tpu.memory_space<semaphore_mem>>)
    %dma_start3A_167 = arith.constant 2560 : i32
    %dma_start3A_168 = arith.constant 0 : i32
    %dma_start3A_169 = tpu.memref_slice %arg7[%dma_start3A_167, %dma_start3A_168] : memref<10240x8xi32, #tpu.memory_space<vmem>> -> memref<128x8xi32, #tpu.memory_space<vmem>>
    %dma_start3A_170 = arith.constant 2560 : i32
    %dma_start3A_171 = tpu.memref_slice %arg6[%dma_start3A_170] : memref<10240xi32, #tpu.memory_space<vmem>> -> memref<128xi32, #tpu.memory_space<vmem>>
    %dma_start3A_172 = arith.constant 0 : i32
    %dma_start3A_173 = arith.constant 0 : i32
    %dma_start3A_174 = tpu.memref_slice %arg3[%dma_start3A_172, %dma_start3A_173] : memref<500000x8xi32, #tpu.memory_space<hbm>> -> memref<500000x8xi32, #tpu.memory_space<hbm>>
    tpu.enqueue_indirect_dma source(%dma_start3A_174 : memref<500000x8xi32, #tpu.memory_space<hbm>>) target(%dma_start3A_169 : memref<128x8xi32, #tpu.memory_space<vmem>>) offsets(%dma_start3A_171 : memref<128xi32, #tpu.memory_space<vmem>>) semaphore(%arg8 : memref<!tpu.dma_semaphore, #tpu.memory_space<semaphore_mem>>)
    %dma_start3A_175 = arith.constant 2688 : i32
    %dma_start3A_176 = arith.constant 0 : i32
    %dma_start3A_177 = tpu.memref_slice %arg7[%dma_start3A_175, %dma_start3A_176] : memref<10240x8xi32, #tpu.memory_space<vmem>> -> memref<128x8xi32, #tpu.memory_space<vmem>>
    %dma_start3A_178 = arith.constant 2688 : i32
    %dma_start3A_179 = tpu.memref_slice %arg6[%dma_start3A_178] : memref<10240xi32, #tpu.memory_space<vmem>> -> memref<128xi32, #tpu.memory_space<vmem>>
    %dma_start3A_180 = arith.constant 0 : i32
    %dma_start3A_181 = arith.constant 0 : i32
    %dma_start3A_182 = tpu.memref_slice %arg3[%dma_start3A_180, %dma_start3A_181] : memref<500000x8xi32, #tpu.memory_space<hbm>> -> memref<500000x8xi32, #tpu.memory_space<hbm>>
    tpu.enqueue_indirect_dma source(%dma_start3A_182 : memref<500000x8xi32, #tpu.memory_space<hbm>>) target(%dma_start3A_177 : memref<128x8xi32, #tpu.memory_space<vmem>>) offsets(%dma_start3A_179 : memref<128xi32, #tpu.memory_space<vmem>>) semaphore(%arg8 : memref<!tpu.dma_semaphore, #tpu.memory_space<semaphore_mem>>)
    %dma_start3A_183 = arith.constant 2816 : i32
    %dma_start3A_184 = arith.constant 0 : i32
    %dma_start3A_185 = tpu.memref_slice %arg7[%dma_start3A_183, %dma_start3A_184] : memref<10240x8xi32, #tpu.memory_space<vmem>> -> memref<128x8xi32, #tpu.memory_space<vmem>>
    %dma_start3A_186 = arith.constant 2816 : i32
    %dma_start3A_187 = tpu.memref_slice %arg6[%dma_start3A_186] : memref<10240xi32, #tpu.memory_space<vmem>> -> memref<128xi32, #tpu.memory_space<vmem>>
    %dma_start3A_188 = arith.constant 0 : i32
    %dma_start3A_189 = arith.constant 0 : i32
    %dma_start3A_190 = tpu.memref_slice %arg3[%dma_start3A_188, %dma_start3A_189] : memref<500000x8xi32, #tpu.memory_space<hbm>> -> memref<500000x8xi32, #tpu.memory_space<hbm>>
    tpu.enqueue_indirect_dma source(%dma_start3A_190 : memref<500000x8xi32, #tpu.memory_space<hbm>>) target(%dma_start3A_185 : memref<128x8xi32, #tpu.memory_space<vmem>>) offsets(%dma_start3A_187 : memref<128xi32, #tpu.memory_space<vmem>>) semaphore(%arg8 : memref<!tpu.dma_semaphore, #tpu.memory_space<semaphore_mem>>)
    %dma_start3A_191 = arith.constant 2944 : i32
    %dma_start3A_192 = arith.constant 0 : i32
    %dma_start3A_193 = tpu.memref_slice %arg7[%dma_start3A_191, %dma_start3A_192] : memref<10240x8xi32, #tpu.memory_space<vmem>> -> memref<128x8xi32, #tpu.memory_space<vmem>>
    %dma_start3A_194 = arith.constant 2944 : i32
    %dma_start3A_195 = tpu.memref_slice %arg6[%dma_start3A_194] : memref<10240xi32, #tpu.memory_space<vmem>> -> memref<128xi32, #tpu.memory_space<vmem>>
    %dma_start3A_196 = arith.constant 0 : i32
    %dma_start3A_197 = arith.constant 0 : i32
    %dma_start3A_198 = tpu.memref_slice %arg3[%dma_start3A_196, %dma_start3A_197] : memref<500000x8xi32, #tpu.memory_space<hbm>> -> memref<500000x8xi32, #tpu.memory_space<hbm>>
    tpu.enqueue_indirect_dma source(%dma_start3A_198 : memref<500000x8xi32, #tpu.memory_space<hbm>>) target(%dma_start3A_193 : memref<128x8xi32, #tpu.memory_space<vmem>>) offsets(%dma_start3A_195 : memref<128xi32, #tpu.memory_space<vmem>>) semaphore(%arg8 : memref<!tpu.dma_semaphore, #tpu.memory_space<semaphore_mem>>)
    %dma_start3A_199 = arith.constant 3072 : i32
    %dma_start3A_200 = arith.constant 0 : i32
    %dma_start3A_201 = tpu.memref_slice %arg7[%dma_start3A_199, %dma_start3A_200] : memref<10240x8xi32, #tpu.memory_space<vmem>> -> memref<128x8xi32, #tpu.memory_space<vmem>>
    %dma_start3A_202 = arith.constant 3072 : i32
    %dma_start3A_203 = tpu.memref_slice %arg6[%dma_start3A_202] : memref<10240xi32, #tpu.memory_space<vmem>> -> memref<128xi32, #tpu.memory_space<vmem>>
    %dma_start3A_204 = arith.constant 0 : i32
    %dma_start3A_205 = arith.constant 0 : i32
    %dma_start3A_206 = tpu.memref_slice %arg3[%dma_start3A_204, %dma_start3A_205] : memref<500000x8xi32, #tpu.memory_space<hbm>> -> memref<500000x8xi32, #tpu.memory_space<hbm>>
    tpu.enqueue_indirect_dma source(%dma_start3A_206 : memref<500000x8xi32, #tpu.memory_space<hbm>>) target(%dma_start3A_201 : memref<128x8xi32, #tpu.memory_space<vmem>>) offsets(%dma_start3A_203 : memref<128xi32, #tpu.memory_space<vmem>>) semaphore(%arg8 : memref<!tpu.dma_semaphore, #tpu.memory_space<semaphore_mem>>)
    %dma_start3A_207 = arith.constant 3200 : i32
    %dma_start3A_208 = arith.constant 0 : i32
    %dma_start3A_209 = tpu.memref_slice %arg7[%dma_start3A_207, %dma_start3A_208] : memref<10240x8xi32, #tpu.memory_space<vmem>> -> memref<128x8xi32, #tpu.memory_space<vmem>>
    %dma_start3A_210 = arith.constant 3200 : i32
    %dma_start3A_211 = tpu.memref_slice %arg6[%dma_start3A_210] : memref<10240xi32, #tpu.memory_space<vmem>> -> memref<128xi32, #tpu.memory_space<vmem>>
    %dma_start3A_212 = arith.constant 0 : i32
    %dma_start3A_213 = arith.constant 0 : i32
    %dma_start3A_214 = tpu.memref_slice %arg3[%dma_start3A_212, %dma_start3A_213] : memref<500000x8xi32, #tpu.memory_space<hbm>> -> memref<500000x8xi32, #tpu.memory_space<hbm>>
    tpu.enqueue_indirect_dma source(%dma_start3A_214 : memref<500000x8xi32, #tpu.memory_space<hbm>>) target(%dma_start3A_209 : memref<128x8xi32, #tpu.memory_space<vmem>>) offsets(%dma_start3A_211 : memref<128xi32, #tpu.memory_space<vmem>>) semaphore(%arg8 : memref<!tpu.dma_semaphore, #tpu.memory_space<semaphore_mem>>)
    %dma_start3A_215 = arith.constant 3328 : i32
    %dma_start3A_216 = arith.constant 0 : i32
    %dma_start3A_217 = tpu.memref_slice %arg7[%dma_start3A_215, %dma_start3A_216] : memref<10240x8xi32, #tpu.memory_space<vmem>> -> memref<128x8xi32, #tpu.memory_space<vmem>>
    %dma_start3A_218 = arith.constant 3328 : i32
    %dma_start3A_219 = tpu.memref_slice %arg6[%dma_start3A_218] : memref<10240xi32, #tpu.memory_space<vmem>> -> memref<128xi32, #tpu.memory_space<vmem>>
    %dma_start3A_220 = arith.constant 0 : i32
    %dma_start3A_221 = arith.constant 0 : i32
    %dma_start3A_222 = tpu.memref_slice %arg3[%dma_start3A_220, %dma_start3A_221] : memref<500000x8xi32, #tpu.memory_space<hbm>> -> memref<500000x8xi32, #tpu.memory_space<hbm>>
    tpu.enqueue_indirect_dma source(%dma_start3A_222 : memref<500000x8xi32, #tpu.memory_space<hbm>>) target(%dma_start3A_217 : memref<128x8xi32, #tpu.memory_space<vmem>>) offsets(%dma_start3A_219 : memref<128xi32, #tpu.memory_space<vmem>>) semaphore(%arg8 : memref<!tpu.dma_semaphore, #tpu.memory_space<semaphore_mem>>)
    %dma_start3A_223 = arith.constant 3456 : i32
    %dma_start3A_224 = arith.constant 0 : i32
    %dma_start3A_225 = tpu.memref_slice %arg7[%dma_start3A_223, %dma_start3A_224] : memref<10240x8xi32, #tpu.memory_space<vmem>> -> memref<128x8xi32, #tpu.memory_space<vmem>>
    %dma_start3A_226 = arith.constant 3456 : i32
    %dma_start3A_227 = tpu.memref_slice %arg6[%dma_start3A_226] : memref<10240xi32, #tpu.memory_space<vmem>> -> memref<128xi32, #tpu.memory_space<vmem>>
    %dma_start3A_228 = arith.constant 0 : i32
    %dma_start3A_229 = arith.constant 0 : i32
    %dma_start3A_230 = tpu.memref_slice %arg3[%dma_start3A_228, %dma_start3A_229] : memref<500000x8xi32, #tpu.memory_space<hbm>> -> memref<500000x8xi32, #tpu.memory_space<hbm>>
    tpu.enqueue_indirect_dma source(%dma_start3A_230 : memref<500000x8xi32, #tpu.memory_space<hbm>>) target(%dma_start3A_225 : memref<128x8xi32, #tpu.memory_space<vmem>>) offsets(%dma_start3A_227 : memref<128xi32, #tpu.memory_space<vmem>>) semaphore(%arg8 : memref<!tpu.dma_semaphore, #tpu.memory_space<semaphore_mem>>)
    %dma_start3A_231 = arith.constant 3584 : i32
    %dma_start3A_232 = arith.constant 0 : i32
    %dma_start3A_233 = tpu.memref_slice %arg7[%dma_start3A_231, %dma_start3A_232] : memref<10240x8xi32, #tpu.memory_space<vmem>> -> memref<128x8xi32, #tpu.memory_space<vmem>>
    %dma_start3A_234 = arith.constant 3584 : i32
    %dma_start3A_235 = tpu.memref_slice %arg6[%dma_start3A_234] : memref<10240xi32, #tpu.memory_space<vmem>> -> memref<128xi32, #tpu.memory_space<vmem>>
    %dma_start3A_236 = arith.constant 0 : i32
    %dma_start3A_237 = arith.constant 0 : i32
    %dma_start3A_238 = tpu.memref_slice %arg3[%dma_start3A_236, %dma_start3A_237] : memref<500000x8xi32, #tpu.memory_space<hbm>> -> memref<500000x8xi32, #tpu.memory_space<hbm>>
    tpu.enqueue_indirect_dma source(%dma_start3A_238 : memref<500000x8xi32, #tpu.memory_space<hbm>>) target(%dma_start3A_233 : memref<128x8xi32, #tpu.memory_space<vmem>>) offsets(%dma_start3A_235 : memref<128xi32, #tpu.memory_space<vmem>>) semaphore(%arg8 : memref<!tpu.dma_semaphore, #tpu.memory_space<semaphore_mem>>)
    %dma_start3A_239 = arith.constant 3712 : i32
    %dma_start3A_240 = arith.constant 0 : i32
    %dma_start3A_241 = tpu.memref_slice %arg7[%dma_start3A_239, %dma_start3A_240] : memref<10240x8xi32, #tpu.memory_space<vmem>> -> memref<128x8xi32, #tpu.memory_space<vmem>>
    %dma_start3A_242 = arith.constant 3712 : i32
    %dma_start3A_243 = tpu.memref_slice %arg6[%dma_start3A_242] : memref<10240xi32, #tpu.memory_space<vmem>> -> memref<128xi32, #tpu.memory_space<vmem>>
    %dma_start3A_244 = arith.constant 0 : i32
    %dma_start3A_245 = arith.constant 0 : i32
    %dma_start3A_246 = tpu.memref_slice %arg3[%dma_start3A_244, %dma_start3A_245] : memref<500000x8xi32, #tpu.memory_space<hbm>> -> memref<500000x8xi32, #tpu.memory_space<hbm>>
    tpu.enqueue_indirect_dma source(%dma_start3A_246 : memref<500000x8xi32, #tpu.memory_space<hbm>>) target(%dma_start3A_241 : memref<128x8xi32, #tpu.memory_space<vmem>>) offsets(%dma_start3A_243 : memref<128xi32, #tpu.memory_space<vmem>>) semaphore(%arg8 : memref<!tpu.dma_semaphore, #tpu.memory_space<semaphore_mem>>)
    %dma_start3A_247 = arith.constant 3840 : i32
    %dma_start3A_248 = arith.constant 0 : i32
    %dma_start3A_249 = tpu.memref_slice %arg7[%dma_start3A_247, %dma_start3A_248] : memref<10240x8xi32, #tpu.memory_space<vmem>> -> memref<128x8xi32, #tpu.memory_space<vmem>>
    %dma_start3A_250 = arith.constant 3840 : i32
    %dma_start3A_251 = tpu.memref_slice %arg6[%dma_start3A_250] : memref<10240xi32, #tpu.memory_space<vmem>> -> memref<128xi32, #tpu.memory_space<vmem>>
    %dma_start3A_252 = arith.constant 0 : i32
    %dma_start3A_253 = arith.constant 0 : i32
    %dma_start3A_254 = tpu.memref_slice %arg3[%dma_start3A_252, %dma_start3A_253] : memref<500000x8xi32, #tpu.memory_space<hbm>> -> memref<500000x8xi32, #tpu.memory_space<hbm>>
    tpu.enqueue_indirect_dma source(%dma_start3A_254 : memref<500000x8xi32, #tpu.memory_space<hbm>>) target(%dma_start3A_249 : memref<128x8xi32, #tpu.memory_space<vmem>>) offsets(%dma_start3A_251 : memref<128xi32, #tpu.memory_space<vmem>>) semaphore(%arg8 : memref<!tpu.dma_semaphore, #tpu.memory_space<semaphore_mem>>)
    %dma_start3A_255 = arith.constant 3968 : i32
    %dma_start3A_256 = arith.constant 0 : i32
    %dma_start3A_257 = tpu.memref_slice %arg7[%dma_start3A_255, %dma_start3A_256] : memref<10240x8xi32, #tpu.memory_space<vmem>> -> memref<128x8xi32, #tpu.memory_space<vmem>>
    %dma_start3A_258 = arith.constant 3968 : i32
    %dma_start3A_259 = tpu.memref_slice %arg6[%dma_start3A_258] : memref<10240xi32, #tpu.memory_space<vmem>> -> memref<128xi32, #tpu.memory_space<vmem>>
    %dma_start3A_260 = arith.constant 0 : i32
    %dma_start3A_261 = arith.constant 0 : i32
    %dma_start3A_262 = tpu.memref_slice %arg3[%dma_start3A_260, %dma_start3A_261] : memref<500000x8xi32, #tpu.memory_space<hbm>> -> memref<500000x8xi32, #tpu.memory_space<hbm>>
    tpu.enqueue_indirect_dma source(%dma_start3A_262 : memref<500000x8xi32, #tpu.memory_space<hbm>>) target(%dma_start3A_257 : memref<128x8xi32, #tpu.memory_space<vmem>>) offsets(%dma_start3A_259 : memref<128xi32, #tpu.memory_space<vmem>>) semaphore(%arg8 : memref<!tpu.dma_semaphore, #tpu.memory_space<semaphore_mem>>)
    %dma_start3A_263 = arith.constant 4096 : i32
    %dma_start3A_264 = arith.constant 0 : i32
    %dma_start3A_265 = tpu.memref_slice %arg7[%dma_start3A_263, %dma_start3A_264] : memref<10240x8xi32, #tpu.memory_space<vmem>> -> memref<128x8xi32, #tpu.memory_space<vmem>>
    %dma_start3A_266 = arith.constant 4096 : i32
    %dma_start3A_267 = tpu.memref_slice %arg6[%dma_start3A_266] : memref<10240xi32, #tpu.memory_space<vmem>> -> memref<128xi32, #tpu.memory_space<vmem>>
    %dma_start3A_268 = arith.constant 0 : i32
    %dma_start3A_269 = arith.constant 0 : i32
    %dma_start3A_270 = tpu.memref_slice %arg3[%dma_start3A_268, %dma_start3A_269] : memref<500000x8xi32, #tpu.memory_space<hbm>> -> memref<500000x8xi32, #tpu.memory_space<hbm>>
    tpu.enqueue_indirect_dma source(%dma_start3A_270 : memref<500000x8xi32, #tpu.memory_space<hbm>>) target(%dma_start3A_265 : memref<128x8xi32, #tpu.memory_space<vmem>>) offsets(%dma_start3A_267 : memref<128xi32, #tpu.memory_space<vmem>>) semaphore(%arg8 : memref<!tpu.dma_semaphore, #tpu.memory_space<semaphore_mem>>)
    %dma_start3A_271 = arith.constant 4224 : i32
    %dma_start3A_272 = arith.constant 0 : i32
    %dma_start3A_273 = tpu.memref_slice %arg7[%dma_start3A_271, %dma_start3A_272] : memref<10240x8xi32, #tpu.memory_space<vmem>> -> memref<128x8xi32, #tpu.memory_space<vmem>>
    %dma_start3A_274 = arith.constant 4224 : i32
    %dma_start3A_275 = tpu.memref_slice %arg6[%dma_start3A_274] : memref<10240xi32, #tpu.memory_space<vmem>> -> memref<128xi32, #tpu.memory_space<vmem>>
    %dma_start3A_276 = arith.constant 0 : i32
    %dma_start3A_277 = arith.constant 0 : i32
    %dma_start3A_278 = tpu.memref_slice %arg3[%dma_start3A_276, %dma_start3A_277] : memref<500000x8xi32, #tpu.memory_space<hbm>> -> memref<500000x8xi32, #tpu.memory_space<hbm>>
    tpu.enqueue_indirect_dma source(%dma_start3A_278 : memref<500000x8xi32, #tpu.memory_space<hbm>>) target(%dma_start3A_273 : memref<128x8xi32, #tpu.memory_space<vmem>>) offsets(%dma_start3A_275 : memref<128xi32, #tpu.memory_space<vmem>>) semaphore(%arg8 : memref<!tpu.dma_semaphore, #tpu.memory_space<semaphore_mem>>)
    %dma_start3A_279 = arith.constant 4352 : i32
    %dma_start3A_280 = arith.constant 0 : i32
    %dma_start3A_281 = tpu.memref_slice %arg7[%dma_start3A_279, %dma_start3A_280] : memref<10240x8xi32, #tpu.memory_space<vmem>> -> memref<128x8xi32, #tpu.memory_space<vmem>>
    %dma_start3A_282 = arith.constant 4352 : i32
    %dma_start3A_283 = tpu.memref_slice %arg6[%dma_start3A_282] : memref<10240xi32, #tpu.memory_space<vmem>> -> memref<128xi32, #tpu.memory_space<vmem>>
    %dma_start3A_284 = arith.constant 0 : i32
    %dma_start3A_285 = arith.constant 0 : i32
    %dma_start3A_286 = tpu.memref_slice %arg3[%dma_start3A_284, %dma_start3A_285] : memref<500000x8xi32, #tpu.memory_space<hbm>> -> memref<500000x8xi32, #tpu.memory_space<hbm>>
    tpu.enqueue_indirect_dma source(%dma_start3A_286 : memref<500000x8xi32, #tpu.memory_space<hbm>>) target(%dma_start3A_281 : memref<128x8xi32, #tpu.memory_space<vmem>>) offsets(%dma_start3A_283 : memref<128xi32, #tpu.memory_space<vmem>>) semaphore(%arg8 : memref<!tpu.dma_semaphore, #tpu.memory_space<semaphore_mem>>)
    %dma_start3A_287 = arith.constant 4480 : i32
    %dma_start3A_288 = arith.constant 0 : i32
    %dma_start3A_289 = tpu.memref_slice %arg7[%dma_start3A_287, %dma_start3A_288] : memref<10240x8xi32, #tpu.memory_space<vmem>> -> memref<128x8xi32, #tpu.memory_space<vmem>>
    %dma_start3A_290 = arith.constant 4480 : i32
    %dma_start3A_291 = tpu.memref_slice %arg6[%dma_start3A_290] : memref<10240xi32, #tpu.memory_space<vmem>> -> memref<128xi32, #tpu.memory_space<vmem>>
    %dma_start3A_292 = arith.constant 0 : i32
    %dma_start3A_293 = arith.constant 0 : i32
    %dma_start3A_294 = tpu.memref_slice %arg3[%dma_start3A_292, %dma_start3A_293] : memref<500000x8xi32, #tpu.memory_space<hbm>> -> memref<500000x8xi32, #tpu.memory_space<hbm>>
    tpu.enqueue_indirect_dma source(%dma_start3A_294 : memref<500000x8xi32, #tpu.memory_space<hbm>>) target(%dma_start3A_289 : memref<128x8xi32, #tpu.memory_space<vmem>>) offsets(%dma_start3A_291 : memref<128xi32, #tpu.memory_space<vmem>>) semaphore(%arg8 : memref<!tpu.dma_semaphore, #tpu.memory_space<semaphore_mem>>)
    %dma_start3A_295 = arith.constant 4608 : i32
    %dma_start3A_296 = arith.constant 0 : i32
    %dma_start3A_297 = tpu.memref_slice %arg7[%dma_start3A_295, %dma_start3A_296] : memref<10240x8xi32, #tpu.memory_space<vmem>> -> memref<128x8xi32, #tpu.memory_space<vmem>>
    %dma_start3A_298 = arith.constant 4608 : i32
    %dma_start3A_299 = tpu.memref_slice %arg6[%dma_start3A_298] : memref<10240xi32, #tpu.memory_space<vmem>> -> memref<128xi32, #tpu.memory_space<vmem>>
    %dma_start3A_300 = arith.constant 0 : i32
    %dma_start3A_301 = arith.constant 0 : i32
    %dma_start3A_302 = tpu.memref_slice %arg3[%dma_start3A_300, %dma_start3A_301] : memref<500000x8xi32, #tpu.memory_space<hbm>> -> memref<500000x8xi32, #tpu.memory_space<hbm>>
    tpu.enqueue_indirect_dma source(%dma_start3A_302 : memref<500000x8xi32, #tpu.memory_space<hbm>>) target(%dma_start3A_297 : memref<128x8xi32, #tpu.memory_space<vmem>>) offsets(%dma_start3A_299 : memref<128xi32, #tpu.memory_space<vmem>>) semaphore(%arg8 : memref<!tpu.dma_semaphore, #tpu.memory_space<semaphore_mem>>)
    %dma_start3A_303 = arith.constant 4736 : i32
    %dma_start3A_304 = arith.constant 0 : i32
    %dma_start3A_305 = tpu.memref_slice %arg7[%dma_start3A_303, %dma_start3A_304] : memref<10240x8xi32, #tpu.memory_space<vmem>> -> memref<128x8xi32, #tpu.memory_space<vmem>>
    %dma_start3A_306 = arith.constant 4736 : i32
    %dma_start3A_307 = tpu.memref_slice %arg6[%dma_start3A_306] : memref<10240xi32, #tpu.memory_space<vmem>> -> memref<128xi32, #tpu.memory_space<vmem>>
    %dma_start3A_308 = arith.constant 0 : i32
    %dma_start3A_309 = arith.constant 0 : i32
    %dma_start3A_310 = tpu.memref_slice %arg3[%dma_start3A_308, %dma_start3A_309] : memref<500000x8xi32, #tpu.memory_space<hbm>> -> memref<500000x8xi32, #tpu.memory_space<hbm>>
    tpu.enqueue_indirect_dma source(%dma_start3A_310 : memref<500000x8xi32, #tpu.memory_space<hbm>>) target(%dma_start3A_305 : memref<128x8xi32, #tpu.memory_space<vmem>>) offsets(%dma_start3A_307 : memref<128xi32, #tpu.memory_space<vmem>>) semaphore(%arg8 : memref<!tpu.dma_semaphore, #tpu.memory_space<semaphore_mem>>)
    %dma_start3A_311 = arith.constant 4864 : i32
    %dma_start3A_312 = arith.constant 0 : i32
    %dma_start3A_313 = tpu.memref_slice %arg7[%dma_start3A_311, %dma_start3A_312] : memref<10240x8xi32, #tpu.memory_space<vmem>> -> memref<128x8xi32, #tpu.memory_space<vmem>>
    %dma_start3A_314 = arith.constant 4864 : i32
    %dma_start3A_315 = tpu.memref_slice %arg6[%dma_start3A_314] : memref<10240xi32, #tpu.memory_space<vmem>> -> memref<128xi32, #tpu.memory_space<vmem>>
    %dma_start3A_316 = arith.constant 0 : i32
    %dma_start3A_317 = arith.constant 0 : i32
    %dma_start3A_318 = tpu.memref_slice %arg3[%dma_start3A_316, %dma_start3A_317] : memref<500000x8xi32, #tpu.memory_space<hbm>> -> memref<500000x8xi32, #tpu.memory_space<hbm>>
    tpu.enqueue_indirect_dma source(%dma_start3A_318 : memref<500000x8xi32, #tpu.memory_space<hbm>>) target(%dma_start3A_313 : memref<128x8xi32, #tpu.memory_space<vmem>>) offsets(%dma_start3A_315 : memref<128xi32, #tpu.memory_space<vmem>>) semaphore(%arg8 : memref<!tpu.dma_semaphore, #tpu.memory_space<semaphore_mem>>)
    %dma_start3A_319 = arith.constant 4992 : i32
    %dma_start3A_320 = arith.constant 0 : i32
    %dma_start3A_321 = tpu.memref_slice %arg7[%dma_start3A_319, %dma_start3A_320] : memref<10240x8xi32, #tpu.memory_space<vmem>> -> memref<128x8xi32, #tpu.memory_space<vmem>>
    %dma_start3A_322 = arith.constant 4992 : i32
    %dma_start3A_323 = tpu.memref_slice %arg6[%dma_start3A_322] : memref<10240xi32, #tpu.memory_space<vmem>> -> memref<128xi32, #tpu.memory_space<vmem>>
    %dma_start3A_324 = arith.constant 0 : i32
    %dma_start3A_325 = arith.constant 0 : i32
    %dma_start3A_326 = tpu.memref_slice %arg3[%dma_start3A_324, %dma_start3A_325] : memref<500000x8xi32, #tpu.memory_space<hbm>> -> memref<500000x8xi32, #tpu.memory_space<hbm>>
    tpu.enqueue_indirect_dma source(%dma_start3A_326 : memref<500000x8xi32, #tpu.memory_space<hbm>>) target(%dma_start3A_321 : memref<128x8xi32, #tpu.memory_space<vmem>>) offsets(%dma_start3A_323 : memref<128xi32, #tpu.memory_space<vmem>>) semaphore(%arg8 : memref<!tpu.dma_semaphore, #tpu.memory_space<semaphore_mem>>)
    %dma_start3A_327 = arith.constant 5120 : i32
    %dma_start3A_328 = arith.constant 0 : i32
    %dma_start3A_329 = tpu.memref_slice %arg7[%dma_start3A_327, %dma_start3A_328] : memref<10240x8xi32, #tpu.memory_space<vmem>> -> memref<128x8xi32, #tpu.memory_space<vmem>>
    %dma_start3A_330 = arith.constant 5120 : i32
    %dma_start3A_331 = tpu.memref_slice %arg6[%dma_start3A_330] : memref<10240xi32, #tpu.memory_space<vmem>> -> memref<128xi32, #tpu.memory_space<vmem>>
    %dma_start3A_332 = arith.constant 0 : i32
    %dma_start3A_333 = arith.constant 0 : i32
    %dma_start3A_334 = tpu.memref_slice %arg3[%dma_start3A_332, %dma_start3A_333] : memref<500000x8xi32, #tpu.memory_space<hbm>> -> memref<500000x8xi32, #tpu.memory_space<hbm>>
    tpu.enqueue_indirect_dma source(%dma_start3A_334 : memref<500000x8xi32, #tpu.memory_space<hbm>>) target(%dma_start3A_329 : memref<128x8xi32, #tpu.memory_space<vmem>>) offsets(%dma_start3A_331 : memref<128xi32, #tpu.memory_space<vmem>>) semaphore(%arg8 : memref<!tpu.dma_semaphore, #tpu.memory_space<semaphore_mem>>)
    %dma_start3A_335 = arith.constant 5248 : i32
    %dma_start3A_336 = arith.constant 0 : i32
    %dma_start3A_337 = tpu.memref_slice %arg7[%dma_start3A_335, %dma_start3A_336] : memref<10240x8xi32, #tpu.memory_space<vmem>> -> memref<128x8xi32, #tpu.memory_space<vmem>>
    %dma_start3A_338 = arith.constant 5248 : i32
    %dma_start3A_339 = tpu.memref_slice %arg6[%dma_start3A_338] : memref<10240xi32, #tpu.memory_space<vmem>> -> memref<128xi32, #tpu.memory_space<vmem>>
    %dma_start3A_340 = arith.constant 0 : i32
    %dma_start3A_341 = arith.constant 0 : i32
    %dma_start3A_342 = tpu.memref_slice %arg3[%dma_start3A_340, %dma_start3A_341] : memref<500000x8xi32, #tpu.memory_space<hbm>> -> memref<500000x8xi32, #tpu.memory_space<hbm>>
    tpu.enqueue_indirect_dma source(%dma_start3A_342 : memref<500000x8xi32, #tpu.memory_space<hbm>>) target(%dma_start3A_337 : memref<128x8xi32, #tpu.memory_space<vmem>>) offsets(%dma_start3A_339 : memref<128xi32, #tpu.memory_space<vmem>>) semaphore(%arg8 : memref<!tpu.dma_semaphore, #tpu.memory_space<semaphore_mem>>)
    %dma_start3A_343 = arith.constant 5376 : i32
    %dma_start3A_344 = arith.constant 0 : i32
    %dma_start3A_345 = tpu.memref_slice %arg7[%dma_start3A_343, %dma_start3A_344] : memref<10240x8xi32, #tpu.memory_space<vmem>> -> memref<128x8xi32, #tpu.memory_space<vmem>>
    %dma_start3A_346 = arith.constant 5376 : i32
    %dma_start3A_347 = tpu.memref_slice %arg6[%dma_start3A_346] : memref<10240xi32, #tpu.memory_space<vmem>> -> memref<128xi32, #tpu.memory_space<vmem>>
    %dma_start3A_348 = arith.constant 0 : i32
    %dma_start3A_349 = arith.constant 0 : i32
    %dma_start3A_350 = tpu.memref_slice %arg3[%dma_start3A_348, %dma_start3A_349] : memref<500000x8xi32, #tpu.memory_space<hbm>> -> memref<500000x8xi32, #tpu.memory_space<hbm>>
    tpu.enqueue_indirect_dma source(%dma_start3A_350 : memref<500000x8xi32, #tpu.memory_space<hbm>>) target(%dma_start3A_345 : memref<128x8xi32, #tpu.memory_space<vmem>>) offsets(%dma_start3A_347 : memref<128xi32, #tpu.memory_space<vmem>>) semaphore(%arg8 : memref<!tpu.dma_semaphore, #tpu.memory_space<semaphore_mem>>)
    %dma_start3A_351 = arith.constant 5504 : i32
    %dma_start3A_352 = arith.constant 0 : i32
    %dma_start3A_353 = tpu.memref_slice %arg7[%dma_start3A_351, %dma_start3A_352] : memref<10240x8xi32, #tpu.memory_space<vmem>> -> memref<128x8xi32, #tpu.memory_space<vmem>>
    %dma_start3A_354 = arith.constant 5504 : i32
    %dma_start3A_355 = tpu.memref_slice %arg6[%dma_start3A_354] : memref<10240xi32, #tpu.memory_space<vmem>> -> memref<128xi32, #tpu.memory_space<vmem>>
    %dma_start3A_356 = arith.constant 0 : i32
    %dma_start3A_357 = arith.constant 0 : i32
    %dma_start3A_358 = tpu.memref_slice %arg3[%dma_start3A_356, %dma_start3A_357] : memref<500000x8xi32, #tpu.memory_space<hbm>> -> memref<500000x8xi32, #tpu.memory_space<hbm>>
    tpu.enqueue_indirect_dma source(%dma_start3A_358 : memref<500000x8xi32, #tpu.memory_space<hbm>>) target(%dma_start3A_353 : memref<128x8xi32, #tpu.memory_space<vmem>>) offsets(%dma_start3A_355 : memref<128xi32, #tpu.memory_space<vmem>>) semaphore(%arg8 : memref<!tpu.dma_semaphore, #tpu.memory_space<semaphore_mem>>)
    %dma_start3A_359 = arith.constant 5632 : i32
    %dma_start3A_360 = arith.constant 0 : i32
    %dma_start3A_361 = tpu.memref_slice %arg7[%dma_start3A_359, %dma_start3A_360] : memref<10240x8xi32, #tpu.memory_space<vmem>> -> memref<128x8xi32, #tpu.memory_space<vmem>>
    %dma_start3A_362 = arith.constant 5632 : i32
    %dma_start3A_363 = tpu.memref_slice %arg6[%dma_start3A_362] : memref<10240xi32, #tpu.memory_space<vmem>> -> memref<128xi32, #tpu.memory_space<vmem>>
    %dma_start3A_364 = arith.constant 0 : i32
    %dma_start3A_365 = arith.constant 0 : i32
    %dma_start3A_366 = tpu.memref_slice %arg3[%dma_start3A_364, %dma_start3A_365] : memref<500000x8xi32, #tpu.memory_space<hbm>> -> memref<500000x8xi32, #tpu.memory_space<hbm>>
    tpu.enqueue_indirect_dma source(%dma_start3A_366 : memref<500000x8xi32, #tpu.memory_space<hbm>>) target(%dma_start3A_361 : memref<128x8xi32, #tpu.memory_space<vmem>>) offsets(%dma_start3A_363 : memref<128xi32, #tpu.memory_space<vmem>>) semaphore(%arg8 : memref<!tpu.dma_semaphore, #tpu.memory_space<semaphore_mem>>)
    %dma_start3A_367 = arith.constant 5760 : i32
    %dma_start3A_368 = arith.constant 0 : i32
    %dma_start3A_369 = tpu.memref_slice %arg7[%dma_start3A_367, %dma_start3A_368] : memref<10240x8xi32, #tpu.memory_space<vmem>> -> memref<128x8xi32, #tpu.memory_space<vmem>>
    %dma_start3A_370 = arith.constant 5760 : i32
    %dma_start3A_371 = tpu.memref_slice %arg6[%dma_start3A_370] : memref<10240xi32, #tpu.memory_space<vmem>> -> memref<128xi32, #tpu.memory_space<vmem>>
    %dma_start3A_372 = arith.constant 0 : i32
    %dma_start3A_373 = arith.constant 0 : i32
    %dma_start3A_374 = tpu.memref_slice %arg3[%dma_start3A_372, %dma_start3A_373] : memref<500000x8xi32, #tpu.memory_space<hbm>> -> memref<500000x8xi32, #tpu.memory_space<hbm>>
    tpu.enqueue_indirect_dma source(%dma_start3A_374 : memref<500000x8xi32, #tpu.memory_space<hbm>>) target(%dma_start3A_369 : memref<128x8xi32, #tpu.memory_space<vmem>>) offsets(%dma_start3A_371 : memref<128xi32, #tpu.memory_space<vmem>>) semaphore(%arg8 : memref<!tpu.dma_semaphore, #tpu.memory_space<semaphore_mem>>)
    %dma_start3A_375 = arith.constant 5888 : i32
    %dma_start3A_376 = arith.constant 0 : i32
    %dma_start3A_377 = tpu.memref_slice %arg7[%dma_start3A_375, %dma_start3A_376] : memref<10240x8xi32, #tpu.memory_space<vmem>> -> memref<128x8xi32, #tpu.memory_space<vmem>>
    %dma_start3A_378 = arith.constant 5888 : i32
    %dma_start3A_379 = tpu.memref_slice %arg6[%dma_start3A_378] : memref<10240xi32, #tpu.memory_space<vmem>> -> memref<128xi32, #tpu.memory_space<vmem>>
    %dma_start3A_380 = arith.constant 0 : i32
    %dma_start3A_381 = arith.constant 0 : i32
    %dma_start3A_382 = tpu.memref_slice %arg3[%dma_start3A_380, %dma_start3A_381] : memref<500000x8xi32, #tpu.memory_space<hbm>> -> memref<500000x8xi32, #tpu.memory_space<hbm>>
    tpu.enqueue_indirect_dma source(%dma_start3A_382 : memref<500000x8xi32, #tpu.memory_space<hbm>>) target(%dma_start3A_377 : memref<128x8xi32, #tpu.memory_space<vmem>>) offsets(%dma_start3A_379 : memref<128xi32, #tpu.memory_space<vmem>>) semaphore(%arg8 : memref<!tpu.dma_semaphore, #tpu.memory_space<semaphore_mem>>)
    %dma_start3A_383 = arith.constant 6016 : i32
    %dma_start3A_384 = arith.constant 0 : i32
    %dma_start3A_385 = tpu.memref_slice %arg7[%dma_start3A_383, %dma_start3A_384] : memref<10240x8xi32, #tpu.memory_space<vmem>> -> memref<128x8xi32, #tpu.memory_space<vmem>>
    %dma_start3A_386 = arith.constant 6016 : i32
    %dma_start3A_387 = tpu.memref_slice %arg6[%dma_start3A_386] : memref<10240xi32, #tpu.memory_space<vmem>> -> memref<128xi32, #tpu.memory_space<vmem>>
    %dma_start3A_388 = arith.constant 0 : i32
    %dma_start3A_389 = arith.constant 0 : i32
    %dma_start3A_390 = tpu.memref_slice %arg3[%dma_start3A_388, %dma_start3A_389] : memref<500000x8xi32, #tpu.memory_space<hbm>> -> memref<500000x8xi32, #tpu.memory_space<hbm>>
    tpu.enqueue_indirect_dma source(%dma_start3A_390 : memref<500000x8xi32, #tpu.memory_space<hbm>>) target(%dma_start3A_385 : memref<128x8xi32, #tpu.memory_space<vmem>>) offsets(%dma_start3A_387 : memref<128xi32, #tpu.memory_space<vmem>>) semaphore(%arg8 : memref<!tpu.dma_semaphore, #tpu.memory_space<semaphore_mem>>)
    %dma_start3A_391 = arith.constant 6144 : i32
    %dma_start3A_392 = arith.constant 0 : i32
    %dma_start3A_393 = tpu.memref_slice %arg7[%dma_start3A_391, %dma_start3A_392] : memref<10240x8xi32, #tpu.memory_space<vmem>> -> memref<128x8xi32, #tpu.memory_space<vmem>>
    %dma_start3A_394 = arith.constant 6144 : i32
    %dma_start3A_395 = tpu.memref_slice %arg6[%dma_start3A_394] : memref<10240xi32, #tpu.memory_space<vmem>> -> memref<128xi32, #tpu.memory_space<vmem>>
    %dma_start3A_396 = arith.constant 0 : i32
    %dma_start3A_397 = arith.constant 0 : i32
    %dma_start3A_398 = tpu.memref_slice %arg3[%dma_start3A_396, %dma_start3A_397] : memref<500000x8xi32, #tpu.memory_space<hbm>> -> memref<500000x8xi32, #tpu.memory_space<hbm>>
    tpu.enqueue_indirect_dma source(%dma_start3A_398 : memref<500000x8xi32, #tpu.memory_space<hbm>>) target(%dma_start3A_393 : memref<128x8xi32, #tpu.memory_space<vmem>>) offsets(%dma_start3A_395 : memref<128xi32, #tpu.memory_space<vmem>>) semaphore(%arg8 : memref<!tpu.dma_semaphore, #tpu.memory_space<semaphore_mem>>)
    %dma_start3A_399 = arith.constant 6272 : i32
    %dma_start3A_400 = arith.constant 0 : i32
    %dma_start3A_401 = tpu.memref_slice %arg7[%dma_start3A_399, %dma_start3A_400] : memref<10240x8xi32, #tpu.memory_space<vmem>> -> memref<128x8xi32, #tpu.memory_space<vmem>>
    %dma_start3A_402 = arith.constant 6272 : i32
    %dma_start3A_403 = tpu.memref_slice %arg6[%dma_start3A_402] : memref<10240xi32, #tpu.memory_space<vmem>> -> memref<128xi32, #tpu.memory_space<vmem>>
    %dma_start3A_404 = arith.constant 0 : i32
    %dma_start3A_405 = arith.constant 0 : i32
    %dma_start3A_406 = tpu.memref_slice %arg3[%dma_start3A_404, %dma_start3A_405] : memref<500000x8xi32, #tpu.memory_space<hbm>> -> memref<500000x8xi32, #tpu.memory_space<hbm>>
    tpu.enqueue_indirect_dma source(%dma_start3A_406 : memref<500000x8xi32, #tpu.memory_space<hbm>>) target(%dma_start3A_401 : memref<128x8xi32, #tpu.memory_space<vmem>>) offsets(%dma_start3A_403 : memref<128xi32, #tpu.memory_space<vmem>>) semaphore(%arg8 : memref<!tpu.dma_semaphore, #tpu.memory_space<semaphore_mem>>)
    %dma_start3A_407 = arith.constant 6400 : i32
    %dma_start3A_408 = arith.constant 0 : i32
    %dma_start3A_409 = tpu.memref_slice %arg7[%dma_start3A_407, %dma_start3A_408] : memref<10240x8xi32, #tpu.memory_space<vmem>> -> memref<128x8xi32, #tpu.memory_space<vmem>>
    %dma_start3A_410 = arith.constant 6400 : i32
    %dma_start3A_411 = tpu.memref_slice %arg6[%dma_start3A_410] : memref<10240xi32, #tpu.memory_space<vmem>> -> memref<128xi32, #tpu.memory_space<vmem>>
    %dma_start3A_412 = arith.constant 0 : i32
    %dma_start3A_413 = arith.constant 0 : i32
    %dma_start3A_414 = tpu.memref_slice %arg3[%dma_start3A_412, %dma_start3A_413] : memref<500000x8xi32, #tpu.memory_space<hbm>> -> memref<500000x8xi32, #tpu.memory_space<hbm>>
    tpu.enqueue_indirect_dma source(%dma_start3A_414 : memref<500000x8xi32, #tpu.memory_space<hbm>>) target(%dma_start3A_409 : memref<128x8xi32, #tpu.memory_space<vmem>>) offsets(%dma_start3A_411 : memref<128xi32, #tpu.memory_space<vmem>>) semaphore(%arg8 : memref<!tpu.dma_semaphore, #tpu.memory_space<semaphore_mem>>)
    %dma_start3A_415 = arith.constant 6528 : i32
    %dma_start3A_416 = arith.constant 0 : i32
    %dma_start3A_417 = tpu.memref_slice %arg7[%dma_start3A_415, %dma_start3A_416] : memref<10240x8xi32, #tpu.memory_space<vmem>> -> memref<128x8xi32, #tpu.memory_space<vmem>>
    %dma_start3A_418 = arith.constant 6528 : i32
    %dma_start3A_419 = tpu.memref_slice %arg6[%dma_start3A_418] : memref<10240xi32, #tpu.memory_space<vmem>> -> memref<128xi32, #tpu.memory_space<vmem>>
    %dma_start3A_420 = arith.constant 0 : i32
    %dma_start3A_421 = arith.constant 0 : i32
    %dma_start3A_422 = tpu.memref_slice %arg3[%dma_start3A_420, %dma_start3A_421] : memref<500000x8xi32, #tpu.memory_space<hbm>> -> memref<500000x8xi32, #tpu.memory_space<hbm>>
    tpu.enqueue_indirect_dma source(%dma_start3A_422 : memref<500000x8xi32, #tpu.memory_space<hbm>>) target(%dma_start3A_417 : memref<128x8xi32, #tpu.memory_space<vmem>>) offsets(%dma_start3A_419 : memref<128xi32, #tpu.memory_space<vmem>>) semaphore(%arg8 : memref<!tpu.dma_semaphore, #tpu.memory_space<semaphore_mem>>)
    %dma_start3A_423 = arith.constant 6656 : i32
    %dma_start3A_424 = arith.constant 0 : i32
    %dma_start3A_425 = tpu.memref_slice %arg7[%dma_start3A_423, %dma_start3A_424] : memref<10240x8xi32, #tpu.memory_space<vmem>> -> memref<128x8xi32, #tpu.memory_space<vmem>>
    %dma_start3A_426 = arith.constant 6656 : i32
    %dma_start3A_427 = tpu.memref_slice %arg6[%dma_start3A_426] : memref<10240xi32, #tpu.memory_space<vmem>> -> memref<128xi32, #tpu.memory_space<vmem>>
    %dma_start3A_428 = arith.constant 0 : i32
    %dma_start3A_429 = arith.constant 0 : i32
    %dma_start3A_430 = tpu.memref_slice %arg3[%dma_start3A_428, %dma_start3A_429] : memref<500000x8xi32, #tpu.memory_space<hbm>> -> memref<500000x8xi32, #tpu.memory_space<hbm>>
    tpu.enqueue_indirect_dma source(%dma_start3A_430 : memref<500000x8xi32, #tpu.memory_space<hbm>>) target(%dma_start3A_425 : memref<128x8xi32, #tpu.memory_space<vmem>>) offsets(%dma_start3A_427 : memref<128xi32, #tpu.memory_space<vmem>>) semaphore(%arg8 : memref<!tpu.dma_semaphore, #tpu.memory_space<semaphore_mem>>)
    %dma_start3A_431 = arith.constant 6784 : i32
    %dma_start3A_432 = arith.constant 0 : i32
    %dma_start3A_433 = tpu.memref_slice %arg7[%dma_start3A_431, %dma_start3A_432] : memref<10240x8xi32, #tpu.memory_space<vmem>> -> memref<128x8xi32, #tpu.memory_space<vmem>>
    %dma_start3A_434 = arith.constant 6784 : i32
    %dma_start3A_435 = tpu.memref_slice %arg6[%dma_start3A_434] : memref<10240xi32, #tpu.memory_space<vmem>> -> memref<128xi32, #tpu.memory_space<vmem>>
    %dma_start3A_436 = arith.constant 0 : i32
    %dma_start3A_437 = arith.constant 0 : i32
    %dma_start3A_438 = tpu.memref_slice %arg3[%dma_start3A_436, %dma_start3A_437] : memref<500000x8xi32, #tpu.memory_space<hbm>> -> memref<500000x8xi32, #tpu.memory_space<hbm>>
    tpu.enqueue_indirect_dma source(%dma_start3A_438 : memref<500000x8xi32, #tpu.memory_space<hbm>>) target(%dma_start3A_433 : memref<128x8xi32, #tpu.memory_space<vmem>>) offsets(%dma_start3A_435 : memref<128xi32, #tpu.memory_space<vmem>>) semaphore(%arg8 : memref<!tpu.dma_semaphore, #tpu.memory_space<semaphore_mem>>)
    %dma_start3A_439 = arith.constant 6912 : i32
    %dma_start3A_440 = arith.constant 0 : i32
    %dma_start3A_441 = tpu.memref_slice %arg7[%dma_start3A_439, %dma_start3A_440] : memref<10240x8xi32, #tpu.memory_space<vmem>> -> memref<128x8xi32, #tpu.memory_space<vmem>>
    %dma_start3A_442 = arith.constant 6912 : i32
    %dma_start3A_443 = tpu.memref_slice %arg6[%dma_start3A_442] : memref<10240xi32, #tpu.memory_space<vmem>> -> memref<128xi32, #tpu.memory_space<vmem>>
    %dma_start3A_444 = arith.constant 0 : i32
    %dma_start3A_445 = arith.constant 0 : i32
    %dma_start3A_446 = tpu.memref_slice %arg3[%dma_start3A_444, %dma_start3A_445] : memref<500000x8xi32, #tpu.memory_space<hbm>> -> memref<500000x8xi32, #tpu.memory_space<hbm>>
    tpu.enqueue_indirect_dma source(%dma_start3A_446 : memref<500000x8xi32, #tpu.memory_space<hbm>>) target(%dma_start3A_441 : memref<128x8xi32, #tpu.memory_space<vmem>>) offsets(%dma_start3A_443 : memref<128xi32, #tpu.memory_space<vmem>>) semaphore(%arg8 : memref<!tpu.dma_semaphore, #tpu.memory_space<semaphore_mem>>)
    %dma_start3A_447 = arith.constant 7040 : i32
    %dma_start3A_448 = arith.constant 0 : i32
    %dma_start3A_449 = tpu.memref_slice %arg7[%dma_start3A_447, %dma_start3A_448] : memref<10240x8xi32, #tpu.memory_space<vmem>> -> memref<128x8xi32, #tpu.memory_space<vmem>>
    %dma_start3A_450 = arith.constant 7040 : i32
    %dma_start3A_451 = tpu.memref_slice %arg6[%dma_start3A_450] : memref<10240xi32, #tpu.memory_space<vmem>> -> memref<128xi32, #tpu.memory_space<vmem>>
    %dma_start3A_452 = arith.constant 0 : i32
    %dma_start3A_453 = arith.constant 0 : i32
    %dma_start3A_454 = tpu.memref_slice %arg3[%dma_start3A_452, %dma_start3A_453] : memref<500000x8xi32, #tpu.memory_space<hbm>> -> memref<500000x8xi32, #tpu.memory_space<hbm>>
    tpu.enqueue_indirect_dma source(%dma_start3A_454 : memref<500000x8xi32, #tpu.memory_space<hbm>>) target(%dma_start3A_449 : memref<128x8xi32, #tpu.memory_space<vmem>>) offsets(%dma_start3A_451 : memref<128xi32, #tpu.memory_space<vmem>>) semaphore(%arg8 : memref<!tpu.dma_semaphore, #tpu.memory_space<semaphore_mem>>)
    %dma_start3A_455 = arith.constant 7168 : i32
    %dma_start3A_456 = arith.constant 0 : i32
    %dma_start3A_457 = tpu.memref_slice %arg7[%dma_start3A_455, %dma_start3A_456] : memref<10240x8xi32, #tpu.memory_space<vmem>> -> memref<128x8xi32, #tpu.memory_space<vmem>>
    %dma_start3A_458 = arith.constant 7168 : i32
    %dma_start3A_459 = tpu.memref_slice %arg6[%dma_start3A_458] : memref<10240xi32, #tpu.memory_space<vmem>> -> memref<128xi32, #tpu.memory_space<vmem>>
    %dma_start3A_460 = arith.constant 0 : i32
    %dma_start3A_461 = arith.constant 0 : i32
    %dma_start3A_462 = tpu.memref_slice %arg3[%dma_start3A_460, %dma_start3A_461] : memref<500000x8xi32, #tpu.memory_space<hbm>> -> memref<500000x8xi32, #tpu.memory_space<hbm>>
    tpu.enqueue_indirect_dma source(%dma_start3A_462 : memref<500000x8xi32, #tpu.memory_space<hbm>>) target(%dma_start3A_457 : memref<128x8xi32, #tpu.memory_space<vmem>>) offsets(%dma_start3A_459 : memref<128xi32, #tpu.memory_space<vmem>>) semaphore(%arg8 : memref<!tpu.dma_semaphore, #tpu.memory_space<semaphore_mem>>)
    %dma_start3A_463 = arith.constant 7296 : i32
    %dma_start3A_464 = arith.constant 0 : i32
    %dma_start3A_465 = tpu.memref_slice %arg7[%dma_start3A_463, %dma_start3A_464] : memref<10240x8xi32, #tpu.memory_space<vmem>> -> memref<128x8xi32, #tpu.memory_space<vmem>>
    %dma_start3A_466 = arith.constant 7296 : i32
    %dma_start3A_467 = tpu.memref_slice %arg6[%dma_start3A_466] : memref<10240xi32, #tpu.memory_space<vmem>> -> memref<128xi32, #tpu.memory_space<vmem>>
    %dma_start3A_468 = arith.constant 0 : i32
    %dma_start3A_469 = arith.constant 0 : i32
    %dma_start3A_470 = tpu.memref_slice %arg3[%dma_start3A_468, %dma_start3A_469] : memref<500000x8xi32, #tpu.memory_space<hbm>> -> memref<500000x8xi32, #tpu.memory_space<hbm>>
    tpu.enqueue_indirect_dma source(%dma_start3A_470 : memref<500000x8xi32, #tpu.memory_space<hbm>>) target(%dma_start3A_465 : memref<128x8xi32, #tpu.memory_space<vmem>>) offsets(%dma_start3A_467 : memref<128xi32, #tpu.memory_space<vmem>>) semaphore(%arg8 : memref<!tpu.dma_semaphore, #tpu.memory_space<semaphore_mem>>)
    %dma_start3A_471 = arith.constant 7424 : i32
    %dma_start3A_472 = arith.constant 0 : i32
    %dma_start3A_473 = tpu.memref_slice %arg7[%dma_start3A_471, %dma_start3A_472] : memref<10240x8xi32, #tpu.memory_space<vmem>> -> memref<128x8xi32, #tpu.memory_space<vmem>>
    %dma_start3A_474 = arith.constant 7424 : i32
    %dma_start3A_475 = tpu.memref_slice %arg6[%dma_start3A_474] : memref<10240xi32, #tpu.memory_space<vmem>> -> memref<128xi32, #tpu.memory_space<vmem>>
    %dma_start3A_476 = arith.constant 0 : i32
    %dma_start3A_477 = arith.constant 0 : i32
    %dma_start3A_478 = tpu.memref_slice %arg3[%dma_start3A_476, %dma_start3A_477] : memref<500000x8xi32, #tpu.memory_space<hbm>> -> memref<500000x8xi32, #tpu.memory_space<hbm>>
    tpu.enqueue_indirect_dma source(%dma_start3A_478 : memref<500000x8xi32, #tpu.memory_space<hbm>>) target(%dma_start3A_473 : memref<128x8xi32, #tpu.memory_space<vmem>>) offsets(%dma_start3A_475 : memref<128xi32, #tpu.memory_space<vmem>>) semaphore(%arg8 : memref<!tpu.dma_semaphore, #tpu.memory_space<semaphore_mem>>)
    %dma_start3A_479 = arith.constant 7552 : i32
    %dma_start3A_480 = arith.constant 0 : i32
    %dma_start3A_481 = tpu.memref_slice %arg7[%dma_start3A_479, %dma_start3A_480] : memref<10240x8xi32, #tpu.memory_space<vmem>> -> memref<128x8xi32, #tpu.memory_space<vmem>>
    %dma_start3A_482 = arith.constant 7552 : i32
    %dma_start3A_483 = tpu.memref_slice %arg6[%dma_start3A_482] : memref<10240xi32, #tpu.memory_space<vmem>> -> memref<128xi32, #tpu.memory_space<vmem>>
    %dma_start3A_484 = arith.constant 0 : i32
    %dma_start3A_485 = arith.constant 0 : i32
    %dma_start3A_486 = tpu.memref_slice %arg3[%dma_start3A_484, %dma_start3A_485] : memref<500000x8xi32, #tpu.memory_space<hbm>> -> memref<500000x8xi32, #tpu.memory_space<hbm>>
    tpu.enqueue_indirect_dma source(%dma_start3A_486 : memref<500000x8xi32, #tpu.memory_space<hbm>>) target(%dma_start3A_481 : memref<128x8xi32, #tpu.memory_space<vmem>>) offsets(%dma_start3A_483 : memref<128xi32, #tpu.memory_space<vmem>>) semaphore(%arg8 : memref<!tpu.dma_semaphore, #tpu.memory_space<semaphore_mem>>)
    %dma_start3A_487 = arith.constant 7680 : i32
    %dma_start3A_488 = arith.constant 0 : i32
    %dma_start3A_489 = tpu.memref_slice %arg7[%dma_start3A_487, %dma_start3A_488] : memref<10240x8xi32, #tpu.memory_space<vmem>> -> memref<128x8xi32, #tpu.memory_space<vmem>>
    %dma_start3A_490 = arith.constant 7680 : i32
    %dma_start3A_491 = tpu.memref_slice %arg6[%dma_start3A_490] : memref<10240xi32, #tpu.memory_space<vmem>> -> memref<128xi32, #tpu.memory_space<vmem>>
    %dma_start3A_492 = arith.constant 0 : i32
    %dma_start3A_493 = arith.constant 0 : i32
    %dma_start3A_494 = tpu.memref_slice %arg3[%dma_start3A_492, %dma_start3A_493] : memref<500000x8xi32, #tpu.memory_space<hbm>> -> memref<500000x8xi32, #tpu.memory_space<hbm>>
    tpu.enqueue_indirect_dma source(%dma_start3A_494 : memref<500000x8xi32, #tpu.memory_space<hbm>>) target(%dma_start3A_489 : memref<128x8xi32, #tpu.memory_space<vmem>>) offsets(%dma_start3A_491 : memref<128xi32, #tpu.memory_space<vmem>>) semaphore(%arg8 : memref<!tpu.dma_semaphore, #tpu.memory_space<semaphore_mem>>)
    %dma_start3A_495 = arith.constant 7808 : i32
    %dma_start3A_496 = arith.constant 0 : i32
    %dma_start3A_497 = tpu.memref_slice %arg7[%dma_start3A_495, %dma_start3A_496] : memref<10240x8xi32, #tpu.memory_space<vmem>> -> memref<128x8xi32, #tpu.memory_space<vmem>>
    %dma_start3A_498 = arith.constant 7808 : i32
    %dma_start3A_499 = tpu.memref_slice %arg6[%dma_start3A_498] : memref<10240xi32, #tpu.memory_space<vmem>> -> memref<128xi32, #tpu.memory_space<vmem>>
    %dma_start3A_500 = arith.constant 0 : i32
    %dma_start3A_501 = arith.constant 0 : i32
    %dma_start3A_502 = tpu.memref_slice %arg3[%dma_start3A_500, %dma_start3A_501] : memref<500000x8xi32, #tpu.memory_space<hbm>> -> memref<500000x8xi32, #tpu.memory_space<hbm>>
    tpu.enqueue_indirect_dma source(%dma_start3A_502 : memref<500000x8xi32, #tpu.memory_space<hbm>>) target(%dma_start3A_497 : memref<128x8xi32, #tpu.memory_space<vmem>>) offsets(%dma_start3A_499 : memref<128xi32, #tpu.memory_space<vmem>>) semaphore(%arg8 : memref<!tpu.dma_semaphore, #tpu.memory_space<semaphore_mem>>)
    %dma_start3A_503 = arith.constant 7936 : i32
    %dma_start3A_504 = arith.constant 0 : i32
    %dma_start3A_505 = tpu.memref_slice %arg7[%dma_start3A_503, %dma_start3A_504] : memref<10240x8xi32, #tpu.memory_space<vmem>> -> memref<128x8xi32, #tpu.memory_space<vmem>>
    %dma_start3A_506 = arith.constant 7936 : i32
    %dma_start3A_507 = tpu.memref_slice %arg6[%dma_start3A_506] : memref<10240xi32, #tpu.memory_space<vmem>> -> memref<128xi32, #tpu.memory_space<vmem>>
    %dma_start3A_508 = arith.constant 0 : i32
    %dma_start3A_509 = arith.constant 0 : i32
    %dma_start3A_510 = tpu.memref_slice %arg3[%dma_start3A_508, %dma_start3A_509] : memref<500000x8xi32, #tpu.memory_space<hbm>> -> memref<500000x8xi32, #tpu.memory_space<hbm>>
    tpu.enqueue_indirect_dma source(%dma_start3A_510 : memref<500000x8xi32, #tpu.memory_space<hbm>>) target(%dma_start3A_505 : memref<128x8xi32, #tpu.memory_space<vmem>>) offsets(%dma_start3A_507 : memref<128xi32, #tpu.memory_space<vmem>>) semaphore(%arg8 : memref<!tpu.dma_semaphore, #tpu.memory_space<semaphore_mem>>)
    %dma_start3A_511 = arith.constant 8064 : i32
    %dma_start3A_512 = arith.constant 0 : i32
    %dma_start3A_513 = tpu.memref_slice %arg7[%dma_start3A_511, %dma_start3A_512] : memref<10240x8xi32, #tpu.memory_space<vmem>> -> memref<128x8xi32, #tpu.memory_space<vmem>>
    %dma_start3A_514 = arith.constant 8064 : i32
    %dma_start3A_515 = tpu.memref_slice %arg6[%dma_start3A_514] : memref<10240xi32, #tpu.memory_space<vmem>> -> memref<128xi32, #tpu.memory_space<vmem>>
    %dma_start3A_516 = arith.constant 0 : i32
    %dma_start3A_517 = arith.constant 0 : i32
    %dma_start3A_518 = tpu.memref_slice %arg3[%dma_start3A_516, %dma_start3A_517] : memref<500000x8xi32, #tpu.memory_space<hbm>> -> memref<500000x8xi32, #tpu.memory_space<hbm>>
    tpu.enqueue_indirect_dma source(%dma_start3A_518 : memref<500000x8xi32, #tpu.memory_space<hbm>>) target(%dma_start3A_513 : memref<128x8xi32, #tpu.memory_space<vmem>>) offsets(%dma_start3A_515 : memref<128xi32, #tpu.memory_space<vmem>>) semaphore(%arg8 : memref<!tpu.dma_semaphore, #tpu.memory_space<semaphore_mem>>)
    %dma_start3A_519 = arith.constant 8192 : i32
    %dma_start3A_520 = arith.constant 0 : i32
    %dma_start3A_521 = tpu.memref_slice %arg7[%dma_start3A_519, %dma_start3A_520] : memref<10240x8xi32, #tpu.memory_space<vmem>> -> memref<128x8xi32, #tpu.memory_space<vmem>>
    %dma_start3A_522 = arith.constant 8192 : i32
    %dma_start3A_523 = tpu.memref_slice %arg6[%dma_start3A_522] : memref<10240xi32, #tpu.memory_space<vmem>> -> memref<128xi32, #tpu.memory_space<vmem>>
    %dma_start3A_524 = arith.constant 0 : i32
    %dma_start3A_525 = arith.constant 0 : i32
    %dma_start3A_526 = tpu.memref_slice %arg3[%dma_start3A_524, %dma_start3A_525] : memref<500000x8xi32, #tpu.memory_space<hbm>> -> memref<500000x8xi32, #tpu.memory_space<hbm>>
    tpu.enqueue_indirect_dma source(%dma_start3A_526 : memref<500000x8xi32, #tpu.memory_space<hbm>>) target(%dma_start3A_521 : memref<128x8xi32, #tpu.memory_space<vmem>>) offsets(%dma_start3A_523 : memref<128xi32, #tpu.memory_space<vmem>>) semaphore(%arg8 : memref<!tpu.dma_semaphore, #tpu.memory_space<semaphore_mem>>)
    %dma_start3A_527 = arith.constant 8320 : i32
    %dma_start3A_528 = arith.constant 0 : i32
    %dma_start3A_529 = tpu.memref_slice %arg7[%dma_start3A_527, %dma_start3A_528] : memref<10240x8xi32, #tpu.memory_space<vmem>> -> memref<128x8xi32, #tpu.memory_space<vmem>>
    %dma_start3A_530 = arith.constant 8320 : i32
    %dma_start3A_531 = tpu.memref_slice %arg6[%dma_start3A_530] : memref<10240xi32, #tpu.memory_space<vmem>> -> memref<128xi32, #tpu.memory_space<vmem>>
    %dma_start3A_532 = arith.constant 0 : i32
    %dma_start3A_533 = arith.constant 0 : i32
    %dma_start3A_534 = tpu.memref_slice %arg3[%dma_start3A_532, %dma_start3A_533] : memref<500000x8xi32, #tpu.memory_space<hbm>> -> memref<500000x8xi32, #tpu.memory_space<hbm>>
    tpu.enqueue_indirect_dma source(%dma_start3A_534 : memref<500000x8xi32, #tpu.memory_space<hbm>>) target(%dma_start3A_529 : memref<128x8xi32, #tpu.memory_space<vmem>>) offsets(%dma_start3A_531 : memref<128xi32, #tpu.memory_space<vmem>>) semaphore(%arg8 : memref<!tpu.dma_semaphore, #tpu.memory_space<semaphore_mem>>)
    %dma_start3A_535 = arith.constant 8448 : i32
    %dma_start3A_536 = arith.constant 0 : i32
    %dma_start3A_537 = tpu.memref_slice %arg7[%dma_start3A_535, %dma_start3A_536] : memref<10240x8xi32, #tpu.memory_space<vmem>> -> memref<128x8xi32, #tpu.memory_space<vmem>>
    %dma_start3A_538 = arith.constant 8448 : i32
    %dma_start3A_539 = tpu.memref_slice %arg6[%dma_start3A_538] : memref<10240xi32, #tpu.memory_space<vmem>> -> memref<128xi32, #tpu.memory_space<vmem>>
    %dma_start3A_540 = arith.constant 0 : i32
    %dma_start3A_541 = arith.constant 0 : i32
    %dma_start3A_542 = tpu.memref_slice %arg3[%dma_start3A_540, %dma_start3A_541] : memref<500000x8xi32, #tpu.memory_space<hbm>> -> memref<500000x8xi32, #tpu.memory_space<hbm>>
    tpu.enqueue_indirect_dma source(%dma_start3A_542 : memref<500000x8xi32, #tpu.memory_space<hbm>>) target(%dma_start3A_537 : memref<128x8xi32, #tpu.memory_space<vmem>>) offsets(%dma_start3A_539 : memref<128xi32, #tpu.memory_space<vmem>>) semaphore(%arg8 : memref<!tpu.dma_semaphore, #tpu.memory_space<semaphore_mem>>)
    %dma_start3A_543 = arith.constant 8576 : i32
    %dma_start3A_544 = arith.constant 0 : i32
    %dma_start3A_545 = tpu.memref_slice %arg7[%dma_start3A_543, %dma_start3A_544] : memref<10240x8xi32, #tpu.memory_space<vmem>> -> memref<128x8xi32, #tpu.memory_space<vmem>>
    %dma_start3A_546 = arith.constant 8576 : i32
    %dma_start3A_547 = tpu.memref_slice %arg6[%dma_start3A_546] : memref<10240xi32, #tpu.memory_space<vmem>> -> memref<128xi32, #tpu.memory_space<vmem>>
    %dma_start3A_548 = arith.constant 0 : i32
    %dma_start3A_549 = arith.constant 0 : i32
    %dma_start3A_550 = tpu.memref_slice %arg3[%dma_start3A_548, %dma_start3A_549] : memref<500000x8xi32, #tpu.memory_space<hbm>> -> memref<500000x8xi32, #tpu.memory_space<hbm>>
    tpu.enqueue_indirect_dma source(%dma_start3A_550 : memref<500000x8xi32, #tpu.memory_space<hbm>>) target(%dma_start3A_545 : memref<128x8xi32, #tpu.memory_space<vmem>>) offsets(%dma_start3A_547 : memref<128xi32, #tpu.memory_space<vmem>>) semaphore(%arg8 : memref<!tpu.dma_semaphore, #tpu.memory_space<semaphore_mem>>)
    %dma_start3A_551 = arith.constant 8704 : i32
    %dma_start3A_552 = arith.constant 0 : i32
    %dma_start3A_553 = tpu.memref_slice %arg7[%dma_start3A_551, %dma_start3A_552] : memref<10240x8xi32, #tpu.memory_space<vmem>> -> memref<128x8xi32, #tpu.memory_space<vmem>>
    %dma_start3A_554 = arith.constant 8704 : i32
    %dma_start3A_555 = tpu.memref_slice %arg6[%dma_start3A_554] : memref<10240xi32, #tpu.memory_space<vmem>> -> memref<128xi32, #tpu.memory_space<vmem>>
    %dma_start3A_556 = arith.constant 0 : i32
    %dma_start3A_557 = arith.constant 0 : i32
    %dma_start3A_558 = tpu.memref_slice %arg3[%dma_start3A_556, %dma_start3A_557] : memref<500000x8xi32, #tpu.memory_space<hbm>> -> memref<500000x8xi32, #tpu.memory_space<hbm>>
    tpu.enqueue_indirect_dma source(%dma_start3A_558 : memref<500000x8xi32, #tpu.memory_space<hbm>>) target(%dma_start3A_553 : memref<128x8xi32, #tpu.memory_space<vmem>>) offsets(%dma_start3A_555 : memref<128xi32, #tpu.memory_space<vmem>>) semaphore(%arg8 : memref<!tpu.dma_semaphore, #tpu.memory_space<semaphore_mem>>)
    %dma_start3A_559 = arith.constant 8832 : i32
    %dma_start3A_560 = arith.constant 0 : i32
    %dma_start3A_561 = tpu.memref_slice %arg7[%dma_start3A_559, %dma_start3A_560] : memref<10240x8xi32, #tpu.memory_space<vmem>> -> memref<128x8xi32, #tpu.memory_space<vmem>>
    %dma_start3A_562 = arith.constant 8832 : i32
    %dma_start3A_563 = tpu.memref_slice %arg6[%dma_start3A_562] : memref<10240xi32, #tpu.memory_space<vmem>> -> memref<128xi32, #tpu.memory_space<vmem>>
    %dma_start3A_564 = arith.constant 0 : i32
    %dma_start3A_565 = arith.constant 0 : i32
    %dma_start3A_566 = tpu.memref_slice %arg3[%dma_start3A_564, %dma_start3A_565] : memref<500000x8xi32, #tpu.memory_space<hbm>> -> memref<500000x8xi32, #tpu.memory_space<hbm>>
    tpu.enqueue_indirect_dma source(%dma_start3A_566 : memref<500000x8xi32, #tpu.memory_space<hbm>>) target(%dma_start3A_561 : memref<128x8xi32, #tpu.memory_space<vmem>>) offsets(%dma_start3A_563 : memref<128xi32, #tpu.memory_space<vmem>>) semaphore(%arg8 : memref<!tpu.dma_semaphore, #tpu.memory_space<semaphore_mem>>)
    %dma_start3A_567 = arith.constant 8960 : i32
    %dma_start3A_568 = arith.constant 0 : i32
    %dma_start3A_569 = tpu.memref_slice %arg7[%dma_start3A_567, %dma_start3A_568] : memref<10240x8xi32, #tpu.memory_space<vmem>> -> memref<128x8xi32, #tpu.memory_space<vmem>>
    %dma_start3A_570 = arith.constant 8960 : i32
    %dma_start3A_571 = tpu.memref_slice %arg6[%dma_start3A_570] : memref<10240xi32, #tpu.memory_space<vmem>> -> memref<128xi32, #tpu.memory_space<vmem>>
    %dma_start3A_572 = arith.constant 0 : i32
    %dma_start3A_573 = arith.constant 0 : i32
    %dma_start3A_574 = tpu.memref_slice %arg3[%dma_start3A_572, %dma_start3A_573] : memref<500000x8xi32, #tpu.memory_space<hbm>> -> memref<500000x8xi32, #tpu.memory_space<hbm>>
    tpu.enqueue_indirect_dma source(%dma_start3A_574 : memref<500000x8xi32, #tpu.memory_space<hbm>>) target(%dma_start3A_569 : memref<128x8xi32, #tpu.memory_space<vmem>>) offsets(%dma_start3A_571 : memref<128xi32, #tpu.memory_space<vmem>>) semaphore(%arg8 : memref<!tpu.dma_semaphore, #tpu.memory_space<semaphore_mem>>)
    %dma_start3A_575 = arith.constant 9088 : i32
    %dma_start3A_576 = arith.constant 0 : i32
    %dma_start3A_577 = tpu.memref_slice %arg7[%dma_start3A_575, %dma_start3A_576] : memref<10240x8xi32, #tpu.memory_space<vmem>> -> memref<128x8xi32, #tpu.memory_space<vmem>>
    %dma_start3A_578 = arith.constant 9088 : i32
    %dma_start3A_579 = tpu.memref_slice %arg6[%dma_start3A_578] : memref<10240xi32, #tpu.memory_space<vmem>> -> memref<128xi32, #tpu.memory_space<vmem>>
    %dma_start3A_580 = arith.constant 0 : i32
    %dma_start3A_581 = arith.constant 0 : i32
    %dma_start3A_582 = tpu.memref_slice %arg3[%dma_start3A_580, %dma_start3A_581] : memref<500000x8xi32, #tpu.memory_space<hbm>> -> memref<500000x8xi32, #tpu.memory_space<hbm>>
    tpu.enqueue_indirect_dma source(%dma_start3A_582 : memref<500000x8xi32, #tpu.memory_space<hbm>>) target(%dma_start3A_577 : memref<128x8xi32, #tpu.memory_space<vmem>>) offsets(%dma_start3A_579 : memref<128xi32, #tpu.memory_space<vmem>>) semaphore(%arg8 : memref<!tpu.dma_semaphore, #tpu.memory_space<semaphore_mem>>)
    %dma_start3A_583 = arith.constant 9216 : i32
    %dma_start3A_584 = arith.constant 0 : i32
    %dma_start3A_585 = tpu.memref_slice %arg7[%dma_start3A_583, %dma_start3A_584] : memref<10240x8xi32, #tpu.memory_space<vmem>> -> memref<128x8xi32, #tpu.memory_space<vmem>>
    %dma_start3A_586 = arith.constant 9216 : i32
    %dma_start3A_587 = tpu.memref_slice %arg6[%dma_start3A_586] : memref<10240xi32, #tpu.memory_space<vmem>> -> memref<128xi32, #tpu.memory_space<vmem>>
    %dma_start3A_588 = arith.constant 0 : i32
    %dma_start3A_589 = arith.constant 0 : i32
    %dma_start3A_590 = tpu.memref_slice %arg3[%dma_start3A_588, %dma_start3A_589] : memref<500000x8xi32, #tpu.memory_space<hbm>> -> memref<500000x8xi32, #tpu.memory_space<hbm>>
    tpu.enqueue_indirect_dma source(%dma_start3A_590 : memref<500000x8xi32, #tpu.memory_space<hbm>>) target(%dma_start3A_585 : memref<128x8xi32, #tpu.memory_space<vmem>>) offsets(%dma_start3A_587 : memref<128xi32, #tpu.memory_space<vmem>>) semaphore(%arg8 : memref<!tpu.dma_semaphore, #tpu.memory_space<semaphore_mem>>)
    %dma_start3A_591 = arith.constant 9344 : i32
    %dma_start3A_592 = arith.constant 0 : i32
    %dma_start3A_593 = tpu.memref_slice %arg7[%dma_start3A_591, %dma_start3A_592] : memref<10240x8xi32, #tpu.memory_space<vmem>> -> memref<128x8xi32, #tpu.memory_space<vmem>>
    %dma_start3A_594 = arith.constant 9344 : i32
    %dma_start3A_595 = tpu.memref_slice %arg6[%dma_start3A_594] : memref<10240xi32, #tpu.memory_space<vmem>> -> memref<128xi32, #tpu.memory_space<vmem>>
    %dma_start3A_596 = arith.constant 0 : i32
    %dma_start3A_597 = arith.constant 0 : i32
    %dma_start3A_598 = tpu.memref_slice %arg3[%dma_start3A_596, %dma_start3A_597] : memref<500000x8xi32, #tpu.memory_space<hbm>> -> memref<500000x8xi32, #tpu.memory_space<hbm>>
    tpu.enqueue_indirect_dma source(%dma_start3A_598 : memref<500000x8xi32, #tpu.memory_space<hbm>>) target(%dma_start3A_593 : memref<128x8xi32, #tpu.memory_space<vmem>>) offsets(%dma_start3A_595 : memref<128xi32, #tpu.memory_space<vmem>>) semaphore(%arg8 : memref<!tpu.dma_semaphore, #tpu.memory_space<semaphore_mem>>)
    %dma_start3A_599 = arith.constant 9472 : i32
    %dma_start3A_600 = arith.constant 0 : i32
    %dma_start3A_601 = tpu.memref_slice %arg7[%dma_start3A_599, %dma_start3A_600] : memref<10240x8xi32, #tpu.memory_space<vmem>> -> memref<128x8xi32, #tpu.memory_space<vmem>>
    %dma_start3A_602 = arith.constant 9472 : i32
    %dma_start3A_603 = tpu.memref_slice %arg6[%dma_start3A_602] : memref<10240xi32, #tpu.memory_space<vmem>> -> memref<128xi32, #tpu.memory_space<vmem>>
    %dma_start3A_604 = arith.constant 0 : i32
    %dma_start3A_605 = arith.constant 0 : i32
    %dma_start3A_606 = tpu.memref_slice %arg3[%dma_start3A_604, %dma_start3A_605] : memref<500000x8xi32, #tpu.memory_space<hbm>> -> memref<500000x8xi32, #tpu.memory_space<hbm>>
    tpu.enqueue_indirect_dma source(%dma_start3A_606 : memref<500000x8xi32, #tpu.memory_space<hbm>>) target(%dma_start3A_601 : memref<128x8xi32, #tpu.memory_space<vmem>>) offsets(%dma_start3A_603 : memref<128xi32, #tpu.memory_space<vmem>>) semaphore(%arg8 : memref<!tpu.dma_semaphore, #tpu.memory_space<semaphore_mem>>)
    %dma_start3A_607 = arith.constant 9600 : i32
    %dma_start3A_608 = arith.constant 0 : i32
    %dma_start3A_609 = tpu.memref_slice %arg7[%dma_start3A_607, %dma_start3A_608] : memref<10240x8xi32, #tpu.memory_space<vmem>> -> memref<128x8xi32, #tpu.memory_space<vmem>>
    %dma_start3A_610 = arith.constant 9600 : i32
    %dma_start3A_611 = tpu.memref_slice %arg6[%dma_start3A_610] : memref<10240xi32, #tpu.memory_space<vmem>> -> memref<128xi32, #tpu.memory_space<vmem>>
    %dma_start3A_612 = arith.constant 0 : i32
    %dma_start3A_613 = arith.constant 0 : i32
    %dma_start3A_614 = tpu.memref_slice %arg3[%dma_start3A_612, %dma_start3A_613] : memref<500000x8xi32, #tpu.memory_space<hbm>> -> memref<500000x8xi32, #tpu.memory_space<hbm>>
    tpu.enqueue_indirect_dma source(%dma_start3A_614 : memref<500000x8xi32, #tpu.memory_space<hbm>>) target(%dma_start3A_609 : memref<128x8xi32, #tpu.memory_space<vmem>>) offsets(%dma_start3A_611 : memref<128xi32, #tpu.memory_space<vmem>>) semaphore(%arg8 : memref<!tpu.dma_semaphore, #tpu.memory_space<semaphore_mem>>)
    %dma_start3A_615 = arith.constant 9728 : i32
    %dma_start3A_616 = arith.constant 0 : i32
    %dma_start3A_617 = tpu.memref_slice %arg7[%dma_start3A_615, %dma_start3A_616] : memref<10240x8xi32, #tpu.memory_space<vmem>> -> memref<128x8xi32, #tpu.memory_space<vmem>>
    %dma_start3A_618 = arith.constant 9728 : i32
    %dma_start3A_619 = tpu.memref_slice %arg6[%dma_start3A_618] : memref<10240xi32, #tpu.memory_space<vmem>> -> memref<128xi32, #tpu.memory_space<vmem>>
    %dma_start3A_620 = arith.constant 0 : i32
    %dma_start3A_621 = arith.constant 0 : i32
    %dma_start3A_622 = tpu.memref_slice %arg3[%dma_start3A_620, %dma_start3A_621] : memref<500000x8xi32, #tpu.memory_space<hbm>> -> memref<500000x8xi32, #tpu.memory_space<hbm>>
    tpu.enqueue_indirect_dma source(%dma_start3A_622 : memref<500000x8xi32, #tpu.memory_space<hbm>>) target(%dma_start3A_617 : memref<128x8xi32, #tpu.memory_space<vmem>>) offsets(%dma_start3A_619 : memref<128xi32, #tpu.memory_space<vmem>>) semaphore(%arg8 : memref<!tpu.dma_semaphore, #tpu.memory_space<semaphore_mem>>)
    %dma_start3A_623 = arith.constant 9856 : i32
    %dma_start3A_624 = arith.constant 0 : i32
    %dma_start3A_625 = tpu.memref_slice %arg7[%dma_start3A_623, %dma_start3A_624] : memref<10240x8xi32, #tpu.memory_space<vmem>> -> memref<128x8xi32, #tpu.memory_space<vmem>>
    %dma_start3A_626 = arith.constant 9856 : i32
    %dma_start3A_627 = tpu.memref_slice %arg6[%dma_start3A_626] : memref<10240xi32, #tpu.memory_space<vmem>> -> memref<128xi32, #tpu.memory_space<vmem>>
    %dma_start3A_628 = arith.constant 0 : i32
    %dma_start3A_629 = arith.constant 0 : i32
    %dma_start3A_630 = tpu.memref_slice %arg3[%dma_start3A_628, %dma_start3A_629] : memref<500000x8xi32, #tpu.memory_space<hbm>> -> memref<500000x8xi32, #tpu.memory_space<hbm>>
    tpu.enqueue_indirect_dma source(%dma_start3A_630 : memref<500000x8xi32, #tpu.memory_space<hbm>>) target(%dma_start3A_625 : memref<128x8xi32, #tpu.memory_space<vmem>>) offsets(%dma_start3A_627 : memref<128xi32, #tpu.memory_space<vmem>>) semaphore(%arg8 : memref<!tpu.dma_semaphore, #tpu.memory_space<semaphore_mem>>)
    %dma_start3A_631 = arith.constant 9984 : i32
    %dma_start3A_632 = arith.constant 0 : i32
    %dma_start3A_633 = tpu.memref_slice %arg7[%dma_start3A_631, %dma_start3A_632] : memref<10240x8xi32, #tpu.memory_space<vmem>> -> memref<128x8xi32, #tpu.memory_space<vmem>>
    %dma_start3A_634 = arith.constant 9984 : i32
    %dma_start3A_635 = tpu.memref_slice %arg6[%dma_start3A_634] : memref<10240xi32, #tpu.memory_space<vmem>> -> memref<128xi32, #tpu.memory_space<vmem>>
    %dma_start3A_636 = arith.constant 0 : i32
    %dma_start3A_637 = arith.constant 0 : i32
    %dma_start3A_638 = tpu.memref_slice %arg3[%dma_start3A_636, %dma_start3A_637] : memref<500000x8xi32, #tpu.memory_space<hbm>> -> memref<500000x8xi32, #tpu.memory_space<hbm>>
    tpu.enqueue_indirect_dma source(%dma_start3A_638 : memref<500000x8xi32, #tpu.memory_space<hbm>>) target(%dma_start3A_633 : memref<128x8xi32, #tpu.memory_space<vmem>>) offsets(%dma_start3A_635 : memref<128xi32, #tpu.memory_space<vmem>>) semaphore(%arg8 : memref<!tpu.dma_semaphore, #tpu.memory_space<semaphore_mem>>)
    %dma_start3A_639 = arith.constant 10112 : i32
    %dma_start3A_640 = arith.constant 0 : i32
    %dma_start3A_641 = tpu.memref_slice %arg7[%dma_start3A_639, %dma_start3A_640] : memref<10240x8xi32, #tpu.memory_space<vmem>> -> memref<128x8xi32, #tpu.memory_space<vmem>>
    %dma_start3A_642 = arith.constant 10112 : i32
    %dma_start3A_643 = tpu.memref_slice %arg6[%dma_start3A_642] : memref<10240xi32, #tpu.memory_space<vmem>> -> memref<128xi32, #tpu.memory_space<vmem>>
    %dma_start3A_644 = arith.constant 0 : i32
    %dma_start3A_645 = arith.constant 0 : i32
    %dma_start3A_646 = tpu.memref_slice %arg3[%dma_start3A_644, %dma_start3A_645] : memref<500000x8xi32, #tpu.memory_space<hbm>> -> memref<500000x8xi32, #tpu.memory_space<hbm>>
    tpu.enqueue_indirect_dma source(%dma_start3A_646 : memref<500000x8xi32, #tpu.memory_space<hbm>>) target(%dma_start3A_641 : memref<128x8xi32, #tpu.memory_space<vmem>>) offsets(%dma_start3A_643 : memref<128xi32, #tpu.memory_space<vmem>>) semaphore(%arg8 : memref<!tpu.dma_semaphore, #tpu.memory_space<semaphore_mem>>)
    %dma_wait3A = arith.constant 0 : i32
    %dma_wait3A_647 = arith.constant 0 : i32
    %dma_wait3A_648 = tpu.memref_slice %arg7[%dma_wait3A, %dma_wait3A_647] : memref<10240x8xi32, #tpu.memory_space<vmem>> -> memref<128x8xi32, #tpu.memory_space<vmem>>
    %dma_wait3A_649 = arith.constant 0 : i32
    %dma_wait3A_650 = tpu.memref_slice %arg6[%dma_wait3A_649] : memref<10240xi32, #tpu.memory_space<vmem>> -> memref<128xi32, #tpu.memory_space<vmem>>
    %dma_wait3A_651 = arith.constant 0 : i32
    %dma_wait3A_652 = arith.constant 0 : i32
    %dma_wait3A_653 = tpu.memref_slice %arg3[%dma_wait3A_651, %dma_wait3A_652] : memref<500000x8xi32, #tpu.memory_space<hbm>> -> memref<500000x8xi32, #tpu.memory_space<hbm>>
    tpu.wait_indirect_dma semaphore(%arg8 : memref<!tpu.dma_semaphore, #tpu.memory_space<semaphore_mem>>) src(%dma_wait3A_653 : memref<500000x8xi32, #tpu.memory_space<hbm>>) dst(%dma_wait3A_648 : memref<128x8xi32, #tpu.memory_space<vmem>>)
    %dma_wait3A_654 = arith.constant 128 : i32
    %dma_wait3A_655 = arith.constant 0 : i32
    %dma_wait3A_656 = tpu.memref_slice %arg7[%dma_wait3A_654, %dma_wait3A_655] : memref<10240x8xi32, #tpu.memory_space<vmem>> -> memref<128x8xi32, #tpu.memory_space<vmem>>
    %dma_wait3A_657 = arith.constant 128 : i32
    %dma_wait3A_658 = tpu.memref_slice %arg6[%dma_wait3A_657] : memref<10240xi32, #tpu.memory_space<vmem>> -> memref<128xi32, #tpu.memory_space<vmem>>
    %dma_wait3A_659 = arith.constant 0 : i32
    %dma_wait3A_660 = arith.constant 0 : i32
    %dma_wait3A_661 = tpu.memref_slice %arg3[%dma_wait3A_659, %dma_wait3A_660] : memref<500000x8xi32, #tpu.memory_space<hbm>> -> memref<500000x8xi32, #tpu.memory_space<hbm>>
    tpu.wait_indirect_dma semaphore(%arg8 : memref<!tpu.dma_semaphore, #tpu.memory_space<semaphore_mem>>) src(%dma_wait3A_661 : memref<500000x8xi32, #tpu.memory_space<hbm>>) dst(%dma_wait3A_656 : memref<128x8xi32, #tpu.memory_space<vmem>>)
    %dma_wait3A_662 = arith.constant 256 : i32
    %dma_wait3A_663 = arith.constant 0 : i32
    %dma_wait3A_664 = tpu.memref_slice %arg7[%dma_wait3A_662, %dma_wait3A_663] : memref<10240x8xi32, #tpu.memory_space<vmem>> -> memref<128x8xi32, #tpu.memory_space<vmem>>
    %dma_wait3A_665 = arith.constant 256 : i32
    %dma_wait3A_666 = tpu.memref_slice %arg6[%dma_wait3A_665] : memref<10240xi32, #tpu.memory_space<vmem>> -> memref<128xi32, #tpu.memory_space<vmem>>
    %dma_wait3A_667 = arith.constant 0 : i32
    %dma_wait3A_668 = arith.constant 0 : i32
    %dma_wait3A_669 = tpu.memref_slice %arg3[%dma_wait3A_667, %dma_wait3A_668] : memref<500000x8xi32, #tpu.memory_space<hbm>> -> memref<500000x8xi32, #tpu.memory_space<hbm>>
    tpu.wait_indirect_dma semaphore(%arg8 : memref<!tpu.dma_semaphore, #tpu.memory_space<semaphore_mem>>) src(%dma_wait3A_669 : memref<500000x8xi32, #tpu.memory_space<hbm>>) dst(%dma_wait3A_664 : memref<128x8xi32, #tpu.memory_space<vmem>>)
    %dma_wait3A_670 = arith.constant 384 : i32
    %dma_wait3A_671 = arith.constant 0 : i32
    %dma_wait3A_672 = tpu.memref_slice %arg7[%dma_wait3A_670, %dma_wait3A_671] : memref<10240x8xi32, #tpu.memory_space<vmem>> -> memref<128x8xi32, #tpu.memory_space<vmem>>
    %dma_wait3A_673 = arith.constant 384 : i32
    %dma_wait3A_674 = tpu.memref_slice %arg6[%dma_wait3A_673] : memref<10240xi32, #tpu.memory_space<vmem>> -> memref<128xi32, #tpu.memory_space<vmem>>
    %dma_wait3A_675 = arith.constant 0 : i32
    %dma_wait3A_676 = arith.constant 0 : i32
    %dma_wait3A_677 = tpu.memref_slice %arg3[%dma_wait3A_675, %dma_wait3A_676] : memref<500000x8xi32, #tpu.memory_space<hbm>> -> memref<500000x8xi32, #tpu.memory_space<hbm>>
    tpu.wait_indirect_dma semaphore(%arg8 : memref<!tpu.dma_semaphore, #tpu.memory_space<semaphore_mem>>) src(%dma_wait3A_677 : memref<500000x8xi32, #tpu.memory_space<hbm>>) dst(%dma_wait3A_672 : memref<128x8xi32, #tpu.memory_space<vmem>>)
    %dma_wait3A_678 = arith.constant 512 : i32
    %dma_wait3A_679 = arith.constant 0 : i32
    %dma_wait3A_680 = tpu.memref_slice %arg7[%dma_wait3A_678, %dma_wait3A_679] : memref<10240x8xi32, #tpu.memory_space<vmem>> -> memref<128x8xi32, #tpu.memory_space<vmem>>
    %dma_wait3A_681 = arith.constant 512 : i32
    %dma_wait3A_682 = tpu.memref_slice %arg6[%dma_wait3A_681] : memref<10240xi32, #tpu.memory_space<vmem>> -> memref<128xi32, #tpu.memory_space<vmem>>
    %dma_wait3A_683 = arith.constant 0 : i32
    %dma_wait3A_684 = arith.constant 0 : i32
    %dma_wait3A_685 = tpu.memref_slice %arg3[%dma_wait3A_683, %dma_wait3A_684] : memref<500000x8xi32, #tpu.memory_space<hbm>> -> memref<500000x8xi32, #tpu.memory_space<hbm>>
    tpu.wait_indirect_dma semaphore(%arg8 : memref<!tpu.dma_semaphore, #tpu.memory_space<semaphore_mem>>) src(%dma_wait3A_685 : memref<500000x8xi32, #tpu.memory_space<hbm>>) dst(%dma_wait3A_680 : memref<128x8xi32, #tpu.memory_space<vmem>>)
    %dma_wait3A_686 = arith.constant 640 : i32
    %dma_wait3A_687 = arith.constant 0 : i32
    %dma_wait3A_688 = tpu.memref_slice %arg7[%dma_wait3A_686, %dma_wait3A_687] : memref<10240x8xi32, #tpu.memory_space<vmem>> -> memref<128x8xi32, #tpu.memory_space<vmem>>
    %dma_wait3A_689 = arith.constant 640 : i32
    %dma_wait3A_690 = tpu.memref_slice %arg6[%dma_wait3A_689] : memref<10240xi32, #tpu.memory_space<vmem>> -> memref<128xi32, #tpu.memory_space<vmem>>
    %dma_wait3A_691 = arith.constant 0 : i32
    %dma_wait3A_692 = arith.constant 0 : i32
    %dma_wait3A_693 = tpu.memref_slice %arg3[%dma_wait3A_691, %dma_wait3A_692] : memref<500000x8xi32, #tpu.memory_space<hbm>> -> memref<500000x8xi32, #tpu.memory_space<hbm>>
    tpu.wait_indirect_dma semaphore(%arg8 : memref<!tpu.dma_semaphore, #tpu.memory_space<semaphore_mem>>) src(%dma_wait3A_693 : memref<500000x8xi32, #tpu.memory_space<hbm>>) dst(%dma_wait3A_688 : memref<128x8xi32, #tpu.memory_space<vmem>>)
    %dma_wait3A_694 = arith.constant 768 : i32
    %dma_wait3A_695 = arith.constant 0 : i32
    %dma_wait3A_696 = tpu.memref_slice %arg7[%dma_wait3A_694, %dma_wait3A_695] : memref<10240x8xi32, #tpu.memory_space<vmem>> -> memref<128x8xi32, #tpu.memory_space<vmem>>
    %dma_wait3A_697 = arith.constant 768 : i32
    %dma_wait3A_698 = tpu.memref_slice %arg6[%dma_wait3A_697] : memref<10240xi32, #tpu.memory_space<vmem>> -> memref<128xi32, #tpu.memory_space<vmem>>
    %dma_wait3A_699 = arith.constant 0 : i32
    %dma_wait3A_700 = arith.constant 0 : i32
    %dma_wait3A_701 = tpu.memref_slice %arg3[%dma_wait3A_699, %dma_wait3A_700] : memref<500000x8xi32, #tpu.memory_space<hbm>> -> memref<500000x8xi32, #tpu.memory_space<hbm>>
    tpu.wait_indirect_dma semaphore(%arg8 : memref<!tpu.dma_semaphore, #tpu.memory_space<semaphore_mem>>) src(%dma_wait3A_701 : memref<500000x8xi32, #tpu.memory_space<hbm>>) dst(%dma_wait3A_696 : memref<128x8xi32, #tpu.memory_space<vmem>>)
    %dma_wait3A_702 = arith.constant 896 : i32
    %dma_wait3A_703 = arith.constant 0 : i32
    %dma_wait3A_704 = tpu.memref_slice %arg7[%dma_wait3A_702, %dma_wait3A_703] : memref<10240x8xi32, #tpu.memory_space<vmem>> -> memref<128x8xi32, #tpu.memory_space<vmem>>
    %dma_wait3A_705 = arith.constant 896 : i32
    %dma_wait3A_706 = tpu.memref_slice %arg6[%dma_wait3A_705] : memref<10240xi32, #tpu.memory_space<vmem>> -> memref<128xi32, #tpu.memory_space<vmem>>
    %dma_wait3A_707 = arith.constant 0 : i32
    %dma_wait3A_708 = arith.constant 0 : i32
    %dma_wait3A_709 = tpu.memref_slice %arg3[%dma_wait3A_707, %dma_wait3A_708] : memref<500000x8xi32, #tpu.memory_space<hbm>> -> memref<500000x8xi32, #tpu.memory_space<hbm>>
    tpu.wait_indirect_dma semaphore(%arg8 : memref<!tpu.dma_semaphore, #tpu.memory_space<semaphore_mem>>) src(%dma_wait3A_709 : memref<500000x8xi32, #tpu.memory_space<hbm>>) dst(%dma_wait3A_704 : memref<128x8xi32, #tpu.memory_space<vmem>>)
    %dma_wait3A_710 = arith.constant 1024 : i32
    %dma_wait3A_711 = arith.constant 0 : i32
    %dma_wait3A_712 = tpu.memref_slice %arg7[%dma_wait3A_710, %dma_wait3A_711] : memref<10240x8xi32, #tpu.memory_space<vmem>> -> memref<128x8xi32, #tpu.memory_space<vmem>>
    %dma_wait3A_713 = arith.constant 1024 : i32
    %dma_wait3A_714 = tpu.memref_slice %arg6[%dma_wait3A_713] : memref<10240xi32, #tpu.memory_space<vmem>> -> memref<128xi32, #tpu.memory_space<vmem>>
    %dma_wait3A_715 = arith.constant 0 : i32
    %dma_wait3A_716 = arith.constant 0 : i32
    %dma_wait3A_717 = tpu.memref_slice %arg3[%dma_wait3A_715, %dma_wait3A_716] : memref<500000x8xi32, #tpu.memory_space<hbm>> -> memref<500000x8xi32, #tpu.memory_space<hbm>>
    tpu.wait_indirect_dma semaphore(%arg8 : memref<!tpu.dma_semaphore, #tpu.memory_space<semaphore_mem>>) src(%dma_wait3A_717 : memref<500000x8xi32, #tpu.memory_space<hbm>>) dst(%dma_wait3A_712 : memref<128x8xi32, #tpu.memory_space<vmem>>)
    %dma_wait3A_718 = arith.constant 1152 : i32
    %dma_wait3A_719 = arith.constant 0 : i32
    %dma_wait3A_720 = tpu.memref_slice %arg7[%dma_wait3A_718, %dma_wait3A_719] : memref<10240x8xi32, #tpu.memory_space<vmem>> -> memref<128x8xi32, #tpu.memory_space<vmem>>
    %dma_wait3A_721 = arith.constant 1152 : i32
    %dma_wait3A_722 = tpu.memref_slice %arg6[%dma_wait3A_721] : memref<10240xi32, #tpu.memory_space<vmem>> -> memref<128xi32, #tpu.memory_space<vmem>>
    %dma_wait3A_723 = arith.constant 0 : i32
    %dma_wait3A_724 = arith.constant 0 : i32
    %dma_wait3A_725 = tpu.memref_slice %arg3[%dma_wait3A_723, %dma_wait3A_724] : memref<500000x8xi32, #tpu.memory_space<hbm>> -> memref<500000x8xi32, #tpu.memory_space<hbm>>
    tpu.wait_indirect_dma semaphore(%arg8 : memref<!tpu.dma_semaphore, #tpu.memory_space<semaphore_mem>>) src(%dma_wait3A_725 : memref<500000x8xi32, #tpu.memory_space<hbm>>) dst(%dma_wait3A_720 : memref<128x8xi32, #tpu.memory_space<vmem>>)
    %dma_wait3A_726 = arith.constant 1280 : i32
    %dma_wait3A_727 = arith.constant 0 : i32
    %dma_wait3A_728 = tpu.memref_slice %arg7[%dma_wait3A_726, %dma_wait3A_727] : memref<10240x8xi32, #tpu.memory_space<vmem>> -> memref<128x8xi32, #tpu.memory_space<vmem>>
    %dma_wait3A_729 = arith.constant 1280 : i32
    %dma_wait3A_730 = tpu.memref_slice %arg6[%dma_wait3A_729] : memref<10240xi32, #tpu.memory_space<vmem>> -> memref<128xi32, #tpu.memory_space<vmem>>
    %dma_wait3A_731 = arith.constant 0 : i32
    %dma_wait3A_732 = arith.constant 0 : i32
    %dma_wait3A_733 = tpu.memref_slice %arg3[%dma_wait3A_731, %dma_wait3A_732] : memref<500000x8xi32, #tpu.memory_space<hbm>> -> memref<500000x8xi32, #tpu.memory_space<hbm>>
    tpu.wait_indirect_dma semaphore(%arg8 : memref<!tpu.dma_semaphore, #tpu.memory_space<semaphore_mem>>) src(%dma_wait3A_733 : memref<500000x8xi32, #tpu.memory_space<hbm>>) dst(%dma_wait3A_728 : memref<128x8xi32, #tpu.memory_space<vmem>>)
    %dma_wait3A_734 = arith.constant 1408 : i32
    %dma_wait3A_735 = arith.constant 0 : i32
    %dma_wait3A_736 = tpu.memref_slice %arg7[%dma_wait3A_734, %dma_wait3A_735] : memref<10240x8xi32, #tpu.memory_space<vmem>> -> memref<128x8xi32, #tpu.memory_space<vmem>>
    %dma_wait3A_737 = arith.constant 1408 : i32
    %dma_wait3A_738 = tpu.memref_slice %arg6[%dma_wait3A_737] : memref<10240xi32, #tpu.memory_space<vmem>> -> memref<128xi32, #tpu.memory_space<vmem>>
    %dma_wait3A_739 = arith.constant 0 : i32
    %dma_wait3A_740 = arith.constant 0 : i32
    %dma_wait3A_741 = tpu.memref_slice %arg3[%dma_wait3A_739, %dma_wait3A_740] : memref<500000x8xi32, #tpu.memory_space<hbm>> -> memref<500000x8xi32, #tpu.memory_space<hbm>>
    tpu.wait_indirect_dma semaphore(%arg8 : memref<!tpu.dma_semaphore, #tpu.memory_space<semaphore_mem>>) src(%dma_wait3A_741 : memref<500000x8xi32, #tpu.memory_space<hbm>>) dst(%dma_wait3A_736 : memref<128x8xi32, #tpu.memory_space<vmem>>)
    %dma_wait3A_742 = arith.constant 1536 : i32
    %dma_wait3A_743 = arith.constant 0 : i32
    %dma_wait3A_744 = tpu.memref_slice %arg7[%dma_wait3A_742, %dma_wait3A_743] : memref<10240x8xi32, #tpu.memory_space<vmem>> -> memref<128x8xi32, #tpu.memory_space<vmem>>
    %dma_wait3A_745 = arith.constant 1536 : i32
    %dma_wait3A_746 = tpu.memref_slice %arg6[%dma_wait3A_745] : memref<10240xi32, #tpu.memory_space<vmem>> -> memref<128xi32, #tpu.memory_space<vmem>>
    %dma_wait3A_747 = arith.constant 0 : i32
    %dma_wait3A_748 = arith.constant 0 : i32
    %dma_wait3A_749 = tpu.memref_slice %arg3[%dma_wait3A_747, %dma_wait3A_748] : memref<500000x8xi32, #tpu.memory_space<hbm>> -> memref<500000x8xi32, #tpu.memory_space<hbm>>
    tpu.wait_indirect_dma semaphore(%arg8 : memref<!tpu.dma_semaphore, #tpu.memory_space<semaphore_mem>>) src(%dma_wait3A_749 : memref<500000x8xi32, #tpu.memory_space<hbm>>) dst(%dma_wait3A_744 : memref<128x8xi32, #tpu.memory_space<vmem>>)
    %dma_wait3A_750 = arith.constant 1664 : i32
    %dma_wait3A_751 = arith.constant 0 : i32
    %dma_wait3A_752 = tpu.memref_slice %arg7[%dma_wait3A_750, %dma_wait3A_751] : memref<10240x8xi32, #tpu.memory_space<vmem>> -> memref<128x8xi32, #tpu.memory_space<vmem>>
    %dma_wait3A_753 = arith.constant 1664 : i32
    %dma_wait3A_754 = tpu.memref_slice %arg6[%dma_wait3A_753] : memref<10240xi32, #tpu.memory_space<vmem>> -> memref<128xi32, #tpu.memory_space<vmem>>
    %dma_wait3A_755 = arith.constant 0 : i32
    %dma_wait3A_756 = arith.constant 0 : i32
    %dma_wait3A_757 = tpu.memref_slice %arg3[%dma_wait3A_755, %dma_wait3A_756] : memref<500000x8xi32, #tpu.memory_space<hbm>> -> memref<500000x8xi32, #tpu.memory_space<hbm>>
    tpu.wait_indirect_dma semaphore(%arg8 : memref<!tpu.dma_semaphore, #tpu.memory_space<semaphore_mem>>) src(%dma_wait3A_757 : memref<500000x8xi32, #tpu.memory_space<hbm>>) dst(%dma_wait3A_752 : memref<128x8xi32, #tpu.memory_space<vmem>>)
    %dma_wait3A_758 = arith.constant 1792 : i32
    %dma_wait3A_759 = arith.constant 0 : i32
    %dma_wait3A_760 = tpu.memref_slice %arg7[%dma_wait3A_758, %dma_wait3A_759] : memref<10240x8xi32, #tpu.memory_space<vmem>> -> memref<128x8xi32, #tpu.memory_space<vmem>>
    %dma_wait3A_761 = arith.constant 1792 : i32
    %dma_wait3A_762 = tpu.memref_slice %arg6[%dma_wait3A_761] : memref<10240xi32, #tpu.memory_space<vmem>> -> memref<128xi32, #tpu.memory_space<vmem>>
    %dma_wait3A_763 = arith.constant 0 : i32
    %dma_wait3A_764 = arith.constant 0 : i32
    %dma_wait3A_765 = tpu.memref_slice %arg3[%dma_wait3A_763, %dma_wait3A_764] : memref<500000x8xi32, #tpu.memory_space<hbm>> -> memref<500000x8xi32, #tpu.memory_space<hbm>>
    tpu.wait_indirect_dma semaphore(%arg8 : memref<!tpu.dma_semaphore, #tpu.memory_space<semaphore_mem>>) src(%dma_wait3A_765 : memref<500000x8xi32, #tpu.memory_space<hbm>>) dst(%dma_wait3A_760 : memref<128x8xi32, #tpu.memory_space<vmem>>)
    %dma_wait3A_766 = arith.constant 1920 : i32
    %dma_wait3A_767 = arith.constant 0 : i32
    %dma_wait3A_768 = tpu.memref_slice %arg7[%dma_wait3A_766, %dma_wait3A_767] : memref<10240x8xi32, #tpu.memory_space<vmem>> -> memref<128x8xi32, #tpu.memory_space<vmem>>
    %dma_wait3A_769 = arith.constant 1920 : i32
    %dma_wait3A_770 = tpu.memref_slice %arg6[%dma_wait3A_769] : memref<10240xi32, #tpu.memory_space<vmem>> -> memref<128xi32, #tpu.memory_space<vmem>>
    %dma_wait3A_771 = arith.constant 0 : i32
    %dma_wait3A_772 = arith.constant 0 : i32
    %dma_wait3A_773 = tpu.memref_slice %arg3[%dma_wait3A_771, %dma_wait3A_772] : memref<500000x8xi32, #tpu.memory_space<hbm>> -> memref<500000x8xi32, #tpu.memory_space<hbm>>
    tpu.wait_indirect_dma semaphore(%arg8 : memref<!tpu.dma_semaphore, #tpu.memory_space<semaphore_mem>>) src(%dma_wait3A_773 : memref<500000x8xi32, #tpu.memory_space<hbm>>) dst(%dma_wait3A_768 : memref<128x8xi32, #tpu.memory_space<vmem>>)
    %dma_wait3A_774 = arith.constant 2048 : i32
    %dma_wait3A_775 = arith.constant 0 : i32
    %dma_wait3A_776 = tpu.memref_slice %arg7[%dma_wait3A_774, %dma_wait3A_775] : memref<10240x8xi32, #tpu.memory_space<vmem>> -> memref<128x8xi32, #tpu.memory_space<vmem>>
    %dma_wait3A_777 = arith.constant 2048 : i32
    %dma_wait3A_778 = tpu.memref_slice %arg6[%dma_wait3A_777] : memref<10240xi32, #tpu.memory_space<vmem>> -> memref<128xi32, #tpu.memory_space<vmem>>
    %dma_wait3A_779 = arith.constant 0 : i32
    %dma_wait3A_780 = arith.constant 0 : i32
    %dma_wait3A_781 = tpu.memref_slice %arg3[%dma_wait3A_779, %dma_wait3A_780] : memref<500000x8xi32, #tpu.memory_space<hbm>> -> memref<500000x8xi32, #tpu.memory_space<hbm>>
    tpu.wait_indirect_dma semaphore(%arg8 : memref<!tpu.dma_semaphore, #tpu.memory_space<semaphore_mem>>) src(%dma_wait3A_781 : memref<500000x8xi32, #tpu.memory_space<hbm>>) dst(%dma_wait3A_776 : memref<128x8xi32, #tpu.memory_space<vmem>>)
    %dma_wait3A_782 = arith.constant 2176 : i32
    %dma_wait3A_783 = arith.constant 0 : i32
    %dma_wait3A_784 = tpu.memref_slice %arg7[%dma_wait3A_782, %dma_wait3A_783] : memref<10240x8xi32, #tpu.memory_space<vmem>> -> memref<128x8xi32, #tpu.memory_space<vmem>>
    %dma_wait3A_785 = arith.constant 2176 : i32
    %dma_wait3A_786 = tpu.memref_slice %arg6[%dma_wait3A_785] : memref<10240xi32, #tpu.memory_space<vmem>> -> memref<128xi32, #tpu.memory_space<vmem>>
    %dma_wait3A_787 = arith.constant 0 : i32
    %dma_wait3A_788 = arith.constant 0 : i32
    %dma_wait3A_789 = tpu.memref_slice %arg3[%dma_wait3A_787, %dma_wait3A_788] : memref<500000x8xi32, #tpu.memory_space<hbm>> -> memref<500000x8xi32, #tpu.memory_space<hbm>>
    tpu.wait_indirect_dma semaphore(%arg8 : memref<!tpu.dma_semaphore, #tpu.memory_space<semaphore_mem>>) src(%dma_wait3A_789 : memref<500000x8xi32, #tpu.memory_space<hbm>>) dst(%dma_wait3A_784 : memref<128x8xi32, #tpu.memory_space<vmem>>)
    %dma_wait3A_790 = arith.constant 2304 : i32
    %dma_wait3A_791 = arith.constant 0 : i32
    %dma_wait3A_792 = tpu.memref_slice %arg7[%dma_wait3A_790, %dma_wait3A_791] : memref<10240x8xi32, #tpu.memory_space<vmem>> -> memref<128x8xi32, #tpu.memory_space<vmem>>
    %dma_wait3A_793 = arith.constant 2304 : i32
    %dma_wait3A_794 = tpu.memref_slice %arg6[%dma_wait3A_793] : memref<10240xi32, #tpu.memory_space<vmem>> -> memref<128xi32, #tpu.memory_space<vmem>>
    %dma_wait3A_795 = arith.constant 0 : i32
    %dma_wait3A_796 = arith.constant 0 : i32
    %dma_wait3A_797 = tpu.memref_slice %arg3[%dma_wait3A_795, %dma_wait3A_796] : memref<500000x8xi32, #tpu.memory_space<hbm>> -> memref<500000x8xi32, #tpu.memory_space<hbm>>
    tpu.wait_indirect_dma semaphore(%arg8 : memref<!tpu.dma_semaphore, #tpu.memory_space<semaphore_mem>>) src(%dma_wait3A_797 : memref<500000x8xi32, #tpu.memory_space<hbm>>) dst(%dma_wait3A_792 : memref<128x8xi32, #tpu.memory_space<vmem>>)
    %dma_wait3A_798 = arith.constant 2432 : i32
    %dma_wait3A_799 = arith.constant 0 : i32
    %dma_wait3A_800 = tpu.memref_slice %arg7[%dma_wait3A_798, %dma_wait3A_799] : memref<10240x8xi32, #tpu.memory_space<vmem>> -> memref<128x8xi32, #tpu.memory_space<vmem>>
    %dma_wait3A_801 = arith.constant 2432 : i32
    %dma_wait3A_802 = tpu.memref_slice %arg6[%dma_wait3A_801] : memref<10240xi32, #tpu.memory_space<vmem>> -> memref<128xi32, #tpu.memory_space<vmem>>
    %dma_wait3A_803 = arith.constant 0 : i32
    %dma_wait3A_804 = arith.constant 0 : i32
    %dma_wait3A_805 = tpu.memref_slice %arg3[%dma_wait3A_803, %dma_wait3A_804] : memref<500000x8xi32, #tpu.memory_space<hbm>> -> memref<500000x8xi32, #tpu.memory_space<hbm>>
    tpu.wait_indirect_dma semaphore(%arg8 : memref<!tpu.dma_semaphore, #tpu.memory_space<semaphore_mem>>) src(%dma_wait3A_805 : memref<500000x8xi32, #tpu.memory_space<hbm>>) dst(%dma_wait3A_800 : memref<128x8xi32, #tpu.memory_space<vmem>>)
    %dma_wait3A_806 = arith.constant 2560 : i32
    %dma_wait3A_807 = arith.constant 0 : i32
    %dma_wait3A_808 = tpu.memref_slice %arg7[%dma_wait3A_806, %dma_wait3A_807] : memref<10240x8xi32, #tpu.memory_space<vmem>> -> memref<128x8xi32, #tpu.memory_space<vmem>>
    %dma_wait3A_809 = arith.constant 2560 : i32
    %dma_wait3A_810 = tpu.memref_slice %arg6[%dma_wait3A_809] : memref<10240xi32, #tpu.memory_space<vmem>> -> memref<128xi32, #tpu.memory_space<vmem>>
    %dma_wait3A_811 = arith.constant 0 : i32
    %dma_wait3A_812 = arith.constant 0 : i32
    %dma_wait3A_813 = tpu.memref_slice %arg3[%dma_wait3A_811, %dma_wait3A_812] : memref<500000x8xi32, #tpu.memory_space<hbm>> -> memref<500000x8xi32, #tpu.memory_space<hbm>>
    tpu.wait_indirect_dma semaphore(%arg8 : memref<!tpu.dma_semaphore, #tpu.memory_space<semaphore_mem>>) src(%dma_wait3A_813 : memref<500000x8xi32, #tpu.memory_space<hbm>>) dst(%dma_wait3A_808 : memref<128x8xi32, #tpu.memory_space<vmem>>)
    %dma_wait3A_814 = arith.constant 2688 : i32
    %dma_wait3A_815 = arith.constant 0 : i32
    %dma_wait3A_816 = tpu.memref_slice %arg7[%dma_wait3A_814, %dma_wait3A_815] : memref<10240x8xi32, #tpu.memory_space<vmem>> -> memref<128x8xi32, #tpu.memory_space<vmem>>
    %dma_wait3A_817 = arith.constant 2688 : i32
    %dma_wait3A_818 = tpu.memref_slice %arg6[%dma_wait3A_817] : memref<10240xi32, #tpu.memory_space<vmem>> -> memref<128xi32, #tpu.memory_space<vmem>>
    %dma_wait3A_819 = arith.constant 0 : i32
    %dma_wait3A_820 = arith.constant 0 : i32
    %dma_wait3A_821 = tpu.memref_slice %arg3[%dma_wait3A_819, %dma_wait3A_820] : memref<500000x8xi32, #tpu.memory_space<hbm>> -> memref<500000x8xi32, #tpu.memory_space<hbm>>
    tpu.wait_indirect_dma semaphore(%arg8 : memref<!tpu.dma_semaphore, #tpu.memory_space<semaphore_mem>>) src(%dma_wait3A_821 : memref<500000x8xi32, #tpu.memory_space<hbm>>) dst(%dma_wait3A_816 : memref<128x8xi32, #tpu.memory_space<vmem>>)
    %dma_wait3A_822 = arith.constant 2816 : i32
    %dma_wait3A_823 = arith.constant 0 : i32
    %dma_wait3A_824 = tpu.memref_slice %arg7[%dma_wait3A_822, %dma_wait3A_823] : memref<10240x8xi32, #tpu.memory_space<vmem>> -> memref<128x8xi32, #tpu.memory_space<vmem>>
    %dma_wait3A_825 = arith.constant 2816 : i32
    %dma_wait3A_826 = tpu.memref_slice %arg6[%dma_wait3A_825] : memref<10240xi32, #tpu.memory_space<vmem>> -> memref<128xi32, #tpu.memory_space<vmem>>
    %dma_wait3A_827 = arith.constant 0 : i32
    %dma_wait3A_828 = arith.constant 0 : i32
    %dma_wait3A_829 = tpu.memref_slice %arg3[%dma_wait3A_827, %dma_wait3A_828] : memref<500000x8xi32, #tpu.memory_space<hbm>> -> memref<500000x8xi32, #tpu.memory_space<hbm>>
    tpu.wait_indirect_dma semaphore(%arg8 : memref<!tpu.dma_semaphore, #tpu.memory_space<semaphore_mem>>) src(%dma_wait3A_829 : memref<500000x8xi32, #tpu.memory_space<hbm>>) dst(%dma_wait3A_824 : memref<128x8xi32, #tpu.memory_space<vmem>>)
    %dma_wait3A_830 = arith.constant 2944 : i32
    %dma_wait3A_831 = arith.constant 0 : i32
    %dma_wait3A_832 = tpu.memref_slice %arg7[%dma_wait3A_830, %dma_wait3A_831] : memref<10240x8xi32, #tpu.memory_space<vmem>> -> memref<128x8xi32, #tpu.memory_space<vmem>>
    %dma_wait3A_833 = arith.constant 2944 : i32
    %dma_wait3A_834 = tpu.memref_slice %arg6[%dma_wait3A_833] : memref<10240xi32, #tpu.memory_space<vmem>> -> memref<128xi32, #tpu.memory_space<vmem>>
    %dma_wait3A_835 = arith.constant 0 : i32
    %dma_wait3A_836 = arith.constant 0 : i32
    %dma_wait3A_837 = tpu.memref_slice %arg3[%dma_wait3A_835, %dma_wait3A_836] : memref<500000x8xi32, #tpu.memory_space<hbm>> -> memref<500000x8xi32, #tpu.memory_space<hbm>>
    tpu.wait_indirect_dma semaphore(%arg8 : memref<!tpu.dma_semaphore, #tpu.memory_space<semaphore_mem>>) src(%dma_wait3A_837 : memref<500000x8xi32, #tpu.memory_space<hbm>>) dst(%dma_wait3A_832 : memref<128x8xi32, #tpu.memory_space<vmem>>)
    %dma_wait3A_838 = arith.constant 3072 : i32
    %dma_wait3A_839 = arith.constant 0 : i32
    %dma_wait3A_840 = tpu.memref_slice %arg7[%dma_wait3A_838, %dma_wait3A_839] : memref<10240x8xi32, #tpu.memory_space<vmem>> -> memref<128x8xi32, #tpu.memory_space<vmem>>
    %dma_wait3A_841 = arith.constant 3072 : i32
    %dma_wait3A_842 = tpu.memref_slice %arg6[%dma_wait3A_841] : memref<10240xi32, #tpu.memory_space<vmem>> -> memref<128xi32, #tpu.memory_space<vmem>>
    %dma_wait3A_843 = arith.constant 0 : i32
    %dma_wait3A_844 = arith.constant 0 : i32
    %dma_wait3A_845 = tpu.memref_slice %arg3[%dma_wait3A_843, %dma_wait3A_844] : memref<500000x8xi32, #tpu.memory_space<hbm>> -> memref<500000x8xi32, #tpu.memory_space<hbm>>
    tpu.wait_indirect_dma semaphore(%arg8 : memref<!tpu.dma_semaphore, #tpu.memory_space<semaphore_mem>>) src(%dma_wait3A_845 : memref<500000x8xi32, #tpu.memory_space<hbm>>) dst(%dma_wait3A_840 : memref<128x8xi32, #tpu.memory_space<vmem>>)
    %dma_wait3A_846 = arith.constant 3200 : i32
    %dma_wait3A_847 = arith.constant 0 : i32
    %dma_wait3A_848 = tpu.memref_slice %arg7[%dma_wait3A_846, %dma_wait3A_847] : memref<10240x8xi32, #tpu.memory_space<vmem>> -> memref<128x8xi32, #tpu.memory_space<vmem>>
    %dma_wait3A_849 = arith.constant 3200 : i32
    %dma_wait3A_850 = tpu.memref_slice %arg6[%dma_wait3A_849] : memref<10240xi32, #tpu.memory_space<vmem>> -> memref<128xi32, #tpu.memory_space<vmem>>
    %dma_wait3A_851 = arith.constant 0 : i32
    %dma_wait3A_852 = arith.constant 0 : i32
    %dma_wait3A_853 = tpu.memref_slice %arg3[%dma_wait3A_851, %dma_wait3A_852] : memref<500000x8xi32, #tpu.memory_space<hbm>> -> memref<500000x8xi32, #tpu.memory_space<hbm>>
    tpu.wait_indirect_dma semaphore(%arg8 : memref<!tpu.dma_semaphore, #tpu.memory_space<semaphore_mem>>) src(%dma_wait3A_853 : memref<500000x8xi32, #tpu.memory_space<hbm>>) dst(%dma_wait3A_848 : memref<128x8xi32, #tpu.memory_space<vmem>>)
    %dma_wait3A_854 = arith.constant 3328 : i32
    %dma_wait3A_855 = arith.constant 0 : i32
    %dma_wait3A_856 = tpu.memref_slice %arg7[%dma_wait3A_854, %dma_wait3A_855] : memref<10240x8xi32, #tpu.memory_space<vmem>> -> memref<128x8xi32, #tpu.memory_space<vmem>>
    %dma_wait3A_857 = arith.constant 3328 : i32
    %dma_wait3A_858 = tpu.memref_slice %arg6[%dma_wait3A_857] : memref<10240xi32, #tpu.memory_space<vmem>> -> memref<128xi32, #tpu.memory_space<vmem>>
    %dma_wait3A_859 = arith.constant 0 : i32
    %dma_wait3A_860 = arith.constant 0 : i32
    %dma_wait3A_861 = tpu.memref_slice %arg3[%dma_wait3A_859, %dma_wait3A_860] : memref<500000x8xi32, #tpu.memory_space<hbm>> -> memref<500000x8xi32, #tpu.memory_space<hbm>>
    tpu.wait_indirect_dma semaphore(%arg8 : memref<!tpu.dma_semaphore, #tpu.memory_space<semaphore_mem>>) src(%dma_wait3A_861 : memref<500000x8xi32, #tpu.memory_space<hbm>>) dst(%dma_wait3A_856 : memref<128x8xi32, #tpu.memory_space<vmem>>)
    %dma_wait3A_862 = arith.constant 3456 : i32
    %dma_wait3A_863 = arith.constant 0 : i32
    %dma_wait3A_864 = tpu.memref_slice %arg7[%dma_wait3A_862, %dma_wait3A_863] : memref<10240x8xi32, #tpu.memory_space<vmem>> -> memref<128x8xi32, #tpu.memory_space<vmem>>
    %dma_wait3A_865 = arith.constant 3456 : i32
    %dma_wait3A_866 = tpu.memref_slice %arg6[%dma_wait3A_865] : memref<10240xi32, #tpu.memory_space<vmem>> -> memref<128xi32, #tpu.memory_space<vmem>>
    %dma_wait3A_867 = arith.constant 0 : i32
    %dma_wait3A_868 = arith.constant 0 : i32
    %dma_wait3A_869 = tpu.memref_slice %arg3[%dma_wait3A_867, %dma_wait3A_868] : memref<500000x8xi32, #tpu.memory_space<hbm>> -> memref<500000x8xi32, #tpu.memory_space<hbm>>
    tpu.wait_indirect_dma semaphore(%arg8 : memref<!tpu.dma_semaphore, #tpu.memory_space<semaphore_mem>>) src(%dma_wait3A_869 : memref<500000x8xi32, #tpu.memory_space<hbm>>) dst(%dma_wait3A_864 : memref<128x8xi32, #tpu.memory_space<vmem>>)
    %dma_wait3A_870 = arith.constant 3584 : i32
    %dma_wait3A_871 = arith.constant 0 : i32
    %dma_wait3A_872 = tpu.memref_slice %arg7[%dma_wait3A_870, %dma_wait3A_871] : memref<10240x8xi32, #tpu.memory_space<vmem>> -> memref<128x8xi32, #tpu.memory_space<vmem>>
    %dma_wait3A_873 = arith.constant 3584 : i32
    %dma_wait3A_874 = tpu.memref_slice %arg6[%dma_wait3A_873] : memref<10240xi32, #tpu.memory_space<vmem>> -> memref<128xi32, #tpu.memory_space<vmem>>
    %dma_wait3A_875 = arith.constant 0 : i32
    %dma_wait3A_876 = arith.constant 0 : i32
    %dma_wait3A_877 = tpu.memref_slice %arg3[%dma_wait3A_875, %dma_wait3A_876] : memref<500000x8xi32, #tpu.memory_space<hbm>> -> memref<500000x8xi32, #tpu.memory_space<hbm>>
    tpu.wait_indirect_dma semaphore(%arg8 : memref<!tpu.dma_semaphore, #tpu.memory_space<semaphore_mem>>) src(%dma_wait3A_877 : memref<500000x8xi32, #tpu.memory_space<hbm>>) dst(%dma_wait3A_872 : memref<128x8xi32, #tpu.memory_space<vmem>>)
    %dma_wait3A_878 = arith.constant 3712 : i32
    %dma_wait3A_879 = arith.constant 0 : i32
    %dma_wait3A_880 = tpu.memref_slice %arg7[%dma_wait3A_878, %dma_wait3A_879] : memref<10240x8xi32, #tpu.memory_space<vmem>> -> memref<128x8xi32, #tpu.memory_space<vmem>>
    %dma_wait3A_881 = arith.constant 3712 : i32
    %dma_wait3A_882 = tpu.memref_slice %arg6[%dma_wait3A_881] : memref<10240xi32, #tpu.memory_space<vmem>> -> memref<128xi32, #tpu.memory_space<vmem>>
    %dma_wait3A_883 = arith.constant 0 : i32
    %dma_wait3A_884 = arith.constant 0 : i32
    %dma_wait3A_885 = tpu.memref_slice %arg3[%dma_wait3A_883, %dma_wait3A_884] : memref<500000x8xi32, #tpu.memory_space<hbm>> -> memref<500000x8xi32, #tpu.memory_space<hbm>>
    tpu.wait_indirect_dma semaphore(%arg8 : memref<!tpu.dma_semaphore, #tpu.memory_space<semaphore_mem>>) src(%dma_wait3A_885 : memref<500000x8xi32, #tpu.memory_space<hbm>>) dst(%dma_wait3A_880 : memref<128x8xi32, #tpu.memory_space<vmem>>)
    %dma_wait3A_886 = arith.constant 3840 : i32
    %dma_wait3A_887 = arith.constant 0 : i32
    %dma_wait3A_888 = tpu.memref_slice %arg7[%dma_wait3A_886, %dma_wait3A_887] : memref<10240x8xi32, #tpu.memory_space<vmem>> -> memref<128x8xi32, #tpu.memory_space<vmem>>
    %dma_wait3A_889 = arith.constant 3840 : i32
    %dma_wait3A_890 = tpu.memref_slice %arg6[%dma_wait3A_889] : memref<10240xi32, #tpu.memory_space<vmem>> -> memref<128xi32, #tpu.memory_space<vmem>>
    %dma_wait3A_891 = arith.constant 0 : i32
    %dma_wait3A_892 = arith.constant 0 : i32
    %dma_wait3A_893 = tpu.memref_slice %arg3[%dma_wait3A_891, %dma_wait3A_892] : memref<500000x8xi32, #tpu.memory_space<hbm>> -> memref<500000x8xi32, #tpu.memory_space<hbm>>
    tpu.wait_indirect_dma semaphore(%arg8 : memref<!tpu.dma_semaphore, #tpu.memory_space<semaphore_mem>>) src(%dma_wait3A_893 : memref<500000x8xi32, #tpu.memory_space<hbm>>) dst(%dma_wait3A_888 : memref<128x8xi32, #tpu.memory_space<vmem>>)
    %dma_wait3A_894 = arith.constant 3968 : i32
    %dma_wait3A_895 = arith.constant 0 : i32
    %dma_wait3A_896 = tpu.memref_slice %arg7[%dma_wait3A_894, %dma_wait3A_895] : memref<10240x8xi32, #tpu.memory_space<vmem>> -> memref<128x8xi32, #tpu.memory_space<vmem>>
    %dma_wait3A_897 = arith.constant 3968 : i32
    %dma_wait3A_898 = tpu.memref_slice %arg6[%dma_wait3A_897] : memref<10240xi32, #tpu.memory_space<vmem>> -> memref<128xi32, #tpu.memory_space<vmem>>
    %dma_wait3A_899 = arith.constant 0 : i32
    %dma_wait3A_900 = arith.constant 0 : i32
    %dma_wait3A_901 = tpu.memref_slice %arg3[%dma_wait3A_899, %dma_wait3A_900] : memref<500000x8xi32, #tpu.memory_space<hbm>> -> memref<500000x8xi32, #tpu.memory_space<hbm>>
    tpu.wait_indirect_dma semaphore(%arg8 : memref<!tpu.dma_semaphore, #tpu.memory_space<semaphore_mem>>) src(%dma_wait3A_901 : memref<500000x8xi32, #tpu.memory_space<hbm>>) dst(%dma_wait3A_896 : memref<128x8xi32, #tpu.memory_space<vmem>>)
    %dma_wait3A_902 = arith.constant 4096 : i32
    %dma_wait3A_903 = arith.constant 0 : i32
    %dma_wait3A_904 = tpu.memref_slice %arg7[%dma_wait3A_902, %dma_wait3A_903] : memref<10240x8xi32, #tpu.memory_space<vmem>> -> memref<128x8xi32, #tpu.memory_space<vmem>>
    %dma_wait3A_905 = arith.constant 4096 : i32
    %dma_wait3A_906 = tpu.memref_slice %arg6[%dma_wait3A_905] : memref<10240xi32, #tpu.memory_space<vmem>> -> memref<128xi32, #tpu.memory_space<vmem>>
    %dma_wait3A_907 = arith.constant 0 : i32
    %dma_wait3A_908 = arith.constant 0 : i32
    %dma_wait3A_909 = tpu.memref_slice %arg3[%dma_wait3A_907, %dma_wait3A_908] : memref<500000x8xi32, #tpu.memory_space<hbm>> -> memref<500000x8xi32, #tpu.memory_space<hbm>>
    tpu.wait_indirect_dma semaphore(%arg8 : memref<!tpu.dma_semaphore, #tpu.memory_space<semaphore_mem>>) src(%dma_wait3A_909 : memref<500000x8xi32, #tpu.memory_space<hbm>>) dst(%dma_wait3A_904 : memref<128x8xi32, #tpu.memory_space<vmem>>)
    %dma_wait3A_910 = arith.constant 4224 : i32
    %dma_wait3A_911 = arith.constant 0 : i32
    %dma_wait3A_912 = tpu.memref_slice %arg7[%dma_wait3A_910, %dma_wait3A_911] : memref<10240x8xi32, #tpu.memory_space<vmem>> -> memref<128x8xi32, #tpu.memory_space<vmem>>
    %dma_wait3A_913 = arith.constant 4224 : i32
    %dma_wait3A_914 = tpu.memref_slice %arg6[%dma_wait3A_913] : memref<10240xi32, #tpu.memory_space<vmem>> -> memref<128xi32, #tpu.memory_space<vmem>>
    %dma_wait3A_915 = arith.constant 0 : i32
    %dma_wait3A_916 = arith.constant 0 : i32
    %dma_wait3A_917 = tpu.memref_slice %arg3[%dma_wait3A_915, %dma_wait3A_916] : memref<500000x8xi32, #tpu.memory_space<hbm>> -> memref<500000x8xi32, #tpu.memory_space<hbm>>
    tpu.wait_indirect_dma semaphore(%arg8 : memref<!tpu.dma_semaphore, #tpu.memory_space<semaphore_mem>>) src(%dma_wait3A_917 : memref<500000x8xi32, #tpu.memory_space<hbm>>) dst(%dma_wait3A_912 : memref<128x8xi32, #tpu.memory_space<vmem>>)
    %dma_wait3A_918 = arith.constant 4352 : i32
    %dma_wait3A_919 = arith.constant 0 : i32
    %dma_wait3A_920 = tpu.memref_slice %arg7[%dma_wait3A_918, %dma_wait3A_919] : memref<10240x8xi32, #tpu.memory_space<vmem>> -> memref<128x8xi32, #tpu.memory_space<vmem>>
    %dma_wait3A_921 = arith.constant 4352 : i32
    %dma_wait3A_922 = tpu.memref_slice %arg6[%dma_wait3A_921] : memref<10240xi32, #tpu.memory_space<vmem>> -> memref<128xi32, #tpu.memory_space<vmem>>
    %dma_wait3A_923 = arith.constant 0 : i32
    %dma_wait3A_924 = arith.constant 0 : i32
    %dma_wait3A_925 = tpu.memref_slice %arg3[%dma_wait3A_923, %dma_wait3A_924] : memref<500000x8xi32, #tpu.memory_space<hbm>> -> memref<500000x8xi32, #tpu.memory_space<hbm>>
    tpu.wait_indirect_dma semaphore(%arg8 : memref<!tpu.dma_semaphore, #tpu.memory_space<semaphore_mem>>) src(%dma_wait3A_925 : memref<500000x8xi32, #tpu.memory_space<hbm>>) dst(%dma_wait3A_920 : memref<128x8xi32, #tpu.memory_space<vmem>>)
    %dma_wait3A_926 = arith.constant 4480 : i32
    %dma_wait3A_927 = arith.constant 0 : i32
    %dma_wait3A_928 = tpu.memref_slice %arg7[%dma_wait3A_926, %dma_wait3A_927] : memref<10240x8xi32, #tpu.memory_space<vmem>> -> memref<128x8xi32, #tpu.memory_space<vmem>>
    %dma_wait3A_929 = arith.constant 4480 : i32
    %dma_wait3A_930 = tpu.memref_slice %arg6[%dma_wait3A_929] : memref<10240xi32, #tpu.memory_space<vmem>> -> memref<128xi32, #tpu.memory_space<vmem>>
    %dma_wait3A_931 = arith.constant 0 : i32
    %dma_wait3A_932 = arith.constant 0 : i32
    %dma_wait3A_933 = tpu.memref_slice %arg3[%dma_wait3A_931, %dma_wait3A_932] : memref<500000x8xi32, #tpu.memory_space<hbm>> -> memref<500000x8xi32, #tpu.memory_space<hbm>>
    tpu.wait_indirect_dma semaphore(%arg8 : memref<!tpu.dma_semaphore, #tpu.memory_space<semaphore_mem>>) src(%dma_wait3A_933 : memref<500000x8xi32, #tpu.memory_space<hbm>>) dst(%dma_wait3A_928 : memref<128x8xi32, #tpu.memory_space<vmem>>)
    %dma_wait3A_934 = arith.constant 4608 : i32
    %dma_wait3A_935 = arith.constant 0 : i32
    %dma_wait3A_936 = tpu.memref_slice %arg7[%dma_wait3A_934, %dma_wait3A_935] : memref<10240x8xi32, #tpu.memory_space<vmem>> -> memref<128x8xi32, #tpu.memory_space<vmem>>
    %dma_wait3A_937 = arith.constant 4608 : i32
    %dma_wait3A_938 = tpu.memref_slice %arg6[%dma_wait3A_937] : memref<10240xi32, #tpu.memory_space<vmem>> -> memref<128xi32, #tpu.memory_space<vmem>>
    %dma_wait3A_939 = arith.constant 0 : i32
    %dma_wait3A_940 = arith.constant 0 : i32
    %dma_wait3A_941 = tpu.memref_slice %arg3[%dma_wait3A_939, %dma_wait3A_940] : memref<500000x8xi32, #tpu.memory_space<hbm>> -> memref<500000x8xi32, #tpu.memory_space<hbm>>
    tpu.wait_indirect_dma semaphore(%arg8 : memref<!tpu.dma_semaphore, #tpu.memory_space<semaphore_mem>>) src(%dma_wait3A_941 : memref<500000x8xi32, #tpu.memory_space<hbm>>) dst(%dma_wait3A_936 : memref<128x8xi32, #tpu.memory_space<vmem>>)
    %dma_wait3A_942 = arith.constant 4736 : i32
    %dma_wait3A_943 = arith.constant 0 : i32
    %dma_wait3A_944 = tpu.memref_slice %arg7[%dma_wait3A_942, %dma_wait3A_943] : memref<10240x8xi32, #tpu.memory_space<vmem>> -> memref<128x8xi32, #tpu.memory_space<vmem>>
    %dma_wait3A_945 = arith.constant 4736 : i32
    %dma_wait3A_946 = tpu.memref_slice %arg6[%dma_wait3A_945] : memref<10240xi32, #tpu.memory_space<vmem>> -> memref<128xi32, #tpu.memory_space<vmem>>
    %dma_wait3A_947 = arith.constant 0 : i32
    %dma_wait3A_948 = arith.constant 0 : i32
    %dma_wait3A_949 = tpu.memref_slice %arg3[%dma_wait3A_947, %dma_wait3A_948] : memref<500000x8xi32, #tpu.memory_space<hbm>> -> memref<500000x8xi32, #tpu.memory_space<hbm>>
    tpu.wait_indirect_dma semaphore(%arg8 : memref<!tpu.dma_semaphore, #tpu.memory_space<semaphore_mem>>) src(%dma_wait3A_949 : memref<500000x8xi32, #tpu.memory_space<hbm>>) dst(%dma_wait3A_944 : memref<128x8xi32, #tpu.memory_space<vmem>>)
    %dma_wait3A_950 = arith.constant 4864 : i32
    %dma_wait3A_951 = arith.constant 0 : i32
    %dma_wait3A_952 = tpu.memref_slice %arg7[%dma_wait3A_950, %dma_wait3A_951] : memref<10240x8xi32, #tpu.memory_space<vmem>> -> memref<128x8xi32, #tpu.memory_space<vmem>>
    %dma_wait3A_953 = arith.constant 4864 : i32
    %dma_wait3A_954 = tpu.memref_slice %arg6[%dma_wait3A_953] : memref<10240xi32, #tpu.memory_space<vmem>> -> memref<128xi32, #tpu.memory_space<vmem>>
    %dma_wait3A_955 = arith.constant 0 : i32
    %dma_wait3A_956 = arith.constant 0 : i32
    %dma_wait3A_957 = tpu.memref_slice %arg3[%dma_wait3A_955, %dma_wait3A_956] : memref<500000x8xi32, #tpu.memory_space<hbm>> -> memref<500000x8xi32, #tpu.memory_space<hbm>>
    tpu.wait_indirect_dma semaphore(%arg8 : memref<!tpu.dma_semaphore, #tpu.memory_space<semaphore_mem>>) src(%dma_wait3A_957 : memref<500000x8xi32, #tpu.memory_space<hbm>>) dst(%dma_wait3A_952 : memref<128x8xi32, #tpu.memory_space<vmem>>)
    %dma_wait3A_958 = arith.constant 4992 : i32
    %dma_wait3A_959 = arith.constant 0 : i32
    %dma_wait3A_960 = tpu.memref_slice %arg7[%dma_wait3A_958, %dma_wait3A_959] : memref<10240x8xi32, #tpu.memory_space<vmem>> -> memref<128x8xi32, #tpu.memory_space<vmem>>
    %dma_wait3A_961 = arith.constant 4992 : i32
    %dma_wait3A_962 = tpu.memref_slice %arg6[%dma_wait3A_961] : memref<10240xi32, #tpu.memory_space<vmem>> -> memref<128xi32, #tpu.memory_space<vmem>>
    %dma_wait3A_963 = arith.constant 0 : i32
    %dma_wait3A_964 = arith.constant 0 : i32
    %dma_wait3A_965 = tpu.memref_slice %arg3[%dma_wait3A_963, %dma_wait3A_964] : memref<500000x8xi32, #tpu.memory_space<hbm>> -> memref<500000x8xi32, #tpu.memory_space<hbm>>
    tpu.wait_indirect_dma semaphore(%arg8 : memref<!tpu.dma_semaphore, #tpu.memory_space<semaphore_mem>>) src(%dma_wait3A_965 : memref<500000x8xi32, #tpu.memory_space<hbm>>) dst(%dma_wait3A_960 : memref<128x8xi32, #tpu.memory_space<vmem>>)
    %dma_wait3A_966 = arith.constant 5120 : i32
    %dma_wait3A_967 = arith.constant 0 : i32
    %dma_wait3A_968 = tpu.memref_slice %arg7[%dma_wait3A_966, %dma_wait3A_967] : memref<10240x8xi32, #tpu.memory_space<vmem>> -> memref<128x8xi32, #tpu.memory_space<vmem>>
    %dma_wait3A_969 = arith.constant 5120 : i32
    %dma_wait3A_970 = tpu.memref_slice %arg6[%dma_wait3A_969] : memref<10240xi32, #tpu.memory_space<vmem>> -> memref<128xi32, #tpu.memory_space<vmem>>
    %dma_wait3A_971 = arith.constant 0 : i32
    %dma_wait3A_972 = arith.constant 0 : i32
    %dma_wait3A_973 = tpu.memref_slice %arg3[%dma_wait3A_971, %dma_wait3A_972] : memref<500000x8xi32, #tpu.memory_space<hbm>> -> memref<500000x8xi32, #tpu.memory_space<hbm>>
    tpu.wait_indirect_dma semaphore(%arg8 : memref<!tpu.dma_semaphore, #tpu.memory_space<semaphore_mem>>) src(%dma_wait3A_973 : memref<500000x8xi32, #tpu.memory_space<hbm>>) dst(%dma_wait3A_968 : memref<128x8xi32, #tpu.memory_space<vmem>>)
    %dma_wait3A_974 = arith.constant 5248 : i32
    %dma_wait3A_975 = arith.constant 0 : i32
    %dma_wait3A_976 = tpu.memref_slice %arg7[%dma_wait3A_974, %dma_wait3A_975] : memref<10240x8xi32, #tpu.memory_space<vmem>> -> memref<128x8xi32, #tpu.memory_space<vmem>>
    %dma_wait3A_977 = arith.constant 5248 : i32
    %dma_wait3A_978 = tpu.memref_slice %arg6[%dma_wait3A_977] : memref<10240xi32, #tpu.memory_space<vmem>> -> memref<128xi32, #tpu.memory_space<vmem>>
    %dma_wait3A_979 = arith.constant 0 : i32
    %dma_wait3A_980 = arith.constant 0 : i32
    %dma_wait3A_981 = tpu.memref_slice %arg3[%dma_wait3A_979, %dma_wait3A_980] : memref<500000x8xi32, #tpu.memory_space<hbm>> -> memref<500000x8xi32, #tpu.memory_space<hbm>>
    tpu.wait_indirect_dma semaphore(%arg8 : memref<!tpu.dma_semaphore, #tpu.memory_space<semaphore_mem>>) src(%dma_wait3A_981 : memref<500000x8xi32, #tpu.memory_space<hbm>>) dst(%dma_wait3A_976 : memref<128x8xi32, #tpu.memory_space<vmem>>)
    %dma_wait3A_982 = arith.constant 5376 : i32
    %dma_wait3A_983 = arith.constant 0 : i32
    %dma_wait3A_984 = tpu.memref_slice %arg7[%dma_wait3A_982, %dma_wait3A_983] : memref<10240x8xi32, #tpu.memory_space<vmem>> -> memref<128x8xi32, #tpu.memory_space<vmem>>
    %dma_wait3A_985 = arith.constant 5376 : i32
    %dma_wait3A_986 = tpu.memref_slice %arg6[%dma_wait3A_985] : memref<10240xi32, #tpu.memory_space<vmem>> -> memref<128xi32, #tpu.memory_space<vmem>>
    %dma_wait3A_987 = arith.constant 0 : i32
    %dma_wait3A_988 = arith.constant 0 : i32
    %dma_wait3A_989 = tpu.memref_slice %arg3[%dma_wait3A_987, %dma_wait3A_988] : memref<500000x8xi32, #tpu.memory_space<hbm>> -> memref<500000x8xi32, #tpu.memory_space<hbm>>
    tpu.wait_indirect_dma semaphore(%arg8 : memref<!tpu.dma_semaphore, #tpu.memory_space<semaphore_mem>>) src(%dma_wait3A_989 : memref<500000x8xi32, #tpu.memory_space<hbm>>) dst(%dma_wait3A_984 : memref<128x8xi32, #tpu.memory_space<vmem>>)
    %dma_wait3A_990 = arith.constant 5504 : i32
    %dma_wait3A_991 = arith.constant 0 : i32
    %dma_wait3A_992 = tpu.memref_slice %arg7[%dma_wait3A_990, %dma_wait3A_991] : memref<10240x8xi32, #tpu.memory_space<vmem>> -> memref<128x8xi32, #tpu.memory_space<vmem>>
    %dma_wait3A_993 = arith.constant 5504 : i32
    %dma_wait3A_994 = tpu.memref_slice %arg6[%dma_wait3A_993] : memref<10240xi32, #tpu.memory_space<vmem>> -> memref<128xi32, #tpu.memory_space<vmem>>
    %dma_wait3A_995 = arith.constant 0 : i32
    %dma_wait3A_996 = arith.constant 0 : i32
    %dma_wait3A_997 = tpu.memref_slice %arg3[%dma_wait3A_995, %dma_wait3A_996] : memref<500000x8xi32, #tpu.memory_space<hbm>> -> memref<500000x8xi32, #tpu.memory_space<hbm>>
    tpu.wait_indirect_dma semaphore(%arg8 : memref<!tpu.dma_semaphore, #tpu.memory_space<semaphore_mem>>) src(%dma_wait3A_997 : memref<500000x8xi32, #tpu.memory_space<hbm>>) dst(%dma_wait3A_992 : memref<128x8xi32, #tpu.memory_space<vmem>>)
    %dma_wait3A_998 = arith.constant 5632 : i32
    %dma_wait3A_999 = arith.constant 0 : i32
    %dma_wait3A_1000 = tpu.memref_slice %arg7[%dma_wait3A_998, %dma_wait3A_999] : memref<10240x8xi32, #tpu.memory_space<vmem>> -> memref<128x8xi32, #tpu.memory_space<vmem>>
    %dma_wait3A_1001 = arith.constant 5632 : i32
    %dma_wait3A_1002 = tpu.memref_slice %arg6[%dma_wait3A_1001] : memref<10240xi32, #tpu.memory_space<vmem>> -> memref<128xi32, #tpu.memory_space<vmem>>
    %dma_wait3A_1003 = arith.constant 0 : i32
    %dma_wait3A_1004 = arith.constant 0 : i32
    %dma_wait3A_1005 = tpu.memref_slice %arg3[%dma_wait3A_1003, %dma_wait3A_1004] : memref<500000x8xi32, #tpu.memory_space<hbm>> -> memref<500000x8xi32, #tpu.memory_space<hbm>>
    tpu.wait_indirect_dma semaphore(%arg8 : memref<!tpu.dma_semaphore, #tpu.memory_space<semaphore_mem>>) src(%dma_wait3A_1005 : memref<500000x8xi32, #tpu.memory_space<hbm>>) dst(%dma_wait3A_1000 : memref<128x8xi32, #tpu.memory_space<vmem>>)
    %dma_wait3A_1006 = arith.constant 5760 : i32
    %dma_wait3A_1007 = arith.constant 0 : i32
    %dma_wait3A_1008 = tpu.memref_slice %arg7[%dma_wait3A_1006, %dma_wait3A_1007] : memref<10240x8xi32, #tpu.memory_space<vmem>> -> memref<128x8xi32, #tpu.memory_space<vmem>>
    %dma_wait3A_1009 = arith.constant 5760 : i32
    %dma_wait3A_1010 = tpu.memref_slice %arg6[%dma_wait3A_1009] : memref<10240xi32, #tpu.memory_space<vmem>> -> memref<128xi32, #tpu.memory_space<vmem>>
    %dma_wait3A_1011 = arith.constant 0 : i32
    %dma_wait3A_1012 = arith.constant 0 : i32
    %dma_wait3A_1013 = tpu.memref_slice %arg3[%dma_wait3A_1011, %dma_wait3A_1012] : memref<500000x8xi32, #tpu.memory_space<hbm>> -> memref<500000x8xi32, #tpu.memory_space<hbm>>
    tpu.wait_indirect_dma semaphore(%arg8 : memref<!tpu.dma_semaphore, #tpu.memory_space<semaphore_mem>>) src(%dma_wait3A_1013 : memref<500000x8xi32, #tpu.memory_space<hbm>>) dst(%dma_wait3A_1008 : memref<128x8xi32, #tpu.memory_space<vmem>>)
    %dma_wait3A_1014 = arith.constant 5888 : i32
    %dma_wait3A_1015 = arith.constant 0 : i32
    %dma_wait3A_1016 = tpu.memref_slice %arg7[%dma_wait3A_1014, %dma_wait3A_1015] : memref<10240x8xi32, #tpu.memory_space<vmem>> -> memref<128x8xi32, #tpu.memory_space<vmem>>
    %dma_wait3A_1017 = arith.constant 5888 : i32
    %dma_wait3A_1018 = tpu.memref_slice %arg6[%dma_wait3A_1017] : memref<10240xi32, #tpu.memory_space<vmem>> -> memref<128xi32, #tpu.memory_space<vmem>>
    %dma_wait3A_1019 = arith.constant 0 : i32
    %dma_wait3A_1020 = arith.constant 0 : i32
    %dma_wait3A_1021 = tpu.memref_slice %arg3[%dma_wait3A_1019, %dma_wait3A_1020] : memref<500000x8xi32, #tpu.memory_space<hbm>> -> memref<500000x8xi32, #tpu.memory_space<hbm>>
    tpu.wait_indirect_dma semaphore(%arg8 : memref<!tpu.dma_semaphore, #tpu.memory_space<semaphore_mem>>) src(%dma_wait3A_1021 : memref<500000x8xi32, #tpu.memory_space<hbm>>) dst(%dma_wait3A_1016 : memref<128x8xi32, #tpu.memory_space<vmem>>)
    %dma_wait3A_1022 = arith.constant 6016 : i32
    %dma_wait3A_1023 = arith.constant 0 : i32
    %dma_wait3A_1024 = tpu.memref_slice %arg7[%dma_wait3A_1022, %dma_wait3A_1023] : memref<10240x8xi32, #tpu.memory_space<vmem>> -> memref<128x8xi32, #tpu.memory_space<vmem>>
    %dma_wait3A_1025 = arith.constant 6016 : i32
    %dma_wait3A_1026 = tpu.memref_slice %arg6[%dma_wait3A_1025] : memref<10240xi32, #tpu.memory_space<vmem>> -> memref<128xi32, #tpu.memory_space<vmem>>
    %dma_wait3A_1027 = arith.constant 0 : i32
    %dma_wait3A_1028 = arith.constant 0 : i32
    %dma_wait3A_1029 = tpu.memref_slice %arg3[%dma_wait3A_1027, %dma_wait3A_1028] : memref<500000x8xi32, #tpu.memory_space<hbm>> -> memref<500000x8xi32, #tpu.memory_space<hbm>>
    tpu.wait_indirect_dma semaphore(%arg8 : memref<!tpu.dma_semaphore, #tpu.memory_space<semaphore_mem>>) src(%dma_wait3A_1029 : memref<500000x8xi32, #tpu.memory_space<hbm>>) dst(%dma_wait3A_1024 : memref<128x8xi32, #tpu.memory_space<vmem>>)
    %dma_wait3A_1030 = arith.constant 6144 : i32
    %dma_wait3A_1031 = arith.constant 0 : i32
    %dma_wait3A_1032 = tpu.memref_slice %arg7[%dma_wait3A_1030, %dma_wait3A_1031] : memref<10240x8xi32, #tpu.memory_space<vmem>> -> memref<128x8xi32, #tpu.memory_space<vmem>>
    %dma_wait3A_1033 = arith.constant 6144 : i32
    %dma_wait3A_1034 = tpu.memref_slice %arg6[%dma_wait3A_1033] : memref<10240xi32, #tpu.memory_space<vmem>> -> memref<128xi32, #tpu.memory_space<vmem>>
    %dma_wait3A_1035 = arith.constant 0 : i32
    %dma_wait3A_1036 = arith.constant 0 : i32
    %dma_wait3A_1037 = tpu.memref_slice %arg3[%dma_wait3A_1035, %dma_wait3A_1036] : memref<500000x8xi32, #tpu.memory_space<hbm>> -> memref<500000x8xi32, #tpu.memory_space<hbm>>
    tpu.wait_indirect_dma semaphore(%arg8 : memref<!tpu.dma_semaphore, #tpu.memory_space<semaphore_mem>>) src(%dma_wait3A_1037 : memref<500000x8xi32, #tpu.memory_space<hbm>>) dst(%dma_wait3A_1032 : memref<128x8xi32, #tpu.memory_space<vmem>>)
    %dma_wait3A_1038 = arith.constant 6272 : i32
    %dma_wait3A_1039 = arith.constant 0 : i32
    %dma_wait3A_1040 = tpu.memref_slice %arg7[%dma_wait3A_1038, %dma_wait3A_1039] : memref<10240x8xi32, #tpu.memory_space<vmem>> -> memref<128x8xi32, #tpu.memory_space<vmem>>
    %dma_wait3A_1041 = arith.constant 6272 : i32
    %dma_wait3A_1042 = tpu.memref_slice %arg6[%dma_wait3A_1041] : memref<10240xi32, #tpu.memory_space<vmem>> -> memref<128xi32, #tpu.memory_space<vmem>>
    %dma_wait3A_1043 = arith.constant 0 : i32
    %dma_wait3A_1044 = arith.constant 0 : i32
    %dma_wait3A_1045 = tpu.memref_slice %arg3[%dma_wait3A_1043, %dma_wait3A_1044] : memref<500000x8xi32, #tpu.memory_space<hbm>> -> memref<500000x8xi32, #tpu.memory_space<hbm>>
    tpu.wait_indirect_dma semaphore(%arg8 : memref<!tpu.dma_semaphore, #tpu.memory_space<semaphore_mem>>) src(%dma_wait3A_1045 : memref<500000x8xi32, #tpu.memory_space<hbm>>) dst(%dma_wait3A_1040 : memref<128x8xi32, #tpu.memory_space<vmem>>)
    %dma_wait3A_1046 = arith.constant 6400 : i32
    %dma_wait3A_1047 = arith.constant 0 : i32
    %dma_wait3A_1048 = tpu.memref_slice %arg7[%dma_wait3A_1046, %dma_wait3A_1047] : memref<10240x8xi32, #tpu.memory_space<vmem>> -> memref<128x8xi32, #tpu.memory_space<vmem>>
    %dma_wait3A_1049 = arith.constant 6400 : i32
    %dma_wait3A_1050 = tpu.memref_slice %arg6[%dma_wait3A_1049] : memref<10240xi32, #tpu.memory_space<vmem>> -> memref<128xi32, #tpu.memory_space<vmem>>
    %dma_wait3A_1051 = arith.constant 0 : i32
    %dma_wait3A_1052 = arith.constant 0 : i32
    %dma_wait3A_1053 = tpu.memref_slice %arg3[%dma_wait3A_1051, %dma_wait3A_1052] : memref<500000x8xi32, #tpu.memory_space<hbm>> -> memref<500000x8xi32, #tpu.memory_space<hbm>>
    tpu.wait_indirect_dma semaphore(%arg8 : memref<!tpu.dma_semaphore, #tpu.memory_space<semaphore_mem>>) src(%dma_wait3A_1053 : memref<500000x8xi32, #tpu.memory_space<hbm>>) dst(%dma_wait3A_1048 : memref<128x8xi32, #tpu.memory_space<vmem>>)
    %dma_wait3A_1054 = arith.constant 6528 : i32
    %dma_wait3A_1055 = arith.constant 0 : i32
    %dma_wait3A_1056 = tpu.memref_slice %arg7[%dma_wait3A_1054, %dma_wait3A_1055] : memref<10240x8xi32, #tpu.memory_space<vmem>> -> memref<128x8xi32, #tpu.memory_space<vmem>>
    %dma_wait3A_1057 = arith.constant 6528 : i32
    %dma_wait3A_1058 = tpu.memref_slice %arg6[%dma_wait3A_1057] : memref<10240xi32, #tpu.memory_space<vmem>> -> memref<128xi32, #tpu.memory_space<vmem>>
    %dma_wait3A_1059 = arith.constant 0 : i32
    %dma_wait3A_1060 = arith.constant 0 : i32
    %dma_wait3A_1061 = tpu.memref_slice %arg3[%dma_wait3A_1059, %dma_wait3A_1060] : memref<500000x8xi32, #tpu.memory_space<hbm>> -> memref<500000x8xi32, #tpu.memory_space<hbm>>
    tpu.wait_indirect_dma semaphore(%arg8 : memref<!tpu.dma_semaphore, #tpu.memory_space<semaphore_mem>>) src(%dma_wait3A_1061 : memref<500000x8xi32, #tpu.memory_space<hbm>>) dst(%dma_wait3A_1056 : memref<128x8xi32, #tpu.memory_space<vmem>>)
    %dma_wait3A_1062 = arith.constant 6656 : i32
    %dma_wait3A_1063 = arith.constant 0 : i32
    %dma_wait3A_1064 = tpu.memref_slice %arg7[%dma_wait3A_1062, %dma_wait3A_1063] : memref<10240x8xi32, #tpu.memory_space<vmem>> -> memref<128x8xi32, #tpu.memory_space<vmem>>
    %dma_wait3A_1065 = arith.constant 6656 : i32
    %dma_wait3A_1066 = tpu.memref_slice %arg6[%dma_wait3A_1065] : memref<10240xi32, #tpu.memory_space<vmem>> -> memref<128xi32, #tpu.memory_space<vmem>>
    %dma_wait3A_1067 = arith.constant 0 : i32
    %dma_wait3A_1068 = arith.constant 0 : i32
    %dma_wait3A_1069 = tpu.memref_slice %arg3[%dma_wait3A_1067, %dma_wait3A_1068] : memref<500000x8xi32, #tpu.memory_space<hbm>> -> memref<500000x8xi32, #tpu.memory_space<hbm>>
    tpu.wait_indirect_dma semaphore(%arg8 : memref<!tpu.dma_semaphore, #tpu.memory_space<semaphore_mem>>) src(%dma_wait3A_1069 : memref<500000x8xi32, #tpu.memory_space<hbm>>) dst(%dma_wait3A_1064 : memref<128x8xi32, #tpu.memory_space<vmem>>)
    %dma_wait3A_1070 = arith.constant 6784 : i32
    %dma_wait3A_1071 = arith.constant 0 : i32
    %dma_wait3A_1072 = tpu.memref_slice %arg7[%dma_wait3A_1070, %dma_wait3A_1071] : memref<10240x8xi32, #tpu.memory_space<vmem>> -> memref<128x8xi32, #tpu.memory_space<vmem>>
    %dma_wait3A_1073 = arith.constant 6784 : i32
    %dma_wait3A_1074 = tpu.memref_slice %arg6[%dma_wait3A_1073] : memref<10240xi32, #tpu.memory_space<vmem>> -> memref<128xi32, #tpu.memory_space<vmem>>
    %dma_wait3A_1075 = arith.constant 0 : i32
    %dma_wait3A_1076 = arith.constant 0 : i32
    %dma_wait3A_1077 = tpu.memref_slice %arg3[%dma_wait3A_1075, %dma_wait3A_1076] : memref<500000x8xi32, #tpu.memory_space<hbm>> -> memref<500000x8xi32, #tpu.memory_space<hbm>>
    tpu.wait_indirect_dma semaphore(%arg8 : memref<!tpu.dma_semaphore, #tpu.memory_space<semaphore_mem>>) src(%dma_wait3A_1077 : memref<500000x8xi32, #tpu.memory_space<hbm>>) dst(%dma_wait3A_1072 : memref<128x8xi32, #tpu.memory_space<vmem>>)
    %dma_wait3A_1078 = arith.constant 6912 : i32
    %dma_wait3A_1079 = arith.constant 0 : i32
    %dma_wait3A_1080 = tpu.memref_slice %arg7[%dma_wait3A_1078, %dma_wait3A_1079] : memref<10240x8xi32, #tpu.memory_space<vmem>> -> memref<128x8xi32, #tpu.memory_space<vmem>>
    %dma_wait3A_1081 = arith.constant 6912 : i32
    %dma_wait3A_1082 = tpu.memref_slice %arg6[%dma_wait3A_1081] : memref<10240xi32, #tpu.memory_space<vmem>> -> memref<128xi32, #tpu.memory_space<vmem>>
    %dma_wait3A_1083 = arith.constant 0 : i32
    %dma_wait3A_1084 = arith.constant 0 : i32
    %dma_wait3A_1085 = tpu.memref_slice %arg3[%dma_wait3A_1083, %dma_wait3A_1084] : memref<500000x8xi32, #tpu.memory_space<hbm>> -> memref<500000x8xi32, #tpu.memory_space<hbm>>
    tpu.wait_indirect_dma semaphore(%arg8 : memref<!tpu.dma_semaphore, #tpu.memory_space<semaphore_mem>>) src(%dma_wait3A_1085 : memref<500000x8xi32, #tpu.memory_space<hbm>>) dst(%dma_wait3A_1080 : memref<128x8xi32, #tpu.memory_space<vmem>>)
    %dma_wait3A_1086 = arith.constant 7040 : i32
    %dma_wait3A_1087 = arith.constant 0 : i32
    %dma_wait3A_1088 = tpu.memref_slice %arg7[%dma_wait3A_1086, %dma_wait3A_1087] : memref<10240x8xi32, #tpu.memory_space<vmem>> -> memref<128x8xi32, #tpu.memory_space<vmem>>
    %dma_wait3A_1089 = arith.constant 7040 : i32
    %dma_wait3A_1090 = tpu.memref_slice %arg6[%dma_wait3A_1089] : memref<10240xi32, #tpu.memory_space<vmem>> -> memref<128xi32, #tpu.memory_space<vmem>>
    %dma_wait3A_1091 = arith.constant 0 : i32
    %dma_wait3A_1092 = arith.constant 0 : i32
    %dma_wait3A_1093 = tpu.memref_slice %arg3[%dma_wait3A_1091, %dma_wait3A_1092] : memref<500000x8xi32, #tpu.memory_space<hbm>> -> memref<500000x8xi32, #tpu.memory_space<hbm>>
    tpu.wait_indirect_dma semaphore(%arg8 : memref<!tpu.dma_semaphore, #tpu.memory_space<semaphore_mem>>) src(%dma_wait3A_1093 : memref<500000x8xi32, #tpu.memory_space<hbm>>) dst(%dma_wait3A_1088 : memref<128x8xi32, #tpu.memory_space<vmem>>)
    %dma_wait3A_1094 = arith.constant 7168 : i32
    %dma_wait3A_1095 = arith.constant 0 : i32
    %dma_wait3A_1096 = tpu.memref_slice %arg7[%dma_wait3A_1094, %dma_wait3A_1095] : memref<10240x8xi32, #tpu.memory_space<vmem>> -> memref<128x8xi32, #tpu.memory_space<vmem>>
    %dma_wait3A_1097 = arith.constant 7168 : i32
    %dma_wait3A_1098 = tpu.memref_slice %arg6[%dma_wait3A_1097] : memref<10240xi32, #tpu.memory_space<vmem>> -> memref<128xi32, #tpu.memory_space<vmem>>
    %dma_wait3A_1099 = arith.constant 0 : i32
    %dma_wait3A_1100 = arith.constant 0 : i32
    %dma_wait3A_1101 = tpu.memref_slice %arg3[%dma_wait3A_1099, %dma_wait3A_1100] : memref<500000x8xi32, #tpu.memory_space<hbm>> -> memref<500000x8xi32, #tpu.memory_space<hbm>>
    tpu.wait_indirect_dma semaphore(%arg8 : memref<!tpu.dma_semaphore, #tpu.memory_space<semaphore_mem>>) src(%dma_wait3A_1101 : memref<500000x8xi32, #tpu.memory_space<hbm>>) dst(%dma_wait3A_1096 : memref<128x8xi32, #tpu.memory_space<vmem>>)
    %dma_wait3A_1102 = arith.constant 7296 : i32
    %dma_wait3A_1103 = arith.constant 0 : i32
    %dma_wait3A_1104 = tpu.memref_slice %arg7[%dma_wait3A_1102, %dma_wait3A_1103] : memref<10240x8xi32, #tpu.memory_space<vmem>> -> memref<128x8xi32, #tpu.memory_space<vmem>>
    %dma_wait3A_1105 = arith.constant 7296 : i32
    %dma_wait3A_1106 = tpu.memref_slice %arg6[%dma_wait3A_1105] : memref<10240xi32, #tpu.memory_space<vmem>> -> memref<128xi32, #tpu.memory_space<vmem>>
    %dma_wait3A_1107 = arith.constant 0 : i32
    %dma_wait3A_1108 = arith.constant 0 : i32
    %dma_wait3A_1109 = tpu.memref_slice %arg3[%dma_wait3A_1107, %dma_wait3A_1108] : memref<500000x8xi32, #tpu.memory_space<hbm>> -> memref<500000x8xi32, #tpu.memory_space<hbm>>
    tpu.wait_indirect_dma semaphore(%arg8 : memref<!tpu.dma_semaphore, #tpu.memory_space<semaphore_mem>>) src(%dma_wait3A_1109 : memref<500000x8xi32, #tpu.memory_space<hbm>>) dst(%dma_wait3A_1104 : memref<128x8xi32, #tpu.memory_space<vmem>>)
    %dma_wait3A_1110 = arith.constant 7424 : i32
    %dma_wait3A_1111 = arith.constant 0 : i32
    %dma_wait3A_1112 = tpu.memref_slice %arg7[%dma_wait3A_1110, %dma_wait3A_1111] : memref<10240x8xi32, #tpu.memory_space<vmem>> -> memref<128x8xi32, #tpu.memory_space<vmem>>
    %dma_wait3A_1113 = arith.constant 7424 : i32
    %dma_wait3A_1114 = tpu.memref_slice %arg6[%dma_wait3A_1113] : memref<10240xi32, #tpu.memory_space<vmem>> -> memref<128xi32, #tpu.memory_space<vmem>>
    %dma_wait3A_1115 = arith.constant 0 : i32
    %dma_wait3A_1116 = arith.constant 0 : i32
    %dma_wait3A_1117 = tpu.memref_slice %arg3[%dma_wait3A_1115, %dma_wait3A_1116] : memref<500000x8xi32, #tpu.memory_space<hbm>> -> memref<500000x8xi32, #tpu.memory_space<hbm>>
    tpu.wait_indirect_dma semaphore(%arg8 : memref<!tpu.dma_semaphore, #tpu.memory_space<semaphore_mem>>) src(%dma_wait3A_1117 : memref<500000x8xi32, #tpu.memory_space<hbm>>) dst(%dma_wait3A_1112 : memref<128x8xi32, #tpu.memory_space<vmem>>)
    %dma_wait3A_1118 = arith.constant 7552 : i32
    %dma_wait3A_1119 = arith.constant 0 : i32
    %dma_wait3A_1120 = tpu.memref_slice %arg7[%dma_wait3A_1118, %dma_wait3A_1119] : memref<10240x8xi32, #tpu.memory_space<vmem>> -> memref<128x8xi32, #tpu.memory_space<vmem>>
    %dma_wait3A_1121 = arith.constant 7552 : i32
    %dma_wait3A_1122 = tpu.memref_slice %arg6[%dma_wait3A_1121] : memref<10240xi32, #tpu.memory_space<vmem>> -> memref<128xi32, #tpu.memory_space<vmem>>
    %dma_wait3A_1123 = arith.constant 0 : i32
    %dma_wait3A_1124 = arith.constant 0 : i32
    %dma_wait3A_1125 = tpu.memref_slice %arg3[%dma_wait3A_1123, %dma_wait3A_1124] : memref<500000x8xi32, #tpu.memory_space<hbm>> -> memref<500000x8xi32, #tpu.memory_space<hbm>>
    tpu.wait_indirect_dma semaphore(%arg8 : memref<!tpu.dma_semaphore, #tpu.memory_space<semaphore_mem>>) src(%dma_wait3A_1125 : memref<500000x8xi32, #tpu.memory_space<hbm>>) dst(%dma_wait3A_1120 : memref<128x8xi32, #tpu.memory_space<vmem>>)
    %dma_wait3A_1126 = arith.constant 7680 : i32
    %dma_wait3A_1127 = arith.constant 0 : i32
    %dma_wait3A_1128 = tpu.memref_slice %arg7[%dma_wait3A_1126, %dma_wait3A_1127] : memref<10240x8xi32, #tpu.memory_space<vmem>> -> memref<128x8xi32, #tpu.memory_space<vmem>>
    %dma_wait3A_1129 = arith.constant 7680 : i32
    %dma_wait3A_1130 = tpu.memref_slice %arg6[%dma_wait3A_1129] : memref<10240xi32, #tpu.memory_space<vmem>> -> memref<128xi32, #tpu.memory_space<vmem>>
    %dma_wait3A_1131 = arith.constant 0 : i32
    %dma_wait3A_1132 = arith.constant 0 : i32
    %dma_wait3A_1133 = tpu.memref_slice %arg3[%dma_wait3A_1131, %dma_wait3A_1132] : memref<500000x8xi32, #tpu.memory_space<hbm>> -> memref<500000x8xi32, #tpu.memory_space<hbm>>
    tpu.wait_indirect_dma semaphore(%arg8 : memref<!tpu.dma_semaphore, #tpu.memory_space<semaphore_mem>>) src(%dma_wait3A_1133 : memref<500000x8xi32, #tpu.memory_space<hbm>>) dst(%dma_wait3A_1128 : memref<128x8xi32, #tpu.memory_space<vmem>>)
    %dma_wait3A_1134 = arith.constant 7808 : i32
    %dma_wait3A_1135 = arith.constant 0 : i32
    %dma_wait3A_1136 = tpu.memref_slice %arg7[%dma_wait3A_1134, %dma_wait3A_1135] : memref<10240x8xi32, #tpu.memory_space<vmem>> -> memref<128x8xi32, #tpu.memory_space<vmem>>
    %dma_wait3A_1137 = arith.constant 7808 : i32
    %dma_wait3A_1138 = tpu.memref_slice %arg6[%dma_wait3A_1137] : memref<10240xi32, #tpu.memory_space<vmem>> -> memref<128xi32, #tpu.memory_space<vmem>>
    %dma_wait3A_1139 = arith.constant 0 : i32
    %dma_wait3A_1140 = arith.constant 0 : i32
    %dma_wait3A_1141 = tpu.memref_slice %arg3[%dma_wait3A_1139, %dma_wait3A_1140] : memref<500000x8xi32, #tpu.memory_space<hbm>> -> memref<500000x8xi32, #tpu.memory_space<hbm>>
    tpu.wait_indirect_dma semaphore(%arg8 : memref<!tpu.dma_semaphore, #tpu.memory_space<semaphore_mem>>) src(%dma_wait3A_1141 : memref<500000x8xi32, #tpu.memory_space<hbm>>) dst(%dma_wait3A_1136 : memref<128x8xi32, #tpu.memory_space<vmem>>)
    %dma_wait3A_1142 = arith.constant 7936 : i32
    %dma_wait3A_1143 = arith.constant 0 : i32
    %dma_wait3A_1144 = tpu.memref_slice %arg7[%dma_wait3A_1142, %dma_wait3A_1143] : memref<10240x8xi32, #tpu.memory_space<vmem>> -> memref<128x8xi32, #tpu.memory_space<vmem>>
    %dma_wait3A_1145 = arith.constant 7936 : i32
    %dma_wait3A_1146 = tpu.memref_slice %arg6[%dma_wait3A_1145] : memref<10240xi32, #tpu.memory_space<vmem>> -> memref<128xi32, #tpu.memory_space<vmem>>
    %dma_wait3A_1147 = arith.constant 0 : i32
    %dma_wait3A_1148 = arith.constant 0 : i32
    %dma_wait3A_1149 = tpu.memref_slice %arg3[%dma_wait3A_1147, %dma_wait3A_1148] : memref<500000x8xi32, #tpu.memory_space<hbm>> -> memref<500000x8xi32, #tpu.memory_space<hbm>>
    tpu.wait_indirect_dma semaphore(%arg8 : memref<!tpu.dma_semaphore, #tpu.memory_space<semaphore_mem>>) src(%dma_wait3A_1149 : memref<500000x8xi32, #tpu.memory_space<hbm>>) dst(%dma_wait3A_1144 : memref<128x8xi32, #tpu.memory_space<vmem>>)
    %dma_wait3A_1150 = arith.constant 8064 : i32
    %dma_wait3A_1151 = arith.constant 0 : i32
    %dma_wait3A_1152 = tpu.memref_slice %arg7[%dma_wait3A_1150, %dma_wait3A_1151] : memref<10240x8xi32, #tpu.memory_space<vmem>> -> memref<128x8xi32, #tpu.memory_space<vmem>>
    %dma_wait3A_1153 = arith.constant 8064 : i32
    %dma_wait3A_1154 = tpu.memref_slice %arg6[%dma_wait3A_1153] : memref<10240xi32, #tpu.memory_space<vmem>> -> memref<128xi32, #tpu.memory_space<vmem>>
    %dma_wait3A_1155 = arith.constant 0 : i32
    %dma_wait3A_1156 = arith.constant 0 : i32
    %dma_wait3A_1157 = tpu.memref_slice %arg3[%dma_wait3A_1155, %dma_wait3A_1156] : memref<500000x8xi32, #tpu.memory_space<hbm>> -> memref<500000x8xi32, #tpu.memory_space<hbm>>
    tpu.wait_indirect_dma semaphore(%arg8 : memref<!tpu.dma_semaphore, #tpu.memory_space<semaphore_mem>>) src(%dma_wait3A_1157 : memref<500000x8xi32, #tpu.memory_space<hbm>>) dst(%dma_wait3A_1152 : memref<128x8xi32, #tpu.memory_space<vmem>>)
    %dma_wait3A_1158 = arith.constant 8192 : i32
    %dma_wait3A_1159 = arith.constant 0 : i32
    %dma_wait3A_1160 = tpu.memref_slice %arg7[%dma_wait3A_1158, %dma_wait3A_1159] : memref<10240x8xi32, #tpu.memory_space<vmem>> -> memref<128x8xi32, #tpu.memory_space<vmem>>
    %dma_wait3A_1161 = arith.constant 8192 : i32
    %dma_wait3A_1162 = tpu.memref_slice %arg6[%dma_wait3A_1161] : memref<10240xi32, #tpu.memory_space<vmem>> -> memref<128xi32, #tpu.memory_space<vmem>>
    %dma_wait3A_1163 = arith.constant 0 : i32
    %dma_wait3A_1164 = arith.constant 0 : i32
    %dma_wait3A_1165 = tpu.memref_slice %arg3[%dma_wait3A_1163, %dma_wait3A_1164] : memref<500000x8xi32, #tpu.memory_space<hbm>> -> memref<500000x8xi32, #tpu.memory_space<hbm>>
    tpu.wait_indirect_dma semaphore(%arg8 : memref<!tpu.dma_semaphore, #tpu.memory_space<semaphore_mem>>) src(%dma_wait3A_1165 : memref<500000x8xi32, #tpu.memory_space<hbm>>) dst(%dma_wait3A_1160 : memref<128x8xi32, #tpu.memory_space<vmem>>)
    %dma_wait3A_1166 = arith.constant 8320 : i32
    %dma_wait3A_1167 = arith.constant 0 : i32
    %dma_wait3A_1168 = tpu.memref_slice %arg7[%dma_wait3A_1166, %dma_wait3A_1167] : memref<10240x8xi32, #tpu.memory_space<vmem>> -> memref<128x8xi32, #tpu.memory_space<vmem>>
    %dma_wait3A_1169 = arith.constant 8320 : i32
    %dma_wait3A_1170 = tpu.memref_slice %arg6[%dma_wait3A_1169] : memref<10240xi32, #tpu.memory_space<vmem>> -> memref<128xi32, #tpu.memory_space<vmem>>
    %dma_wait3A_1171 = arith.constant 0 : i32
    %dma_wait3A_1172 = arith.constant 0 : i32
    %dma_wait3A_1173 = tpu.memref_slice %arg3[%dma_wait3A_1171, %dma_wait3A_1172] : memref<500000x8xi32, #tpu.memory_space<hbm>> -> memref<500000x8xi32, #tpu.memory_space<hbm>>
    tpu.wait_indirect_dma semaphore(%arg8 : memref<!tpu.dma_semaphore, #tpu.memory_space<semaphore_mem>>) src(%dma_wait3A_1173 : memref<500000x8xi32, #tpu.memory_space<hbm>>) dst(%dma_wait3A_1168 : memref<128x8xi32, #tpu.memory_space<vmem>>)
    %dma_wait3A_1174 = arith.constant 8448 : i32
    %dma_wait3A_1175 = arith.constant 0 : i32
    %dma_wait3A_1176 = tpu.memref_slice %arg7[%dma_wait3A_1174, %dma_wait3A_1175] : memref<10240x8xi32, #tpu.memory_space<vmem>> -> memref<128x8xi32, #tpu.memory_space<vmem>>
    %dma_wait3A_1177 = arith.constant 8448 : i32
    %dma_wait3A_1178 = tpu.memref_slice %arg6[%dma_wait3A_1177] : memref<10240xi32, #tpu.memory_space<vmem>> -> memref<128xi32, #tpu.memory_space<vmem>>
    %dma_wait3A_1179 = arith.constant 0 : i32
    %dma_wait3A_1180 = arith.constant 0 : i32
    %dma_wait3A_1181 = tpu.memref_slice %arg3[%dma_wait3A_1179, %dma_wait3A_1180] : memref<500000x8xi32, #tpu.memory_space<hbm>> -> memref<500000x8xi32, #tpu.memory_space<hbm>>
    tpu.wait_indirect_dma semaphore(%arg8 : memref<!tpu.dma_semaphore, #tpu.memory_space<semaphore_mem>>) src(%dma_wait3A_1181 : memref<500000x8xi32, #tpu.memory_space<hbm>>) dst(%dma_wait3A_1176 : memref<128x8xi32, #tpu.memory_space<vmem>>)
    %dma_wait3A_1182 = arith.constant 8576 : i32
    %dma_wait3A_1183 = arith.constant 0 : i32
    %dma_wait3A_1184 = tpu.memref_slice %arg7[%dma_wait3A_1182, %dma_wait3A_1183] : memref<10240x8xi32, #tpu.memory_space<vmem>> -> memref<128x8xi32, #tpu.memory_space<vmem>>
    %dma_wait3A_1185 = arith.constant 8576 : i32
    %dma_wait3A_1186 = tpu.memref_slice %arg6[%dma_wait3A_1185] : memref<10240xi32, #tpu.memory_space<vmem>> -> memref<128xi32, #tpu.memory_space<vmem>>
    %dma_wait3A_1187 = arith.constant 0 : i32
    %dma_wait3A_1188 = arith.constant 0 : i32
    %dma_wait3A_1189 = tpu.memref_slice %arg3[%dma_wait3A_1187, %dma_wait3A_1188] : memref<500000x8xi32, #tpu.memory_space<hbm>> -> memref<500000x8xi32, #tpu.memory_space<hbm>>
    tpu.wait_indirect_dma semaphore(%arg8 : memref<!tpu.dma_semaphore, #tpu.memory_space<semaphore_mem>>) src(%dma_wait3A_1189 : memref<500000x8xi32, #tpu.memory_space<hbm>>) dst(%dma_wait3A_1184 : memref<128x8xi32, #tpu.memory_space<vmem>>)
    %dma_wait3A_1190 = arith.constant 8704 : i32
    %dma_wait3A_1191 = arith.constant 0 : i32
    %dma_wait3A_1192 = tpu.memref_slice %arg7[%dma_wait3A_1190, %dma_wait3A_1191] : memref<10240x8xi32, #tpu.memory_space<vmem>> -> memref<128x8xi32, #tpu.memory_space<vmem>>
    %dma_wait3A_1193 = arith.constant 8704 : i32
    %dma_wait3A_1194 = tpu.memref_slice %arg6[%dma_wait3A_1193] : memref<10240xi32, #tpu.memory_space<vmem>> -> memref<128xi32, #tpu.memory_space<vmem>>
    %dma_wait3A_1195 = arith.constant 0 : i32
    %dma_wait3A_1196 = arith.constant 0 : i32
    %dma_wait3A_1197 = tpu.memref_slice %arg3[%dma_wait3A_1195, %dma_wait3A_1196] : memref<500000x8xi32, #tpu.memory_space<hbm>> -> memref<500000x8xi32, #tpu.memory_space<hbm>>
    tpu.wait_indirect_dma semaphore(%arg8 : memref<!tpu.dma_semaphore, #tpu.memory_space<semaphore_mem>>) src(%dma_wait3A_1197 : memref<500000x8xi32, #tpu.memory_space<hbm>>) dst(%dma_wait3A_1192 : memref<128x8xi32, #tpu.memory_space<vmem>>)
    %dma_wait3A_1198 = arith.constant 8832 : i32
    %dma_wait3A_1199 = arith.constant 0 : i32
    %dma_wait3A_1200 = tpu.memref_slice %arg7[%dma_wait3A_1198, %dma_wait3A_1199] : memref<10240x8xi32, #tpu.memory_space<vmem>> -> memref<128x8xi32, #tpu.memory_space<vmem>>
    %dma_wait3A_1201 = arith.constant 8832 : i32
    %dma_wait3A_1202 = tpu.memref_slice %arg6[%dma_wait3A_1201] : memref<10240xi32, #tpu.memory_space<vmem>> -> memref<128xi32, #tpu.memory_space<vmem>>
    %dma_wait3A_1203 = arith.constant 0 : i32
    %dma_wait3A_1204 = arith.constant 0 : i32
    %dma_wait3A_1205 = tpu.memref_slice %arg3[%dma_wait3A_1203, %dma_wait3A_1204] : memref<500000x8xi32, #tpu.memory_space<hbm>> -> memref<500000x8xi32, #tpu.memory_space<hbm>>
    tpu.wait_indirect_dma semaphore(%arg8 : memref<!tpu.dma_semaphore, #tpu.memory_space<semaphore_mem>>) src(%dma_wait3A_1205 : memref<500000x8xi32, #tpu.memory_space<hbm>>) dst(%dma_wait3A_1200 : memref<128x8xi32, #tpu.memory_space<vmem>>)
    %dma_wait3A_1206 = arith.constant 8960 : i32
    %dma_wait3A_1207 = arith.constant 0 : i32
    %dma_wait3A_1208 = tpu.memref_slice %arg7[%dma_wait3A_1206, %dma_wait3A_1207] : memref<10240x8xi32, #tpu.memory_space<vmem>> -> memref<128x8xi32, #tpu.memory_space<vmem>>
    %dma_wait3A_1209 = arith.constant 8960 : i32
    %dma_wait3A_1210 = tpu.memref_slice %arg6[%dma_wait3A_1209] : memref<10240xi32, #tpu.memory_space<vmem>> -> memref<128xi32, #tpu.memory_space<vmem>>
    %dma_wait3A_1211 = arith.constant 0 : i32
    %dma_wait3A_1212 = arith.constant 0 : i32
    %dma_wait3A_1213 = tpu.memref_slice %arg3[%dma_wait3A_1211, %dma_wait3A_1212] : memref<500000x8xi32, #tpu.memory_space<hbm>> -> memref<500000x8xi32, #tpu.memory_space<hbm>>
    tpu.wait_indirect_dma semaphore(%arg8 : memref<!tpu.dma_semaphore, #tpu.memory_space<semaphore_mem>>) src(%dma_wait3A_1213 : memref<500000x8xi32, #tpu.memory_space<hbm>>) dst(%dma_wait3A_1208 : memref<128x8xi32, #tpu.memory_space<vmem>>)
    %dma_wait3A_1214 = arith.constant 9088 : i32
    %dma_wait3A_1215 = arith.constant 0 : i32
    %dma_wait3A_1216 = tpu.memref_slice %arg7[%dma_wait3A_1214, %dma_wait3A_1215] : memref<10240x8xi32, #tpu.memory_space<vmem>> -> memref<128x8xi32, #tpu.memory_space<vmem>>
    %dma_wait3A_1217 = arith.constant 9088 : i32
    %dma_wait3A_1218 = tpu.memref_slice %arg6[%dma_wait3A_1217] : memref<10240xi32, #tpu.memory_space<vmem>> -> memref<128xi32, #tpu.memory_space<vmem>>
    %dma_wait3A_1219 = arith.constant 0 : i32
    %dma_wait3A_1220 = arith.constant 0 : i32
    %dma_wait3A_1221 = tpu.memref_slice %arg3[%dma_wait3A_1219, %dma_wait3A_1220] : memref<500000x8xi32, #tpu.memory_space<hbm>> -> memref<500000x8xi32, #tpu.memory_space<hbm>>
    tpu.wait_indirect_dma semaphore(%arg8 : memref<!tpu.dma_semaphore, #tpu.memory_space<semaphore_mem>>) src(%dma_wait3A_1221 : memref<500000x8xi32, #tpu.memory_space<hbm>>) dst(%dma_wait3A_1216 : memref<128x8xi32, #tpu.memory_space<vmem>>)
    %dma_wait3A_1222 = arith.constant 9216 : i32
    %dma_wait3A_1223 = arith.constant 0 : i32
    %dma_wait3A_1224 = tpu.memref_slice %arg7[%dma_wait3A_1222, %dma_wait3A_1223] : memref<10240x8xi32, #tpu.memory_space<vmem>> -> memref<128x8xi32, #tpu.memory_space<vmem>>
    %dma_wait3A_1225 = arith.constant 9216 : i32
    %dma_wait3A_1226 = tpu.memref_slice %arg6[%dma_wait3A_1225] : memref<10240xi32, #tpu.memory_space<vmem>> -> memref<128xi32, #tpu.memory_space<vmem>>
    %dma_wait3A_1227 = arith.constant 0 : i32
    %dma_wait3A_1228 = arith.constant 0 : i32
    %dma_wait3A_1229 = tpu.memref_slice %arg3[%dma_wait3A_1227, %dma_wait3A_1228] : memref<500000x8xi32, #tpu.memory_space<hbm>> -> memref<500000x8xi32, #tpu.memory_space<hbm>>
    tpu.wait_indirect_dma semaphore(%arg8 : memref<!tpu.dma_semaphore, #tpu.memory_space<semaphore_mem>>) src(%dma_wait3A_1229 : memref<500000x8xi32, #tpu.memory_space<hbm>>) dst(%dma_wait3A_1224 : memref<128x8xi32, #tpu.memory_space<vmem>>)
    %dma_wait3A_1230 = arith.constant 9344 : i32
    %dma_wait3A_1231 = arith.constant 0 : i32
    %dma_wait3A_1232 = tpu.memref_slice %arg7[%dma_wait3A_1230, %dma_wait3A_1231] : memref<10240x8xi32, #tpu.memory_space<vmem>> -> memref<128x8xi32, #tpu.memory_space<vmem>>
    %dma_wait3A_1233 = arith.constant 9344 : i32
    %dma_wait3A_1234 = tpu.memref_slice %arg6[%dma_wait3A_1233] : memref<10240xi32, #tpu.memory_space<vmem>> -> memref<128xi32, #tpu.memory_space<vmem>>
    %dma_wait3A_1235 = arith.constant 0 : i32
    %dma_wait3A_1236 = arith.constant 0 : i32
    %dma_wait3A_1237 = tpu.memref_slice %arg3[%dma_wait3A_1235, %dma_wait3A_1236] : memref<500000x8xi32, #tpu.memory_space<hbm>> -> memref<500000x8xi32, #tpu.memory_space<hbm>>
    tpu.wait_indirect_dma semaphore(%arg8 : memref<!tpu.dma_semaphore, #tpu.memory_space<semaphore_mem>>) src(%dma_wait3A_1237 : memref<500000x8xi32, #tpu.memory_space<hbm>>) dst(%dma_wait3A_1232 : memref<128x8xi32, #tpu.memory_space<vmem>>)
    %dma_wait3A_1238 = arith.constant 9472 : i32
    %dma_wait3A_1239 = arith.constant 0 : i32
    %dma_wait3A_1240 = tpu.memref_slice %arg7[%dma_wait3A_1238, %dma_wait3A_1239] : memref<10240x8xi32, #tpu.memory_space<vmem>> -> memref<128x8xi32, #tpu.memory_space<vmem>>
    %dma_wait3A_1241 = arith.constant 9472 : i32
    %dma_wait3A_1242 = tpu.memref_slice %arg6[%dma_wait3A_1241] : memref<10240xi32, #tpu.memory_space<vmem>> -> memref<128xi32, #tpu.memory_space<vmem>>
    %dma_wait3A_1243 = arith.constant 0 : i32
    %dma_wait3A_1244 = arith.constant 0 : i32
    %dma_wait3A_1245 = tpu.memref_slice %arg3[%dma_wait3A_1243, %dma_wait3A_1244] : memref<500000x8xi32, #tpu.memory_space<hbm>> -> memref<500000x8xi32, #tpu.memory_space<hbm>>
    tpu.wait_indirect_dma semaphore(%arg8 : memref<!tpu.dma_semaphore, #tpu.memory_space<semaphore_mem>>) src(%dma_wait3A_1245 : memref<500000x8xi32, #tpu.memory_space<hbm>>) dst(%dma_wait3A_1240 : memref<128x8xi32, #tpu.memory_space<vmem>>)
    %dma_wait3A_1246 = arith.constant 9600 : i32
    %dma_wait3A_1247 = arith.constant 0 : i32
    %dma_wait3A_1248 = tpu.memref_slice %arg7[%dma_wait3A_1246, %dma_wait3A_1247] : memref<10240x8xi32, #tpu.memory_space<vmem>> -> memref<128x8xi32, #tpu.memory_space<vmem>>
    %dma_wait3A_1249 = arith.constant 9600 : i32
    %dma_wait3A_1250 = tpu.memref_slice %arg6[%dma_wait3A_1249] : memref<10240xi32, #tpu.memory_space<vmem>> -> memref<128xi32, #tpu.memory_space<vmem>>
    %dma_wait3A_1251 = arith.constant 0 : i32
    %dma_wait3A_1252 = arith.constant 0 : i32
    %dma_wait3A_1253 = tpu.memref_slice %arg3[%dma_wait3A_1251, %dma_wait3A_1252] : memref<500000x8xi32, #tpu.memory_space<hbm>> -> memref<500000x8xi32, #tpu.memory_space<hbm>>
    tpu.wait_indirect_dma semaphore(%arg8 : memref<!tpu.dma_semaphore, #tpu.memory_space<semaphore_mem>>) src(%dma_wait3A_1253 : memref<500000x8xi32, #tpu.memory_space<hbm>>) dst(%dma_wait3A_1248 : memref<128x8xi32, #tpu.memory_space<vmem>>)
    %dma_wait3A_1254 = arith.constant 9728 : i32
    %dma_wait3A_1255 = arith.constant 0 : i32
    %dma_wait3A_1256 = tpu.memref_slice %arg7[%dma_wait3A_1254, %dma_wait3A_1255] : memref<10240x8xi32, #tpu.memory_space<vmem>> -> memref<128x8xi32, #tpu.memory_space<vmem>>
    %dma_wait3A_1257 = arith.constant 9728 : i32
    %dma_wait3A_1258 = tpu.memref_slice %arg6[%dma_wait3A_1257] : memref<10240xi32, #tpu.memory_space<vmem>> -> memref<128xi32, #tpu.memory_space<vmem>>
    %dma_wait3A_1259 = arith.constant 0 : i32
    %dma_wait3A_1260 = arith.constant 0 : i32
    %dma_wait3A_1261 = tpu.memref_slice %arg3[%dma_wait3A_1259, %dma_wait3A_1260] : memref<500000x8xi32, #tpu.memory_space<hbm>> -> memref<500000x8xi32, #tpu.memory_space<hbm>>
    tpu.wait_indirect_dma semaphore(%arg8 : memref<!tpu.dma_semaphore, #tpu.memory_space<semaphore_mem>>) src(%dma_wait3A_1261 : memref<500000x8xi32, #tpu.memory_space<hbm>>) dst(%dma_wait3A_1256 : memref<128x8xi32, #tpu.memory_space<vmem>>)
    %dma_wait3A_1262 = arith.constant 9856 : i32
    %dma_wait3A_1263 = arith.constant 0 : i32
    %dma_wait3A_1264 = tpu.memref_slice %arg7[%dma_wait3A_1262, %dma_wait3A_1263] : memref<10240x8xi32, #tpu.memory_space<vmem>> -> memref<128x8xi32, #tpu.memory_space<vmem>>
    %dma_wait3A_1265 = arith.constant 9856 : i32
    %dma_wait3A_1266 = tpu.memref_slice %arg6[%dma_wait3A_1265] : memref<10240xi32, #tpu.memory_space<vmem>> -> memref<128xi32, #tpu.memory_space<vmem>>
    %dma_wait3A_1267 = arith.constant 0 : i32
    %dma_wait3A_1268 = arith.constant 0 : i32
    %dma_wait3A_1269 = tpu.memref_slice %arg3[%dma_wait3A_1267, %dma_wait3A_1268] : memref<500000x8xi32, #tpu.memory_space<hbm>> -> memref<500000x8xi32, #tpu.memory_space<hbm>>
    tpu.wait_indirect_dma semaphore(%arg8 : memref<!tpu.dma_semaphore, #tpu.memory_space<semaphore_mem>>) src(%dma_wait3A_1269 : memref<500000x8xi32, #tpu.memory_space<hbm>>) dst(%dma_wait3A_1264 : memref<128x8xi32, #tpu.memory_space<vmem>>)
    %dma_wait3A_1270 = arith.constant 9984 : i32
    %dma_wait3A_1271 = arith.constant 0 : i32
    %dma_wait3A_1272 = tpu.memref_slice %arg7[%dma_wait3A_1270, %dma_wait3A_1271] : memref<10240x8xi32, #tpu.memory_space<vmem>> -> memref<128x8xi32, #tpu.memory_space<vmem>>
    %dma_wait3A_1273 = arith.constant 9984 : i32
    %dma_wait3A_1274 = tpu.memref_slice %arg6[%dma_wait3A_1273] : memref<10240xi32, #tpu.memory_space<vmem>> -> memref<128xi32, #tpu.memory_space<vmem>>
    %dma_wait3A_1275 = arith.constant 0 : i32
    %dma_wait3A_1276 = arith.constant 0 : i32
    %dma_wait3A_1277 = tpu.memref_slice %arg3[%dma_wait3A_1275, %dma_wait3A_1276] : memref<500000x8xi32, #tpu.memory_space<hbm>> -> memref<500000x8xi32, #tpu.memory_space<hbm>>
    tpu.wait_indirect_dma semaphore(%arg8 : memref<!tpu.dma_semaphore, #tpu.memory_space<semaphore_mem>>) src(%dma_wait3A_1277 : memref<500000x8xi32, #tpu.memory_space<hbm>>) dst(%dma_wait3A_1272 : memref<128x8xi32, #tpu.memory_space<vmem>>)
    %dma_wait3A_1278 = arith.constant 10112 : i32
    %dma_wait3A_1279 = arith.constant 0 : i32
    %dma_wait3A_1280 = tpu.memref_slice %arg7[%dma_wait3A_1278, %dma_wait3A_1279] : memref<10240x8xi32, #tpu.memory_space<vmem>> -> memref<128x8xi32, #tpu.memory_space<vmem>>
    %dma_wait3A_1281 = arith.constant 10112 : i32
    %dma_wait3A_1282 = tpu.memref_slice %arg6[%dma_wait3A_1281] : memref<10240xi32, #tpu.memory_space<vmem>> -> memref<128xi32, #tpu.memory_space<vmem>>
    %dma_wait3A_1283 = arith.constant 0 : i32
    %dma_wait3A_1284 = arith.constant 0 : i32
    %dma_wait3A_1285 = tpu.memref_slice %arg3[%dma_wait3A_1283, %dma_wait3A_1284] : memref<500000x8xi32, #tpu.memory_space<hbm>> -> memref<500000x8xi32, #tpu.memory_space<hbm>>
    tpu.wait_indirect_dma semaphore(%arg8 : memref<!tpu.dma_semaphore, #tpu.memory_space<semaphore_mem>>) src(%dma_wait3A_1285 : memref<500000x8xi32, #tpu.memory_space<hbm>>) dst(%dma_wait3A_1280 : memref<128x8xi32, #tpu.memory_space<vmem>>)
    %mul3A_1286 = arith.constant 10240 : i32
    %mul3A_1287 = arith.muli %add3A, %mul3A_1286 : i32
    %dma_start3A_1288 = arith.constant 0 : i32
    %dma_start3A_1289 = tpu.memref_slice %arg4[%mul3A_1287, %dma_start3A_1288] : memref<327680x8xi32, #tpu.memory_space<hbm>> -> memref<10240x8xi32, #tpu.memory_space<hbm>>
    %dma_start3A_1290 = arith.constant 0 : i32
    %dma_start3A_1291 = tpu.memref_slice %arg4[%mul3A_1287, %dma_start3A_1290] : memref<327680x8xi32, #tpu.memory_space<hbm>> -> memref<10240x8xi32, #tpu.memory_space<hbm>>
    tpu.enqueue_dma source(%arg7 : memref<10240x8xi32, #tpu.memory_space<vmem>>) target(%dma_start3A_1291 : memref<10240x8xi32, #tpu.memory_space<hbm>>) target_semaphore(%arg9 : memref<!tpu.dma_semaphore, #tpu.memory_space<semaphore_mem>>)
    %dma_wait3A_1292 = arith.constant 0 : i32
    %dma_wait3A_1293 = tpu.memref_slice %arg4[%mul3A_1287, %dma_wait3A_1292] : memref<327680x8xi32, #tpu.memory_space<hbm>> -> memref<10240x8xi32, #tpu.memory_space<hbm>>
    %dma_wait3A_1294 = arith.constant 0 : i32
    %dma_wait3A_1295 = tpu.memref_slice %arg4[%mul3A_1287, %dma_wait3A_1294] : memref<327680x8xi32, #tpu.memory_space<hbm>> -> memref<10240x8xi32, #tpu.memory_space<hbm>>
    tpu.wait_dma2 semaphore(%arg9 : memref<!tpu.dma_semaphore, #tpu.memory_space<semaphore_mem>>) src(%arg7 : memref<10240x8xi32, #tpu.memory_space<vmem>>) dst(%dma_wait3A_1295 : memref<10240x8xi32, #tpu.memory_space<hbm>>)
    return
  }
}

#map = affine_map<(d0, d1) -> (0)>
#map1 = affine_map<(d0, d1) -> (0, 0)>
module attributes {stable_mosaic.version = 14 : i64} {
  func.func @k(%arg0: i32, %arg1: i32, %arg2: memref<2621440xi32, #tpu.memory_space<hbm>>, %arg3: memref<327680xi32, #tpu.memory_space<hbm>>, %arg4: memref<65536x8xf32, #tpu.memory_space<hbm>>, %arg5: memref<81920x128xf32, #tpu.memory_space<hbm>>, %arg6: memref<81920x128xf32, #tpu.memory_space<hbm>>, %arg7: memref<2048xi32, #tpu.memory_space<vmem>>, %arg8: memref<256xi32, #tpu.memory_space<vmem>>, %arg9: memref<1024xi32, #tpu.memory_space<vmem>>, %arg10: memref<1024xi32, #tpu.memory_space<vmem>>, %arg11: memref<1024x8xf32, #tpu.memory_space<vmem>>, %arg12: memref<1024x8xf32, #tpu.memory_space<vmem>>, %arg13: memref<64x128xf32, #tpu.memory_space<vmem>>, %arg14: memref<64x128xf32, #tpu.memory_space<vmem>>, %arg15: memref<!tpu.dma_semaphore, #tpu.memory_space<semaphore_mem>>, %arg16: memref<!tpu.dma_semaphore, #tpu.memory_space<semaphore_mem>>, %arg17: memref<!tpu.dma_semaphore, #tpu.memory_space<semaphore_mem>>) attributes {dimension_semantics = [#tpu.dimension_semantics<core_parallel>, #tpu.dimension_semantics<subcore_parallel>], iteration_bounds = array<i64: 2, 16>, scalar_prefetch = 0 : i64, scratch_operands = 11 : i64, tpu.core_type = #tpu.core_type<sc_vector_subcore>, window_params = [{transform_indices = #map}, {transform_indices = #map}, {transform_indices = #map1}, {transform_indices = #map1}, {transform_indices = #map1}]} {
    %mul3A = arith.constant 2 : i32
    %mul3A_0 = arith.muli %arg1, %mul3A : i32
    %add3A = arith.addi %mul3A_0, %arg0 : i32
    %iota3A = tpu.iota {dimensions = array<i32: 0>} : vector<16xi32>
    %shift_right_logical3A = arith.constant 2 : i32
    %shift_right_logical3A_1 = vector.broadcast %shift_right_logical3A : i32 to vector<16xi32>
    %shift_right_logical3A_2 = arith.shrui %iota3A, %shift_right_logical3A_1 : vector<16xi32>
    %and3A = arith.constant 3 : i32
    %and3A_3 = vector.broadcast %and3A : i32 to vector<16xi32>
    %and3A_4 = arith.andi %iota3A, %and3A_3 : vector<16xi32>
    %scan3A = arith.constant 0 : i32
    %scan3A_5 = arith.constant 0 : i32
    %scan3A_6 = arith.constant 40 : i32
    %scan3A_7 = arith.addi %scan3A_5, %scan3A_6 : i32
    %scan3A_8 = arith.constant 1 : i32
    scf.for %scan3A_10 = %scan3A_5 to %scan3A_7 step %scan3A_8  : i32 {
      %mul3A_11 = arith.constant 10240 : i32
      %mul3A_12 = arith.muli %add3A, %mul3A_11 : i32
      %mul3A_13 = arith.constant 256 : i32
      %mul3A_14 = arith.muli %scan3A_10, %mul3A_13 : i32
      %add3A_15 = arith.addi %mul3A_12, %mul3A_14 : i32
      %mul3A_16 = arith.constant 8 : i32
      %mul3A_17 = arith.muli %add3A_15, %mul3A_16 : i32
      %dma_start3A = tpu.memref_slice %arg2[%mul3A_17] : memref<2621440xi32, #tpu.memory_space<hbm>> -> memref<2048xi32, #tpu.memory_space<hbm>>
      %dma_start3A_18 = tpu.memref_slice %arg2[%mul3A_17] : memref<2621440xi32, #tpu.memory_space<hbm>> -> memref<2048xi32, #tpu.memory_space<hbm>>
      tpu.enqueue_dma source(%dma_start3A_18 : memref<2048xi32, #tpu.memory_space<hbm>>) target(%arg7 : memref<2048xi32, #tpu.memory_space<vmem>>) target_semaphore(%arg15 : memref<!tpu.dma_semaphore, #tpu.memory_space<semaphore_mem>>)
      %dma_start3A_19 = tpu.memref_slice %arg3[%add3A_15] : memref<327680xi32, #tpu.memory_space<hbm>> -> memref<256xi32, #tpu.memory_space<hbm>>
      %dma_start3A_20 = tpu.memref_slice %arg3[%add3A_15] : memref<327680xi32, #tpu.memory_space<hbm>> -> memref<256xi32, #tpu.memory_space<hbm>>
      tpu.enqueue_dma source(%dma_start3A_20 : memref<256xi32, #tpu.memory_space<hbm>>) target(%arg8 : memref<256xi32, #tpu.memory_space<vmem>>) target_semaphore(%arg15 : memref<!tpu.dma_semaphore, #tpu.memory_space<semaphore_mem>>)
      %dma_wait3A = tpu.memref_slice %arg2[%mul3A_17] : memref<2621440xi32, #tpu.memory_space<hbm>> -> memref<2048xi32, #tpu.memory_space<hbm>>
      %dma_wait3A_21 = tpu.memref_slice %arg2[%mul3A_17] : memref<2621440xi32, #tpu.memory_space<hbm>> -> memref<2048xi32, #tpu.memory_space<hbm>>
      tpu.wait_dma2 semaphore(%arg15 : memref<!tpu.dma_semaphore, #tpu.memory_space<semaphore_mem>>) src(%dma_wait3A_21 : memref<2048xi32, #tpu.memory_space<hbm>>) dst(%arg7 : memref<2048xi32, #tpu.memory_space<vmem>>)
      %dma_wait3A_22 = tpu.memref_slice %arg3[%add3A_15] : memref<327680xi32, #tpu.memory_space<hbm>> -> memref<256xi32, #tpu.memory_space<hbm>>
      %dma_wait3A_23 = tpu.memref_slice %arg3[%add3A_15] : memref<327680xi32, #tpu.memory_space<hbm>> -> memref<256xi32, #tpu.memory_space<hbm>>
      tpu.wait_dma2 semaphore(%arg15 : memref<!tpu.dma_semaphore, #tpu.memory_space<semaphore_mem>>) src(%dma_wait3A_23 : memref<256xi32, #tpu.memory_space<hbm>>) dst(%arg8 : memref<256xi32, #tpu.memory_space<vmem>>)
      %add3A_24 = arith.constant 0 : i32
      %add3A_25 = vector.broadcast %add3A_24 : i32 to vector<16xi32>
      %add3A_26 = arith.addi %shift_right_logical3A_2, %add3A_25 : vector<16xi32>
      %gather3A = tpu.vector_load_idx %arg8[%add3A_26] : memref<256xi32, #tpu.memory_space<vmem>>[vector<16xi32>], vector<16xi32>,
      %and3A_27 = arith.constant 1 : i32
      %and3A_28 = vector.broadcast %and3A_27 : i32 to vector<16xi32>
      %and3A_29 = arith.andi %gather3A, %and3A_28 : vector<16xi32>
      %shift_left3A = arith.constant 4 : i32
      %shift_left3A_30 = vector.broadcast %shift_left3A : i32 to vector<16xi32>
      %shift_left3A_31 = arith.shli %and3A_29, %shift_left3A_30 : vector<16xi32>
      %mul3A_32 = arith.constant 8 : i32
      %mul3A_33 = vector.broadcast %mul3A_32 : i32 to vector<16xi32>
      %mul3A_34 = arith.muli %add3A_26, %mul3A_33 : vector<16xi32>
      %mul3A_35 = arith.constant 2 : i32
      %mul3A_36 = vector.broadcast %mul3A_35 : i32 to vector<16xi32>
      %mul3A_37 = arith.muli %mul3A_36, %and3A_4 : vector<16xi32>
      %add3A_38 = arith.addi %mul3A_34, %mul3A_37 : vector<16xi32>
      %gather3A_39 = tpu.vector_load_idx %arg7[%add3A_38] : memref<2048xi32, #tpu.memory_space<vmem>>[vector<16xi32>], vector<16xi32>,
      %add3A_40 = arith.constant 1 : i32
      %add3A_41 = vector.broadcast %add3A_40 : i32 to vector<16xi32>
      %add3A_42 = arith.addi %add3A_38, %add3A_41 : vector<16xi32>
      %gather3A_43 = tpu.vector_load_idx %arg7[%add3A_42] : memref<2048xi32, #tpu.memory_space<vmem>>[vector<16xi32>], vector<16xi32>,
      %shift_right_logical3A_44 = arith.shrui %gather3A_39, %shift_left3A_31 : vector<16xi32>
      %and3A_45 = arith.constant 65535 : i32
      %and3A_46 = vector.broadcast %and3A_45 : i32 to vector<16xi32>
      %and3A_47 = arith.andi %shift_right_logical3A_44, %and3A_46 : vector<16xi32>
      %swap3A = arith.constant 0 : index
      %swap3A_48 = tpu.vector_load %arg9[%swap3A] {strides = array<i32>} : memref<1024xi32, #tpu.memory_space<vmem>>, vector<16xi32>,
      tpu.vector_store %arg9[%swap3A], %and3A_47 {strides = array<i32>} : memref<1024xi32, #tpu.memory_space<vmem>>, vector<16xi32>,
      %shift_right_logical3A_49 = arith.shrui %gather3A_43, %shift_left3A_31 : vector<16xi32>
      %and3A_50 = arith.constant 65535 : i32
      %and3A_51 = vector.broadcast %and3A_50 : i32 to vector<16xi32>
      %and3A_52 = arith.andi %shift_right_logical3A_49, %and3A_51 : vector<16xi32>
      %swap3A_53 = arith.constant 0 : index
      %swap3A_54 = tpu.vector_load %arg10[%swap3A_53] {strides = array<i32>} : memref<1024xi32, #tpu.memory_space<vmem>>, vector<16xi32>,
      tpu.vector_store %arg10[%swap3A_53], %and3A_52 {strides = array<i32>} : memref<1024xi32, #tpu.memory_space<vmem>>, vector<16xi32>,
      %add3A_55 = arith.constant 4 : i32
      %add3A_56 = vector.broadcast %add3A_55 : i32 to vector<16xi32>
      %add3A_57 = arith.addi %shift_right_logical3A_2, %add3A_56 : vector<16xi32>
      %gather3A_58 = tpu.vector_load_idx %arg8[%add3A_57] : memref<256xi32, #tpu.memory_space<vmem>>[vector<16xi32>], vector<16xi32>,
      %and3A_59 = arith.constant 1 : i32
      %and3A_60 = vector.broadcast %and3A_59 : i32 to vector<16xi32>
      %and3A_61 = arith.andi %gather3A_58, %and3A_60 : vector<16xi32>
      %shift_left3A_62 = arith.constant 4 : i32
      %shift_left3A_63 = vector.broadcast %shift_left3A_62 : i32 to vector<16xi32>
      %shift_left3A_64 = arith.shli %and3A_61, %shift_left3A_63 : vector<16xi32>
      %mul3A_65 = arith.constant 8 : i32
      %mul3A_66 = vector.broadcast %mul3A_65 : i32 to vector<16xi32>
      %mul3A_67 = arith.muli %add3A_57, %mul3A_66 : vector<16xi32>
      %mul3A_68 = arith.constant 2 : i32
      %mul3A_69 = vector.broadcast %mul3A_68 : i32 to vector<16xi32>
      %mul3A_70 = arith.muli %mul3A_69, %and3A_4 : vector<16xi32>
      %add3A_71 = arith.addi %mul3A_67, %mul3A_70 : vector<16xi32>
      %gather3A_72 = tpu.vector_load_idx %arg7[%add3A_71] : memref<2048xi32, #tpu.memory_space<vmem>>[vector<16xi32>], vector<16xi32>,
      %add3A_73 = arith.constant 1 : i32
      %add3A_74 = vector.broadcast %add3A_73 : i32 to vector<16xi32>
      %add3A_75 = arith.addi %add3A_71, %add3A_74 : vector<16xi32>
      %gather3A_76 = tpu.vector_load_idx %arg7[%add3A_75] : memref<2048xi32, #tpu.memory_space<vmem>>[vector<16xi32>], vector<16xi32>,
      %shift_right_logical3A_77 = arith.shrui %gather3A_72, %shift_left3A_64 : vector<16xi32>
      %and3A_78 = arith.constant 65535 : i32
      %and3A_79 = vector.broadcast %and3A_78 : i32 to vector<16xi32>
      %and3A_80 = arith.andi %shift_right_logical3A_77, %and3A_79 : vector<16xi32>
      %swap3A_81 = arith.constant 16 : index
      %swap3A_82 = tpu.vector_load %arg9[%swap3A_81] {strides = array<i32>} : memref<1024xi32, #tpu.memory_space<vmem>>, vector<16xi32>,
      tpu.vector_store %arg9[%swap3A_81], %and3A_80 {strides = array<i32>} : memref<1024xi32, #tpu.memory_space<vmem>>, vector<16xi32>,
      %shift_right_logical3A_83 = arith.shrui %gather3A_76, %shift_left3A_64 : vector<16xi32>
      %and3A_84 = arith.constant 65535 : i32
      %and3A_85 = vector.broadcast %and3A_84 : i32 to vector<16xi32>
      %and3A_86 = arith.andi %shift_right_logical3A_83, %and3A_85 : vector<16xi32>
      %swap3A_87 = arith.constant 16 : index
      %swap3A_88 = tpu.vector_load %arg10[%swap3A_87] {strides = array<i32>} : memref<1024xi32, #tpu.memory_space<vmem>>, vector<16xi32>,
      tpu.vector_store %arg10[%swap3A_87], %and3A_86 {strides = array<i32>} : memref<1024xi32, #tpu.memory_space<vmem>>, vector<16xi32>,
      %add3A_89 = arith.constant 8 : i32
      %add3A_90 = vector.broadcast %add3A_89 : i32 to vector<16xi32>
      %add3A_91 = arith.addi %shift_right_logical3A_2, %add3A_90 : vector<16xi32>
      %gather3A_92 = tpu.vector_load_idx %arg8[%add3A_91] : memref<256xi32, #tpu.memory_space<vmem>>[vector<16xi32>], vector<16xi32>,
      %and3A_93 = arith.constant 1 : i32
      %and3A_94 = vector.broadcast %and3A_93 : i32 to vector<16xi32>
      %and3A_95 = arith.andi %gather3A_92, %and3A_94 : vector<16xi32>
      %shift_left3A_96 = arith.constant 4 : i32
      %shift_left3A_97 = vector.broadcast %shift_left3A_96 : i32 to vector<16xi32>
      %shift_left3A_98 = arith.shli %and3A_95, %shift_left3A_97 : vector<16xi32>
      %mul3A_99 = arith.constant 8 : i32
      %mul3A_100 = vector.broadcast %mul3A_99 : i32 to vector<16xi32>
      %mul3A_101 = arith.muli %add3A_91, %mul3A_100 : vector<16xi32>
      %mul3A_102 = arith.constant 2 : i32
      %mul3A_103 = vector.broadcast %mul3A_102 : i32 to vector<16xi32>
      %mul3A_104 = arith.muli %mul3A_103, %and3A_4 : vector<16xi32>
      %add3A_105 = arith.addi %mul3A_101, %mul3A_104 : vector<16xi32>
      %gather3A_106 = tpu.vector_load_idx %arg7[%add3A_105] : memref<2048xi32, #tpu.memory_space<vmem>>[vector<16xi32>], vector<16xi32>,
      %add3A_107 = arith.constant 1 : i32
      %add3A_108 = vector.broadcast %add3A_107 : i32 to vector<16xi32>
      %add3A_109 = arith.addi %add3A_105, %add3A_108 : vector<16xi32>
      %gather3A_110 = tpu.vector_load_idx %arg7[%add3A_109] : memref<2048xi32, #tpu.memory_space<vmem>>[vector<16xi32>], vector<16xi32>,
      %shift_right_logical3A_111 = arith.shrui %gather3A_106, %shift_left3A_98 : vector<16xi32>
      %and3A_112 = arith.constant 65535 : i32
      %and3A_113 = vector.broadcast %and3A_112 : i32 to vector<16xi32>
      %and3A_114 = arith.andi %shift_right_logical3A_111, %and3A_113 : vector<16xi32>
      %swap3A_115 = arith.constant 32 : index
      %swap3A_116 = tpu.vector_load %arg9[%swap3A_115] {strides = array<i32>} : memref<1024xi32, #tpu.memory_space<vmem>>, vector<16xi32>,
      tpu.vector_store %arg9[%swap3A_115], %and3A_114 {strides = array<i32>} : memref<1024xi32, #tpu.memory_space<vmem>>, vector<16xi32>,
      %shift_right_logical3A_117 = arith.shrui %gather3A_110, %shift_left3A_98 : vector<16xi32>
      %and3A_118 = arith.constant 65535 : i32
      %and3A_119 = vector.broadcast %and3A_118 : i32 to vector<16xi32>
      %and3A_120 = arith.andi %shift_right_logical3A_117, %and3A_119 : vector<16xi32>
      %swap3A_121 = arith.constant 32 : index
      %swap3A_122 = tpu.vector_load %arg10[%swap3A_121] {strides = array<i32>} : memref<1024xi32, #tpu.memory_space<vmem>>, vector<16xi32>,
      tpu.vector_store %arg10[%swap3A_121], %and3A_120 {strides = array<i32>} : memref<1024xi32, #tpu.memory_space<vmem>>, vector<16xi32>,
      %add3A_123 = arith.constant 12 : i32
      %add3A_124 = vector.broadcast %add3A_123 : i32 to vector<16xi32>
      %add3A_125 = arith.addi %shift_right_logical3A_2, %add3A_124 : vector<16xi32>
      %gather3A_126 = tpu.vector_load_idx %arg8[%add3A_125] : memref<256xi32, #tpu.memory_space<vmem>>[vector<16xi32>], vector<16xi32>,
      %and3A_127 = arith.constant 1 : i32
      %and3A_128 = vector.broadcast %and3A_127 : i32 to vector<16xi32>
      %and3A_129 = arith.andi %gather3A_126, %and3A_128 : vector<16xi32>
      %shift_left3A_130 = arith.constant 4 : i32
      %shift_left3A_131 = vector.broadcast %shift_left3A_130 : i32 to vector<16xi32>
      %shift_left3A_132 = arith.shli %and3A_129, %shift_left3A_131 : vector<16xi32>
      %mul3A_133 = arith.constant 8 : i32
      %mul3A_134 = vector.broadcast %mul3A_133 : i32 to vector<16xi32>
      %mul3A_135 = arith.muli %add3A_125, %mul3A_134 : vector<16xi32>
      %mul3A_136 = arith.constant 2 : i32
      %mul3A_137 = vector.broadcast %mul3A_136 : i32 to vector<16xi32>
      %mul3A_138 = arith.muli %mul3A_137, %and3A_4 : vector<16xi32>
      %add3A_139 = arith.addi %mul3A_135, %mul3A_138 : vector<16xi32>
      %gather3A_140 = tpu.vector_load_idx %arg7[%add3A_139] : memref<2048xi32, #tpu.memory_space<vmem>>[vector<16xi32>], vector<16xi32>,
      %add3A_141 = arith.constant 1 : i32
      %add3A_142 = vector.broadcast %add3A_141 : i32 to vector<16xi32>
      %add3A_143 = arith.addi %add3A_139, %add3A_142 : vector<16xi32>
      %gather3A_144 = tpu.vector_load_idx %arg7[%add3A_143] : memref<2048xi32, #tpu.memory_space<vmem>>[vector<16xi32>], vector<16xi32>,
      %shift_right_logical3A_145 = arith.shrui %gather3A_140, %shift_left3A_132 : vector<16xi32>
      %and3A_146 = arith.constant 65535 : i32
      %and3A_147 = vector.broadcast %and3A_146 : i32 to vector<16xi32>
      %and3A_148 = arith.andi %shift_right_logical3A_145, %and3A_147 : vector<16xi32>
      %swap3A_149 = arith.constant 48 : index
      %swap3A_150 = tpu.vector_load %arg9[%swap3A_149] {strides = array<i32>} : memref<1024xi32, #tpu.memory_space<vmem>>, vector<16xi32>,
      tpu.vector_store %arg9[%swap3A_149], %and3A_148 {strides = array<i32>} : memref<1024xi32, #tpu.memory_space<vmem>>, vector<16xi32>,
      %shift_right_logical3A_151 = arith.shrui %gather3A_144, %shift_left3A_132 : vector<16xi32>
      %and3A_152 = arith.constant 65535 : i32
      %and3A_153 = vector.broadcast %and3A_152 : i32 to vector<16xi32>
      %and3A_154 = arith.andi %shift_right_logical3A_151, %and3A_153 : vector<16xi32>
      %swap3A_155 = arith.constant 48 : index
      %swap3A_156 = tpu.vector_load %arg10[%swap3A_155] {strides = array<i32>} : memref<1024xi32, #tpu.memory_space<vmem>>, vector<16xi32>,
      tpu.vector_store %arg10[%swap3A_155], %and3A_154 {strides = array<i32>} : memref<1024xi32, #tpu.memory_space<vmem>>, vector<16xi32>,
      %add3A_157 = arith.constant 16 : i32
      %add3A_158 = vector.broadcast %add3A_157 : i32 to vector<16xi32>
      %add3A_159 = arith.addi %shift_right_logical3A_2, %add3A_158 : vector<16xi32>
      %gather3A_160 = tpu.vector_load_idx %arg8[%add3A_159] : memref<256xi32, #tpu.memory_space<vmem>>[vector<16xi32>], vector<16xi32>,
      %and3A_161 = arith.constant 1 : i32
      %and3A_162 = vector.broadcast %and3A_161 : i32 to vector<16xi32>
      %and3A_163 = arith.andi %gather3A_160, %and3A_162 : vector<16xi32>
      %shift_left3A_164 = arith.constant 4 : i32
      %shift_left3A_165 = vector.broadcast %shift_left3A_164 : i32 to vector<16xi32>
      %shift_left3A_166 = arith.shli %and3A_163, %shift_left3A_165 : vector<16xi32>
      %mul3A_167 = arith.constant 8 : i32
      %mul3A_168 = vector.broadcast %mul3A_167 : i32 to vector<16xi32>
      %mul3A_169 = arith.muli %add3A_159, %mul3A_168 : vector<16xi32>
      %mul3A_170 = arith.constant 2 : i32
      %mul3A_171 = vector.broadcast %mul3A_170 : i32 to vector<16xi32>
      %mul3A_172 = arith.muli %mul3A_171, %and3A_4 : vector<16xi32>
      %add3A_173 = arith.addi %mul3A_169, %mul3A_172 : vector<16xi32>
      %gather3A_174 = tpu.vector_load_idx %arg7[%add3A_173] : memref<2048xi32, #tpu.memory_space<vmem>>[vector<16xi32>], vector<16xi32>,
      %add3A_175 = arith.constant 1 : i32
      %add3A_176 = vector.broadcast %add3A_175 : i32 to vector<16xi32>
      %add3A_177 = arith.addi %add3A_173, %add3A_176 : vector<16xi32>
      %gather3A_178 = tpu.vector_load_idx %arg7[%add3A_177] : memref<2048xi32, #tpu.memory_space<vmem>>[vector<16xi32>], vector<16xi32>,
      %shift_right_logical3A_179 = arith.shrui %gather3A_174, %shift_left3A_166 : vector<16xi32>
      %and3A_180 = arith.constant 65535 : i32
      %and3A_181 = vector.broadcast %and3A_180 : i32 to vector<16xi32>
      %and3A_182 = arith.andi %shift_right_logical3A_179, %and3A_181 : vector<16xi32>
      %swap3A_183 = arith.constant 64 : index
      %swap3A_184 = tpu.vector_load %arg9[%swap3A_183] {strides = array<i32>} : memref<1024xi32, #tpu.memory_space<vmem>>, vector<16xi32>,
      tpu.vector_store %arg9[%swap3A_183], %and3A_182 {strides = array<i32>} : memref<1024xi32, #tpu.memory_space<vmem>>, vector<16xi32>,
      %shift_right_logical3A_185 = arith.shrui %gather3A_178, %shift_left3A_166 : vector<16xi32>
      %and3A_186 = arith.constant 65535 : i32
      %and3A_187 = vector.broadcast %and3A_186 : i32 to vector<16xi32>
      %and3A_188 = arith.andi %shift_right_logical3A_185, %and3A_187 : vector<16xi32>
      %swap3A_189 = arith.constant 64 : index
      %swap3A_190 = tpu.vector_load %arg10[%swap3A_189] {strides = array<i32>} : memref<1024xi32, #tpu.memory_space<vmem>>, vector<16xi32>,
      tpu.vector_store %arg10[%swap3A_189], %and3A_188 {strides = array<i32>} : memref<1024xi32, #tpu.memory_space<vmem>>, vector<16xi32>,
      %add3A_191 = arith.constant 20 : i32
      %add3A_192 = vector.broadcast %add3A_191 : i32 to vector<16xi32>
      %add3A_193 = arith.addi %shift_right_logical3A_2, %add3A_192 : vector<16xi32>
      %gather3A_194 = tpu.vector_load_idx %arg8[%add3A_193] : memref<256xi32, #tpu.memory_space<vmem>>[vector<16xi32>], vector<16xi32>,
      %and3A_195 = arith.constant 1 : i32
      %and3A_196 = vector.broadcast %and3A_195 : i32 to vector<16xi32>
      %and3A_197 = arith.andi %gather3A_194, %and3A_196 : vector<16xi32>
      %shift_left3A_198 = arith.constant 4 : i32
      %shift_left3A_199 = vector.broadcast %shift_left3A_198 : i32 to vector<16xi32>
      %shift_left3A_200 = arith.shli %and3A_197, %shift_left3A_199 : vector<16xi32>
      %mul3A_201 = arith.constant 8 : i32
      %mul3A_202 = vector.broadcast %mul3A_201 : i32 to vector<16xi32>
      %mul3A_203 = arith.muli %add3A_193, %mul3A_202 : vector<16xi32>
      %mul3A_204 = arith.constant 2 : i32
      %mul3A_205 = vector.broadcast %mul3A_204 : i32 to vector<16xi32>
      %mul3A_206 = arith.muli %mul3A_205, %and3A_4 : vector<16xi32>
      %add3A_207 = arith.addi %mul3A_203, %mul3A_206 : vector<16xi32>
      %gather3A_208 = tpu.vector_load_idx %arg7[%add3A_207] : memref<2048xi32, #tpu.memory_space<vmem>>[vector<16xi32>], vector<16xi32>,
      %add3A_209 = arith.constant 1 : i32
      %add3A_210 = vector.broadcast %add3A_209 : i32 to vector<16xi32>
      %add3A_211 = arith.addi %add3A_207, %add3A_210 : vector<16xi32>
      %gather3A_212 = tpu.vector_load_idx %arg7[%add3A_211] : memref<2048xi32, #tpu.memory_space<vmem>>[vector<16xi32>], vector<16xi32>,
      %shift_right_logical3A_213 = arith.shrui %gather3A_208, %shift_left3A_200 : vector<16xi32>
      %and3A_214 = arith.constant 65535 : i32
      %and3A_215 = vector.broadcast %and3A_214 : i32 to vector<16xi32>
      %and3A_216 = arith.andi %shift_right_logical3A_213, %and3A_215 : vector<16xi32>
      %swap3A_217 = arith.constant 80 : index
      %swap3A_218 = tpu.vector_load %arg9[%swap3A_217] {strides = array<i32>} : memref<1024xi32, #tpu.memory_space<vmem>>, vector<16xi32>,
      tpu.vector_store %arg9[%swap3A_217], %and3A_216 {strides = array<i32>} : memref<1024xi32, #tpu.memory_space<vmem>>, vector<16xi32>,
      %shift_right_logical3A_219 = arith.shrui %gather3A_212, %shift_left3A_200 : vector<16xi32>
      %and3A_220 = arith.constant 65535 : i32
      %and3A_221 = vector.broadcast %and3A_220 : i32 to vector<16xi32>
      %and3A_222 = arith.andi %shift_right_logical3A_219, %and3A_221 : vector<16xi32>
      %swap3A_223 = arith.constant 80 : index
      %swap3A_224 = tpu.vector_load %arg10[%swap3A_223] {strides = array<i32>} : memref<1024xi32, #tpu.memory_space<vmem>>, vector<16xi32>,
      tpu.vector_store %arg10[%swap3A_223], %and3A_222 {strides = array<i32>} : memref<1024xi32, #tpu.memory_space<vmem>>, vector<16xi32>,
      %add3A_225 = arith.constant 24 : i32
      %add3A_226 = vector.broadcast %add3A_225 : i32 to vector<16xi32>
      %add3A_227 = arith.addi %shift_right_logical3A_2, %add3A_226 : vector<16xi32>
      %gather3A_228 = tpu.vector_load_idx %arg8[%add3A_227] : memref<256xi32, #tpu.memory_space<vmem>>[vector<16xi32>], vector<16xi32>,
      %and3A_229 = arith.constant 1 : i32
      %and3A_230 = vector.broadcast %and3A_229 : i32 to vector<16xi32>
      %and3A_231 = arith.andi %gather3A_228, %and3A_230 : vector<16xi32>
      %shift_left3A_232 = arith.constant 4 : i32
      %shift_left3A_233 = vector.broadcast %shift_left3A_232 : i32 to vector<16xi32>
      %shift_left3A_234 = arith.shli %and3A_231, %shift_left3A_233 : vector<16xi32>
      %mul3A_235 = arith.constant 8 : i32
      %mul3A_236 = vector.broadcast %mul3A_235 : i32 to vector<16xi32>
      %mul3A_237 = arith.muli %add3A_227, %mul3A_236 : vector<16xi32>
      %mul3A_238 = arith.constant 2 : i32
      %mul3A_239 = vector.broadcast %mul3A_238 : i32 to vector<16xi32>
      %mul3A_240 = arith.muli %mul3A_239, %and3A_4 : vector<16xi32>
      %add3A_241 = arith.addi %mul3A_237, %mul3A_240 : vector<16xi32>
      %gather3A_242 = tpu.vector_load_idx %arg7[%add3A_241] : memref<2048xi32, #tpu.memory_space<vmem>>[vector<16xi32>], vector<16xi32>,
      %add3A_243 = arith.constant 1 : i32
      %add3A_244 = vector.broadcast %add3A_243 : i32 to vector<16xi32>
      %add3A_245 = arith.addi %add3A_241, %add3A_244 : vector<16xi32>
      %gather3A_246 = tpu.vector_load_idx %arg7[%add3A_245] : memref<2048xi32, #tpu.memory_space<vmem>>[vector<16xi32>], vector<16xi32>,
      %shift_right_logical3A_247 = arith.shrui %gather3A_242, %shift_left3A_234 : vector<16xi32>
      %and3A_248 = arith.constant 65535 : i32
      %and3A_249 = vector.broadcast %and3A_248 : i32 to vector<16xi32>
      %and3A_250 = arith.andi %shift_right_logical3A_247, %and3A_249 : vector<16xi32>
      %swap3A_251 = arith.constant 96 : index
      %swap3A_252 = tpu.vector_load %arg9[%swap3A_251] {strides = array<i32>} : memref<1024xi32, #tpu.memory_space<vmem>>, vector<16xi32>,
      tpu.vector_store %arg9[%swap3A_251], %and3A_250 {strides = array<i32>} : memref<1024xi32, #tpu.memory_space<vmem>>, vector<16xi32>,
      %shift_right_logical3A_253 = arith.shrui %gather3A_246, %shift_left3A_234 : vector<16xi32>
      %and3A_254 = arith.constant 65535 : i32
      %and3A_255 = vector.broadcast %and3A_254 : i32 to vector<16xi32>
      %and3A_256 = arith.andi %shift_right_logical3A_253, %and3A_255 : vector<16xi32>
      %swap3A_257 = arith.constant 96 : index
      %swap3A_258 = tpu.vector_load %arg10[%swap3A_257] {strides = array<i32>} : memref<1024xi32, #tpu.memory_space<vmem>>, vector<16xi32>,
      tpu.vector_store %arg10[%swap3A_257], %and3A_256 {strides = array<i32>} : memref<1024xi32, #tpu.memory_space<vmem>>, vector<16xi32>,
      %add3A_259 = arith.constant 28 : i32
      %add3A_260 = vector.broadcast %add3A_259 : i32 to vector<16xi32>
      %add3A_261 = arith.addi %shift_right_logical3A_2, %add3A_260 : vector<16xi32>
      %gather3A_262 = tpu.vector_load_idx %arg8[%add3A_261] : memref<256xi32, #tpu.memory_space<vmem>>[vector<16xi32>], vector<16xi32>,
      %and3A_263 = arith.constant 1 : i32
      %and3A_264 = vector.broadcast %and3A_263 : i32 to vector<16xi32>
      %and3A_265 = arith.andi %gather3A_262, %and3A_264 : vector<16xi32>
      %shift_left3A_266 = arith.constant 4 : i32
      %shift_left3A_267 = vector.broadcast %shift_left3A_266 : i32 to vector<16xi32>
      %shift_left3A_268 = arith.shli %and3A_265, %shift_left3A_267 : vector<16xi32>
      %mul3A_269 = arith.constant 8 : i32
      %mul3A_270 = vector.broadcast %mul3A_269 : i32 to vector<16xi32>
      %mul3A_271 = arith.muli %add3A_261, %mul3A_270 : vector<16xi32>
      %mul3A_272 = arith.constant 2 : i32
      %mul3A_273 = vector.broadcast %mul3A_272 : i32 to vector<16xi32>
      %mul3A_274 = arith.muli %mul3A_273, %and3A_4 : vector<16xi32>
      %add3A_275 = arith.addi %mul3A_271, %mul3A_274 : vector<16xi32>
      %gather3A_276 = tpu.vector_load_idx %arg7[%add3A_275] : memref<2048xi32, #tpu.memory_space<vmem>>[vector<16xi32>], vector<16xi32>,
      %add3A_277 = arith.constant 1 : i32
      %add3A_278 = vector.broadcast %add3A_277 : i32 to vector<16xi32>
      %add3A_279 = arith.addi %add3A_275, %add3A_278 : vector<16xi32>
      %gather3A_280 = tpu.vector_load_idx %arg7[%add3A_279] : memref<2048xi32, #tpu.memory_space<vmem>>[vector<16xi32>], vector<16xi32>,
      %shift_right_logical3A_281 = arith.shrui %gather3A_276, %shift_left3A_268 : vector<16xi32>
      %and3A_282 = arith.constant 65535 : i32
      %and3A_283 = vector.broadcast %and3A_282 : i32 to vector<16xi32>
      %and3A_284 = arith.andi %shift_right_logical3A_281, %and3A_283 : vector<16xi32>
      %swap3A_285 = arith.constant 112 : index
      %swap3A_286 = tpu.vector_load %arg9[%swap3A_285] {strides = array<i32>} : memref<1024xi32, #tpu.memory_space<vmem>>, vector<16xi32>,
      tpu.vector_store %arg9[%swap3A_285], %and3A_284 {strides = array<i32>} : memref<1024xi32, #tpu.memory_space<vmem>>, vector<16xi32>,
      %shift_right_logical3A_287 = arith.shrui %gather3A_280, %shift_left3A_268 : vector<16xi32>
      %and3A_288 = arith.constant 65535 : i32
      %and3A_289 = vector.broadcast %and3A_288 : i32 to vector<16xi32>
      %and3A_290 = arith.andi %shift_right_logical3A_287, %and3A_289 : vector<16xi32>
      %swap3A_291 = arith.constant 112 : index
      %swap3A_292 = tpu.vector_load %arg10[%swap3A_291] {strides = array<i32>} : memref<1024xi32, #tpu.memory_space<vmem>>, vector<16xi32>,
      tpu.vector_store %arg10[%swap3A_291], %and3A_290 {strides = array<i32>} : memref<1024xi32, #tpu.memory_space<vmem>>, vector<16xi32>,
      %add3A_293 = arith.constant 32 : i32
      %add3A_294 = vector.broadcast %add3A_293 : i32 to vector<16xi32>
      %add3A_295 = arith.addi %shift_right_logical3A_2, %add3A_294 : vector<16xi32>
      %gather3A_296 = tpu.vector_load_idx %arg8[%add3A_295] : memref<256xi32, #tpu.memory_space<vmem>>[vector<16xi32>], vector<16xi32>,
      %and3A_297 = arith.constant 1 : i32
      %and3A_298 = vector.broadcast %and3A_297 : i32 to vector<16xi32>
      %and3A_299 = arith.andi %gather3A_296, %and3A_298 : vector<16xi32>
      %shift_left3A_300 = arith.constant 4 : i32
      %shift_left3A_301 = vector.broadcast %shift_left3A_300 : i32 to vector<16xi32>
      %shift_left3A_302 = arith.shli %and3A_299, %shift_left3A_301 : vector<16xi32>
      %mul3A_303 = arith.constant 8 : i32
      %mul3A_304 = vector.broadcast %mul3A_303 : i32 to vector<16xi32>
      %mul3A_305 = arith.muli %add3A_295, %mul3A_304 : vector<16xi32>
      %mul3A_306 = arith.constant 2 : i32
      %mul3A_307 = vector.broadcast %mul3A_306 : i32 to vector<16xi32>
      %mul3A_308 = arith.muli %mul3A_307, %and3A_4 : vector<16xi32>
      %add3A_309 = arith.addi %mul3A_305, %mul3A_308 : vector<16xi32>
      %gather3A_310 = tpu.vector_load_idx %arg7[%add3A_309] : memref<2048xi32, #tpu.memory_space<vmem>>[vector<16xi32>], vector<16xi32>,
      %add3A_311 = arith.constant 1 : i32
      %add3A_312 = vector.broadcast %add3A_311 : i32 to vector<16xi32>
      %add3A_313 = arith.addi %add3A_309, %add3A_312 : vector<16xi32>
      %gather3A_314 = tpu.vector_load_idx %arg7[%add3A_313] : memref<2048xi32, #tpu.memory_space<vmem>>[vector<16xi32>], vector<16xi32>,
      %shift_right_logical3A_315 = arith.shrui %gather3A_310, %shift_left3A_302 : vector<16xi32>
      %and3A_316 = arith.constant 65535 : i32
      %and3A_317 = vector.broadcast %and3A_316 : i32 to vector<16xi32>
      %and3A_318 = arith.andi %shift_right_logical3A_315, %and3A_317 : vector<16xi32>
      %swap3A_319 = arith.constant 128 : index
      %swap3A_320 = tpu.vector_load %arg9[%swap3A_319] {strides = array<i32>} : memref<1024xi32, #tpu.memory_space<vmem>>, vector<16xi32>,
      tpu.vector_store %arg9[%swap3A_319], %and3A_318 {strides = array<i32>} : memref<1024xi32, #tpu.memory_space<vmem>>, vector<16xi32>,
      %shift_right_logical3A_321 = arith.shrui %gather3A_314, %shift_left3A_302 : vector<16xi32>
      %and3A_322 = arith.constant 65535 : i32
      %and3A_323 = vector.broadcast %and3A_322 : i32 to vector<16xi32>
      %and3A_324 = arith.andi %shift_right_logical3A_321, %and3A_323 : vector<16xi32>
      %swap3A_325 = arith.constant 128 : index
      %swap3A_326 = tpu.vector_load %arg10[%swap3A_325] {strides = array<i32>} : memref<1024xi32, #tpu.memory_space<vmem>>, vector<16xi32>,
      tpu.vector_store %arg10[%swap3A_325], %and3A_324 {strides = array<i32>} : memref<1024xi32, #tpu.memory_space<vmem>>, vector<16xi32>,
      %add3A_327 = arith.constant 36 : i32
      %add3A_328 = vector.broadcast %add3A_327 : i32 to vector<16xi32>
      %add3A_329 = arith.addi %shift_right_logical3A_2, %add3A_328 : vector<16xi32>
      %gather3A_330 = tpu.vector_load_idx %arg8[%add3A_329] : memref<256xi32, #tpu.memory_space<vmem>>[vector<16xi32>], vector<16xi32>,
      %and3A_331 = arith.constant 1 : i32
      %and3A_332 = vector.broadcast %and3A_331 : i32 to vector<16xi32>
      %and3A_333 = arith.andi %gather3A_330, %and3A_332 : vector<16xi32>
      %shift_left3A_334 = arith.constant 4 : i32
      %shift_left3A_335 = vector.broadcast %shift_left3A_334 : i32 to vector<16xi32>
      %shift_left3A_336 = arith.shli %and3A_333, %shift_left3A_335 : vector<16xi32>
      %mul3A_337 = arith.constant 8 : i32
      %mul3A_338 = vector.broadcast %mul3A_337 : i32 to vector<16xi32>
      %mul3A_339 = arith.muli %add3A_329, %mul3A_338 : vector<16xi32>
      %mul3A_340 = arith.constant 2 : i32
      %mul3A_341 = vector.broadcast %mul3A_340 : i32 to vector<16xi32>
      %mul3A_342 = arith.muli %mul3A_341, %and3A_4 : vector<16xi32>
      %add3A_343 = arith.addi %mul3A_339, %mul3A_342 : vector<16xi32>
      %gather3A_344 = tpu.vector_load_idx %arg7[%add3A_343] : memref<2048xi32, #tpu.memory_space<vmem>>[vector<16xi32>], vector<16xi32>,
      %add3A_345 = arith.constant 1 : i32
      %add3A_346 = vector.broadcast %add3A_345 : i32 to vector<16xi32>
      %add3A_347 = arith.addi %add3A_343, %add3A_346 : vector<16xi32>
      %gather3A_348 = tpu.vector_load_idx %arg7[%add3A_347] : memref<2048xi32, #tpu.memory_space<vmem>>[vector<16xi32>], vector<16xi32>,
      %shift_right_logical3A_349 = arith.shrui %gather3A_344, %shift_left3A_336 : vector<16xi32>
      %and3A_350 = arith.constant 65535 : i32
      %and3A_351 = vector.broadcast %and3A_350 : i32 to vector<16xi32>
      %and3A_352 = arith.andi %shift_right_logical3A_349, %and3A_351 : vector<16xi32>
      %swap3A_353 = arith.constant 144 : index
      %swap3A_354 = tpu.vector_load %arg9[%swap3A_353] {strides = array<i32>} : memref<1024xi32, #tpu.memory_space<vmem>>, vector<16xi32>,
      tpu.vector_store %arg9[%swap3A_353], %and3A_352 {strides = array<i32>} : memref<1024xi32, #tpu.memory_space<vmem>>, vector<16xi32>,
      %shift_right_logical3A_355 = arith.shrui %gather3A_348, %shift_left3A_336 : vector<16xi32>
      %and3A_356 = arith.constant 65535 : i32
      %and3A_357 = vector.broadcast %and3A_356 : i32 to vector<16xi32>
      %and3A_358 = arith.andi %shift_right_logical3A_355, %and3A_357 : vector<16xi32>
      %swap3A_359 = arith.constant 144 : index
      %swap3A_360 = tpu.vector_load %arg10[%swap3A_359] {strides = array<i32>} : memref<1024xi32, #tpu.memory_space<vmem>>, vector<16xi32>,
      tpu.vector_store %arg10[%swap3A_359], %and3A_358 {strides = array<i32>} : memref<1024xi32, #tpu.memory_space<vmem>>, vector<16xi32>,
      %add3A_361 = arith.constant 40 : i32
      %add3A_362 = vector.broadcast %add3A_361 : i32 to vector<16xi32>
      %add3A_363 = arith.addi %shift_right_logical3A_2, %add3A_362 : vector<16xi32>
      %gather3A_364 = tpu.vector_load_idx %arg8[%add3A_363] : memref<256xi32, #tpu.memory_space<vmem>>[vector<16xi32>], vector<16xi32>,
      %and3A_365 = arith.constant 1 : i32
      %and3A_366 = vector.broadcast %and3A_365 : i32 to vector<16xi32>
      %and3A_367 = arith.andi %gather3A_364, %and3A_366 : vector<16xi32>
      %shift_left3A_368 = arith.constant 4 : i32
      %shift_left3A_369 = vector.broadcast %shift_left3A_368 : i32 to vector<16xi32>
      %shift_left3A_370 = arith.shli %and3A_367, %shift_left3A_369 : vector<16xi32>
      %mul3A_371 = arith.constant 8 : i32
      %mul3A_372 = vector.broadcast %mul3A_371 : i32 to vector<16xi32>
      %mul3A_373 = arith.muli %add3A_363, %mul3A_372 : vector<16xi32>
      %mul3A_374 = arith.constant 2 : i32
      %mul3A_375 = vector.broadcast %mul3A_374 : i32 to vector<16xi32>
      %mul3A_376 = arith.muli %mul3A_375, %and3A_4 : vector<16xi32>
      %add3A_377 = arith.addi %mul3A_373, %mul3A_376 : vector<16xi32>
      %gather3A_378 = tpu.vector_load_idx %arg7[%add3A_377] : memref<2048xi32, #tpu.memory_space<vmem>>[vector<16xi32>], vector<16xi32>,
      %add3A_379 = arith.constant 1 : i32
      %add3A_380 = vector.broadcast %add3A_379 : i32 to vector<16xi32>
      %add3A_381 = arith.addi %add3A_377, %add3A_380 : vector<16xi32>
      %gather3A_382 = tpu.vector_load_idx %arg7[%add3A_381] : memref<2048xi32, #tpu.memory_space<vmem>>[vector<16xi32>], vector<16xi32>,
      %shift_right_logical3A_383 = arith.shrui %gather3A_378, %shift_left3A_370 : vector<16xi32>
      %and3A_384 = arith.constant 65535 : i32
      %and3A_385 = vector.broadcast %and3A_384 : i32 to vector<16xi32>
      %and3A_386 = arith.andi %shift_right_logical3A_383, %and3A_385 : vector<16xi32>
      %swap3A_387 = arith.constant 160 : index
      %swap3A_388 = tpu.vector_load %arg9[%swap3A_387] {strides = array<i32>} : memref<1024xi32, #tpu.memory_space<vmem>>, vector<16xi32>,
      tpu.vector_store %arg9[%swap3A_387], %and3A_386 {strides = array<i32>} : memref<1024xi32, #tpu.memory_space<vmem>>, vector<16xi32>,
      %shift_right_logical3A_389 = arith.shrui %gather3A_382, %shift_left3A_370 : vector<16xi32>
      %and3A_390 = arith.constant 65535 : i32
      %and3A_391 = vector.broadcast %and3A_390 : i32 to vector<16xi32>
      %and3A_392 = arith.andi %shift_right_logical3A_389, %and3A_391 : vector<16xi32>
      %swap3A_393 = arith.constant 160 : index
      %swap3A_394 = tpu.vector_load %arg10[%swap3A_393] {strides = array<i32>} : memref<1024xi32, #tpu.memory_space<vmem>>, vector<16xi32>,
      tpu.vector_store %arg10[%swap3A_393], %and3A_392 {strides = array<i32>} : memref<1024xi32, #tpu.memory_space<vmem>>, vector<16xi32>,
      %add3A_395 = arith.constant 44 : i32
      %add3A_396 = vector.broadcast %add3A_395 : i32 to vector<16xi32>
      %add3A_397 = arith.addi %shift_right_logical3A_2, %add3A_396 : vector<16xi32>
      %gather3A_398 = tpu.vector_load_idx %arg8[%add3A_397] : memref<256xi32, #tpu.memory_space<vmem>>[vector<16xi32>], vector<16xi32>,
      %and3A_399 = arith.constant 1 : i32
      %and3A_400 = vector.broadcast %and3A_399 : i32 to vector<16xi32>
      %and3A_401 = arith.andi %gather3A_398, %and3A_400 : vector<16xi32>
      %shift_left3A_402 = arith.constant 4 : i32
      %shift_left3A_403 = vector.broadcast %shift_left3A_402 : i32 to vector<16xi32>
      %shift_left3A_404 = arith.shli %and3A_401, %shift_left3A_403 : vector<16xi32>
      %mul3A_405 = arith.constant 8 : i32
      %mul3A_406 = vector.broadcast %mul3A_405 : i32 to vector<16xi32>
      %mul3A_407 = arith.muli %add3A_397, %mul3A_406 : vector<16xi32>
      %mul3A_408 = arith.constant 2 : i32
      %mul3A_409 = vector.broadcast %mul3A_408 : i32 to vector<16xi32>
      %mul3A_410 = arith.muli %mul3A_409, %and3A_4 : vector<16xi32>
      %add3A_411 = arith.addi %mul3A_407, %mul3A_410 : vector<16xi32>
      %gather3A_412 = tpu.vector_load_idx %arg7[%add3A_411] : memref<2048xi32, #tpu.memory_space<vmem>>[vector<16xi32>], vector<16xi32>,
      %add3A_413 = arith.constant 1 : i32
      %add3A_414 = vector.broadcast %add3A_413 : i32 to vector<16xi32>
      %add3A_415 = arith.addi %add3A_411, %add3A_414 : vector<16xi32>
      %gather3A_416 = tpu.vector_load_idx %arg7[%add3A_415] : memref<2048xi32, #tpu.memory_space<vmem>>[vector<16xi32>], vector<16xi32>,
      %shift_right_logical3A_417 = arith.shrui %gather3A_412, %shift_left3A_404 : vector<16xi32>
      %and3A_418 = arith.constant 65535 : i32
      %and3A_419 = vector.broadcast %and3A_418 : i32 to vector<16xi32>
      %and3A_420 = arith.andi %shift_right_logical3A_417, %and3A_419 : vector<16xi32>
      %swap3A_421 = arith.constant 176 : index
      %swap3A_422 = tpu.vector_load %arg9[%swap3A_421] {strides = array<i32>} : memref<1024xi32, #tpu.memory_space<vmem>>, vector<16xi32>,
      tpu.vector_store %arg9[%swap3A_421], %and3A_420 {strides = array<i32>} : memref<1024xi32, #tpu.memory_space<vmem>>, vector<16xi32>,
      %shift_right_logical3A_423 = arith.shrui %gather3A_416, %shift_left3A_404 : vector<16xi32>
      %and3A_424 = arith.constant 65535 : i32
      %and3A_425 = vector.broadcast %and3A_424 : i32 to vector<16xi32>
      %and3A_426 = arith.andi %shift_right_logical3A_423, %and3A_425 : vector<16xi32>
      %swap3A_427 = arith.constant 176 : index
      %swap3A_428 = tpu.vector_load %arg10[%swap3A_427] {strides = array<i32>} : memref<1024xi32, #tpu.memory_space<vmem>>, vector<16xi32>,
      tpu.vector_store %arg10[%swap3A_427], %and3A_426 {strides = array<i32>} : memref<1024xi32, #tpu.memory_space<vmem>>, vector<16xi32>,
      %add3A_429 = arith.constant 48 : i32
      %add3A_430 = vector.broadcast %add3A_429 : i32 to vector<16xi32>
      %add3A_431 = arith.addi %shift_right_logical3A_2, %add3A_430 : vector<16xi32>
      %gather3A_432 = tpu.vector_load_idx %arg8[%add3A_431] : memref<256xi32, #tpu.memory_space<vmem>>[vector<16xi32>], vector<16xi32>,
      %and3A_433 = arith.constant 1 : i32
      %and3A_434 = vector.broadcast %and3A_433 : i32 to vector<16xi32>
      %and3A_435 = arith.andi %gather3A_432, %and3A_434 : vector<16xi32>
      %shift_left3A_436 = arith.constant 4 : i32
      %shift_left3A_437 = vector.broadcast %shift_left3A_436 : i32 to vector<16xi32>
      %shift_left3A_438 = arith.shli %and3A_435, %shift_left3A_437 : vector<16xi32>
      %mul3A_439 = arith.constant 8 : i32
      %mul3A_440 = vector.broadcast %mul3A_439 : i32 to vector<16xi32>
      %mul3A_441 = arith.muli %add3A_431, %mul3A_440 : vector<16xi32>
      %mul3A_442 = arith.constant 2 : i32
      %mul3A_443 = vector.broadcast %mul3A_442 : i32 to vector<16xi32>
      %mul3A_444 = arith.muli %mul3A_443, %and3A_4 : vector<16xi32>
      %add3A_445 = arith.addi %mul3A_441, %mul3A_444 : vector<16xi32>
      %gather3A_446 = tpu.vector_load_idx %arg7[%add3A_445] : memref<2048xi32, #tpu.memory_space<vmem>>[vector<16xi32>], vector<16xi32>,
      %add3A_447 = arith.constant 1 : i32
      %add3A_448 = vector.broadcast %add3A_447 : i32 to vector<16xi32>
      %add3A_449 = arith.addi %add3A_445, %add3A_448 : vector<16xi32>
      %gather3A_450 = tpu.vector_load_idx %arg7[%add3A_449] : memref<2048xi32, #tpu.memory_space<vmem>>[vector<16xi32>], vector<16xi32>,
      %shift_right_logical3A_451 = arith.shrui %gather3A_446, %shift_left3A_438 : vector<16xi32>
      %and3A_452 = arith.constant 65535 : i32
      %and3A_453 = vector.broadcast %and3A_452 : i32 to vector<16xi32>
      %and3A_454 = arith.andi %shift_right_logical3A_451, %and3A_453 : vector<16xi32>
      %swap3A_455 = arith.constant 192 : index
      %swap3A_456 = tpu.vector_load %arg9[%swap3A_455] {strides = array<i32>} : memref<1024xi32, #tpu.memory_space<vmem>>, vector<16xi32>,
      tpu.vector_store %arg9[%swap3A_455], %and3A_454 {strides = array<i32>} : memref<1024xi32, #tpu.memory_space<vmem>>, vector<16xi32>,
      %shift_right_logical3A_457 = arith.shrui %gather3A_450, %shift_left3A_438 : vector<16xi32>
      %and3A_458 = arith.constant 65535 : i32
      %and3A_459 = vector.broadcast %and3A_458 : i32 to vector<16xi32>
      %and3A_460 = arith.andi %shift_right_logical3A_457, %and3A_459 : vector<16xi32>
      %swap3A_461 = arith.constant 192 : index
      %swap3A_462 = tpu.vector_load %arg10[%swap3A_461] {strides = array<i32>} : memref<1024xi32, #tpu.memory_space<vmem>>, vector<16xi32>,
      tpu.vector_store %arg10[%swap3A_461], %and3A_460 {strides = array<i32>} : memref<1024xi32, #tpu.memory_space<vmem>>, vector<16xi32>,
      %add3A_463 = arith.constant 52 : i32
      %add3A_464 = vector.broadcast %add3A_463 : i32 to vector<16xi32>
      %add3A_465 = arith.addi %shift_right_logical3A_2, %add3A_464 : vector<16xi32>
      %gather3A_466 = tpu.vector_load_idx %arg8[%add3A_465] : memref<256xi32, #tpu.memory_space<vmem>>[vector<16xi32>], vector<16xi32>,
      %and3A_467 = arith.constant 1 : i32
      %and3A_468 = vector.broadcast %and3A_467 : i32 to vector<16xi32>
      %and3A_469 = arith.andi %gather3A_466, %and3A_468 : vector<16xi32>
      %shift_left3A_470 = arith.constant 4 : i32
      %shift_left3A_471 = vector.broadcast %shift_left3A_470 : i32 to vector<16xi32>
      %shift_left3A_472 = arith.shli %and3A_469, %shift_left3A_471 : vector<16xi32>
      %mul3A_473 = arith.constant 8 : i32
      %mul3A_474 = vector.broadcast %mul3A_473 : i32 to vector<16xi32>
      %mul3A_475 = arith.muli %add3A_465, %mul3A_474 : vector<16xi32>
      %mul3A_476 = arith.constant 2 : i32
      %mul3A_477 = vector.broadcast %mul3A_476 : i32 to vector<16xi32>
      %mul3A_478 = arith.muli %mul3A_477, %and3A_4 : vector<16xi32>
      %add3A_479 = arith.addi %mul3A_475, %mul3A_478 : vector<16xi32>
      %gather3A_480 = tpu.vector_load_idx %arg7[%add3A_479] : memref<2048xi32, #tpu.memory_space<vmem>>[vector<16xi32>], vector<16xi32>,
      %add3A_481 = arith.constant 1 : i32
      %add3A_482 = vector.broadcast %add3A_481 : i32 to vector<16xi32>
      %add3A_483 = arith.addi %add3A_479, %add3A_482 : vector<16xi32>
      %gather3A_484 = tpu.vector_load_idx %arg7[%add3A_483] : memref<2048xi32, #tpu.memory_space<vmem>>[vector<16xi32>], vector<16xi32>,
      %shift_right_logical3A_485 = arith.shrui %gather3A_480, %shift_left3A_472 : vector<16xi32>
      %and3A_486 = arith.constant 65535 : i32
      %and3A_487 = vector.broadcast %and3A_486 : i32 to vector<16xi32>
      %and3A_488 = arith.andi %shift_right_logical3A_485, %and3A_487 : vector<16xi32>
      %swap3A_489 = arith.constant 208 : index
      %swap3A_490 = tpu.vector_load %arg9[%swap3A_489] {strides = array<i32>} : memref<1024xi32, #tpu.memory_space<vmem>>, vector<16xi32>,
      tpu.vector_store %arg9[%swap3A_489], %and3A_488 {strides = array<i32>} : memref<1024xi32, #tpu.memory_space<vmem>>, vector<16xi32>,
      %shift_right_logical3A_491 = arith.shrui %gather3A_484, %shift_left3A_472 : vector<16xi32>
      %and3A_492 = arith.constant 65535 : i32
      %and3A_493 = vector.broadcast %and3A_492 : i32 to vector<16xi32>
      %and3A_494 = arith.andi %shift_right_logical3A_491, %and3A_493 : vector<16xi32>
      %swap3A_495 = arith.constant 208 : index
      %swap3A_496 = tpu.vector_load %arg10[%swap3A_495] {strides = array<i32>} : memref<1024xi32, #tpu.memory_space<vmem>>, vector<16xi32>,
      tpu.vector_store %arg10[%swap3A_495], %and3A_494 {strides = array<i32>} : memref<1024xi32, #tpu.memory_space<vmem>>, vector<16xi32>,
      %add3A_497 = arith.constant 56 : i32
      %add3A_498 = vector.broadcast %add3A_497 : i32 to vector<16xi32>
      %add3A_499 = arith.addi %shift_right_logical3A_2, %add3A_498 : vector<16xi32>
      %gather3A_500 = tpu.vector_load_idx %arg8[%add3A_499] : memref<256xi32, #tpu.memory_space<vmem>>[vector<16xi32>], vector<16xi32>,
      %and3A_501 = arith.constant 1 : i32
      %and3A_502 = vector.broadcast %and3A_501 : i32 to vector<16xi32>
      %and3A_503 = arith.andi %gather3A_500, %and3A_502 : vector<16xi32>
      %shift_left3A_504 = arith.constant 4 : i32
      %shift_left3A_505 = vector.broadcast %shift_left3A_504 : i32 to vector<16xi32>
      %shift_left3A_506 = arith.shli %and3A_503, %shift_left3A_505 : vector<16xi32>
      %mul3A_507 = arith.constant 8 : i32
      %mul3A_508 = vector.broadcast %mul3A_507 : i32 to vector<16xi32>
      %mul3A_509 = arith.muli %add3A_499, %mul3A_508 : vector<16xi32>
      %mul3A_510 = arith.constant 2 : i32
      %mul3A_511 = vector.broadcast %mul3A_510 : i32 to vector<16xi32>
      %mul3A_512 = arith.muli %mul3A_511, %and3A_4 : vector<16xi32>
      %add3A_513 = arith.addi %mul3A_509, %mul3A_512 : vector<16xi32>
      %gather3A_514 = tpu.vector_load_idx %arg7[%add3A_513] : memref<2048xi32, #tpu.memory_space<vmem>>[vector<16xi32>], vector<16xi32>,
      %add3A_515 = arith.constant 1 : i32
      %add3A_516 = vector.broadcast %add3A_515 : i32 to vector<16xi32>
      %add3A_517 = arith.addi %add3A_513, %add3A_516 : vector<16xi32>
      %gather3A_518 = tpu.vector_load_idx %arg7[%add3A_517] : memref<2048xi32, #tpu.memory_space<vmem>>[vector<16xi32>], vector<16xi32>,
      %shift_right_logical3A_519 = arith.shrui %gather3A_514, %shift_left3A_506 : vector<16xi32>
      %and3A_520 = arith.constant 65535 : i32
      %and3A_521 = vector.broadcast %and3A_520 : i32 to vector<16xi32>
      %and3A_522 = arith.andi %shift_right_logical3A_519, %and3A_521 : vector<16xi32>
      %swap3A_523 = arith.constant 224 : index
      %swap3A_524 = tpu.vector_load %arg9[%swap3A_523] {strides = array<i32>} : memref<1024xi32, #tpu.memory_space<vmem>>, vector<16xi32>,
      tpu.vector_store %arg9[%swap3A_523], %and3A_522 {strides = array<i32>} : memref<1024xi32, #tpu.memory_space<vmem>>, vector<16xi32>,
      %shift_right_logical3A_525 = arith.shrui %gather3A_518, %shift_left3A_506 : vector<16xi32>
      %and3A_526 = arith.constant 65535 : i32
      %and3A_527 = vector.broadcast %and3A_526 : i32 to vector<16xi32>
      %and3A_528 = arith.andi %shift_right_logical3A_525, %and3A_527 : vector<16xi32>
      %swap3A_529 = arith.constant 224 : index
      %swap3A_530 = tpu.vector_load %arg10[%swap3A_529] {strides = array<i32>} : memref<1024xi32, #tpu.memory_space<vmem>>, vector<16xi32>,
      tpu.vector_store %arg10[%swap3A_529], %and3A_528 {strides = array<i32>} : memref<1024xi32, #tpu.memory_space<vmem>>, vector<16xi32>,
      %add3A_531 = arith.constant 60 : i32
      %add3A_532 = vector.broadcast %add3A_531 : i32 to vector<16xi32>
      %add3A_533 = arith.addi %shift_right_logical3A_2, %add3A_532 : vector<16xi32>
      %gather3A_534 = tpu.vector_load_idx %arg8[%add3A_533] : memref<256xi32, #tpu.memory_space<vmem>>[vector<16xi32>], vector<16xi32>,
      %and3A_535 = arith.constant 1 : i32
      %and3A_536 = vector.broadcast %and3A_535 : i32 to vector<16xi32>
      %and3A_537 = arith.andi %gather3A_534, %and3A_536 : vector<16xi32>
      %shift_left3A_538 = arith.constant 4 : i32
      %shift_left3A_539 = vector.broadcast %shift_left3A_538 : i32 to vector<16xi32>
      %shift_left3A_540 = arith.shli %and3A_537, %shift_left3A_539 : vector<16xi32>
      %mul3A_541 = arith.constant 8 : i32
      %mul3A_542 = vector.broadcast %mul3A_541 : i32 to vector<16xi32>
      %mul3A_543 = arith.muli %add3A_533, %mul3A_542 : vector<16xi32>
      %mul3A_544 = arith.constant 2 : i32
      %mul3A_545 = vector.broadcast %mul3A_544 : i32 to vector<16xi32>
      %mul3A_546 = arith.muli %mul3A_545, %and3A_4 : vector<16xi32>
      %add3A_547 = arith.addi %mul3A_543, %mul3A_546 : vector<16xi32>
      %gather3A_548 = tpu.vector_load_idx %arg7[%add3A_547] : memref<2048xi32, #tpu.memory_space<vmem>>[vector<16xi32>], vector<16xi32>,
      %add3A_549 = arith.constant 1 : i32
      %add3A_550 = vector.broadcast %add3A_549 : i32 to vector<16xi32>
      %add3A_551 = arith.addi %add3A_547, %add3A_550 : vector<16xi32>
      %gather3A_552 = tpu.vector_load_idx %arg7[%add3A_551] : memref<2048xi32, #tpu.memory_space<vmem>>[vector<16xi32>], vector<16xi32>,
      %shift_right_logical3A_553 = arith.shrui %gather3A_548, %shift_left3A_540 : vector<16xi32>
      %and3A_554 = arith.constant 65535 : i32
      %and3A_555 = vector.broadcast %and3A_554 : i32 to vector<16xi32>
      %and3A_556 = arith.andi %shift_right_logical3A_553, %and3A_555 : vector<16xi32>
      %swap3A_557 = arith.constant 240 : index
      %swap3A_558 = tpu.vector_load %arg9[%swap3A_557] {strides = array<i32>} : memref<1024xi32, #tpu.memory_space<vmem>>, vector<16xi32>,
      tpu.vector_store %arg9[%swap3A_557], %and3A_556 {strides = array<i32>} : memref<1024xi32, #tpu.memory_space<vmem>>, vector<16xi32>,
      %shift_right_logical3A_559 = arith.shrui %gather3A_552, %shift_left3A_540 : vector<16xi32>
      %and3A_560 = arith.constant 65535 : i32
      %and3A_561 = vector.broadcast %and3A_560 : i32 to vector<16xi32>
      %and3A_562 = arith.andi %shift_right_logical3A_559, %and3A_561 : vector<16xi32>
      %swap3A_563 = arith.constant 240 : index
      %swap3A_564 = tpu.vector_load %arg10[%swap3A_563] {strides = array<i32>} : memref<1024xi32, #tpu.memory_space<vmem>>, vector<16xi32>,
      tpu.vector_store %arg10[%swap3A_563], %and3A_562 {strides = array<i32>} : memref<1024xi32, #tpu.memory_space<vmem>>, vector<16xi32>,
      %add3A_565 = arith.constant 64 : i32
      %add3A_566 = vector.broadcast %add3A_565 : i32 to vector<16xi32>
      %add3A_567 = arith.addi %shift_right_logical3A_2, %add3A_566 : vector<16xi32>
      %gather3A_568 = tpu.vector_load_idx %arg8[%add3A_567] : memref<256xi32, #tpu.memory_space<vmem>>[vector<16xi32>], vector<16xi32>,
      %and3A_569 = arith.constant 1 : i32
      %and3A_570 = vector.broadcast %and3A_569 : i32 to vector<16xi32>
      %and3A_571 = arith.andi %gather3A_568, %and3A_570 : vector<16xi32>
      %shift_left3A_572 = arith.constant 4 : i32
      %shift_left3A_573 = vector.broadcast %shift_left3A_572 : i32 to vector<16xi32>
      %shift_left3A_574 = arith.shli %and3A_571, %shift_left3A_573 : vector<16xi32>
      %mul3A_575 = arith.constant 8 : i32
      %mul3A_576 = vector.broadcast %mul3A_575 : i32 to vector<16xi32>
      %mul3A_577 = arith.muli %add3A_567, %mul3A_576 : vector<16xi32>
      %mul3A_578 = arith.constant 2 : i32
      %mul3A_579 = vector.broadcast %mul3A_578 : i32 to vector<16xi32>
      %mul3A_580 = arith.muli %mul3A_579, %and3A_4 : vector<16xi32>
      %add3A_581 = arith.addi %mul3A_577, %mul3A_580 : vector<16xi32>
      %gather3A_582 = tpu.vector_load_idx %arg7[%add3A_581] : memref<2048xi32, #tpu.memory_space<vmem>>[vector<16xi32>], vector<16xi32>,
      %add3A_583 = arith.constant 1 : i32
      %add3A_584 = vector.broadcast %add3A_583 : i32 to vector<16xi32>
      %add3A_585 = arith.addi %add3A_581, %add3A_584 : vector<16xi32>
      %gather3A_586 = tpu.vector_load_idx %arg7[%add3A_585] : memref<2048xi32, #tpu.memory_space<vmem>>[vector<16xi32>], vector<16xi32>,
      %shift_right_logical3A_587 = arith.shrui %gather3A_582, %shift_left3A_574 : vector<16xi32>
      %and3A_588 = arith.constant 65535 : i32
      %and3A_589 = vector.broadcast %and3A_588 : i32 to vector<16xi32>
      %and3A_590 = arith.andi %shift_right_logical3A_587, %and3A_589 : vector<16xi32>
      %swap3A_591 = arith.constant 256 : index
      %swap3A_592 = tpu.vector_load %arg9[%swap3A_591] {strides = array<i32>} : memref<1024xi32, #tpu.memory_space<vmem>>, vector<16xi32>,
      tpu.vector_store %arg9[%swap3A_591], %and3A_590 {strides = array<i32>} : memref<1024xi32, #tpu.memory_space<vmem>>, vector<16xi32>,
      %shift_right_logical3A_593 = arith.shrui %gather3A_586, %shift_left3A_574 : vector<16xi32>
      %and3A_594 = arith.constant 65535 : i32
      %and3A_595 = vector.broadcast %and3A_594 : i32 to vector<16xi32>
      %and3A_596 = arith.andi %shift_right_logical3A_593, %and3A_595 : vector<16xi32>
      %swap3A_597 = arith.constant 256 : index
      %swap3A_598 = tpu.vector_load %arg10[%swap3A_597] {strides = array<i32>} : memref<1024xi32, #tpu.memory_space<vmem>>, vector<16xi32>,
      tpu.vector_store %arg10[%swap3A_597], %and3A_596 {strides = array<i32>} : memref<1024xi32, #tpu.memory_space<vmem>>, vector<16xi32>,
      %add3A_599 = arith.constant 68 : i32
      %add3A_600 = vector.broadcast %add3A_599 : i32 to vector<16xi32>
      %add3A_601 = arith.addi %shift_right_logical3A_2, %add3A_600 : vector<16xi32>
      %gather3A_602 = tpu.vector_load_idx %arg8[%add3A_601] : memref<256xi32, #tpu.memory_space<vmem>>[vector<16xi32>], vector<16xi32>,
      %and3A_603 = arith.constant 1 : i32
      %and3A_604 = vector.broadcast %and3A_603 : i32 to vector<16xi32>
      %and3A_605 = arith.andi %gather3A_602, %and3A_604 : vector<16xi32>
      %shift_left3A_606 = arith.constant 4 : i32
      %shift_left3A_607 = vector.broadcast %shift_left3A_606 : i32 to vector<16xi32>
      %shift_left3A_608 = arith.shli %and3A_605, %shift_left3A_607 : vector<16xi32>
      %mul3A_609 = arith.constant 8 : i32
      %mul3A_610 = vector.broadcast %mul3A_609 : i32 to vector<16xi32>
      %mul3A_611 = arith.muli %add3A_601, %mul3A_610 : vector<16xi32>
      %mul3A_612 = arith.constant 2 : i32
      %mul3A_613 = vector.broadcast %mul3A_612 : i32 to vector<16xi32>
      %mul3A_614 = arith.muli %mul3A_613, %and3A_4 : vector<16xi32>
      %add3A_615 = arith.addi %mul3A_611, %mul3A_614 : vector<16xi32>
      %gather3A_616 = tpu.vector_load_idx %arg7[%add3A_615] : memref<2048xi32, #tpu.memory_space<vmem>>[vector<16xi32>], vector<16xi32>,
      %add3A_617 = arith.constant 1 : i32
      %add3A_618 = vector.broadcast %add3A_617 : i32 to vector<16xi32>
      %add3A_619 = arith.addi %add3A_615, %add3A_618 : vector<16xi32>
      %gather3A_620 = tpu.vector_load_idx %arg7[%add3A_619] : memref<2048xi32, #tpu.memory_space<vmem>>[vector<16xi32>], vector<16xi32>,
      %shift_right_logical3A_621 = arith.shrui %gather3A_616, %shift_left3A_608 : vector<16xi32>
      %and3A_622 = arith.constant 65535 : i32
      %and3A_623 = vector.broadcast %and3A_622 : i32 to vector<16xi32>
      %and3A_624 = arith.andi %shift_right_logical3A_621, %and3A_623 : vector<16xi32>
      %swap3A_625 = arith.constant 272 : index
      %swap3A_626 = tpu.vector_load %arg9[%swap3A_625] {strides = array<i32>} : memref<1024xi32, #tpu.memory_space<vmem>>, vector<16xi32>,
      tpu.vector_store %arg9[%swap3A_625], %and3A_624 {strides = array<i32>} : memref<1024xi32, #tpu.memory_space<vmem>>, vector<16xi32>,
      %shift_right_logical3A_627 = arith.shrui %gather3A_620, %shift_left3A_608 : vector<16xi32>
      %and3A_628 = arith.constant 65535 : i32
      %and3A_629 = vector.broadcast %and3A_628 : i32 to vector<16xi32>
      %and3A_630 = arith.andi %shift_right_logical3A_627, %and3A_629 : vector<16xi32>
      %swap3A_631 = arith.constant 272 : index
      %swap3A_632 = tpu.vector_load %arg10[%swap3A_631] {strides = array<i32>} : memref<1024xi32, #tpu.memory_space<vmem>>, vector<16xi32>,
      tpu.vector_store %arg10[%swap3A_631], %and3A_630 {strides = array<i32>} : memref<1024xi32, #tpu.memory_space<vmem>>, vector<16xi32>,
      %add3A_633 = arith.constant 72 : i32
      %add3A_634 = vector.broadcast %add3A_633 : i32 to vector<16xi32>
      %add3A_635 = arith.addi %shift_right_logical3A_2, %add3A_634 : vector<16xi32>
      %gather3A_636 = tpu.vector_load_idx %arg8[%add3A_635] : memref<256xi32, #tpu.memory_space<vmem>>[vector<16xi32>], vector<16xi32>,
      %and3A_637 = arith.constant 1 : i32
      %and3A_638 = vector.broadcast %and3A_637 : i32 to vector<16xi32>
      %and3A_639 = arith.andi %gather3A_636, %and3A_638 : vector<16xi32>
      %shift_left3A_640 = arith.constant 4 : i32
      %shift_left3A_641 = vector.broadcast %shift_left3A_640 : i32 to vector<16xi32>
      %shift_left3A_642 = arith.shli %and3A_639, %shift_left3A_641 : vector<16xi32>
      %mul3A_643 = arith.constant 8 : i32
      %mul3A_644 = vector.broadcast %mul3A_643 : i32 to vector<16xi32>
      %mul3A_645 = arith.muli %add3A_635, %mul3A_644 : vector<16xi32>
      %mul3A_646 = arith.constant 2 : i32
      %mul3A_647 = vector.broadcast %mul3A_646 : i32 to vector<16xi32>
      %mul3A_648 = arith.muli %mul3A_647, %and3A_4 : vector<16xi32>
      %add3A_649 = arith.addi %mul3A_645, %mul3A_648 : vector<16xi32>
      %gather3A_650 = tpu.vector_load_idx %arg7[%add3A_649] : memref<2048xi32, #tpu.memory_space<vmem>>[vector<16xi32>], vector<16xi32>,
      %add3A_651 = arith.constant 1 : i32
      %add3A_652 = vector.broadcast %add3A_651 : i32 to vector<16xi32>
      %add3A_653 = arith.addi %add3A_649, %add3A_652 : vector<16xi32>
      %gather3A_654 = tpu.vector_load_idx %arg7[%add3A_653] : memref<2048xi32, #tpu.memory_space<vmem>>[vector<16xi32>], vector<16xi32>,
      %shift_right_logical3A_655 = arith.shrui %gather3A_650, %shift_left3A_642 : vector<16xi32>
      %and3A_656 = arith.constant 65535 : i32
      %and3A_657 = vector.broadcast %and3A_656 : i32 to vector<16xi32>
      %and3A_658 = arith.andi %shift_right_logical3A_655, %and3A_657 : vector<16xi32>
      %swap3A_659 = arith.constant 288 : index
      %swap3A_660 = tpu.vector_load %arg9[%swap3A_659] {strides = array<i32>} : memref<1024xi32, #tpu.memory_space<vmem>>, vector<16xi32>,
      tpu.vector_store %arg9[%swap3A_659], %and3A_658 {strides = array<i32>} : memref<1024xi32, #tpu.memory_space<vmem>>, vector<16xi32>,
      %shift_right_logical3A_661 = arith.shrui %gather3A_654, %shift_left3A_642 : vector<16xi32>
      %and3A_662 = arith.constant 65535 : i32
      %and3A_663 = vector.broadcast %and3A_662 : i32 to vector<16xi32>
      %and3A_664 = arith.andi %shift_right_logical3A_661, %and3A_663 : vector<16xi32>
      %swap3A_665 = arith.constant 288 : index
      %swap3A_666 = tpu.vector_load %arg10[%swap3A_665] {strides = array<i32>} : memref<1024xi32, #tpu.memory_space<vmem>>, vector<16xi32>,
      tpu.vector_store %arg10[%swap3A_665], %and3A_664 {strides = array<i32>} : memref<1024xi32, #tpu.memory_space<vmem>>, vector<16xi32>,
      %add3A_667 = arith.constant 76 : i32
      %add3A_668 = vector.broadcast %add3A_667 : i32 to vector<16xi32>
      %add3A_669 = arith.addi %shift_right_logical3A_2, %add3A_668 : vector<16xi32>
      %gather3A_670 = tpu.vector_load_idx %arg8[%add3A_669] : memref<256xi32, #tpu.memory_space<vmem>>[vector<16xi32>], vector<16xi32>,
      %and3A_671 = arith.constant 1 : i32
      %and3A_672 = vector.broadcast %and3A_671 : i32 to vector<16xi32>
      %and3A_673 = arith.andi %gather3A_670, %and3A_672 : vector<16xi32>
      %shift_left3A_674 = arith.constant 4 : i32
      %shift_left3A_675 = vector.broadcast %shift_left3A_674 : i32 to vector<16xi32>
      %shift_left3A_676 = arith.shli %and3A_673, %shift_left3A_675 : vector<16xi32>
      %mul3A_677 = arith.constant 8 : i32
      %mul3A_678 = vector.broadcast %mul3A_677 : i32 to vector<16xi32>
      %mul3A_679 = arith.muli %add3A_669, %mul3A_678 : vector<16xi32>
      %mul3A_680 = arith.constant 2 : i32
      %mul3A_681 = vector.broadcast %mul3A_680 : i32 to vector<16xi32>
      %mul3A_682 = arith.muli %mul3A_681, %and3A_4 : vector<16xi32>
      %add3A_683 = arith.addi %mul3A_679, %mul3A_682 : vector<16xi32>
      %gather3A_684 = tpu.vector_load_idx %arg7[%add3A_683] : memref<2048xi32, #tpu.memory_space<vmem>>[vector<16xi32>], vector<16xi32>,
      %add3A_685 = arith.constant 1 : i32
      %add3A_686 = vector.broadcast %add3A_685 : i32 to vector<16xi32>
      %add3A_687 = arith.addi %add3A_683, %add3A_686 : vector<16xi32>
      %gather3A_688 = tpu.vector_load_idx %arg7[%add3A_687] : memref<2048xi32, #tpu.memory_space<vmem>>[vector<16xi32>], vector<16xi32>,
      %shift_right_logical3A_689 = arith.shrui %gather3A_684, %shift_left3A_676 : vector<16xi32>
      %and3A_690 = arith.constant 65535 : i32
      %and3A_691 = vector.broadcast %and3A_690 : i32 to vector<16xi32>
      %and3A_692 = arith.andi %shift_right_logical3A_689, %and3A_691 : vector<16xi32>
      %swap3A_693 = arith.constant 304 : index
      %swap3A_694 = tpu.vector_load %arg9[%swap3A_693] {strides = array<i32>} : memref<1024xi32, #tpu.memory_space<vmem>>, vector<16xi32>,
      tpu.vector_store %arg9[%swap3A_693], %and3A_692 {strides = array<i32>} : memref<1024xi32, #tpu.memory_space<vmem>>, vector<16xi32>,
      %shift_right_logical3A_695 = arith.shrui %gather3A_688, %shift_left3A_676 : vector<16xi32>
      %and3A_696 = arith.constant 65535 : i32
      %and3A_697 = vector.broadcast %and3A_696 : i32 to vector<16xi32>
      %and3A_698 = arith.andi %shift_right_logical3A_695, %and3A_697 : vector<16xi32>
      %swap3A_699 = arith.constant 304 : index
      %swap3A_700 = tpu.vector_load %arg10[%swap3A_699] {strides = array<i32>} : memref<1024xi32, #tpu.memory_space<vmem>>, vector<16xi32>,
      tpu.vector_store %arg10[%swap3A_699], %and3A_698 {strides = array<i32>} : memref<1024xi32, #tpu.memory_space<vmem>>, vector<16xi32>,
      %add3A_701 = arith.constant 80 : i32
      %add3A_702 = vector.broadcast %add3A_701 : i32 to vector<16xi32>
      %add3A_703 = arith.addi %shift_right_logical3A_2, %add3A_702 : vector<16xi32>
      %gather3A_704 = tpu.vector_load_idx %arg8[%add3A_703] : memref<256xi32, #tpu.memory_space<vmem>>[vector<16xi32>], vector<16xi32>,
      %and3A_705 = arith.constant 1 : i32
      %and3A_706 = vector.broadcast %and3A_705 : i32 to vector<16xi32>
      %and3A_707 = arith.andi %gather3A_704, %and3A_706 : vector<16xi32>
      %shift_left3A_708 = arith.constant 4 : i32
      %shift_left3A_709 = vector.broadcast %shift_left3A_708 : i32 to vector<16xi32>
      %shift_left3A_710 = arith.shli %and3A_707, %shift_left3A_709 : vector<16xi32>
      %mul3A_711 = arith.constant 8 : i32
      %mul3A_712 = vector.broadcast %mul3A_711 : i32 to vector<16xi32>
      %mul3A_713 = arith.muli %add3A_703, %mul3A_712 : vector<16xi32>
      %mul3A_714 = arith.constant 2 : i32
      %mul3A_715 = vector.broadcast %mul3A_714 : i32 to vector<16xi32>
      %mul3A_716 = arith.muli %mul3A_715, %and3A_4 : vector<16xi32>
      %add3A_717 = arith.addi %mul3A_713, %mul3A_716 : vector<16xi32>
      %gather3A_718 = tpu.vector_load_idx %arg7[%add3A_717] : memref<2048xi32, #tpu.memory_space<vmem>>[vector<16xi32>], vector<16xi32>,
      %add3A_719 = arith.constant 1 : i32
      %add3A_720 = vector.broadcast %add3A_719 : i32 to vector<16xi32>
      %add3A_721 = arith.addi %add3A_717, %add3A_720 : vector<16xi32>
      %gather3A_722 = tpu.vector_load_idx %arg7[%add3A_721] : memref<2048xi32, #tpu.memory_space<vmem>>[vector<16xi32>], vector<16xi32>,
      %shift_right_logical3A_723 = arith.shrui %gather3A_718, %shift_left3A_710 : vector<16xi32>
      %and3A_724 = arith.constant 65535 : i32
      %and3A_725 = vector.broadcast %and3A_724 : i32 to vector<16xi32>
      %and3A_726 = arith.andi %shift_right_logical3A_723, %and3A_725 : vector<16xi32>
      %swap3A_727 = arith.constant 320 : index
      %swap3A_728 = tpu.vector_load %arg9[%swap3A_727] {strides = array<i32>} : memref<1024xi32, #tpu.memory_space<vmem>>, vector<16xi32>,
      tpu.vector_store %arg9[%swap3A_727], %and3A_726 {strides = array<i32>} : memref<1024xi32, #tpu.memory_space<vmem>>, vector<16xi32>,
      %shift_right_logical3A_729 = arith.shrui %gather3A_722, %shift_left3A_710 : vector<16xi32>
      %and3A_730 = arith.constant 65535 : i32
      %and3A_731 = vector.broadcast %and3A_730 : i32 to vector<16xi32>
      %and3A_732 = arith.andi %shift_right_logical3A_729, %and3A_731 : vector<16xi32>
      %swap3A_733 = arith.constant 320 : index
      %swap3A_734 = tpu.vector_load %arg10[%swap3A_733] {strides = array<i32>} : memref<1024xi32, #tpu.memory_space<vmem>>, vector<16xi32>,
      tpu.vector_store %arg10[%swap3A_733], %and3A_732 {strides = array<i32>} : memref<1024xi32, #tpu.memory_space<vmem>>, vector<16xi32>,
      %add3A_735 = arith.constant 84 : i32
      %add3A_736 = vector.broadcast %add3A_735 : i32 to vector<16xi32>
      %add3A_737 = arith.addi %shift_right_logical3A_2, %add3A_736 : vector<16xi32>
      %gather3A_738 = tpu.vector_load_idx %arg8[%add3A_737] : memref<256xi32, #tpu.memory_space<vmem>>[vector<16xi32>], vector<16xi32>,
      %and3A_739 = arith.constant 1 : i32
      %and3A_740 = vector.broadcast %and3A_739 : i32 to vector<16xi32>
      %and3A_741 = arith.andi %gather3A_738, %and3A_740 : vector<16xi32>
      %shift_left3A_742 = arith.constant 4 : i32
      %shift_left3A_743 = vector.broadcast %shift_left3A_742 : i32 to vector<16xi32>
      %shift_left3A_744 = arith.shli %and3A_741, %shift_left3A_743 : vector<16xi32>
      %mul3A_745 = arith.constant 8 : i32
      %mul3A_746 = vector.broadcast %mul3A_745 : i32 to vector<16xi32>
      %mul3A_747 = arith.muli %add3A_737, %mul3A_746 : vector<16xi32>
      %mul3A_748 = arith.constant 2 : i32
      %mul3A_749 = vector.broadcast %mul3A_748 : i32 to vector<16xi32>
      %mul3A_750 = arith.muli %mul3A_749, %and3A_4 : vector<16xi32>
      %add3A_751 = arith.addi %mul3A_747, %mul3A_750 : vector<16xi32>
      %gather3A_752 = tpu.vector_load_idx %arg7[%add3A_751] : memref<2048xi32, #tpu.memory_space<vmem>>[vector<16xi32>], vector<16xi32>,
      %add3A_753 = arith.constant 1 : i32
      %add3A_754 = vector.broadcast %add3A_753 : i32 to vector<16xi32>
      %add3A_755 = arith.addi %add3A_751, %add3A_754 : vector<16xi32>
      %gather3A_756 = tpu.vector_load_idx %arg7[%add3A_755] : memref<2048xi32, #tpu.memory_space<vmem>>[vector<16xi32>], vector<16xi32>,
      %shift_right_logical3A_757 = arith.shrui %gather3A_752, %shift_left3A_744 : vector<16xi32>
      %and3A_758 = arith.constant 65535 : i32
      %and3A_759 = vector.broadcast %and3A_758 : i32 to vector<16xi32>
      %and3A_760 = arith.andi %shift_right_logical3A_757, %and3A_759 : vector<16xi32>
      %swap3A_761 = arith.constant 336 : index
      %swap3A_762 = tpu.vector_load %arg9[%swap3A_761] {strides = array<i32>} : memref<1024xi32, #tpu.memory_space<vmem>>, vector<16xi32>,
      tpu.vector_store %arg9[%swap3A_761], %and3A_760 {strides = array<i32>} : memref<1024xi32, #tpu.memory_space<vmem>>, vector<16xi32>,
      %shift_right_logical3A_763 = arith.shrui %gather3A_756, %shift_left3A_744 : vector<16xi32>
      %and3A_764 = arith.constant 65535 : i32
      %and3A_765 = vector.broadcast %and3A_764 : i32 to vector<16xi32>
      %and3A_766 = arith.andi %shift_right_logical3A_763, %and3A_765 : vector<16xi32>
      %swap3A_767 = arith.constant 336 : index
      %swap3A_768 = tpu.vector_load %arg10[%swap3A_767] {strides = array<i32>} : memref<1024xi32, #tpu.memory_space<vmem>>, vector<16xi32>,
      tpu.vector_store %arg10[%swap3A_767], %and3A_766 {strides = array<i32>} : memref<1024xi32, #tpu.memory_space<vmem>>, vector<16xi32>,
      %add3A_769 = arith.constant 88 : i32
      %add3A_770 = vector.broadcast %add3A_769 : i32 to vector<16xi32>
      %add3A_771 = arith.addi %shift_right_logical3A_2, %add3A_770 : vector<16xi32>
      %gather3A_772 = tpu.vector_load_idx %arg8[%add3A_771] : memref<256xi32, #tpu.memory_space<vmem>>[vector<16xi32>], vector<16xi32>,
      %and3A_773 = arith.constant 1 : i32
      %and3A_774 = vector.broadcast %and3A_773 : i32 to vector<16xi32>
      %and3A_775 = arith.andi %gather3A_772, %and3A_774 : vector<16xi32>
      %shift_left3A_776 = arith.constant 4 : i32
      %shift_left3A_777 = vector.broadcast %shift_left3A_776 : i32 to vector<16xi32>
      %shift_left3A_778 = arith.shli %and3A_775, %shift_left3A_777 : vector<16xi32>
      %mul3A_779 = arith.constant 8 : i32
      %mul3A_780 = vector.broadcast %mul3A_779 : i32 to vector<16xi32>
      %mul3A_781 = arith.muli %add3A_771, %mul3A_780 : vector<16xi32>
      %mul3A_782 = arith.constant 2 : i32
      %mul3A_783 = vector.broadcast %mul3A_782 : i32 to vector<16xi32>
      %mul3A_784 = arith.muli %mul3A_783, %and3A_4 : vector<16xi32>
      %add3A_785 = arith.addi %mul3A_781, %mul3A_784 : vector<16xi32>
      %gather3A_786 = tpu.vector_load_idx %arg7[%add3A_785] : memref<2048xi32, #tpu.memory_space<vmem>>[vector<16xi32>], vector<16xi32>,
      %add3A_787 = arith.constant 1 : i32
      %add3A_788 = vector.broadcast %add3A_787 : i32 to vector<16xi32>
      %add3A_789 = arith.addi %add3A_785, %add3A_788 : vector<16xi32>
      %gather3A_790 = tpu.vector_load_idx %arg7[%add3A_789] : memref<2048xi32, #tpu.memory_space<vmem>>[vector<16xi32>], vector<16xi32>,
      %shift_right_logical3A_791 = arith.shrui %gather3A_786, %shift_left3A_778 : vector<16xi32>
      %and3A_792 = arith.constant 65535 : i32
      %and3A_793 = vector.broadcast %and3A_792 : i32 to vector<16xi32>
      %and3A_794 = arith.andi %shift_right_logical3A_791, %and3A_793 : vector<16xi32>
      %swap3A_795 = arith.constant 352 : index
      %swap3A_796 = tpu.vector_load %arg9[%swap3A_795] {strides = array<i32>} : memref<1024xi32, #tpu.memory_space<vmem>>, vector<16xi32>,
      tpu.vector_store %arg9[%swap3A_795], %and3A_794 {strides = array<i32>} : memref<1024xi32, #tpu.memory_space<vmem>>, vector<16xi32>,
      %shift_right_logical3A_797 = arith.shrui %gather3A_790, %shift_left3A_778 : vector<16xi32>
      %and3A_798 = arith.constant 65535 : i32
      %and3A_799 = vector.broadcast %and3A_798 : i32 to vector<16xi32>
      %and3A_800 = arith.andi %shift_right_logical3A_797, %and3A_799 : vector<16xi32>
      %swap3A_801 = arith.constant 352 : index
      %swap3A_802 = tpu.vector_load %arg10[%swap3A_801] {strides = array<i32>} : memref<1024xi32, #tpu.memory_space<vmem>>, vector<16xi32>,
      tpu.vector_store %arg10[%swap3A_801], %and3A_800 {strides = array<i32>} : memref<1024xi32, #tpu.memory_space<vmem>>, vector<16xi32>,
      %add3A_803 = arith.constant 92 : i32
      %add3A_804 = vector.broadcast %add3A_803 : i32 to vector<16xi32>
      %add3A_805 = arith.addi %shift_right_logical3A_2, %add3A_804 : vector<16xi32>
      %gather3A_806 = tpu.vector_load_idx %arg8[%add3A_805] : memref<256xi32, #tpu.memory_space<vmem>>[vector<16xi32>], vector<16xi32>,
      %and3A_807 = arith.constant 1 : i32
      %and3A_808 = vector.broadcast %and3A_807 : i32 to vector<16xi32>
      %and3A_809 = arith.andi %gather3A_806, %and3A_808 : vector<16xi32>
      %shift_left3A_810 = arith.constant 4 : i32
      %shift_left3A_811 = vector.broadcast %shift_left3A_810 : i32 to vector<16xi32>
      %shift_left3A_812 = arith.shli %and3A_809, %shift_left3A_811 : vector<16xi32>
      %mul3A_813 = arith.constant 8 : i32
      %mul3A_814 = vector.broadcast %mul3A_813 : i32 to vector<16xi32>
      %mul3A_815 = arith.muli %add3A_805, %mul3A_814 : vector<16xi32>
      %mul3A_816 = arith.constant 2 : i32
      %mul3A_817 = vector.broadcast %mul3A_816 : i32 to vector<16xi32>
      %mul3A_818 = arith.muli %mul3A_817, %and3A_4 : vector<16xi32>
      %add3A_819 = arith.addi %mul3A_815, %mul3A_818 : vector<16xi32>
      %gather3A_820 = tpu.vector_load_idx %arg7[%add3A_819] : memref<2048xi32, #tpu.memory_space<vmem>>[vector<16xi32>], vector<16xi32>,
      %add3A_821 = arith.constant 1 : i32
      %add3A_822 = vector.broadcast %add3A_821 : i32 to vector<16xi32>
      %add3A_823 = arith.addi %add3A_819, %add3A_822 : vector<16xi32>
      %gather3A_824 = tpu.vector_load_idx %arg7[%add3A_823] : memref<2048xi32, #tpu.memory_space<vmem>>[vector<16xi32>], vector<16xi32>,
      %shift_right_logical3A_825 = arith.shrui %gather3A_820, %shift_left3A_812 : vector<16xi32>
      %and3A_826 = arith.constant 65535 : i32
      %and3A_827 = vector.broadcast %and3A_826 : i32 to vector<16xi32>
      %and3A_828 = arith.andi %shift_right_logical3A_825, %and3A_827 : vector<16xi32>
      %swap3A_829 = arith.constant 368 : index
      %swap3A_830 = tpu.vector_load %arg9[%swap3A_829] {strides = array<i32>} : memref<1024xi32, #tpu.memory_space<vmem>>, vector<16xi32>,
      tpu.vector_store %arg9[%swap3A_829], %and3A_828 {strides = array<i32>} : memref<1024xi32, #tpu.memory_space<vmem>>, vector<16xi32>,
      %shift_right_logical3A_831 = arith.shrui %gather3A_824, %shift_left3A_812 : vector<16xi32>
      %and3A_832 = arith.constant 65535 : i32
      %and3A_833 = vector.broadcast %and3A_832 : i32 to vector<16xi32>
      %and3A_834 = arith.andi %shift_right_logical3A_831, %and3A_833 : vector<16xi32>
      %swap3A_835 = arith.constant 368 : index
      %swap3A_836 = tpu.vector_load %arg10[%swap3A_835] {strides = array<i32>} : memref<1024xi32, #tpu.memory_space<vmem>>, vector<16xi32>,
      tpu.vector_store %arg10[%swap3A_835], %and3A_834 {strides = array<i32>} : memref<1024xi32, #tpu.memory_space<vmem>>, vector<16xi32>,
      %add3A_837 = arith.constant 96 : i32
      %add3A_838 = vector.broadcast %add3A_837 : i32 to vector<16xi32>
      %add3A_839 = arith.addi %shift_right_logical3A_2, %add3A_838 : vector<16xi32>
      %gather3A_840 = tpu.vector_load_idx %arg8[%add3A_839] : memref<256xi32, #tpu.memory_space<vmem>>[vector<16xi32>], vector<16xi32>,
      %and3A_841 = arith.constant 1 : i32
      %and3A_842 = vector.broadcast %and3A_841 : i32 to vector<16xi32>
      %and3A_843 = arith.andi %gather3A_840, %and3A_842 : vector<16xi32>
      %shift_left3A_844 = arith.constant 4 : i32
      %shift_left3A_845 = vector.broadcast %shift_left3A_844 : i32 to vector<16xi32>
      %shift_left3A_846 = arith.shli %and3A_843, %shift_left3A_845 : vector<16xi32>
      %mul3A_847 = arith.constant 8 : i32
      %mul3A_848 = vector.broadcast %mul3A_847 : i32 to vector<16xi32>
      %mul3A_849 = arith.muli %add3A_839, %mul3A_848 : vector<16xi32>
      %mul3A_850 = arith.constant 2 : i32
      %mul3A_851 = vector.broadcast %mul3A_850 : i32 to vector<16xi32>
      %mul3A_852 = arith.muli %mul3A_851, %and3A_4 : vector<16xi32>
      %add3A_853 = arith.addi %mul3A_849, %mul3A_852 : vector<16xi32>
      %gather3A_854 = tpu.vector_load_idx %arg7[%add3A_853] : memref<2048xi32, #tpu.memory_space<vmem>>[vector<16xi32>], vector<16xi32>,
      %add3A_855 = arith.constant 1 : i32
      %add3A_856 = vector.broadcast %add3A_855 : i32 to vector<16xi32>
      %add3A_857 = arith.addi %add3A_853, %add3A_856 : vector<16xi32>
      %gather3A_858 = tpu.vector_load_idx %arg7[%add3A_857] : memref<2048xi32, #tpu.memory_space<vmem>>[vector<16xi32>], vector<16xi32>,
      %shift_right_logical3A_859 = arith.shrui %gather3A_854, %shift_left3A_846 : vector<16xi32>
      %and3A_860 = arith.constant 65535 : i32
      %and3A_861 = vector.broadcast %and3A_860 : i32 to vector<16xi32>
      %and3A_862 = arith.andi %shift_right_logical3A_859, %and3A_861 : vector<16xi32>
      %swap3A_863 = arith.constant 384 : index
      %swap3A_864 = tpu.vector_load %arg9[%swap3A_863] {strides = array<i32>} : memref<1024xi32, #tpu.memory_space<vmem>>, vector<16xi32>,
      tpu.vector_store %arg9[%swap3A_863], %and3A_862 {strides = array<i32>} : memref<1024xi32, #tpu.memory_space<vmem>>, vector<16xi32>,
      %shift_right_logical3A_865 = arith.shrui %gather3A_858, %shift_left3A_846 : vector<16xi32>
      %and3A_866 = arith.constant 65535 : i32
      %and3A_867 = vector.broadcast %and3A_866 : i32 to vector<16xi32>
      %and3A_868 = arith.andi %shift_right_logical3A_865, %and3A_867 : vector<16xi32>
      %swap3A_869 = arith.constant 384 : index
      %swap3A_870 = tpu.vector_load %arg10[%swap3A_869] {strides = array<i32>} : memref<1024xi32, #tpu.memory_space<vmem>>, vector<16xi32>,
      tpu.vector_store %arg10[%swap3A_869], %and3A_868 {strides = array<i32>} : memref<1024xi32, #tpu.memory_space<vmem>>, vector<16xi32>,
      %add3A_871 = arith.constant 100 : i32
      %add3A_872 = vector.broadcast %add3A_871 : i32 to vector<16xi32>
      %add3A_873 = arith.addi %shift_right_logical3A_2, %add3A_872 : vector<16xi32>
      %gather3A_874 = tpu.vector_load_idx %arg8[%add3A_873] : memref<256xi32, #tpu.memory_space<vmem>>[vector<16xi32>], vector<16xi32>,
      %and3A_875 = arith.constant 1 : i32
      %and3A_876 = vector.broadcast %and3A_875 : i32 to vector<16xi32>
      %and3A_877 = arith.andi %gather3A_874, %and3A_876 : vector<16xi32>
      %shift_left3A_878 = arith.constant 4 : i32
      %shift_left3A_879 = vector.broadcast %shift_left3A_878 : i32 to vector<16xi32>
      %shift_left3A_880 = arith.shli %and3A_877, %shift_left3A_879 : vector<16xi32>
      %mul3A_881 = arith.constant 8 : i32
      %mul3A_882 = vector.broadcast %mul3A_881 : i32 to vector<16xi32>
      %mul3A_883 = arith.muli %add3A_873, %mul3A_882 : vector<16xi32>
      %mul3A_884 = arith.constant 2 : i32
      %mul3A_885 = vector.broadcast %mul3A_884 : i32 to vector<16xi32>
      %mul3A_886 = arith.muli %mul3A_885, %and3A_4 : vector<16xi32>
      %add3A_887 = arith.addi %mul3A_883, %mul3A_886 : vector<16xi32>
      %gather3A_888 = tpu.vector_load_idx %arg7[%add3A_887] : memref<2048xi32, #tpu.memory_space<vmem>>[vector<16xi32>], vector<16xi32>,
      %add3A_889 = arith.constant 1 : i32
      %add3A_890 = vector.broadcast %add3A_889 : i32 to vector<16xi32>
      %add3A_891 = arith.addi %add3A_887, %add3A_890 : vector<16xi32>
      %gather3A_892 = tpu.vector_load_idx %arg7[%add3A_891] : memref<2048xi32, #tpu.memory_space<vmem>>[vector<16xi32>], vector<16xi32>,
      %shift_right_logical3A_893 = arith.shrui %gather3A_888, %shift_left3A_880 : vector<16xi32>
      %and3A_894 = arith.constant 65535 : i32
      %and3A_895 = vector.broadcast %and3A_894 : i32 to vector<16xi32>
      %and3A_896 = arith.andi %shift_right_logical3A_893, %and3A_895 : vector<16xi32>
      %swap3A_897 = arith.constant 400 : index
      %swap3A_898 = tpu.vector_load %arg9[%swap3A_897] {strides = array<i32>} : memref<1024xi32, #tpu.memory_space<vmem>>, vector<16xi32>,
      tpu.vector_store %arg9[%swap3A_897], %and3A_896 {strides = array<i32>} : memref<1024xi32, #tpu.memory_space<vmem>>, vector<16xi32>,
      %shift_right_logical3A_899 = arith.shrui %gather3A_892, %shift_left3A_880 : vector<16xi32>
      %and3A_900 = arith.constant 65535 : i32
      %and3A_901 = vector.broadcast %and3A_900 : i32 to vector<16xi32>
      %and3A_902 = arith.andi %shift_right_logical3A_899, %and3A_901 : vector<16xi32>
      %swap3A_903 = arith.constant 400 : index
      %swap3A_904 = tpu.vector_load %arg10[%swap3A_903] {strides = array<i32>} : memref<1024xi32, #tpu.memory_space<vmem>>, vector<16xi32>,
      tpu.vector_store %arg10[%swap3A_903], %and3A_902 {strides = array<i32>} : memref<1024xi32, #tpu.memory_space<vmem>>, vector<16xi32>,
      %add3A_905 = arith.constant 104 : i32
      %add3A_906 = vector.broadcast %add3A_905 : i32 to vector<16xi32>
      %add3A_907 = arith.addi %shift_right_logical3A_2, %add3A_906 : vector<16xi32>
      %gather3A_908 = tpu.vector_load_idx %arg8[%add3A_907] : memref<256xi32, #tpu.memory_space<vmem>>[vector<16xi32>], vector<16xi32>,
      %and3A_909 = arith.constant 1 : i32
      %and3A_910 = vector.broadcast %and3A_909 : i32 to vector<16xi32>
      %and3A_911 = arith.andi %gather3A_908, %and3A_910 : vector<16xi32>
      %shift_left3A_912 = arith.constant 4 : i32
      %shift_left3A_913 = vector.broadcast %shift_left3A_912 : i32 to vector<16xi32>
      %shift_left3A_914 = arith.shli %and3A_911, %shift_left3A_913 : vector<16xi32>
      %mul3A_915 = arith.constant 8 : i32
      %mul3A_916 = vector.broadcast %mul3A_915 : i32 to vector<16xi32>
      %mul3A_917 = arith.muli %add3A_907, %mul3A_916 : vector<16xi32>
      %mul3A_918 = arith.constant 2 : i32
      %mul3A_919 = vector.broadcast %mul3A_918 : i32 to vector<16xi32>
      %mul3A_920 = arith.muli %mul3A_919, %and3A_4 : vector<16xi32>
      %add3A_921 = arith.addi %mul3A_917, %mul3A_920 : vector<16xi32>
      %gather3A_922 = tpu.vector_load_idx %arg7[%add3A_921] : memref<2048xi32, #tpu.memory_space<vmem>>[vector<16xi32>], vector<16xi32>,
      %add3A_923 = arith.constant 1 : i32
      %add3A_924 = vector.broadcast %add3A_923 : i32 to vector<16xi32>
      %add3A_925 = arith.addi %add3A_921, %add3A_924 : vector<16xi32>
      %gather3A_926 = tpu.vector_load_idx %arg7[%add3A_925] : memref<2048xi32, #tpu.memory_space<vmem>>[vector<16xi32>], vector<16xi32>,
      %shift_right_logical3A_927 = arith.shrui %gather3A_922, %shift_left3A_914 : vector<16xi32>
      %and3A_928 = arith.constant 65535 : i32
      %and3A_929 = vector.broadcast %and3A_928 : i32 to vector<16xi32>
      %and3A_930 = arith.andi %shift_right_logical3A_927, %and3A_929 : vector<16xi32>
      %swap3A_931 = arith.constant 416 : index
      %swap3A_932 = tpu.vector_load %arg9[%swap3A_931] {strides = array<i32>} : memref<1024xi32, #tpu.memory_space<vmem>>, vector<16xi32>,
      tpu.vector_store %arg9[%swap3A_931], %and3A_930 {strides = array<i32>} : memref<1024xi32, #tpu.memory_space<vmem>>, vector<16xi32>,
      %shift_right_logical3A_933 = arith.shrui %gather3A_926, %shift_left3A_914 : vector<16xi32>
      %and3A_934 = arith.constant 65535 : i32
      %and3A_935 = vector.broadcast %and3A_934 : i32 to vector<16xi32>
      %and3A_936 = arith.andi %shift_right_logical3A_933, %and3A_935 : vector<16xi32>
      %swap3A_937 = arith.constant 416 : index
      %swap3A_938 = tpu.vector_load %arg10[%swap3A_937] {strides = array<i32>} : memref<1024xi32, #tpu.memory_space<vmem>>, vector<16xi32>,
      tpu.vector_store %arg10[%swap3A_937], %and3A_936 {strides = array<i32>} : memref<1024xi32, #tpu.memory_space<vmem>>, vector<16xi32>,
      %add3A_939 = arith.constant 108 : i32
      %add3A_940 = vector.broadcast %add3A_939 : i32 to vector<16xi32>
      %add3A_941 = arith.addi %shift_right_logical3A_2, %add3A_940 : vector<16xi32>
      %gather3A_942 = tpu.vector_load_idx %arg8[%add3A_941] : memref<256xi32, #tpu.memory_space<vmem>>[vector<16xi32>], vector<16xi32>,
      %and3A_943 = arith.constant 1 : i32
      %and3A_944 = vector.broadcast %and3A_943 : i32 to vector<16xi32>
      %and3A_945 = arith.andi %gather3A_942, %and3A_944 : vector<16xi32>
      %shift_left3A_946 = arith.constant 4 : i32
      %shift_left3A_947 = vector.broadcast %shift_left3A_946 : i32 to vector<16xi32>
      %shift_left3A_948 = arith.shli %and3A_945, %shift_left3A_947 : vector<16xi32>
      %mul3A_949 = arith.constant 8 : i32
      %mul3A_950 = vector.broadcast %mul3A_949 : i32 to vector<16xi32>
      %mul3A_951 = arith.muli %add3A_941, %mul3A_950 : vector<16xi32>
      %mul3A_952 = arith.constant 2 : i32
      %mul3A_953 = vector.broadcast %mul3A_952 : i32 to vector<16xi32>
      %mul3A_954 = arith.muli %mul3A_953, %and3A_4 : vector<16xi32>
      %add3A_955 = arith.addi %mul3A_951, %mul3A_954 : vector<16xi32>
      %gather3A_956 = tpu.vector_load_idx %arg7[%add3A_955] : memref<2048xi32, #tpu.memory_space<vmem>>[vector<16xi32>], vector<16xi32>,
      %add3A_957 = arith.constant 1 : i32
      %add3A_958 = vector.broadcast %add3A_957 : i32 to vector<16xi32>
      %add3A_959 = arith.addi %add3A_955, %add3A_958 : vector<16xi32>
      %gather3A_960 = tpu.vector_load_idx %arg7[%add3A_959] : memref<2048xi32, #tpu.memory_space<vmem>>[vector<16xi32>], vector<16xi32>,
      %shift_right_logical3A_961 = arith.shrui %gather3A_956, %shift_left3A_948 : vector<16xi32>
      %and3A_962 = arith.constant 65535 : i32
      %and3A_963 = vector.broadcast %and3A_962 : i32 to vector<16xi32>
      %and3A_964 = arith.andi %shift_right_logical3A_961, %and3A_963 : vector<16xi32>
      %swap3A_965 = arith.constant 432 : index
      %swap3A_966 = tpu.vector_load %arg9[%swap3A_965] {strides = array<i32>} : memref<1024xi32, #tpu.memory_space<vmem>>, vector<16xi32>,
      tpu.vector_store %arg9[%swap3A_965], %and3A_964 {strides = array<i32>} : memref<1024xi32, #tpu.memory_space<vmem>>, vector<16xi32>,
      %shift_right_logical3A_967 = arith.shrui %gather3A_960, %shift_left3A_948 : vector<16xi32>
      %and3A_968 = arith.constant 65535 : i32
      %and3A_969 = vector.broadcast %and3A_968 : i32 to vector<16xi32>
      %and3A_970 = arith.andi %shift_right_logical3A_967, %and3A_969 : vector<16xi32>
      %swap3A_971 = arith.constant 432 : index
      %swap3A_972 = tpu.vector_load %arg10[%swap3A_971] {strides = array<i32>} : memref<1024xi32, #tpu.memory_space<vmem>>, vector<16xi32>,
      tpu.vector_store %arg10[%swap3A_971], %and3A_970 {strides = array<i32>} : memref<1024xi32, #tpu.memory_space<vmem>>, vector<16xi32>,
      %add3A_973 = arith.constant 112 : i32
      %add3A_974 = vector.broadcast %add3A_973 : i32 to vector<16xi32>
      %add3A_975 = arith.addi %shift_right_logical3A_2, %add3A_974 : vector<16xi32>
      %gather3A_976 = tpu.vector_load_idx %arg8[%add3A_975] : memref<256xi32, #tpu.memory_space<vmem>>[vector<16xi32>], vector<16xi32>,
      %and3A_977 = arith.constant 1 : i32
      %and3A_978 = vector.broadcast %and3A_977 : i32 to vector<16xi32>
      %and3A_979 = arith.andi %gather3A_976, %and3A_978 : vector<16xi32>
      %shift_left3A_980 = arith.constant 4 : i32
      %shift_left3A_981 = vector.broadcast %shift_left3A_980 : i32 to vector<16xi32>
      %shift_left3A_982 = arith.shli %and3A_979, %shift_left3A_981 : vector<16xi32>
      %mul3A_983 = arith.constant 8 : i32
      %mul3A_984 = vector.broadcast %mul3A_983 : i32 to vector<16xi32>
      %mul3A_985 = arith.muli %add3A_975, %mul3A_984 : vector<16xi32>
      %mul3A_986 = arith.constant 2 : i32
      %mul3A_987 = vector.broadcast %mul3A_986 : i32 to vector<16xi32>
      %mul3A_988 = arith.muli %mul3A_987, %and3A_4 : vector<16xi32>
      %add3A_989 = arith.addi %mul3A_985, %mul3A_988 : vector<16xi32>
      %gather3A_990 = tpu.vector_load_idx %arg7[%add3A_989] : memref<2048xi32, #tpu.memory_space<vmem>>[vector<16xi32>], vector<16xi32>,
      %add3A_991 = arith.constant 1 : i32
      %add3A_992 = vector.broadcast %add3A_991 : i32 to vector<16xi32>
      %add3A_993 = arith.addi %add3A_989, %add3A_992 : vector<16xi32>
      %gather3A_994 = tpu.vector_load_idx %arg7[%add3A_993] : memref<2048xi32, #tpu.memory_space<vmem>>[vector<16xi32>], vector<16xi32>,
      %shift_right_logical3A_995 = arith.shrui %gather3A_990, %shift_left3A_982 : vector<16xi32>
      %and3A_996 = arith.constant 65535 : i32
      %and3A_997 = vector.broadcast %and3A_996 : i32 to vector<16xi32>
      %and3A_998 = arith.andi %shift_right_logical3A_995, %and3A_997 : vector<16xi32>
      %swap3A_999 = arith.constant 448 : index
      %swap3A_1000 = tpu.vector_load %arg9[%swap3A_999] {strides = array<i32>} : memref<1024xi32, #tpu.memory_space<vmem>>, vector<16xi32>,
      tpu.vector_store %arg9[%swap3A_999], %and3A_998 {strides = array<i32>} : memref<1024xi32, #tpu.memory_space<vmem>>, vector<16xi32>,
      %shift_right_logical3A_1001 = arith.shrui %gather3A_994, %shift_left3A_982 : vector<16xi32>
      %and3A_1002 = arith.constant 65535 : i32
      %and3A_1003 = vector.broadcast %and3A_1002 : i32 to vector<16xi32>
      %and3A_1004 = arith.andi %shift_right_logical3A_1001, %and3A_1003 : vector<16xi32>
      %swap3A_1005 = arith.constant 448 : index
      %swap3A_1006 = tpu.vector_load %arg10[%swap3A_1005] {strides = array<i32>} : memref<1024xi32, #tpu.memory_space<vmem>>, vector<16xi32>,
      tpu.vector_store %arg10[%swap3A_1005], %and3A_1004 {strides = array<i32>} : memref<1024xi32, #tpu.memory_space<vmem>>, vector<16xi32>,
      %add3A_1007 = arith.constant 116 : i32
      %add3A_1008 = vector.broadcast %add3A_1007 : i32 to vector<16xi32>
      %add3A_1009 = arith.addi %shift_right_logical3A_2, %add3A_1008 : vector<16xi32>
      %gather3A_1010 = tpu.vector_load_idx %arg8[%add3A_1009] : memref<256xi32, #tpu.memory_space<vmem>>[vector<16xi32>], vector<16xi32>,
      %and3A_1011 = arith.constant 1 : i32
      %and3A_1012 = vector.broadcast %and3A_1011 : i32 to vector<16xi32>
      %and3A_1013 = arith.andi %gather3A_1010, %and3A_1012 : vector<16xi32>
      %shift_left3A_1014 = arith.constant 4 : i32
      %shift_left3A_1015 = vector.broadcast %shift_left3A_1014 : i32 to vector<16xi32>
      %shift_left3A_1016 = arith.shli %and3A_1013, %shift_left3A_1015 : vector<16xi32>
      %mul3A_1017 = arith.constant 8 : i32
      %mul3A_1018 = vector.broadcast %mul3A_1017 : i32 to vector<16xi32>
      %mul3A_1019 = arith.muli %add3A_1009, %mul3A_1018 : vector<16xi32>
      %mul3A_1020 = arith.constant 2 : i32
      %mul3A_1021 = vector.broadcast %mul3A_1020 : i32 to vector<16xi32>
      %mul3A_1022 = arith.muli %mul3A_1021, %and3A_4 : vector<16xi32>
      %add3A_1023 = arith.addi %mul3A_1019, %mul3A_1022 : vector<16xi32>
      %gather3A_1024 = tpu.vector_load_idx %arg7[%add3A_1023] : memref<2048xi32, #tpu.memory_space<vmem>>[vector<16xi32>], vector<16xi32>,
      %add3A_1025 = arith.constant 1 : i32
      %add3A_1026 = vector.broadcast %add3A_1025 : i32 to vector<16xi32>
      %add3A_1027 = arith.addi %add3A_1023, %add3A_1026 : vector<16xi32>
      %gather3A_1028 = tpu.vector_load_idx %arg7[%add3A_1027] : memref<2048xi32, #tpu.memory_space<vmem>>[vector<16xi32>], vector<16xi32>,
      %shift_right_logical3A_1029 = arith.shrui %gather3A_1024, %shift_left3A_1016 : vector<16xi32>
      %and3A_1030 = arith.constant 65535 : i32
      %and3A_1031 = vector.broadcast %and3A_1030 : i32 to vector<16xi32>
      %and3A_1032 = arith.andi %shift_right_logical3A_1029, %and3A_1031 : vector<16xi32>
      %swap3A_1033 = arith.constant 464 : index
      %swap3A_1034 = tpu.vector_load %arg9[%swap3A_1033] {strides = array<i32>} : memref<1024xi32, #tpu.memory_space<vmem>>, vector<16xi32>,
      tpu.vector_store %arg9[%swap3A_1033], %and3A_1032 {strides = array<i32>} : memref<1024xi32, #tpu.memory_space<vmem>>, vector<16xi32>,
      %shift_right_logical3A_1035 = arith.shrui %gather3A_1028, %shift_left3A_1016 : vector<16xi32>
      %and3A_1036 = arith.constant 65535 : i32
      %and3A_1037 = vector.broadcast %and3A_1036 : i32 to vector<16xi32>
      %and3A_1038 = arith.andi %shift_right_logical3A_1035, %and3A_1037 : vector<16xi32>
      %swap3A_1039 = arith.constant 464 : index
      %swap3A_1040 = tpu.vector_load %arg10[%swap3A_1039] {strides = array<i32>} : memref<1024xi32, #tpu.memory_space<vmem>>, vector<16xi32>,
      tpu.vector_store %arg10[%swap3A_1039], %and3A_1038 {strides = array<i32>} : memref<1024xi32, #tpu.memory_space<vmem>>, vector<16xi32>,
      %add3A_1041 = arith.constant 120 : i32
      %add3A_1042 = vector.broadcast %add3A_1041 : i32 to vector<16xi32>
      %add3A_1043 = arith.addi %shift_right_logical3A_2, %add3A_1042 : vector<16xi32>
      %gather3A_1044 = tpu.vector_load_idx %arg8[%add3A_1043] : memref<256xi32, #tpu.memory_space<vmem>>[vector<16xi32>], vector<16xi32>,
      %and3A_1045 = arith.constant 1 : i32
      %and3A_1046 = vector.broadcast %and3A_1045 : i32 to vector<16xi32>
      %and3A_1047 = arith.andi %gather3A_1044, %and3A_1046 : vector<16xi32>
      %shift_left3A_1048 = arith.constant 4 : i32
      %shift_left3A_1049 = vector.broadcast %shift_left3A_1048 : i32 to vector<16xi32>
      %shift_left3A_1050 = arith.shli %and3A_1047, %shift_left3A_1049 : vector<16xi32>
      %mul3A_1051 = arith.constant 8 : i32
      %mul3A_1052 = vector.broadcast %mul3A_1051 : i32 to vector<16xi32>
      %mul3A_1053 = arith.muli %add3A_1043, %mul3A_1052 : vector<16xi32>
      %mul3A_1054 = arith.constant 2 : i32
      %mul3A_1055 = vector.broadcast %mul3A_1054 : i32 to vector<16xi32>
      %mul3A_1056 = arith.muli %mul3A_1055, %and3A_4 : vector<16xi32>
      %add3A_1057 = arith.addi %mul3A_1053, %mul3A_1056 : vector<16xi32>
      %gather3A_1058 = tpu.vector_load_idx %arg7[%add3A_1057] : memref<2048xi32, #tpu.memory_space<vmem>>[vector<16xi32>], vector<16xi32>,
      %add3A_1059 = arith.constant 1 : i32
      %add3A_1060 = vector.broadcast %add3A_1059 : i32 to vector<16xi32>
      %add3A_1061 = arith.addi %add3A_1057, %add3A_1060 : vector<16xi32>
      %gather3A_1062 = tpu.vector_load_idx %arg7[%add3A_1061] : memref<2048xi32, #tpu.memory_space<vmem>>[vector<16xi32>], vector<16xi32>,
      %shift_right_logical3A_1063 = arith.shrui %gather3A_1058, %shift_left3A_1050 : vector<16xi32>
      %and3A_1064 = arith.constant 65535 : i32
      %and3A_1065 = vector.broadcast %and3A_1064 : i32 to vector<16xi32>
      %and3A_1066 = arith.andi %shift_right_logical3A_1063, %and3A_1065 : vector<16xi32>
      %swap3A_1067 = arith.constant 480 : index
      %swap3A_1068 = tpu.vector_load %arg9[%swap3A_1067] {strides = array<i32>} : memref<1024xi32, #tpu.memory_space<vmem>>, vector<16xi32>,
      tpu.vector_store %arg9[%swap3A_1067], %and3A_1066 {strides = array<i32>} : memref<1024xi32, #tpu.memory_space<vmem>>, vector<16xi32>,
      %shift_right_logical3A_1069 = arith.shrui %gather3A_1062, %shift_left3A_1050 : vector<16xi32>
      %and3A_1070 = arith.constant 65535 : i32
      %and3A_1071 = vector.broadcast %and3A_1070 : i32 to vector<16xi32>
      %and3A_1072 = arith.andi %shift_right_logical3A_1069, %and3A_1071 : vector<16xi32>
      %swap3A_1073 = arith.constant 480 : index
      %swap3A_1074 = tpu.vector_load %arg10[%swap3A_1073] {strides = array<i32>} : memref<1024xi32, #tpu.memory_space<vmem>>, vector<16xi32>,
      tpu.vector_store %arg10[%swap3A_1073], %and3A_1072 {strides = array<i32>} : memref<1024xi32, #tpu.memory_space<vmem>>, vector<16xi32>,
      %add3A_1075 = arith.constant 124 : i32
      %add3A_1076 = vector.broadcast %add3A_1075 : i32 to vector<16xi32>
      %add3A_1077 = arith.addi %shift_right_logical3A_2, %add3A_1076 : vector<16xi32>
      %gather3A_1078 = tpu.vector_load_idx %arg8[%add3A_1077] : memref<256xi32, #tpu.memory_space<vmem>>[vector<16xi32>], vector<16xi32>,
      %and3A_1079 = arith.constant 1 : i32
      %and3A_1080 = vector.broadcast %and3A_1079 : i32 to vector<16xi32>
      %and3A_1081 = arith.andi %gather3A_1078, %and3A_1080 : vector<16xi32>
      %shift_left3A_1082 = arith.constant 4 : i32
      %shift_left3A_1083 = vector.broadcast %shift_left3A_1082 : i32 to vector<16xi32>
      %shift_left3A_1084 = arith.shli %and3A_1081, %shift_left3A_1083 : vector<16xi32>
      %mul3A_1085 = arith.constant 8 : i32
      %mul3A_1086 = vector.broadcast %mul3A_1085 : i32 to vector<16xi32>
      %mul3A_1087 = arith.muli %add3A_1077, %mul3A_1086 : vector<16xi32>
      %mul3A_1088 = arith.constant 2 : i32
      %mul3A_1089 = vector.broadcast %mul3A_1088 : i32 to vector<16xi32>
      %mul3A_1090 = arith.muli %mul3A_1089, %and3A_4 : vector<16xi32>
      %add3A_1091 = arith.addi %mul3A_1087, %mul3A_1090 : vector<16xi32>
      %gather3A_1092 = tpu.vector_load_idx %arg7[%add3A_1091] : memref<2048xi32, #tpu.memory_space<vmem>>[vector<16xi32>], vector<16xi32>,
      %add3A_1093 = arith.constant 1 : i32
      %add3A_1094 = vector.broadcast %add3A_1093 : i32 to vector<16xi32>
      %add3A_1095 = arith.addi %add3A_1091, %add3A_1094 : vector<16xi32>
      %gather3A_1096 = tpu.vector_load_idx %arg7[%add3A_1095] : memref<2048xi32, #tpu.memory_space<vmem>>[vector<16xi32>], vector<16xi32>,
      %shift_right_logical3A_1097 = arith.shrui %gather3A_1092, %shift_left3A_1084 : vector<16xi32>
      %and3A_1098 = arith.constant 65535 : i32
      %and3A_1099 = vector.broadcast %and3A_1098 : i32 to vector<16xi32>
      %and3A_1100 = arith.andi %shift_right_logical3A_1097, %and3A_1099 : vector<16xi32>
      %swap3A_1101 = arith.constant 496 : index
      %swap3A_1102 = tpu.vector_load %arg9[%swap3A_1101] {strides = array<i32>} : memref<1024xi32, #tpu.memory_space<vmem>>, vector<16xi32>,
      tpu.vector_store %arg9[%swap3A_1101], %and3A_1100 {strides = array<i32>} : memref<1024xi32, #tpu.memory_space<vmem>>, vector<16xi32>,
      %shift_right_logical3A_1103 = arith.shrui %gather3A_1096, %shift_left3A_1084 : vector<16xi32>
      %and3A_1104 = arith.constant 65535 : i32
      %and3A_1105 = vector.broadcast %and3A_1104 : i32 to vector<16xi32>
      %and3A_1106 = arith.andi %shift_right_logical3A_1103, %and3A_1105 : vector<16xi32>
      %swap3A_1107 = arith.constant 496 : index
      %swap3A_1108 = tpu.vector_load %arg10[%swap3A_1107] {strides = array<i32>} : memref<1024xi32, #tpu.memory_space<vmem>>, vector<16xi32>,
      tpu.vector_store %arg10[%swap3A_1107], %and3A_1106 {strides = array<i32>} : memref<1024xi32, #tpu.memory_space<vmem>>, vector<16xi32>,
      %add3A_1109 = arith.constant 128 : i32
      %add3A_1110 = vector.broadcast %add3A_1109 : i32 to vector<16xi32>
      %add3A_1111 = arith.addi %shift_right_logical3A_2, %add3A_1110 : vector<16xi32>
      %gather3A_1112 = tpu.vector_load_idx %arg8[%add3A_1111] : memref<256xi32, #tpu.memory_space<vmem>>[vector<16xi32>], vector<16xi32>,
      %and3A_1113 = arith.constant 1 : i32
      %and3A_1114 = vector.broadcast %and3A_1113 : i32 to vector<16xi32>
      %and3A_1115 = arith.andi %gather3A_1112, %and3A_1114 : vector<16xi32>
      %shift_left3A_1116 = arith.constant 4 : i32
      %shift_left3A_1117 = vector.broadcast %shift_left3A_1116 : i32 to vector<16xi32>
      %shift_left3A_1118 = arith.shli %and3A_1115, %shift_left3A_1117 : vector<16xi32>
      %mul3A_1119 = arith.constant 8 : i32
      %mul3A_1120 = vector.broadcast %mul3A_1119 : i32 to vector<16xi32>
      %mul3A_1121 = arith.muli %add3A_1111, %mul3A_1120 : vector<16xi32>
      %mul3A_1122 = arith.constant 2 : i32
      %mul3A_1123 = vector.broadcast %mul3A_1122 : i32 to vector<16xi32>
      %mul3A_1124 = arith.muli %mul3A_1123, %and3A_4 : vector<16xi32>
      %add3A_1125 = arith.addi %mul3A_1121, %mul3A_1124 : vector<16xi32>
      %gather3A_1126 = tpu.vector_load_idx %arg7[%add3A_1125] : memref<2048xi32, #tpu.memory_space<vmem>>[vector<16xi32>], vector<16xi32>,
      %add3A_1127 = arith.constant 1 : i32
      %add3A_1128 = vector.broadcast %add3A_1127 : i32 to vector<16xi32>
      %add3A_1129 = arith.addi %add3A_1125, %add3A_1128 : vector<16xi32>
      %gather3A_1130 = tpu.vector_load_idx %arg7[%add3A_1129] : memref<2048xi32, #tpu.memory_space<vmem>>[vector<16xi32>], vector<16xi32>,
      %shift_right_logical3A_1131 = arith.shrui %gather3A_1126, %shift_left3A_1118 : vector<16xi32>
      %and3A_1132 = arith.constant 65535 : i32
      %and3A_1133 = vector.broadcast %and3A_1132 : i32 to vector<16xi32>
      %and3A_1134 = arith.andi %shift_right_logical3A_1131, %and3A_1133 : vector<16xi32>
      %swap3A_1135 = arith.constant 512 : index
      %swap3A_1136 = tpu.vector_load %arg9[%swap3A_1135] {strides = array<i32>} : memref<1024xi32, #tpu.memory_space<vmem>>, vector<16xi32>,
      tpu.vector_store %arg9[%swap3A_1135], %and3A_1134 {strides = array<i32>} : memref<1024xi32, #tpu.memory_space<vmem>>, vector<16xi32>,
      %shift_right_logical3A_1137 = arith.shrui %gather3A_1130, %shift_left3A_1118 : vector<16xi32>
      %and3A_1138 = arith.constant 65535 : i32
      %and3A_1139 = vector.broadcast %and3A_1138 : i32 to vector<16xi32>
      %and3A_1140 = arith.andi %shift_right_logical3A_1137, %and3A_1139 : vector<16xi32>
      %swap3A_1141 = arith.constant 512 : index
      %swap3A_1142 = tpu.vector_load %arg10[%swap3A_1141] {strides = array<i32>} : memref<1024xi32, #tpu.memory_space<vmem>>, vector<16xi32>,
      tpu.vector_store %arg10[%swap3A_1141], %and3A_1140 {strides = array<i32>} : memref<1024xi32, #tpu.memory_space<vmem>>, vector<16xi32>,
      %add3A_1143 = arith.constant 132 : i32
      %add3A_1144 = vector.broadcast %add3A_1143 : i32 to vector<16xi32>
      %add3A_1145 = arith.addi %shift_right_logical3A_2, %add3A_1144 : vector<16xi32>
      %gather3A_1146 = tpu.vector_load_idx %arg8[%add3A_1145] : memref<256xi32, #tpu.memory_space<vmem>>[vector<16xi32>], vector<16xi32>,
      %and3A_1147 = arith.constant 1 : i32
      %and3A_1148 = vector.broadcast %and3A_1147 : i32 to vector<16xi32>
      %and3A_1149 = arith.andi %gather3A_1146, %and3A_1148 : vector<16xi32>
      %shift_left3A_1150 = arith.constant 4 : i32
      %shift_left3A_1151 = vector.broadcast %shift_left3A_1150 : i32 to vector<16xi32>
      %shift_left3A_1152 = arith.shli %and3A_1149, %shift_left3A_1151 : vector<16xi32>
      %mul3A_1153 = arith.constant 8 : i32
      %mul3A_1154 = vector.broadcast %mul3A_1153 : i32 to vector<16xi32>
      %mul3A_1155 = arith.muli %add3A_1145, %mul3A_1154 : vector<16xi32>
      %mul3A_1156 = arith.constant 2 : i32
      %mul3A_1157 = vector.broadcast %mul3A_1156 : i32 to vector<16xi32>
      %mul3A_1158 = arith.muli %mul3A_1157, %and3A_4 : vector<16xi32>
      %add3A_1159 = arith.addi %mul3A_1155, %mul3A_1158 : vector<16xi32>
      %gather3A_1160 = tpu.vector_load_idx %arg7[%add3A_1159] : memref<2048xi32, #tpu.memory_space<vmem>>[vector<16xi32>], vector<16xi32>,
      %add3A_1161 = arith.constant 1 : i32
      %add3A_1162 = vector.broadcast %add3A_1161 : i32 to vector<16xi32>
      %add3A_1163 = arith.addi %add3A_1159, %add3A_1162 : vector<16xi32>
      %gather3A_1164 = tpu.vector_load_idx %arg7[%add3A_1163] : memref<2048xi32, #tpu.memory_space<vmem>>[vector<16xi32>], vector<16xi32>,
      %shift_right_logical3A_1165 = arith.shrui %gather3A_1160, %shift_left3A_1152 : vector<16xi32>
      %and3A_1166 = arith.constant 65535 : i32
      %and3A_1167 = vector.broadcast %and3A_1166 : i32 to vector<16xi32>
      %and3A_1168 = arith.andi %shift_right_logical3A_1165, %and3A_1167 : vector<16xi32>
      %swap3A_1169 = arith.constant 528 : index
      %swap3A_1170 = tpu.vector_load %arg9[%swap3A_1169] {strides = array<i32>} : memref<1024xi32, #tpu.memory_space<vmem>>, vector<16xi32>,
      tpu.vector_store %arg9[%swap3A_1169], %and3A_1168 {strides = array<i32>} : memref<1024xi32, #tpu.memory_space<vmem>>, vector<16xi32>,
      %shift_right_logical3A_1171 = arith.shrui %gather3A_1164, %shift_left3A_1152 : vector<16xi32>
      %and3A_1172 = arith.constant 65535 : i32
      %and3A_1173 = vector.broadcast %and3A_1172 : i32 to vector<16xi32>
      %and3A_1174 = arith.andi %shift_right_logical3A_1171, %and3A_1173 : vector<16xi32>
      %swap3A_1175 = arith.constant 528 : index
      %swap3A_1176 = tpu.vector_load %arg10[%swap3A_1175] {strides = array<i32>} : memref<1024xi32, #tpu.memory_space<vmem>>, vector<16xi32>,
      tpu.vector_store %arg10[%swap3A_1175], %and3A_1174 {strides = array<i32>} : memref<1024xi32, #tpu.memory_space<vmem>>, vector<16xi32>,
      %add3A_1177 = arith.constant 136 : i32
      %add3A_1178 = vector.broadcast %add3A_1177 : i32 to vector<16xi32>
      %add3A_1179 = arith.addi %shift_right_logical3A_2, %add3A_1178 : vector<16xi32>
      %gather3A_1180 = tpu.vector_load_idx %arg8[%add3A_1179] : memref<256xi32, #tpu.memory_space<vmem>>[vector<16xi32>], vector<16xi32>,
      %and3A_1181 = arith.constant 1 : i32
      %and3A_1182 = vector.broadcast %and3A_1181 : i32 to vector<16xi32>
      %and3A_1183 = arith.andi %gather3A_1180, %and3A_1182 : vector<16xi32>
      %shift_left3A_1184 = arith.constant 4 : i32
      %shift_left3A_1185 = vector.broadcast %shift_left3A_1184 : i32 to vector<16xi32>
      %shift_left3A_1186 = arith.shli %and3A_1183, %shift_left3A_1185 : vector<16xi32>
      %mul3A_1187 = arith.constant 8 : i32
      %mul3A_1188 = vector.broadcast %mul3A_1187 : i32 to vector<16xi32>
      %mul3A_1189 = arith.muli %add3A_1179, %mul3A_1188 : vector<16xi32>
      %mul3A_1190 = arith.constant 2 : i32
      %mul3A_1191 = vector.broadcast %mul3A_1190 : i32 to vector<16xi32>
      %mul3A_1192 = arith.muli %mul3A_1191, %and3A_4 : vector<16xi32>
      %add3A_1193 = arith.addi %mul3A_1189, %mul3A_1192 : vector<16xi32>
      %gather3A_1194 = tpu.vector_load_idx %arg7[%add3A_1193] : memref<2048xi32, #tpu.memory_space<vmem>>[vector<16xi32>], vector<16xi32>,
      %add3A_1195 = arith.constant 1 : i32
      %add3A_1196 = vector.broadcast %add3A_1195 : i32 to vector<16xi32>
      %add3A_1197 = arith.addi %add3A_1193, %add3A_1196 : vector<16xi32>
      %gather3A_1198 = tpu.vector_load_idx %arg7[%add3A_1197] : memref<2048xi32, #tpu.memory_space<vmem>>[vector<16xi32>], vector<16xi32>,
      %shift_right_logical3A_1199 = arith.shrui %gather3A_1194, %shift_left3A_1186 : vector<16xi32>
      %and3A_1200 = arith.constant 65535 : i32
      %and3A_1201 = vector.broadcast %and3A_1200 : i32 to vector<16xi32>
      %and3A_1202 = arith.andi %shift_right_logical3A_1199, %and3A_1201 : vector<16xi32>
      %swap3A_1203 = arith.constant 544 : index
      %swap3A_1204 = tpu.vector_load %arg9[%swap3A_1203] {strides = array<i32>} : memref<1024xi32, #tpu.memory_space<vmem>>, vector<16xi32>,
      tpu.vector_store %arg9[%swap3A_1203], %and3A_1202 {strides = array<i32>} : memref<1024xi32, #tpu.memory_space<vmem>>, vector<16xi32>,
      %shift_right_logical3A_1205 = arith.shrui %gather3A_1198, %shift_left3A_1186 : vector<16xi32>
      %and3A_1206 = arith.constant 65535 : i32
      %and3A_1207 = vector.broadcast %and3A_1206 : i32 to vector<16xi32>
      %and3A_1208 = arith.andi %shift_right_logical3A_1205, %and3A_1207 : vector<16xi32>
      %swap3A_1209 = arith.constant 544 : index
      %swap3A_1210 = tpu.vector_load %arg10[%swap3A_1209] {strides = array<i32>} : memref<1024xi32, #tpu.memory_space<vmem>>, vector<16xi32>,
      tpu.vector_store %arg10[%swap3A_1209], %and3A_1208 {strides = array<i32>} : memref<1024xi32, #tpu.memory_space<vmem>>, vector<16xi32>,
      %add3A_1211 = arith.constant 140 : i32
      %add3A_1212 = vector.broadcast %add3A_1211 : i32 to vector<16xi32>
      %add3A_1213 = arith.addi %shift_right_logical3A_2, %add3A_1212 : vector<16xi32>
      %gather3A_1214 = tpu.vector_load_idx %arg8[%add3A_1213] : memref<256xi32, #tpu.memory_space<vmem>>[vector<16xi32>], vector<16xi32>,
      %and3A_1215 = arith.constant 1 : i32
      %and3A_1216 = vector.broadcast %and3A_1215 : i32 to vector<16xi32>
      %and3A_1217 = arith.andi %gather3A_1214, %and3A_1216 : vector<16xi32>
      %shift_left3A_1218 = arith.constant 4 : i32
      %shift_left3A_1219 = vector.broadcast %shift_left3A_1218 : i32 to vector<16xi32>
      %shift_left3A_1220 = arith.shli %and3A_1217, %shift_left3A_1219 : vector<16xi32>
      %mul3A_1221 = arith.constant 8 : i32
      %mul3A_1222 = vector.broadcast %mul3A_1221 : i32 to vector<16xi32>
      %mul3A_1223 = arith.muli %add3A_1213, %mul3A_1222 : vector<16xi32>
      %mul3A_1224 = arith.constant 2 : i32
      %mul3A_1225 = vector.broadcast %mul3A_1224 : i32 to vector<16xi32>
      %mul3A_1226 = arith.muli %mul3A_1225, %and3A_4 : vector<16xi32>
      %add3A_1227 = arith.addi %mul3A_1223, %mul3A_1226 : vector<16xi32>
      %gather3A_1228 = tpu.vector_load_idx %arg7[%add3A_1227] : memref<2048xi32, #tpu.memory_space<vmem>>[vector<16xi32>], vector<16xi32>,
      %add3A_1229 = arith.constant 1 : i32
      %add3A_1230 = vector.broadcast %add3A_1229 : i32 to vector<16xi32>
      %add3A_1231 = arith.addi %add3A_1227, %add3A_1230 : vector<16xi32>
      %gather3A_1232 = tpu.vector_load_idx %arg7[%add3A_1231] : memref<2048xi32, #tpu.memory_space<vmem>>[vector<16xi32>], vector<16xi32>,
      %shift_right_logical3A_1233 = arith.shrui %gather3A_1228, %shift_left3A_1220 : vector<16xi32>
      %and3A_1234 = arith.constant 65535 : i32
      %and3A_1235 = vector.broadcast %and3A_1234 : i32 to vector<16xi32>
      %and3A_1236 = arith.andi %shift_right_logical3A_1233, %and3A_1235 : vector<16xi32>
      %swap3A_1237 = arith.constant 560 : index
      %swap3A_1238 = tpu.vector_load %arg9[%swap3A_1237] {strides = array<i32>} : memref<1024xi32, #tpu.memory_space<vmem>>, vector<16xi32>,
      tpu.vector_store %arg9[%swap3A_1237], %and3A_1236 {strides = array<i32>} : memref<1024xi32, #tpu.memory_space<vmem>>, vector<16xi32>,
      %shift_right_logical3A_1239 = arith.shrui %gather3A_1232, %shift_left3A_1220 : vector<16xi32>
      %and3A_1240 = arith.constant 65535 : i32
      %and3A_1241 = vector.broadcast %and3A_1240 : i32 to vector<16xi32>
      %and3A_1242 = arith.andi %shift_right_logical3A_1239, %and3A_1241 : vector<16xi32>
      %swap3A_1243 = arith.constant 560 : index
      %swap3A_1244 = tpu.vector_load %arg10[%swap3A_1243] {strides = array<i32>} : memref<1024xi32, #tpu.memory_space<vmem>>, vector<16xi32>,
      tpu.vector_store %arg10[%swap3A_1243], %and3A_1242 {strides = array<i32>} : memref<1024xi32, #tpu.memory_space<vmem>>, vector<16xi32>,
      %add3A_1245 = arith.constant 144 : i32
      %add3A_1246 = vector.broadcast %add3A_1245 : i32 to vector<16xi32>
      %add3A_1247 = arith.addi %shift_right_logical3A_2, %add3A_1246 : vector<16xi32>
      %gather3A_1248 = tpu.vector_load_idx %arg8[%add3A_1247] : memref<256xi32, #tpu.memory_space<vmem>>[vector<16xi32>], vector<16xi32>,
      %and3A_1249 = arith.constant 1 : i32
      %and3A_1250 = vector.broadcast %and3A_1249 : i32 to vector<16xi32>
      %and3A_1251 = arith.andi %gather3A_1248, %and3A_1250 : vector<16xi32>
      %shift_left3A_1252 = arith.constant 4 : i32
      %shift_left3A_1253 = vector.broadcast %shift_left3A_1252 : i32 to vector<16xi32>
      %shift_left3A_1254 = arith.shli %and3A_1251, %shift_left3A_1253 : vector<16xi32>
      %mul3A_1255 = arith.constant 8 : i32
      %mul3A_1256 = vector.broadcast %mul3A_1255 : i32 to vector<16xi32>
      %mul3A_1257 = arith.muli %add3A_1247, %mul3A_1256 : vector<16xi32>
      %mul3A_1258 = arith.constant 2 : i32
      %mul3A_1259 = vector.broadcast %mul3A_1258 : i32 to vector<16xi32>
      %mul3A_1260 = arith.muli %mul3A_1259, %and3A_4 : vector<16xi32>
      %add3A_1261 = arith.addi %mul3A_1257, %mul3A_1260 : vector<16xi32>
      %gather3A_1262 = tpu.vector_load_idx %arg7[%add3A_1261] : memref<2048xi32, #tpu.memory_space<vmem>>[vector<16xi32>], vector<16xi32>,
      %add3A_1263 = arith.constant 1 : i32
      %add3A_1264 = vector.broadcast %add3A_1263 : i32 to vector<16xi32>
      %add3A_1265 = arith.addi %add3A_1261, %add3A_1264 : vector<16xi32>
      %gather3A_1266 = tpu.vector_load_idx %arg7[%add3A_1265] : memref<2048xi32, #tpu.memory_space<vmem>>[vector<16xi32>], vector<16xi32>,
      %shift_right_logical3A_1267 = arith.shrui %gather3A_1262, %shift_left3A_1254 : vector<16xi32>
      %and3A_1268 = arith.constant 65535 : i32
      %and3A_1269 = vector.broadcast %and3A_1268 : i32 to vector<16xi32>
      %and3A_1270 = arith.andi %shift_right_logical3A_1267, %and3A_1269 : vector<16xi32>
      %swap3A_1271 = arith.constant 576 : index
      %swap3A_1272 = tpu.vector_load %arg9[%swap3A_1271] {strides = array<i32>} : memref<1024xi32, #tpu.memory_space<vmem>>, vector<16xi32>,
      tpu.vector_store %arg9[%swap3A_1271], %and3A_1270 {strides = array<i32>} : memref<1024xi32, #tpu.memory_space<vmem>>, vector<16xi32>,
      %shift_right_logical3A_1273 = arith.shrui %gather3A_1266, %shift_left3A_1254 : vector<16xi32>
      %and3A_1274 = arith.constant 65535 : i32
      %and3A_1275 = vector.broadcast %and3A_1274 : i32 to vector<16xi32>
      %and3A_1276 = arith.andi %shift_right_logical3A_1273, %and3A_1275 : vector<16xi32>
      %swap3A_1277 = arith.constant 576 : index
      %swap3A_1278 = tpu.vector_load %arg10[%swap3A_1277] {strides = array<i32>} : memref<1024xi32, #tpu.memory_space<vmem>>, vector<16xi32>,
      tpu.vector_store %arg10[%swap3A_1277], %and3A_1276 {strides = array<i32>} : memref<1024xi32, #tpu.memory_space<vmem>>, vector<16xi32>,
      %add3A_1279 = arith.constant 148 : i32
      %add3A_1280 = vector.broadcast %add3A_1279 : i32 to vector<16xi32>
      %add3A_1281 = arith.addi %shift_right_logical3A_2, %add3A_1280 : vector<16xi32>
      %gather3A_1282 = tpu.vector_load_idx %arg8[%add3A_1281] : memref<256xi32, #tpu.memory_space<vmem>>[vector<16xi32>], vector<16xi32>,
      %and3A_1283 = arith.constant 1 : i32
      %and3A_1284 = vector.broadcast %and3A_1283 : i32 to vector<16xi32>
      %and3A_1285 = arith.andi %gather3A_1282, %and3A_1284 : vector<16xi32>
      %shift_left3A_1286 = arith.constant 4 : i32
      %shift_left3A_1287 = vector.broadcast %shift_left3A_1286 : i32 to vector<16xi32>
      %shift_left3A_1288 = arith.shli %and3A_1285, %shift_left3A_1287 : vector<16xi32>
      %mul3A_1289 = arith.constant 8 : i32
      %mul3A_1290 = vector.broadcast %mul3A_1289 : i32 to vector<16xi32>
      %mul3A_1291 = arith.muli %add3A_1281, %mul3A_1290 : vector<16xi32>
      %mul3A_1292 = arith.constant 2 : i32
      %mul3A_1293 = vector.broadcast %mul3A_1292 : i32 to vector<16xi32>
      %mul3A_1294 = arith.muli %mul3A_1293, %and3A_4 : vector<16xi32>
      %add3A_1295 = arith.addi %mul3A_1291, %mul3A_1294 : vector<16xi32>
      %gather3A_1296 = tpu.vector_load_idx %arg7[%add3A_1295] : memref<2048xi32, #tpu.memory_space<vmem>>[vector<16xi32>], vector<16xi32>,
      %add3A_1297 = arith.constant 1 : i32
      %add3A_1298 = vector.broadcast %add3A_1297 : i32 to vector<16xi32>
      %add3A_1299 = arith.addi %add3A_1295, %add3A_1298 : vector<16xi32>
      %gather3A_1300 = tpu.vector_load_idx %arg7[%add3A_1299] : memref<2048xi32, #tpu.memory_space<vmem>>[vector<16xi32>], vector<16xi32>,
      %shift_right_logical3A_1301 = arith.shrui %gather3A_1296, %shift_left3A_1288 : vector<16xi32>
      %and3A_1302 = arith.constant 65535 : i32
      %and3A_1303 = vector.broadcast %and3A_1302 : i32 to vector<16xi32>
      %and3A_1304 = arith.andi %shift_right_logical3A_1301, %and3A_1303 : vector<16xi32>
      %swap3A_1305 = arith.constant 592 : index
      %swap3A_1306 = tpu.vector_load %arg9[%swap3A_1305] {strides = array<i32>} : memref<1024xi32, #tpu.memory_space<vmem>>, vector<16xi32>,
      tpu.vector_store %arg9[%swap3A_1305], %and3A_1304 {strides = array<i32>} : memref<1024xi32, #tpu.memory_space<vmem>>, vector<16xi32>,
      %shift_right_logical3A_1307 = arith.shrui %gather3A_1300, %shift_left3A_1288 : vector<16xi32>
      %and3A_1308 = arith.constant 65535 : i32
      %and3A_1309 = vector.broadcast %and3A_1308 : i32 to vector<16xi32>
      %and3A_1310 = arith.andi %shift_right_logical3A_1307, %and3A_1309 : vector<16xi32>
      %swap3A_1311 = arith.constant 592 : index
      %swap3A_1312 = tpu.vector_load %arg10[%swap3A_1311] {strides = array<i32>} : memref<1024xi32, #tpu.memory_space<vmem>>, vector<16xi32>,
      tpu.vector_store %arg10[%swap3A_1311], %and3A_1310 {strides = array<i32>} : memref<1024xi32, #tpu.memory_space<vmem>>, vector<16xi32>,
      %add3A_1313 = arith.constant 152 : i32
      %add3A_1314 = vector.broadcast %add3A_1313 : i32 to vector<16xi32>
      %add3A_1315 = arith.addi %shift_right_logical3A_2, %add3A_1314 : vector<16xi32>
      %gather3A_1316 = tpu.vector_load_idx %arg8[%add3A_1315] : memref<256xi32, #tpu.memory_space<vmem>>[vector<16xi32>], vector<16xi32>,
      %and3A_1317 = arith.constant 1 : i32
      %and3A_1318 = vector.broadcast %and3A_1317 : i32 to vector<16xi32>
      %and3A_1319 = arith.andi %gather3A_1316, %and3A_1318 : vector<16xi32>
      %shift_left3A_1320 = arith.constant 4 : i32
      %shift_left3A_1321 = vector.broadcast %shift_left3A_1320 : i32 to vector<16xi32>
      %shift_left3A_1322 = arith.shli %and3A_1319, %shift_left3A_1321 : vector<16xi32>
      %mul3A_1323 = arith.constant 8 : i32
      %mul3A_1324 = vector.broadcast %mul3A_1323 : i32 to vector<16xi32>
      %mul3A_1325 = arith.muli %add3A_1315, %mul3A_1324 : vector<16xi32>
      %mul3A_1326 = arith.constant 2 : i32
      %mul3A_1327 = vector.broadcast %mul3A_1326 : i32 to vector<16xi32>
      %mul3A_1328 = arith.muli %mul3A_1327, %and3A_4 : vector<16xi32>
      %add3A_1329 = arith.addi %mul3A_1325, %mul3A_1328 : vector<16xi32>
      %gather3A_1330 = tpu.vector_load_idx %arg7[%add3A_1329] : memref<2048xi32, #tpu.memory_space<vmem>>[vector<16xi32>], vector<16xi32>,
      %add3A_1331 = arith.constant 1 : i32
      %add3A_1332 = vector.broadcast %add3A_1331 : i32 to vector<16xi32>
      %add3A_1333 = arith.addi %add3A_1329, %add3A_1332 : vector<16xi32>
      %gather3A_1334 = tpu.vector_load_idx %arg7[%add3A_1333] : memref<2048xi32, #tpu.memory_space<vmem>>[vector<16xi32>], vector<16xi32>,
      %shift_right_logical3A_1335 = arith.shrui %gather3A_1330, %shift_left3A_1322 : vector<16xi32>
      %and3A_1336 = arith.constant 65535 : i32
      %and3A_1337 = vector.broadcast %and3A_1336 : i32 to vector<16xi32>
      %and3A_1338 = arith.andi %shift_right_logical3A_1335, %and3A_1337 : vector<16xi32>
      %swap3A_1339 = arith.constant 608 : index
      %swap3A_1340 = tpu.vector_load %arg9[%swap3A_1339] {strides = array<i32>} : memref<1024xi32, #tpu.memory_space<vmem>>, vector<16xi32>,
      tpu.vector_store %arg9[%swap3A_1339], %and3A_1338 {strides = array<i32>} : memref<1024xi32, #tpu.memory_space<vmem>>, vector<16xi32>,
      %shift_right_logical3A_1341 = arith.shrui %gather3A_1334, %shift_left3A_1322 : vector<16xi32>
      %and3A_1342 = arith.constant 65535 : i32
      %and3A_1343 = vector.broadcast %and3A_1342 : i32 to vector<16xi32>
      %and3A_1344 = arith.andi %shift_right_logical3A_1341, %and3A_1343 : vector<16xi32>
      %swap3A_1345 = arith.constant 608 : index
      %swap3A_1346 = tpu.vector_load %arg10[%swap3A_1345] {strides = array<i32>} : memref<1024xi32, #tpu.memory_space<vmem>>, vector<16xi32>,
      tpu.vector_store %arg10[%swap3A_1345], %and3A_1344 {strides = array<i32>} : memref<1024xi32, #tpu.memory_space<vmem>>, vector<16xi32>,
      %add3A_1347 = arith.constant 156 : i32
      %add3A_1348 = vector.broadcast %add3A_1347 : i32 to vector<16xi32>
      %add3A_1349 = arith.addi %shift_right_logical3A_2, %add3A_1348 : vector<16xi32>
      %gather3A_1350 = tpu.vector_load_idx %arg8[%add3A_1349] : memref<256xi32, #tpu.memory_space<vmem>>[vector<16xi32>], vector<16xi32>,
      %and3A_1351 = arith.constant 1 : i32
      %and3A_1352 = vector.broadcast %and3A_1351 : i32 to vector<16xi32>
      %and3A_1353 = arith.andi %gather3A_1350, %and3A_1352 : vector<16xi32>
      %shift_left3A_1354 = arith.constant 4 : i32
      %shift_left3A_1355 = vector.broadcast %shift_left3A_1354 : i32 to vector<16xi32>
      %shift_left3A_1356 = arith.shli %and3A_1353, %shift_left3A_1355 : vector<16xi32>
      %mul3A_1357 = arith.constant 8 : i32
      %mul3A_1358 = vector.broadcast %mul3A_1357 : i32 to vector<16xi32>
      %mul3A_1359 = arith.muli %add3A_1349, %mul3A_1358 : vector<16xi32>
      %mul3A_1360 = arith.constant 2 : i32
      %mul3A_1361 = vector.broadcast %mul3A_1360 : i32 to vector<16xi32>
      %mul3A_1362 = arith.muli %mul3A_1361, %and3A_4 : vector<16xi32>
      %add3A_1363 = arith.addi %mul3A_1359, %mul3A_1362 : vector<16xi32>
      %gather3A_1364 = tpu.vector_load_idx %arg7[%add3A_1363] : memref<2048xi32, #tpu.memory_space<vmem>>[vector<16xi32>], vector<16xi32>,
      %add3A_1365 = arith.constant 1 : i32
      %add3A_1366 = vector.broadcast %add3A_1365 : i32 to vector<16xi32>
      %add3A_1367 = arith.addi %add3A_1363, %add3A_1366 : vector<16xi32>
      %gather3A_1368 = tpu.vector_load_idx %arg7[%add3A_1367] : memref<2048xi32, #tpu.memory_space<vmem>>[vector<16xi32>], vector<16xi32>,
      %shift_right_logical3A_1369 = arith.shrui %gather3A_1364, %shift_left3A_1356 : vector<16xi32>
      %and3A_1370 = arith.constant 65535 : i32
      %and3A_1371 = vector.broadcast %and3A_1370 : i32 to vector<16xi32>
      %and3A_1372 = arith.andi %shift_right_logical3A_1369, %and3A_1371 : vector<16xi32>
      %swap3A_1373 = arith.constant 624 : index
      %swap3A_1374 = tpu.vector_load %arg9[%swap3A_1373] {strides = array<i32>} : memref<1024xi32, #tpu.memory_space<vmem>>, vector<16xi32>,
      tpu.vector_store %arg9[%swap3A_1373], %and3A_1372 {strides = array<i32>} : memref<1024xi32, #tpu.memory_space<vmem>>, vector<16xi32>,
      %shift_right_logical3A_1375 = arith.shrui %gather3A_1368, %shift_left3A_1356 : vector<16xi32>
      %and3A_1376 = arith.constant 65535 : i32
      %and3A_1377 = vector.broadcast %and3A_1376 : i32 to vector<16xi32>
      %and3A_1378 = arith.andi %shift_right_logical3A_1375, %and3A_1377 : vector<16xi32>
      %swap3A_1379 = arith.constant 624 : index
      %swap3A_1380 = tpu.vector_load %arg10[%swap3A_1379] {strides = array<i32>} : memref<1024xi32, #tpu.memory_space<vmem>>, vector<16xi32>,
      tpu.vector_store %arg10[%swap3A_1379], %and3A_1378 {strides = array<i32>} : memref<1024xi32, #tpu.memory_space<vmem>>, vector<16xi32>,
      %add3A_1381 = arith.constant 160 : i32
      %add3A_1382 = vector.broadcast %add3A_1381 : i32 to vector<16xi32>
      %add3A_1383 = arith.addi %shift_right_logical3A_2, %add3A_1382 : vector<16xi32>
      %gather3A_1384 = tpu.vector_load_idx %arg8[%add3A_1383] : memref<256xi32, #tpu.memory_space<vmem>>[vector<16xi32>], vector<16xi32>,
      %and3A_1385 = arith.constant 1 : i32
      %and3A_1386 = vector.broadcast %and3A_1385 : i32 to vector<16xi32>
      %and3A_1387 = arith.andi %gather3A_1384, %and3A_1386 : vector<16xi32>
      %shift_left3A_1388 = arith.constant 4 : i32
      %shift_left3A_1389 = vector.broadcast %shift_left3A_1388 : i32 to vector<16xi32>
      %shift_left3A_1390 = arith.shli %and3A_1387, %shift_left3A_1389 : vector<16xi32>
      %mul3A_1391 = arith.constant 8 : i32
      %mul3A_1392 = vector.broadcast %mul3A_1391 : i32 to vector<16xi32>
      %mul3A_1393 = arith.muli %add3A_1383, %mul3A_1392 : vector<16xi32>
      %mul3A_1394 = arith.constant 2 : i32
      %mul3A_1395 = vector.broadcast %mul3A_1394 : i32 to vector<16xi32>
      %mul3A_1396 = arith.muli %mul3A_1395, %and3A_4 : vector<16xi32>
      %add3A_1397 = arith.addi %mul3A_1393, %mul3A_1396 : vector<16xi32>
      %gather3A_1398 = tpu.vector_load_idx %arg7[%add3A_1397] : memref<2048xi32, #tpu.memory_space<vmem>>[vector<16xi32>], vector<16xi32>,
      %add3A_1399 = arith.constant 1 : i32
      %add3A_1400 = vector.broadcast %add3A_1399 : i32 to vector<16xi32>
      %add3A_1401 = arith.addi %add3A_1397, %add3A_1400 : vector<16xi32>
      %gather3A_1402 = tpu.vector_load_idx %arg7[%add3A_1401] : memref<2048xi32, #tpu.memory_space<vmem>>[vector<16xi32>], vector<16xi32>,
      %shift_right_logical3A_1403 = arith.shrui %gather3A_1398, %shift_left3A_1390 : vector<16xi32>
      %and3A_1404 = arith.constant 65535 : i32
      %and3A_1405 = vector.broadcast %and3A_1404 : i32 to vector<16xi32>
      %and3A_1406 = arith.andi %shift_right_logical3A_1403, %and3A_1405 : vector<16xi32>
      %swap3A_1407 = arith.constant 640 : index
      %swap3A_1408 = tpu.vector_load %arg9[%swap3A_1407] {strides = array<i32>} : memref<1024xi32, #tpu.memory_space<vmem>>, vector<16xi32>,
      tpu.vector_store %arg9[%swap3A_1407], %and3A_1406 {strides = array<i32>} : memref<1024xi32, #tpu.memory_space<vmem>>, vector<16xi32>,
      %shift_right_logical3A_1409 = arith.shrui %gather3A_1402, %shift_left3A_1390 : vector<16xi32>
      %and3A_1410 = arith.constant 65535 : i32
      %and3A_1411 = vector.broadcast %and3A_1410 : i32 to vector<16xi32>
      %and3A_1412 = arith.andi %shift_right_logical3A_1409, %and3A_1411 : vector<16xi32>
      %swap3A_1413 = arith.constant 640 : index
      %swap3A_1414 = tpu.vector_load %arg10[%swap3A_1413] {strides = array<i32>} : memref<1024xi32, #tpu.memory_space<vmem>>, vector<16xi32>,
      tpu.vector_store %arg10[%swap3A_1413], %and3A_1412 {strides = array<i32>} : memref<1024xi32, #tpu.memory_space<vmem>>, vector<16xi32>,
      %add3A_1415 = arith.constant 164 : i32
      %add3A_1416 = vector.broadcast %add3A_1415 : i32 to vector<16xi32>
      %add3A_1417 = arith.addi %shift_right_logical3A_2, %add3A_1416 : vector<16xi32>
      %gather3A_1418 = tpu.vector_load_idx %arg8[%add3A_1417] : memref<256xi32, #tpu.memory_space<vmem>>[vector<16xi32>], vector<16xi32>,
      %and3A_1419 = arith.constant 1 : i32
      %and3A_1420 = vector.broadcast %and3A_1419 : i32 to vector<16xi32>
      %and3A_1421 = arith.andi %gather3A_1418, %and3A_1420 : vector<16xi32>
      %shift_left3A_1422 = arith.constant 4 : i32
      %shift_left3A_1423 = vector.broadcast %shift_left3A_1422 : i32 to vector<16xi32>
      %shift_left3A_1424 = arith.shli %and3A_1421, %shift_left3A_1423 : vector<16xi32>
      %mul3A_1425 = arith.constant 8 : i32
      %mul3A_1426 = vector.broadcast %mul3A_1425 : i32 to vector<16xi32>
      %mul3A_1427 = arith.muli %add3A_1417, %mul3A_1426 : vector<16xi32>
      %mul3A_1428 = arith.constant 2 : i32
      %mul3A_1429 = vector.broadcast %mul3A_1428 : i32 to vector<16xi32>
      %mul3A_1430 = arith.muli %mul3A_1429, %and3A_4 : vector<16xi32>
      %add3A_1431 = arith.addi %mul3A_1427, %mul3A_1430 : vector<16xi32>
      %gather3A_1432 = tpu.vector_load_idx %arg7[%add3A_1431] : memref<2048xi32, #tpu.memory_space<vmem>>[vector<16xi32>], vector<16xi32>,
      %add3A_1433 = arith.constant 1 : i32
      %add3A_1434 = vector.broadcast %add3A_1433 : i32 to vector<16xi32>
      %add3A_1435 = arith.addi %add3A_1431, %add3A_1434 : vector<16xi32>
      %gather3A_1436 = tpu.vector_load_idx %arg7[%add3A_1435] : memref<2048xi32, #tpu.memory_space<vmem>>[vector<16xi32>], vector<16xi32>,
      %shift_right_logical3A_1437 = arith.shrui %gather3A_1432, %shift_left3A_1424 : vector<16xi32>
      %and3A_1438 = arith.constant 65535 : i32
      %and3A_1439 = vector.broadcast %and3A_1438 : i32 to vector<16xi32>
      %and3A_1440 = arith.andi %shift_right_logical3A_1437, %and3A_1439 : vector<16xi32>
      %swap3A_1441 = arith.constant 656 : index
      %swap3A_1442 = tpu.vector_load %arg9[%swap3A_1441] {strides = array<i32>} : memref<1024xi32, #tpu.memory_space<vmem>>, vector<16xi32>,
      tpu.vector_store %arg9[%swap3A_1441], %and3A_1440 {strides = array<i32>} : memref<1024xi32, #tpu.memory_space<vmem>>, vector<16xi32>,
      %shift_right_logical3A_1443 = arith.shrui %gather3A_1436, %shift_left3A_1424 : vector<16xi32>
      %and3A_1444 = arith.constant 65535 : i32
      %and3A_1445 = vector.broadcast %and3A_1444 : i32 to vector<16xi32>
      %and3A_1446 = arith.andi %shift_right_logical3A_1443, %and3A_1445 : vector<16xi32>
      %swap3A_1447 = arith.constant 656 : index
      %swap3A_1448 = tpu.vector_load %arg10[%swap3A_1447] {strides = array<i32>} : memref<1024xi32, #tpu.memory_space<vmem>>, vector<16xi32>,
      tpu.vector_store %arg10[%swap3A_1447], %and3A_1446 {strides = array<i32>} : memref<1024xi32, #tpu.memory_space<vmem>>, vector<16xi32>,
      %add3A_1449 = arith.constant 168 : i32
      %add3A_1450 = vector.broadcast %add3A_1449 : i32 to vector<16xi32>
      %add3A_1451 = arith.addi %shift_right_logical3A_2, %add3A_1450 : vector<16xi32>
      %gather3A_1452 = tpu.vector_load_idx %arg8[%add3A_1451] : memref<256xi32, #tpu.memory_space<vmem>>[vector<16xi32>], vector<16xi32>,
      %and3A_1453 = arith.constant 1 : i32
      %and3A_1454 = vector.broadcast %and3A_1453 : i32 to vector<16xi32>
      %and3A_1455 = arith.andi %gather3A_1452, %and3A_1454 : vector<16xi32>
      %shift_left3A_1456 = arith.constant 4 : i32
      %shift_left3A_1457 = vector.broadcast %shift_left3A_1456 : i32 to vector<16xi32>
      %shift_left3A_1458 = arith.shli %and3A_1455, %shift_left3A_1457 : vector<16xi32>
      %mul3A_1459 = arith.constant 8 : i32
      %mul3A_1460 = vector.broadcast %mul3A_1459 : i32 to vector<16xi32>
      %mul3A_1461 = arith.muli %add3A_1451, %mul3A_1460 : vector<16xi32>
      %mul3A_1462 = arith.constant 2 : i32
      %mul3A_1463 = vector.broadcast %mul3A_1462 : i32 to vector<16xi32>
      %mul3A_1464 = arith.muli %mul3A_1463, %and3A_4 : vector<16xi32>
      %add3A_1465 = arith.addi %mul3A_1461, %mul3A_1464 : vector<16xi32>
      %gather3A_1466 = tpu.vector_load_idx %arg7[%add3A_1465] : memref<2048xi32, #tpu.memory_space<vmem>>[vector<16xi32>], vector<16xi32>,
      %add3A_1467 = arith.constant 1 : i32
      %add3A_1468 = vector.broadcast %add3A_1467 : i32 to vector<16xi32>
      %add3A_1469 = arith.addi %add3A_1465, %add3A_1468 : vector<16xi32>
      %gather3A_1470 = tpu.vector_load_idx %arg7[%add3A_1469] : memref<2048xi32, #tpu.memory_space<vmem>>[vector<16xi32>], vector<16xi32>,
      %shift_right_logical3A_1471 = arith.shrui %gather3A_1466, %shift_left3A_1458 : vector<16xi32>
      %and3A_1472 = arith.constant 65535 : i32
      %and3A_1473 = vector.broadcast %and3A_1472 : i32 to vector<16xi32>
      %and3A_1474 = arith.andi %shift_right_logical3A_1471, %and3A_1473 : vector<16xi32>
      %swap3A_1475 = arith.constant 672 : index
      %swap3A_1476 = tpu.vector_load %arg9[%swap3A_1475] {strides = array<i32>} : memref<1024xi32, #tpu.memory_space<vmem>>, vector<16xi32>,
      tpu.vector_store %arg9[%swap3A_1475], %and3A_1474 {strides = array<i32>} : memref<1024xi32, #tpu.memory_space<vmem>>, vector<16xi32>,
      %shift_right_logical3A_1477 = arith.shrui %gather3A_1470, %shift_left3A_1458 : vector<16xi32>
      %and3A_1478 = arith.constant 65535 : i32
      %and3A_1479 = vector.broadcast %and3A_1478 : i32 to vector<16xi32>
      %and3A_1480 = arith.andi %shift_right_logical3A_1477, %and3A_1479 : vector<16xi32>
      %swap3A_1481 = arith.constant 672 : index
      %swap3A_1482 = tpu.vector_load %arg10[%swap3A_1481] {strides = array<i32>} : memref<1024xi32, #tpu.memory_space<vmem>>, vector<16xi32>,
      tpu.vector_store %arg10[%swap3A_1481], %and3A_1480 {strides = array<i32>} : memref<1024xi32, #tpu.memory_space<vmem>>, vector<16xi32>,
      %add3A_1483 = arith.constant 172 : i32
      %add3A_1484 = vector.broadcast %add3A_1483 : i32 to vector<16xi32>
      %add3A_1485 = arith.addi %shift_right_logical3A_2, %add3A_1484 : vector<16xi32>
      %gather3A_1486 = tpu.vector_load_idx %arg8[%add3A_1485] : memref<256xi32, #tpu.memory_space<vmem>>[vector<16xi32>], vector<16xi32>,
      %and3A_1487 = arith.constant 1 : i32
      %and3A_1488 = vector.broadcast %and3A_1487 : i32 to vector<16xi32>
      %and3A_1489 = arith.andi %gather3A_1486, %and3A_1488 : vector<16xi32>
      %shift_left3A_1490 = arith.constant 4 : i32
      %shift_left3A_1491 = vector.broadcast %shift_left3A_1490 : i32 to vector<16xi32>
      %shift_left3A_1492 = arith.shli %and3A_1489, %shift_left3A_1491 : vector<16xi32>
      %mul3A_1493 = arith.constant 8 : i32
      %mul3A_1494 = vector.broadcast %mul3A_1493 : i32 to vector<16xi32>
      %mul3A_1495 = arith.muli %add3A_1485, %mul3A_1494 : vector<16xi32>
      %mul3A_1496 = arith.constant 2 : i32
      %mul3A_1497 = vector.broadcast %mul3A_1496 : i32 to vector<16xi32>
      %mul3A_1498 = arith.muli %mul3A_1497, %and3A_4 : vector<16xi32>
      %add3A_1499 = arith.addi %mul3A_1495, %mul3A_1498 : vector<16xi32>
      %gather3A_1500 = tpu.vector_load_idx %arg7[%add3A_1499] : memref<2048xi32, #tpu.memory_space<vmem>>[vector<16xi32>], vector<16xi32>,
      %add3A_1501 = arith.constant 1 : i32
      %add3A_1502 = vector.broadcast %add3A_1501 : i32 to vector<16xi32>
      %add3A_1503 = arith.addi %add3A_1499, %add3A_1502 : vector<16xi32>
      %gather3A_1504 = tpu.vector_load_idx %arg7[%add3A_1503] : memref<2048xi32, #tpu.memory_space<vmem>>[vector<16xi32>], vector<16xi32>,
      %shift_right_logical3A_1505 = arith.shrui %gather3A_1500, %shift_left3A_1492 : vector<16xi32>
      %and3A_1506 = arith.constant 65535 : i32
      %and3A_1507 = vector.broadcast %and3A_1506 : i32 to vector<16xi32>
      %and3A_1508 = arith.andi %shift_right_logical3A_1505, %and3A_1507 : vector<16xi32>
      %swap3A_1509 = arith.constant 688 : index
      %swap3A_1510 = tpu.vector_load %arg9[%swap3A_1509] {strides = array<i32>} : memref<1024xi32, #tpu.memory_space<vmem>>, vector<16xi32>,
      tpu.vector_store %arg9[%swap3A_1509], %and3A_1508 {strides = array<i32>} : memref<1024xi32, #tpu.memory_space<vmem>>, vector<16xi32>,
      %shift_right_logical3A_1511 = arith.shrui %gather3A_1504, %shift_left3A_1492 : vector<16xi32>
      %and3A_1512 = arith.constant 65535 : i32
      %and3A_1513 = vector.broadcast %and3A_1512 : i32 to vector<16xi32>
      %and3A_1514 = arith.andi %shift_right_logical3A_1511, %and3A_1513 : vector<16xi32>
      %swap3A_1515 = arith.constant 688 : index
      %swap3A_1516 = tpu.vector_load %arg10[%swap3A_1515] {strides = array<i32>} : memref<1024xi32, #tpu.memory_space<vmem>>, vector<16xi32>,
      tpu.vector_store %arg10[%swap3A_1515], %and3A_1514 {strides = array<i32>} : memref<1024xi32, #tpu.memory_space<vmem>>, vector<16xi32>,
      %add3A_1517 = arith.constant 176 : i32
      %add3A_1518 = vector.broadcast %add3A_1517 : i32 to vector<16xi32>
      %add3A_1519 = arith.addi %shift_right_logical3A_2, %add3A_1518 : vector<16xi32>
      %gather3A_1520 = tpu.vector_load_idx %arg8[%add3A_1519] : memref<256xi32, #tpu.memory_space<vmem>>[vector<16xi32>], vector<16xi32>,
      %and3A_1521 = arith.constant 1 : i32
      %and3A_1522 = vector.broadcast %and3A_1521 : i32 to vector<16xi32>
      %and3A_1523 = arith.andi %gather3A_1520, %and3A_1522 : vector<16xi32>
      %shift_left3A_1524 = arith.constant 4 : i32
      %shift_left3A_1525 = vector.broadcast %shift_left3A_1524 : i32 to vector<16xi32>
      %shift_left3A_1526 = arith.shli %and3A_1523, %shift_left3A_1525 : vector<16xi32>
      %mul3A_1527 = arith.constant 8 : i32
      %mul3A_1528 = vector.broadcast %mul3A_1527 : i32 to vector<16xi32>
      %mul3A_1529 = arith.muli %add3A_1519, %mul3A_1528 : vector<16xi32>
      %mul3A_1530 = arith.constant 2 : i32
      %mul3A_1531 = vector.broadcast %mul3A_1530 : i32 to vector<16xi32>
      %mul3A_1532 = arith.muli %mul3A_1531, %and3A_4 : vector<16xi32>
      %add3A_1533 = arith.addi %mul3A_1529, %mul3A_1532 : vector<16xi32>
      %gather3A_1534 = tpu.vector_load_idx %arg7[%add3A_1533] : memref<2048xi32, #tpu.memory_space<vmem>>[vector<16xi32>], vector<16xi32>,
      %add3A_1535 = arith.constant 1 : i32
      %add3A_1536 = vector.broadcast %add3A_1535 : i32 to vector<16xi32>
      %add3A_1537 = arith.addi %add3A_1533, %add3A_1536 : vector<16xi32>
      %gather3A_1538 = tpu.vector_load_idx %arg7[%add3A_1537] : memref<2048xi32, #tpu.memory_space<vmem>>[vector<16xi32>], vector<16xi32>,
      %shift_right_logical3A_1539 = arith.shrui %gather3A_1534, %shift_left3A_1526 : vector<16xi32>
      %and3A_1540 = arith.constant 65535 : i32
      %and3A_1541 = vector.broadcast %and3A_1540 : i32 to vector<16xi32>
      %and3A_1542 = arith.andi %shift_right_logical3A_1539, %and3A_1541 : vector<16xi32>
      %swap3A_1543 = arith.constant 704 : index
      %swap3A_1544 = tpu.vector_load %arg9[%swap3A_1543] {strides = array<i32>} : memref<1024xi32, #tpu.memory_space<vmem>>, vector<16xi32>,
      tpu.vector_store %arg9[%swap3A_1543], %and3A_1542 {strides = array<i32>} : memref<1024xi32, #tpu.memory_space<vmem>>, vector<16xi32>,
      %shift_right_logical3A_1545 = arith.shrui %gather3A_1538, %shift_left3A_1526 : vector<16xi32>
      %and3A_1546 = arith.constant 65535 : i32
      %and3A_1547 = vector.broadcast %and3A_1546 : i32 to vector<16xi32>
      %and3A_1548 = arith.andi %shift_right_logical3A_1545, %and3A_1547 : vector<16xi32>
      %swap3A_1549 = arith.constant 704 : index
      %swap3A_1550 = tpu.vector_load %arg10[%swap3A_1549] {strides = array<i32>} : memref<1024xi32, #tpu.memory_space<vmem>>, vector<16xi32>,
      tpu.vector_store %arg10[%swap3A_1549], %and3A_1548 {strides = array<i32>} : memref<1024xi32, #tpu.memory_space<vmem>>, vector<16xi32>,
      %add3A_1551 = arith.constant 180 : i32
      %add3A_1552 = vector.broadcast %add3A_1551 : i32 to vector<16xi32>
      %add3A_1553 = arith.addi %shift_right_logical3A_2, %add3A_1552 : vector<16xi32>
      %gather3A_1554 = tpu.vector_load_idx %arg8[%add3A_1553] : memref<256xi32, #tpu.memory_space<vmem>>[vector<16xi32>], vector<16xi32>,
      %and3A_1555 = arith.constant 1 : i32
      %and3A_1556 = vector.broadcast %and3A_1555 : i32 to vector<16xi32>
      %and3A_1557 = arith.andi %gather3A_1554, %and3A_1556 : vector<16xi32>
      %shift_left3A_1558 = arith.constant 4 : i32
      %shift_left3A_1559 = vector.broadcast %shift_left3A_1558 : i32 to vector<16xi32>
      %shift_left3A_1560 = arith.shli %and3A_1557, %shift_left3A_1559 : vector<16xi32>
      %mul3A_1561 = arith.constant 8 : i32
      %mul3A_1562 = vector.broadcast %mul3A_1561 : i32 to vector<16xi32>
      %mul3A_1563 = arith.muli %add3A_1553, %mul3A_1562 : vector<16xi32>
      %mul3A_1564 = arith.constant 2 : i32
      %mul3A_1565 = vector.broadcast %mul3A_1564 : i32 to vector<16xi32>
      %mul3A_1566 = arith.muli %mul3A_1565, %and3A_4 : vector<16xi32>
      %add3A_1567 = arith.addi %mul3A_1563, %mul3A_1566 : vector<16xi32>
      %gather3A_1568 = tpu.vector_load_idx %arg7[%add3A_1567] : memref<2048xi32, #tpu.memory_space<vmem>>[vector<16xi32>], vector<16xi32>,
      %add3A_1569 = arith.constant 1 : i32
      %add3A_1570 = vector.broadcast %add3A_1569 : i32 to vector<16xi32>
      %add3A_1571 = arith.addi %add3A_1567, %add3A_1570 : vector<16xi32>
      %gather3A_1572 = tpu.vector_load_idx %arg7[%add3A_1571] : memref<2048xi32, #tpu.memory_space<vmem>>[vector<16xi32>], vector<16xi32>,
      %shift_right_logical3A_1573 = arith.shrui %gather3A_1568, %shift_left3A_1560 : vector<16xi32>
      %and3A_1574 = arith.constant 65535 : i32
      %and3A_1575 = vector.broadcast %and3A_1574 : i32 to vector<16xi32>
      %and3A_1576 = arith.andi %shift_right_logical3A_1573, %and3A_1575 : vector<16xi32>
      %swap3A_1577 = arith.constant 720 : index
      %swap3A_1578 = tpu.vector_load %arg9[%swap3A_1577] {strides = array<i32>} : memref<1024xi32, #tpu.memory_space<vmem>>, vector<16xi32>,
      tpu.vector_store %arg9[%swap3A_1577], %and3A_1576 {strides = array<i32>} : memref<1024xi32, #tpu.memory_space<vmem>>, vector<16xi32>,
      %shift_right_logical3A_1579 = arith.shrui %gather3A_1572, %shift_left3A_1560 : vector<16xi32>
      %and3A_1580 = arith.constant 65535 : i32
      %and3A_1581 = vector.broadcast %and3A_1580 : i32 to vector<16xi32>
      %and3A_1582 = arith.andi %shift_right_logical3A_1579, %and3A_1581 : vector<16xi32>
      %swap3A_1583 = arith.constant 720 : index
      %swap3A_1584 = tpu.vector_load %arg10[%swap3A_1583] {strides = array<i32>} : memref<1024xi32, #tpu.memory_space<vmem>>, vector<16xi32>,
      tpu.vector_store %arg10[%swap3A_1583], %and3A_1582 {strides = array<i32>} : memref<1024xi32, #tpu.memory_space<vmem>>, vector<16xi32>,
      %add3A_1585 = arith.constant 184 : i32
      %add3A_1586 = vector.broadcast %add3A_1585 : i32 to vector<16xi32>
      %add3A_1587 = arith.addi %shift_right_logical3A_2, %add3A_1586 : vector<16xi32>
      %gather3A_1588 = tpu.vector_load_idx %arg8[%add3A_1587] : memref<256xi32, #tpu.memory_space<vmem>>[vector<16xi32>], vector<16xi32>,
      %and3A_1589 = arith.constant 1 : i32
      %and3A_1590 = vector.broadcast %and3A_1589 : i32 to vector<16xi32>
      %and3A_1591 = arith.andi %gather3A_1588, %and3A_1590 : vector<16xi32>
      %shift_left3A_1592 = arith.constant 4 : i32
      %shift_left3A_1593 = vector.broadcast %shift_left3A_1592 : i32 to vector<16xi32>
      %shift_left3A_1594 = arith.shli %and3A_1591, %shift_left3A_1593 : vector<16xi32>
      %mul3A_1595 = arith.constant 8 : i32
      %mul3A_1596 = vector.broadcast %mul3A_1595 : i32 to vector<16xi32>
      %mul3A_1597 = arith.muli %add3A_1587, %mul3A_1596 : vector<16xi32>
      %mul3A_1598 = arith.constant 2 : i32
      %mul3A_1599 = vector.broadcast %mul3A_1598 : i32 to vector<16xi32>
      %mul3A_1600 = arith.muli %mul3A_1599, %and3A_4 : vector<16xi32>
      %add3A_1601 = arith.addi %mul3A_1597, %mul3A_1600 : vector<16xi32>
      %gather3A_1602 = tpu.vector_load_idx %arg7[%add3A_1601] : memref<2048xi32, #tpu.memory_space<vmem>>[vector<16xi32>], vector<16xi32>,
      %add3A_1603 = arith.constant 1 : i32
      %add3A_1604 = vector.broadcast %add3A_1603 : i32 to vector<16xi32>
      %add3A_1605 = arith.addi %add3A_1601, %add3A_1604 : vector<16xi32>
      %gather3A_1606 = tpu.vector_load_idx %arg7[%add3A_1605] : memref<2048xi32, #tpu.memory_space<vmem>>[vector<16xi32>], vector<16xi32>,
      %shift_right_logical3A_1607 = arith.shrui %gather3A_1602, %shift_left3A_1594 : vector<16xi32>
      %and3A_1608 = arith.constant 65535 : i32
      %and3A_1609 = vector.broadcast %and3A_1608 : i32 to vector<16xi32>
      %and3A_1610 = arith.andi %shift_right_logical3A_1607, %and3A_1609 : vector<16xi32>
      %swap3A_1611 = arith.constant 736 : index
      %swap3A_1612 = tpu.vector_load %arg9[%swap3A_1611] {strides = array<i32>} : memref<1024xi32, #tpu.memory_space<vmem>>, vector<16xi32>,
      tpu.vector_store %arg9[%swap3A_1611], %and3A_1610 {strides = array<i32>} : memref<1024xi32, #tpu.memory_space<vmem>>, vector<16xi32>,
      %shift_right_logical3A_1613 = arith.shrui %gather3A_1606, %shift_left3A_1594 : vector<16xi32>
      %and3A_1614 = arith.constant 65535 : i32
      %and3A_1615 = vector.broadcast %and3A_1614 : i32 to vector<16xi32>
      %and3A_1616 = arith.andi %shift_right_logical3A_1613, %and3A_1615 : vector<16xi32>
      %swap3A_1617 = arith.constant 736 : index
      %swap3A_1618 = tpu.vector_load %arg10[%swap3A_1617] {strides = array<i32>} : memref<1024xi32, #tpu.memory_space<vmem>>, vector<16xi32>,
      tpu.vector_store %arg10[%swap3A_1617], %and3A_1616 {strides = array<i32>} : memref<1024xi32, #tpu.memory_space<vmem>>, vector<16xi32>,
      %add3A_1619 = arith.constant 188 : i32
      %add3A_1620 = vector.broadcast %add3A_1619 : i32 to vector<16xi32>
      %add3A_1621 = arith.addi %shift_right_logical3A_2, %add3A_1620 : vector<16xi32>
      %gather3A_1622 = tpu.vector_load_idx %arg8[%add3A_1621] : memref<256xi32, #tpu.memory_space<vmem>>[vector<16xi32>], vector<16xi32>,
      %and3A_1623 = arith.constant 1 : i32
      %and3A_1624 = vector.broadcast %and3A_1623 : i32 to vector<16xi32>
      %and3A_1625 = arith.andi %gather3A_1622, %and3A_1624 : vector<16xi32>
      %shift_left3A_1626 = arith.constant 4 : i32
      %shift_left3A_1627 = vector.broadcast %shift_left3A_1626 : i32 to vector<16xi32>
      %shift_left3A_1628 = arith.shli %and3A_1625, %shift_left3A_1627 : vector<16xi32>
      %mul3A_1629 = arith.constant 8 : i32
      %mul3A_1630 = vector.broadcast %mul3A_1629 : i32 to vector<16xi32>
      %mul3A_1631 = arith.muli %add3A_1621, %mul3A_1630 : vector<16xi32>
      %mul3A_1632 = arith.constant 2 : i32
      %mul3A_1633 = vector.broadcast %mul3A_1632 : i32 to vector<16xi32>
      %mul3A_1634 = arith.muli %mul3A_1633, %and3A_4 : vector<16xi32>
      %add3A_1635 = arith.addi %mul3A_1631, %mul3A_1634 : vector<16xi32>
      %gather3A_1636 = tpu.vector_load_idx %arg7[%add3A_1635] : memref<2048xi32, #tpu.memory_space<vmem>>[vector<16xi32>], vector<16xi32>,
      %add3A_1637 = arith.constant 1 : i32
      %add3A_1638 = vector.broadcast %add3A_1637 : i32 to vector<16xi32>
      %add3A_1639 = arith.addi %add3A_1635, %add3A_1638 : vector<16xi32>
      %gather3A_1640 = tpu.vector_load_idx %arg7[%add3A_1639] : memref<2048xi32, #tpu.memory_space<vmem>>[vector<16xi32>], vector<16xi32>,
      %shift_right_logical3A_1641 = arith.shrui %gather3A_1636, %shift_left3A_1628 : vector<16xi32>
      %and3A_1642 = arith.constant 65535 : i32
      %and3A_1643 = vector.broadcast %and3A_1642 : i32 to vector<16xi32>
      %and3A_1644 = arith.andi %shift_right_logical3A_1641, %and3A_1643 : vector<16xi32>
      %swap3A_1645 = arith.constant 752 : index
      %swap3A_1646 = tpu.vector_load %arg9[%swap3A_1645] {strides = array<i32>} : memref<1024xi32, #tpu.memory_space<vmem>>, vector<16xi32>,
      tpu.vector_store %arg9[%swap3A_1645], %and3A_1644 {strides = array<i32>} : memref<1024xi32, #tpu.memory_space<vmem>>, vector<16xi32>,
      %shift_right_logical3A_1647 = arith.shrui %gather3A_1640, %shift_left3A_1628 : vector<16xi32>
      %and3A_1648 = arith.constant 65535 : i32
      %and3A_1649 = vector.broadcast %and3A_1648 : i32 to vector<16xi32>
      %and3A_1650 = arith.andi %shift_right_logical3A_1647, %and3A_1649 : vector<16xi32>
      %swap3A_1651 = arith.constant 752 : index
      %swap3A_1652 = tpu.vector_load %arg10[%swap3A_1651] {strides = array<i32>} : memref<1024xi32, #tpu.memory_space<vmem>>, vector<16xi32>,
      tpu.vector_store %arg10[%swap3A_1651], %and3A_1650 {strides = array<i32>} : memref<1024xi32, #tpu.memory_space<vmem>>, vector<16xi32>,
      %add3A_1653 = arith.constant 192 : i32
      %add3A_1654 = vector.broadcast %add3A_1653 : i32 to vector<16xi32>
      %add3A_1655 = arith.addi %shift_right_logical3A_2, %add3A_1654 : vector<16xi32>
      %gather3A_1656 = tpu.vector_load_idx %arg8[%add3A_1655] : memref<256xi32, #tpu.memory_space<vmem>>[vector<16xi32>], vector<16xi32>,
      %and3A_1657 = arith.constant 1 : i32
      %and3A_1658 = vector.broadcast %and3A_1657 : i32 to vector<16xi32>
      %and3A_1659 = arith.andi %gather3A_1656, %and3A_1658 : vector<16xi32>
      %shift_left3A_1660 = arith.constant 4 : i32
      %shift_left3A_1661 = vector.broadcast %shift_left3A_1660 : i32 to vector<16xi32>
      %shift_left3A_1662 = arith.shli %and3A_1659, %shift_left3A_1661 : vector<16xi32>
      %mul3A_1663 = arith.constant 8 : i32
      %mul3A_1664 = vector.broadcast %mul3A_1663 : i32 to vector<16xi32>
      %mul3A_1665 = arith.muli %add3A_1655, %mul3A_1664 : vector<16xi32>
      %mul3A_1666 = arith.constant 2 : i32
      %mul3A_1667 = vector.broadcast %mul3A_1666 : i32 to vector<16xi32>
      %mul3A_1668 = arith.muli %mul3A_1667, %and3A_4 : vector<16xi32>
      %add3A_1669 = arith.addi %mul3A_1665, %mul3A_1668 : vector<16xi32>
      %gather3A_1670 = tpu.vector_load_idx %arg7[%add3A_1669] : memref<2048xi32, #tpu.memory_space<vmem>>[vector<16xi32>], vector<16xi32>,
      %add3A_1671 = arith.constant 1 : i32
      %add3A_1672 = vector.broadcast %add3A_1671 : i32 to vector<16xi32>
      %add3A_1673 = arith.addi %add3A_1669, %add3A_1672 : vector<16xi32>
      %gather3A_1674 = tpu.vector_load_idx %arg7[%add3A_1673] : memref<2048xi32, #tpu.memory_space<vmem>>[vector<16xi32>], vector<16xi32>,
      %shift_right_logical3A_1675 = arith.shrui %gather3A_1670, %shift_left3A_1662 : vector<16xi32>
      %and3A_1676 = arith.constant 65535 : i32
      %and3A_1677 = vector.broadcast %and3A_1676 : i32 to vector<16xi32>
      %and3A_1678 = arith.andi %shift_right_logical3A_1675, %and3A_1677 : vector<16xi32>
      %swap3A_1679 = arith.constant 768 : index
      %swap3A_1680 = tpu.vector_load %arg9[%swap3A_1679] {strides = array<i32>} : memref<1024xi32, #tpu.memory_space<vmem>>, vector<16xi32>,
      tpu.vector_store %arg9[%swap3A_1679], %and3A_1678 {strides = array<i32>} : memref<1024xi32, #tpu.memory_space<vmem>>, vector<16xi32>,
      %shift_right_logical3A_1681 = arith.shrui %gather3A_1674, %shift_left3A_1662 : vector<16xi32>
      %and3A_1682 = arith.constant 65535 : i32
      %and3A_1683 = vector.broadcast %and3A_1682 : i32 to vector<16xi32>
      %and3A_1684 = arith.andi %shift_right_logical3A_1681, %and3A_1683 : vector<16xi32>
      %swap3A_1685 = arith.constant 768 : index
      %swap3A_1686 = tpu.vector_load %arg10[%swap3A_1685] {strides = array<i32>} : memref<1024xi32, #tpu.memory_space<vmem>>, vector<16xi32>,
      tpu.vector_store %arg10[%swap3A_1685], %and3A_1684 {strides = array<i32>} : memref<1024xi32, #tpu.memory_space<vmem>>, vector<16xi32>,
      %add3A_1687 = arith.constant 196 : i32
      %add3A_1688 = vector.broadcast %add3A_1687 : i32 to vector<16xi32>
      %add3A_1689 = arith.addi %shift_right_logical3A_2, %add3A_1688 : vector<16xi32>
      %gather3A_1690 = tpu.vector_load_idx %arg8[%add3A_1689] : memref<256xi32, #tpu.memory_space<vmem>>[vector<16xi32>], vector<16xi32>,
      %and3A_1691 = arith.constant 1 : i32
      %and3A_1692 = vector.broadcast %and3A_1691 : i32 to vector<16xi32>
      %and3A_1693 = arith.andi %gather3A_1690, %and3A_1692 : vector<16xi32>
      %shift_left3A_1694 = arith.constant 4 : i32
      %shift_left3A_1695 = vector.broadcast %shift_left3A_1694 : i32 to vector<16xi32>
      %shift_left3A_1696 = arith.shli %and3A_1693, %shift_left3A_1695 : vector<16xi32>
      %mul3A_1697 = arith.constant 8 : i32
      %mul3A_1698 = vector.broadcast %mul3A_1697 : i32 to vector<16xi32>
      %mul3A_1699 = arith.muli %add3A_1689, %mul3A_1698 : vector<16xi32>
      %mul3A_1700 = arith.constant 2 : i32
      %mul3A_1701 = vector.broadcast %mul3A_1700 : i32 to vector<16xi32>
      %mul3A_1702 = arith.muli %mul3A_1701, %and3A_4 : vector<16xi32>
      %add3A_1703 = arith.addi %mul3A_1699, %mul3A_1702 : vector<16xi32>
      %gather3A_1704 = tpu.vector_load_idx %arg7[%add3A_1703] : memref<2048xi32, #tpu.memory_space<vmem>>[vector<16xi32>], vector<16xi32>,
      %add3A_1705 = arith.constant 1 : i32
      %add3A_1706 = vector.broadcast %add3A_1705 : i32 to vector<16xi32>
      %add3A_1707 = arith.addi %add3A_1703, %add3A_1706 : vector<16xi32>
      %gather3A_1708 = tpu.vector_load_idx %arg7[%add3A_1707] : memref<2048xi32, #tpu.memory_space<vmem>>[vector<16xi32>], vector<16xi32>,
      %shift_right_logical3A_1709 = arith.shrui %gather3A_1704, %shift_left3A_1696 : vector<16xi32>
      %and3A_1710 = arith.constant 65535 : i32
      %and3A_1711 = vector.broadcast %and3A_1710 : i32 to vector<16xi32>
      %and3A_1712 = arith.andi %shift_right_logical3A_1709, %and3A_1711 : vector<16xi32>
      %swap3A_1713 = arith.constant 784 : index
      %swap3A_1714 = tpu.vector_load %arg9[%swap3A_1713] {strides = array<i32>} : memref<1024xi32, #tpu.memory_space<vmem>>, vector<16xi32>,
      tpu.vector_store %arg9[%swap3A_1713], %and3A_1712 {strides = array<i32>} : memref<1024xi32, #tpu.memory_space<vmem>>, vector<16xi32>,
      %shift_right_logical3A_1715 = arith.shrui %gather3A_1708, %shift_left3A_1696 : vector<16xi32>
      %and3A_1716 = arith.constant 65535 : i32
      %and3A_1717 = vector.broadcast %and3A_1716 : i32 to vector<16xi32>
      %and3A_1718 = arith.andi %shift_right_logical3A_1715, %and3A_1717 : vector<16xi32>
      %swap3A_1719 = arith.constant 784 : index
      %swap3A_1720 = tpu.vector_load %arg10[%swap3A_1719] {strides = array<i32>} : memref<1024xi32, #tpu.memory_space<vmem>>, vector<16xi32>,
      tpu.vector_store %arg10[%swap3A_1719], %and3A_1718 {strides = array<i32>} : memref<1024xi32, #tpu.memory_space<vmem>>, vector<16xi32>,
      %add3A_1721 = arith.constant 200 : i32
      %add3A_1722 = vector.broadcast %add3A_1721 : i32 to vector<16xi32>
      %add3A_1723 = arith.addi %shift_right_logical3A_2, %add3A_1722 : vector<16xi32>
      %gather3A_1724 = tpu.vector_load_idx %arg8[%add3A_1723] : memref<256xi32, #tpu.memory_space<vmem>>[vector<16xi32>], vector<16xi32>,
      %and3A_1725 = arith.constant 1 : i32
      %and3A_1726 = vector.broadcast %and3A_1725 : i32 to vector<16xi32>
      %and3A_1727 = arith.andi %gather3A_1724, %and3A_1726 : vector<16xi32>
      %shift_left3A_1728 = arith.constant 4 : i32
      %shift_left3A_1729 = vector.broadcast %shift_left3A_1728 : i32 to vector<16xi32>
      %shift_left3A_1730 = arith.shli %and3A_1727, %shift_left3A_1729 : vector<16xi32>
      %mul3A_1731 = arith.constant 8 : i32
      %mul3A_1732 = vector.broadcast %mul3A_1731 : i32 to vector<16xi32>
      %mul3A_1733 = arith.muli %add3A_1723, %mul3A_1732 : vector<16xi32>
      %mul3A_1734 = arith.constant 2 : i32
      %mul3A_1735 = vector.broadcast %mul3A_1734 : i32 to vector<16xi32>
      %mul3A_1736 = arith.muli %mul3A_1735, %and3A_4 : vector<16xi32>
      %add3A_1737 = arith.addi %mul3A_1733, %mul3A_1736 : vector<16xi32>
      %gather3A_1738 = tpu.vector_load_idx %arg7[%add3A_1737] : memref<2048xi32, #tpu.memory_space<vmem>>[vector<16xi32>], vector<16xi32>,
      %add3A_1739 = arith.constant 1 : i32
      %add3A_1740 = vector.broadcast %add3A_1739 : i32 to vector<16xi32>
      %add3A_1741 = arith.addi %add3A_1737, %add3A_1740 : vector<16xi32>
      %gather3A_1742 = tpu.vector_load_idx %arg7[%add3A_1741] : memref<2048xi32, #tpu.memory_space<vmem>>[vector<16xi32>], vector<16xi32>,
      %shift_right_logical3A_1743 = arith.shrui %gather3A_1738, %shift_left3A_1730 : vector<16xi32>
      %and3A_1744 = arith.constant 65535 : i32
      %and3A_1745 = vector.broadcast %and3A_1744 : i32 to vector<16xi32>
      %and3A_1746 = arith.andi %shift_right_logical3A_1743, %and3A_1745 : vector<16xi32>
      %swap3A_1747 = arith.constant 800 : index
      %swap3A_1748 = tpu.vector_load %arg9[%swap3A_1747] {strides = array<i32>} : memref<1024xi32, #tpu.memory_space<vmem>>, vector<16xi32>,
      tpu.vector_store %arg9[%swap3A_1747], %and3A_1746 {strides = array<i32>} : memref<1024xi32, #tpu.memory_space<vmem>>, vector<16xi32>,
      %shift_right_logical3A_1749 = arith.shrui %gather3A_1742, %shift_left3A_1730 : vector<16xi32>
      %and3A_1750 = arith.constant 65535 : i32
      %and3A_1751 = vector.broadcast %and3A_1750 : i32 to vector<16xi32>
      %and3A_1752 = arith.andi %shift_right_logical3A_1749, %and3A_1751 : vector<16xi32>
      %swap3A_1753 = arith.constant 800 : index
      %swap3A_1754 = tpu.vector_load %arg10[%swap3A_1753] {strides = array<i32>} : memref<1024xi32, #tpu.memory_space<vmem>>, vector<16xi32>,
      tpu.vector_store %arg10[%swap3A_1753], %and3A_1752 {strides = array<i32>} : memref<1024xi32, #tpu.memory_space<vmem>>, vector<16xi32>,
      %add3A_1755 = arith.constant 204 : i32
      %add3A_1756 = vector.broadcast %add3A_1755 : i32 to vector<16xi32>
      %add3A_1757 = arith.addi %shift_right_logical3A_2, %add3A_1756 : vector<16xi32>
      %gather3A_1758 = tpu.vector_load_idx %arg8[%add3A_1757] : memref<256xi32, #tpu.memory_space<vmem>>[vector<16xi32>], vector<16xi32>,
      %and3A_1759 = arith.constant 1 : i32
      %and3A_1760 = vector.broadcast %and3A_1759 : i32 to vector<16xi32>
      %and3A_1761 = arith.andi %gather3A_1758, %and3A_1760 : vector<16xi32>
      %shift_left3A_1762 = arith.constant 4 : i32
      %shift_left3A_1763 = vector.broadcast %shift_left3A_1762 : i32 to vector<16xi32>
      %shift_left3A_1764 = arith.shli %and3A_1761, %shift_left3A_1763 : vector<16xi32>
      %mul3A_1765 = arith.constant 8 : i32
      %mul3A_1766 = vector.broadcast %mul3A_1765 : i32 to vector<16xi32>
      %mul3A_1767 = arith.muli %add3A_1757, %mul3A_1766 : vector<16xi32>
      %mul3A_1768 = arith.constant 2 : i32
      %mul3A_1769 = vector.broadcast %mul3A_1768 : i32 to vector<16xi32>
      %mul3A_1770 = arith.muli %mul3A_1769, %and3A_4 : vector<16xi32>
      %add3A_1771 = arith.addi %mul3A_1767, %mul3A_1770 : vector<16xi32>
      %gather3A_1772 = tpu.vector_load_idx %arg7[%add3A_1771] : memref<2048xi32, #tpu.memory_space<vmem>>[vector<16xi32>], vector<16xi32>,
      %add3A_1773 = arith.constant 1 : i32
      %add3A_1774 = vector.broadcast %add3A_1773 : i32 to vector<16xi32>
      %add3A_1775 = arith.addi %add3A_1771, %add3A_1774 : vector<16xi32>
      %gather3A_1776 = tpu.vector_load_idx %arg7[%add3A_1775] : memref<2048xi32, #tpu.memory_space<vmem>>[vector<16xi32>], vector<16xi32>,
      %shift_right_logical3A_1777 = arith.shrui %gather3A_1772, %shift_left3A_1764 : vector<16xi32>
      %and3A_1778 = arith.constant 65535 : i32
      %and3A_1779 = vector.broadcast %and3A_1778 : i32 to vector<16xi32>
      %and3A_1780 = arith.andi %shift_right_logical3A_1777, %and3A_1779 : vector<16xi32>
      %swap3A_1781 = arith.constant 816 : index
      %swap3A_1782 = tpu.vector_load %arg9[%swap3A_1781] {strides = array<i32>} : memref<1024xi32, #tpu.memory_space<vmem>>, vector<16xi32>,
      tpu.vector_store %arg9[%swap3A_1781], %and3A_1780 {strides = array<i32>} : memref<1024xi32, #tpu.memory_space<vmem>>, vector<16xi32>,
      %shift_right_logical3A_1783 = arith.shrui %gather3A_1776, %shift_left3A_1764 : vector<16xi32>
      %and3A_1784 = arith.constant 65535 : i32
      %and3A_1785 = vector.broadcast %and3A_1784 : i32 to vector<16xi32>
      %and3A_1786 = arith.andi %shift_right_logical3A_1783, %and3A_1785 : vector<16xi32>
      %swap3A_1787 = arith.constant 816 : index
      %swap3A_1788 = tpu.vector_load %arg10[%swap3A_1787] {strides = array<i32>} : memref<1024xi32, #tpu.memory_space<vmem>>, vector<16xi32>,
      tpu.vector_store %arg10[%swap3A_1787], %and3A_1786 {strides = array<i32>} : memref<1024xi32, #tpu.memory_space<vmem>>, vector<16xi32>,
      %add3A_1789 = arith.constant 208 : i32
      %add3A_1790 = vector.broadcast %add3A_1789 : i32 to vector<16xi32>
      %add3A_1791 = arith.addi %shift_right_logical3A_2, %add3A_1790 : vector<16xi32>
      %gather3A_1792 = tpu.vector_load_idx %arg8[%add3A_1791] : memref<256xi32, #tpu.memory_space<vmem>>[vector<16xi32>], vector<16xi32>,
      %and3A_1793 = arith.constant 1 : i32
      %and3A_1794 = vector.broadcast %and3A_1793 : i32 to vector<16xi32>
      %and3A_1795 = arith.andi %gather3A_1792, %and3A_1794 : vector<16xi32>
      %shift_left3A_1796 = arith.constant 4 : i32
      %shift_left3A_1797 = vector.broadcast %shift_left3A_1796 : i32 to vector<16xi32>
      %shift_left3A_1798 = arith.shli %and3A_1795, %shift_left3A_1797 : vector<16xi32>
      %mul3A_1799 = arith.constant 8 : i32
      %mul3A_1800 = vector.broadcast %mul3A_1799 : i32 to vector<16xi32>
      %mul3A_1801 = arith.muli %add3A_1791, %mul3A_1800 : vector<16xi32>
      %mul3A_1802 = arith.constant 2 : i32
      %mul3A_1803 = vector.broadcast %mul3A_1802 : i32 to vector<16xi32>
      %mul3A_1804 = arith.muli %mul3A_1803, %and3A_4 : vector<16xi32>
      %add3A_1805 = arith.addi %mul3A_1801, %mul3A_1804 : vector<16xi32>
      %gather3A_1806 = tpu.vector_load_idx %arg7[%add3A_1805] : memref<2048xi32, #tpu.memory_space<vmem>>[vector<16xi32>], vector<16xi32>,
      %add3A_1807 = arith.constant 1 : i32
      %add3A_1808 = vector.broadcast %add3A_1807 : i32 to vector<16xi32>
      %add3A_1809 = arith.addi %add3A_1805, %add3A_1808 : vector<16xi32>
      %gather3A_1810 = tpu.vector_load_idx %arg7[%add3A_1809] : memref<2048xi32, #tpu.memory_space<vmem>>[vector<16xi32>], vector<16xi32>,
      %shift_right_logical3A_1811 = arith.shrui %gather3A_1806, %shift_left3A_1798 : vector<16xi32>
      %and3A_1812 = arith.constant 65535 : i32
      %and3A_1813 = vector.broadcast %and3A_1812 : i32 to vector<16xi32>
      %and3A_1814 = arith.andi %shift_right_logical3A_1811, %and3A_1813 : vector<16xi32>
      %swap3A_1815 = arith.constant 832 : index
      %swap3A_1816 = tpu.vector_load %arg9[%swap3A_1815] {strides = array<i32>} : memref<1024xi32, #tpu.memory_space<vmem>>, vector<16xi32>,
      tpu.vector_store %arg9[%swap3A_1815], %and3A_1814 {strides = array<i32>} : memref<1024xi32, #tpu.memory_space<vmem>>, vector<16xi32>,
      %shift_right_logical3A_1817 = arith.shrui %gather3A_1810, %shift_left3A_1798 : vector<16xi32>
      %and3A_1818 = arith.constant 65535 : i32
      %and3A_1819 = vector.broadcast %and3A_1818 : i32 to vector<16xi32>
      %and3A_1820 = arith.andi %shift_right_logical3A_1817, %and3A_1819 : vector<16xi32>
      %swap3A_1821 = arith.constant 832 : index
      %swap3A_1822 = tpu.vector_load %arg10[%swap3A_1821] {strides = array<i32>} : memref<1024xi32, #tpu.memory_space<vmem>>, vector<16xi32>,
      tpu.vector_store %arg10[%swap3A_1821], %and3A_1820 {strides = array<i32>} : memref<1024xi32, #tpu.memory_space<vmem>>, vector<16xi32>,
      %add3A_1823 = arith.constant 212 : i32
      %add3A_1824 = vector.broadcast %add3A_1823 : i32 to vector<16xi32>
      %add3A_1825 = arith.addi %shift_right_logical3A_2, %add3A_1824 : vector<16xi32>
      %gather3A_1826 = tpu.vector_load_idx %arg8[%add3A_1825] : memref<256xi32, #tpu.memory_space<vmem>>[vector<16xi32>], vector<16xi32>,
      %and3A_1827 = arith.constant 1 : i32
      %and3A_1828 = vector.broadcast %and3A_1827 : i32 to vector<16xi32>
      %and3A_1829 = arith.andi %gather3A_1826, %and3A_1828 : vector<16xi32>
      %shift_left3A_1830 = arith.constant 4 : i32
      %shift_left3A_1831 = vector.broadcast %shift_left3A_1830 : i32 to vector<16xi32>
      %shift_left3A_1832 = arith.shli %and3A_1829, %shift_left3A_1831 : vector<16xi32>
      %mul3A_1833 = arith.constant 8 : i32
      %mul3A_1834 = vector.broadcast %mul3A_1833 : i32 to vector<16xi32>
      %mul3A_1835 = arith.muli %add3A_1825, %mul3A_1834 : vector<16xi32>
      %mul3A_1836 = arith.constant 2 : i32
      %mul3A_1837 = vector.broadcast %mul3A_1836 : i32 to vector<16xi32>
      %mul3A_1838 = arith.muli %mul3A_1837, %and3A_4 : vector<16xi32>
      %add3A_1839 = arith.addi %mul3A_1835, %mul3A_1838 : vector<16xi32>
      %gather3A_1840 = tpu.vector_load_idx %arg7[%add3A_1839] : memref<2048xi32, #tpu.memory_space<vmem>>[vector<16xi32>], vector<16xi32>,
      %add3A_1841 = arith.constant 1 : i32
      %add3A_1842 = vector.broadcast %add3A_1841 : i32 to vector<16xi32>
      %add3A_1843 = arith.addi %add3A_1839, %add3A_1842 : vector<16xi32>
      %gather3A_1844 = tpu.vector_load_idx %arg7[%add3A_1843] : memref<2048xi32, #tpu.memory_space<vmem>>[vector<16xi32>], vector<16xi32>,
      %shift_right_logical3A_1845 = arith.shrui %gather3A_1840, %shift_left3A_1832 : vector<16xi32>
      %and3A_1846 = arith.constant 65535 : i32
      %and3A_1847 = vector.broadcast %and3A_1846 : i32 to vector<16xi32>
      %and3A_1848 = arith.andi %shift_right_logical3A_1845, %and3A_1847 : vector<16xi32>
      %swap3A_1849 = arith.constant 848 : index
      %swap3A_1850 = tpu.vector_load %arg9[%swap3A_1849] {strides = array<i32>} : memref<1024xi32, #tpu.memory_space<vmem>>, vector<16xi32>,
      tpu.vector_store %arg9[%swap3A_1849], %and3A_1848 {strides = array<i32>} : memref<1024xi32, #tpu.memory_space<vmem>>, vector<16xi32>,
      %shift_right_logical3A_1851 = arith.shrui %gather3A_1844, %shift_left3A_1832 : vector<16xi32>
      %and3A_1852 = arith.constant 65535 : i32
      %and3A_1853 = vector.broadcast %and3A_1852 : i32 to vector<16xi32>
      %and3A_1854 = arith.andi %shift_right_logical3A_1851, %and3A_1853 : vector<16xi32>
      %swap3A_1855 = arith.constant 848 : index
      %swap3A_1856 = tpu.vector_load %arg10[%swap3A_1855] {strides = array<i32>} : memref<1024xi32, #tpu.memory_space<vmem>>, vector<16xi32>,
      tpu.vector_store %arg10[%swap3A_1855], %and3A_1854 {strides = array<i32>} : memref<1024xi32, #tpu.memory_space<vmem>>, vector<16xi32>,
      %add3A_1857 = arith.constant 216 : i32
      %add3A_1858 = vector.broadcast %add3A_1857 : i32 to vector<16xi32>
      %add3A_1859 = arith.addi %shift_right_logical3A_2, %add3A_1858 : vector<16xi32>
      %gather3A_1860 = tpu.vector_load_idx %arg8[%add3A_1859] : memref<256xi32, #tpu.memory_space<vmem>>[vector<16xi32>], vector<16xi32>,
      %and3A_1861 = arith.constant 1 : i32
      %and3A_1862 = vector.broadcast %and3A_1861 : i32 to vector<16xi32>
      %and3A_1863 = arith.andi %gather3A_1860, %and3A_1862 : vector<16xi32>
      %shift_left3A_1864 = arith.constant 4 : i32
      %shift_left3A_1865 = vector.broadcast %shift_left3A_1864 : i32 to vector<16xi32>
      %shift_left3A_1866 = arith.shli %and3A_1863, %shift_left3A_1865 : vector<16xi32>
      %mul3A_1867 = arith.constant 8 : i32
      %mul3A_1868 = vector.broadcast %mul3A_1867 : i32 to vector<16xi32>
      %mul3A_1869 = arith.muli %add3A_1859, %mul3A_1868 : vector<16xi32>
      %mul3A_1870 = arith.constant 2 : i32
      %mul3A_1871 = vector.broadcast %mul3A_1870 : i32 to vector<16xi32>
      %mul3A_1872 = arith.muli %mul3A_1871, %and3A_4 : vector<16xi32>
      %add3A_1873 = arith.addi %mul3A_1869, %mul3A_1872 : vector<16xi32>
      %gather3A_1874 = tpu.vector_load_idx %arg7[%add3A_1873] : memref<2048xi32, #tpu.memory_space<vmem>>[vector<16xi32>], vector<16xi32>,
      %add3A_1875 = arith.constant 1 : i32
      %add3A_1876 = vector.broadcast %add3A_1875 : i32 to vector<16xi32>
      %add3A_1877 = arith.addi %add3A_1873, %add3A_1876 : vector<16xi32>
      %gather3A_1878 = tpu.vector_load_idx %arg7[%add3A_1877] : memref<2048xi32, #tpu.memory_space<vmem>>[vector<16xi32>], vector<16xi32>,
      %shift_right_logical3A_1879 = arith.shrui %gather3A_1874, %shift_left3A_1866 : vector<16xi32>
      %and3A_1880 = arith.constant 65535 : i32
      %and3A_1881 = vector.broadcast %and3A_1880 : i32 to vector<16xi32>
      %and3A_1882 = arith.andi %shift_right_logical3A_1879, %and3A_1881 : vector<16xi32>
      %swap3A_1883 = arith.constant 864 : index
      %swap3A_1884 = tpu.vector_load %arg9[%swap3A_1883] {strides = array<i32>} : memref<1024xi32, #tpu.memory_space<vmem>>, vector<16xi32>,
      tpu.vector_store %arg9[%swap3A_1883], %and3A_1882 {strides = array<i32>} : memref<1024xi32, #tpu.memory_space<vmem>>, vector<16xi32>,
      %shift_right_logical3A_1885 = arith.shrui %gather3A_1878, %shift_left3A_1866 : vector<16xi32>
      %and3A_1886 = arith.constant 65535 : i32
      %and3A_1887 = vector.broadcast %and3A_1886 : i32 to vector<16xi32>
      %and3A_1888 = arith.andi %shift_right_logical3A_1885, %and3A_1887 : vector<16xi32>
      %swap3A_1889 = arith.constant 864 : index
      %swap3A_1890 = tpu.vector_load %arg10[%swap3A_1889] {strides = array<i32>} : memref<1024xi32, #tpu.memory_space<vmem>>, vector<16xi32>,
      tpu.vector_store %arg10[%swap3A_1889], %and3A_1888 {strides = array<i32>} : memref<1024xi32, #tpu.memory_space<vmem>>, vector<16xi32>,
      %add3A_1891 = arith.constant 220 : i32
      %add3A_1892 = vector.broadcast %add3A_1891 : i32 to vector<16xi32>
      %add3A_1893 = arith.addi %shift_right_logical3A_2, %add3A_1892 : vector<16xi32>
      %gather3A_1894 = tpu.vector_load_idx %arg8[%add3A_1893] : memref<256xi32, #tpu.memory_space<vmem>>[vector<16xi32>], vector<16xi32>,
      %and3A_1895 = arith.constant 1 : i32
      %and3A_1896 = vector.broadcast %and3A_1895 : i32 to vector<16xi32>
      %and3A_1897 = arith.andi %gather3A_1894, %and3A_1896 : vector<16xi32>
      %shift_left3A_1898 = arith.constant 4 : i32
      %shift_left3A_1899 = vector.broadcast %shift_left3A_1898 : i32 to vector<16xi32>
      %shift_left3A_1900 = arith.shli %and3A_1897, %shift_left3A_1899 : vector<16xi32>
      %mul3A_1901 = arith.constant 8 : i32
      %mul3A_1902 = vector.broadcast %mul3A_1901 : i32 to vector<16xi32>
      %mul3A_1903 = arith.muli %add3A_1893, %mul3A_1902 : vector<16xi32>
      %mul3A_1904 = arith.constant 2 : i32
      %mul3A_1905 = vector.broadcast %mul3A_1904 : i32 to vector<16xi32>
      %mul3A_1906 = arith.muli %mul3A_1905, %and3A_4 : vector<16xi32>
      %add3A_1907 = arith.addi %mul3A_1903, %mul3A_1906 : vector<16xi32>
      %gather3A_1908 = tpu.vector_load_idx %arg7[%add3A_1907] : memref<2048xi32, #tpu.memory_space<vmem>>[vector<16xi32>], vector<16xi32>,
      %add3A_1909 = arith.constant 1 : i32
      %add3A_1910 = vector.broadcast %add3A_1909 : i32 to vector<16xi32>
      %add3A_1911 = arith.addi %add3A_1907, %add3A_1910 : vector<16xi32>
      %gather3A_1912 = tpu.vector_load_idx %arg7[%add3A_1911] : memref<2048xi32, #tpu.memory_space<vmem>>[vector<16xi32>], vector<16xi32>,
      %shift_right_logical3A_1913 = arith.shrui %gather3A_1908, %shift_left3A_1900 : vector<16xi32>
      %and3A_1914 = arith.constant 65535 : i32
      %and3A_1915 = vector.broadcast %and3A_1914 : i32 to vector<16xi32>
      %and3A_1916 = arith.andi %shift_right_logical3A_1913, %and3A_1915 : vector<16xi32>
      %swap3A_1917 = arith.constant 880 : index
      %swap3A_1918 = tpu.vector_load %arg9[%swap3A_1917] {strides = array<i32>} : memref<1024xi32, #tpu.memory_space<vmem>>, vector<16xi32>,
      tpu.vector_store %arg9[%swap3A_1917], %and3A_1916 {strides = array<i32>} : memref<1024xi32, #tpu.memory_space<vmem>>, vector<16xi32>,
      %shift_right_logical3A_1919 = arith.shrui %gather3A_1912, %shift_left3A_1900 : vector<16xi32>
      %and3A_1920 = arith.constant 65535 : i32
      %and3A_1921 = vector.broadcast %and3A_1920 : i32 to vector<16xi32>
      %and3A_1922 = arith.andi %shift_right_logical3A_1919, %and3A_1921 : vector<16xi32>
      %swap3A_1923 = arith.constant 880 : index
      %swap3A_1924 = tpu.vector_load %arg10[%swap3A_1923] {strides = array<i32>} : memref<1024xi32, #tpu.memory_space<vmem>>, vector<16xi32>,
      tpu.vector_store %arg10[%swap3A_1923], %and3A_1922 {strides = array<i32>} : memref<1024xi32, #tpu.memory_space<vmem>>, vector<16xi32>,
      %add3A_1925 = arith.constant 224 : i32
      %add3A_1926 = vector.broadcast %add3A_1925 : i32 to vector<16xi32>
      %add3A_1927 = arith.addi %shift_right_logical3A_2, %add3A_1926 : vector<16xi32>
      %gather3A_1928 = tpu.vector_load_idx %arg8[%add3A_1927] : memref<256xi32, #tpu.memory_space<vmem>>[vector<16xi32>], vector<16xi32>,
      %and3A_1929 = arith.constant 1 : i32
      %and3A_1930 = vector.broadcast %and3A_1929 : i32 to vector<16xi32>
      %and3A_1931 = arith.andi %gather3A_1928, %and3A_1930 : vector<16xi32>
      %shift_left3A_1932 = arith.constant 4 : i32
      %shift_left3A_1933 = vector.broadcast %shift_left3A_1932 : i32 to vector<16xi32>
      %shift_left3A_1934 = arith.shli %and3A_1931, %shift_left3A_1933 : vector<16xi32>
      %mul3A_1935 = arith.constant 8 : i32
      %mul3A_1936 = vector.broadcast %mul3A_1935 : i32 to vector<16xi32>
      %mul3A_1937 = arith.muli %add3A_1927, %mul3A_1936 : vector<16xi32>
      %mul3A_1938 = arith.constant 2 : i32
      %mul3A_1939 = vector.broadcast %mul3A_1938 : i32 to vector<16xi32>
      %mul3A_1940 = arith.muli %mul3A_1939, %and3A_4 : vector<16xi32>
      %add3A_1941 = arith.addi %mul3A_1937, %mul3A_1940 : vector<16xi32>
      %gather3A_1942 = tpu.vector_load_idx %arg7[%add3A_1941] : memref<2048xi32, #tpu.memory_space<vmem>>[vector<16xi32>], vector<16xi32>,
      %add3A_1943 = arith.constant 1 : i32
      %add3A_1944 = vector.broadcast %add3A_1943 : i32 to vector<16xi32>
      %add3A_1945 = arith.addi %add3A_1941, %add3A_1944 : vector<16xi32>
      %gather3A_1946 = tpu.vector_load_idx %arg7[%add3A_1945] : memref<2048xi32, #tpu.memory_space<vmem>>[vector<16xi32>], vector<16xi32>,
      %shift_right_logical3A_1947 = arith.shrui %gather3A_1942, %shift_left3A_1934 : vector<16xi32>
      %and3A_1948 = arith.constant 65535 : i32
      %and3A_1949 = vector.broadcast %and3A_1948 : i32 to vector<16xi32>
      %and3A_1950 = arith.andi %shift_right_logical3A_1947, %and3A_1949 : vector<16xi32>
      %swap3A_1951 = arith.constant 896 : index
      %swap3A_1952 = tpu.vector_load %arg9[%swap3A_1951] {strides = array<i32>} : memref<1024xi32, #tpu.memory_space<vmem>>, vector<16xi32>,
      tpu.vector_store %arg9[%swap3A_1951], %and3A_1950 {strides = array<i32>} : memref<1024xi32, #tpu.memory_space<vmem>>, vector<16xi32>,
      %shift_right_logical3A_1953 = arith.shrui %gather3A_1946, %shift_left3A_1934 : vector<16xi32>
      %and3A_1954 = arith.constant 65535 : i32
      %and3A_1955 = vector.broadcast %and3A_1954 : i32 to vector<16xi32>
      %and3A_1956 = arith.andi %shift_right_logical3A_1953, %and3A_1955 : vector<16xi32>
      %swap3A_1957 = arith.constant 896 : index
      %swap3A_1958 = tpu.vector_load %arg10[%swap3A_1957] {strides = array<i32>} : memref<1024xi32, #tpu.memory_space<vmem>>, vector<16xi32>,
      tpu.vector_store %arg10[%swap3A_1957], %and3A_1956 {strides = array<i32>} : memref<1024xi32, #tpu.memory_space<vmem>>, vector<16xi32>,
      %add3A_1959 = arith.constant 228 : i32
      %add3A_1960 = vector.broadcast %add3A_1959 : i32 to vector<16xi32>
      %add3A_1961 = arith.addi %shift_right_logical3A_2, %add3A_1960 : vector<16xi32>
      %gather3A_1962 = tpu.vector_load_idx %arg8[%add3A_1961] : memref<256xi32, #tpu.memory_space<vmem>>[vector<16xi32>], vector<16xi32>,
      %and3A_1963 = arith.constant 1 : i32
      %and3A_1964 = vector.broadcast %and3A_1963 : i32 to vector<16xi32>
      %and3A_1965 = arith.andi %gather3A_1962, %and3A_1964 : vector<16xi32>
      %shift_left3A_1966 = arith.constant 4 : i32
      %shift_left3A_1967 = vector.broadcast %shift_left3A_1966 : i32 to vector<16xi32>
      %shift_left3A_1968 = arith.shli %and3A_1965, %shift_left3A_1967 : vector<16xi32>
      %mul3A_1969 = arith.constant 8 : i32
      %mul3A_1970 = vector.broadcast %mul3A_1969 : i32 to vector<16xi32>
      %mul3A_1971 = arith.muli %add3A_1961, %mul3A_1970 : vector<16xi32>
      %mul3A_1972 = arith.constant 2 : i32
      %mul3A_1973 = vector.broadcast %mul3A_1972 : i32 to vector<16xi32>
      %mul3A_1974 = arith.muli %mul3A_1973, %and3A_4 : vector<16xi32>
      %add3A_1975 = arith.addi %mul3A_1971, %mul3A_1974 : vector<16xi32>
      %gather3A_1976 = tpu.vector_load_idx %arg7[%add3A_1975] : memref<2048xi32, #tpu.memory_space<vmem>>[vector<16xi32>], vector<16xi32>,
      %add3A_1977 = arith.constant 1 : i32
      %add3A_1978 = vector.broadcast %add3A_1977 : i32 to vector<16xi32>
      %add3A_1979 = arith.addi %add3A_1975, %add3A_1978 : vector<16xi32>
      %gather3A_1980 = tpu.vector_load_idx %arg7[%add3A_1979] : memref<2048xi32, #tpu.memory_space<vmem>>[vector<16xi32>], vector<16xi32>,
      %shift_right_logical3A_1981 = arith.shrui %gather3A_1976, %shift_left3A_1968 : vector<16xi32>
      %and3A_1982 = arith.constant 65535 : i32
      %and3A_1983 = vector.broadcast %and3A_1982 : i32 to vector<16xi32>
      %and3A_1984 = arith.andi %shift_right_logical3A_1981, %and3A_1983 : vector<16xi32>
      %swap3A_1985 = arith.constant 912 : index
      %swap3A_1986 = tpu.vector_load %arg9[%swap3A_1985] {strides = array<i32>} : memref<1024xi32, #tpu.memory_space<vmem>>, vector<16xi32>,
      tpu.vector_store %arg9[%swap3A_1985], %and3A_1984 {strides = array<i32>} : memref<1024xi32, #tpu.memory_space<vmem>>, vector<16xi32>,
      %shift_right_logical3A_1987 = arith.shrui %gather3A_1980, %shift_left3A_1968 : vector<16xi32>
      %and3A_1988 = arith.constant 65535 : i32
      %and3A_1989 = vector.broadcast %and3A_1988 : i32 to vector<16xi32>
      %and3A_1990 = arith.andi %shift_right_logical3A_1987, %and3A_1989 : vector<16xi32>
      %swap3A_1991 = arith.constant 912 : index
      %swap3A_1992 = tpu.vector_load %arg10[%swap3A_1991] {strides = array<i32>} : memref<1024xi32, #tpu.memory_space<vmem>>, vector<16xi32>,
      tpu.vector_store %arg10[%swap3A_1991], %and3A_1990 {strides = array<i32>} : memref<1024xi32, #tpu.memory_space<vmem>>, vector<16xi32>,
      %add3A_1993 = arith.constant 232 : i32
      %add3A_1994 = vector.broadcast %add3A_1993 : i32 to vector<16xi32>
      %add3A_1995 = arith.addi %shift_right_logical3A_2, %add3A_1994 : vector<16xi32>
      %gather3A_1996 = tpu.vector_load_idx %arg8[%add3A_1995] : memref<256xi32, #tpu.memory_space<vmem>>[vector<16xi32>], vector<16xi32>,
      %and3A_1997 = arith.constant 1 : i32
      %and3A_1998 = vector.broadcast %and3A_1997 : i32 to vector<16xi32>
      %and3A_1999 = arith.andi %gather3A_1996, %and3A_1998 : vector<16xi32>
      %shift_left3A_2000 = arith.constant 4 : i32
      %shift_left3A_2001 = vector.broadcast %shift_left3A_2000 : i32 to vector<16xi32>
      %shift_left3A_2002 = arith.shli %and3A_1999, %shift_left3A_2001 : vector<16xi32>
      %mul3A_2003 = arith.constant 8 : i32
      %mul3A_2004 = vector.broadcast %mul3A_2003 : i32 to vector<16xi32>
      %mul3A_2005 = arith.muli %add3A_1995, %mul3A_2004 : vector<16xi32>
      %mul3A_2006 = arith.constant 2 : i32
      %mul3A_2007 = vector.broadcast %mul3A_2006 : i32 to vector<16xi32>
      %mul3A_2008 = arith.muli %mul3A_2007, %and3A_4 : vector<16xi32>
      %add3A_2009 = arith.addi %mul3A_2005, %mul3A_2008 : vector<16xi32>
      %gather3A_2010 = tpu.vector_load_idx %arg7[%add3A_2009] : memref<2048xi32, #tpu.memory_space<vmem>>[vector<16xi32>], vector<16xi32>,
      %add3A_2011 = arith.constant 1 : i32
      %add3A_2012 = vector.broadcast %add3A_2011 : i32 to vector<16xi32>
      %add3A_2013 = arith.addi %add3A_2009, %add3A_2012 : vector<16xi32>
      %gather3A_2014 = tpu.vector_load_idx %arg7[%add3A_2013] : memref<2048xi32, #tpu.memory_space<vmem>>[vector<16xi32>], vector<16xi32>,
      %shift_right_logical3A_2015 = arith.shrui %gather3A_2010, %shift_left3A_2002 : vector<16xi32>
      %and3A_2016 = arith.constant 65535 : i32
      %and3A_2017 = vector.broadcast %and3A_2016 : i32 to vector<16xi32>
      %and3A_2018 = arith.andi %shift_right_logical3A_2015, %and3A_2017 : vector<16xi32>
      %swap3A_2019 = arith.constant 928 : index
      %swap3A_2020 = tpu.vector_load %arg9[%swap3A_2019] {strides = array<i32>} : memref<1024xi32, #tpu.memory_space<vmem>>, vector<16xi32>,
      tpu.vector_store %arg9[%swap3A_2019], %and3A_2018 {strides = array<i32>} : memref<1024xi32, #tpu.memory_space<vmem>>, vector<16xi32>,
      %shift_right_logical3A_2021 = arith.shrui %gather3A_2014, %shift_left3A_2002 : vector<16xi32>
      %and3A_2022 = arith.constant 65535 : i32
      %and3A_2023 = vector.broadcast %and3A_2022 : i32 to vector<16xi32>
      %and3A_2024 = arith.andi %shift_right_logical3A_2021, %and3A_2023 : vector<16xi32>
      %swap3A_2025 = arith.constant 928 : index
      %swap3A_2026 = tpu.vector_load %arg10[%swap3A_2025] {strides = array<i32>} : memref<1024xi32, #tpu.memory_space<vmem>>, vector<16xi32>,
      tpu.vector_store %arg10[%swap3A_2025], %and3A_2024 {strides = array<i32>} : memref<1024xi32, #tpu.memory_space<vmem>>, vector<16xi32>,
      %add3A_2027 = arith.constant 236 : i32
      %add3A_2028 = vector.broadcast %add3A_2027 : i32 to vector<16xi32>
      %add3A_2029 = arith.addi %shift_right_logical3A_2, %add3A_2028 : vector<16xi32>
      %gather3A_2030 = tpu.vector_load_idx %arg8[%add3A_2029] : memref<256xi32, #tpu.memory_space<vmem>>[vector<16xi32>], vector<16xi32>,
      %and3A_2031 = arith.constant 1 : i32
      %and3A_2032 = vector.broadcast %and3A_2031 : i32 to vector<16xi32>
      %and3A_2033 = arith.andi %gather3A_2030, %and3A_2032 : vector<16xi32>
      %shift_left3A_2034 = arith.constant 4 : i32
      %shift_left3A_2035 = vector.broadcast %shift_left3A_2034 : i32 to vector<16xi32>
      %shift_left3A_2036 = arith.shli %and3A_2033, %shift_left3A_2035 : vector<16xi32>
      %mul3A_2037 = arith.constant 8 : i32
      %mul3A_2038 = vector.broadcast %mul3A_2037 : i32 to vector<16xi32>
      %mul3A_2039 = arith.muli %add3A_2029, %mul3A_2038 : vector<16xi32>
      %mul3A_2040 = arith.constant 2 : i32
      %mul3A_2041 = vector.broadcast %mul3A_2040 : i32 to vector<16xi32>
      %mul3A_2042 = arith.muli %mul3A_2041, %and3A_4 : vector<16xi32>
      %add3A_2043 = arith.addi %mul3A_2039, %mul3A_2042 : vector<16xi32>
      %gather3A_2044 = tpu.vector_load_idx %arg7[%add3A_2043] : memref<2048xi32, #tpu.memory_space<vmem>>[vector<16xi32>], vector<16xi32>,
      %add3A_2045 = arith.constant 1 : i32
      %add3A_2046 = vector.broadcast %add3A_2045 : i32 to vector<16xi32>
      %add3A_2047 = arith.addi %add3A_2043, %add3A_2046 : vector<16xi32>
      %gather3A_2048 = tpu.vector_load_idx %arg7[%add3A_2047] : memref<2048xi32, #tpu.memory_space<vmem>>[vector<16xi32>], vector<16xi32>,
      %shift_right_logical3A_2049 = arith.shrui %gather3A_2044, %shift_left3A_2036 : vector<16xi32>
      %and3A_2050 = arith.constant 65535 : i32
      %and3A_2051 = vector.broadcast %and3A_2050 : i32 to vector<16xi32>
      %and3A_2052 = arith.andi %shift_right_logical3A_2049, %and3A_2051 : vector<16xi32>
      %swap3A_2053 = arith.constant 944 : index
      %swap3A_2054 = tpu.vector_load %arg9[%swap3A_2053] {strides = array<i32>} : memref<1024xi32, #tpu.memory_space<vmem>>, vector<16xi32>,
      tpu.vector_store %arg9[%swap3A_2053], %and3A_2052 {strides = array<i32>} : memref<1024xi32, #tpu.memory_space<vmem>>, vector<16xi32>,
      %shift_right_logical3A_2055 = arith.shrui %gather3A_2048, %shift_left3A_2036 : vector<16xi32>
      %and3A_2056 = arith.constant 65535 : i32
      %and3A_2057 = vector.broadcast %and3A_2056 : i32 to vector<16xi32>
      %and3A_2058 = arith.andi %shift_right_logical3A_2055, %and3A_2057 : vector<16xi32>
      %swap3A_2059 = arith.constant 944 : index
      %swap3A_2060 = tpu.vector_load %arg10[%swap3A_2059] {strides = array<i32>} : memref<1024xi32, #tpu.memory_space<vmem>>, vector<16xi32>,
      tpu.vector_store %arg10[%swap3A_2059], %and3A_2058 {strides = array<i32>} : memref<1024xi32, #tpu.memory_space<vmem>>, vector<16xi32>,
      %add3A_2061 = arith.constant 240 : i32
      %add3A_2062 = vector.broadcast %add3A_2061 : i32 to vector<16xi32>
      %add3A_2063 = arith.addi %shift_right_logical3A_2, %add3A_2062 : vector<16xi32>
      %gather3A_2064 = tpu.vector_load_idx %arg8[%add3A_2063] : memref<256xi32, #tpu.memory_space<vmem>>[vector<16xi32>], vector<16xi32>,
      %and3A_2065 = arith.constant 1 : i32
      %and3A_2066 = vector.broadcast %and3A_2065 : i32 to vector<16xi32>
      %and3A_2067 = arith.andi %gather3A_2064, %and3A_2066 : vector<16xi32>
      %shift_left3A_2068 = arith.constant 4 : i32
      %shift_left3A_2069 = vector.broadcast %shift_left3A_2068 : i32 to vector<16xi32>
      %shift_left3A_2070 = arith.shli %and3A_2067, %shift_left3A_2069 : vector<16xi32>
      %mul3A_2071 = arith.constant 8 : i32
      %mul3A_2072 = vector.broadcast %mul3A_2071 : i32 to vector<16xi32>
      %mul3A_2073 = arith.muli %add3A_2063, %mul3A_2072 : vector<16xi32>
      %mul3A_2074 = arith.constant 2 : i32
      %mul3A_2075 = vector.broadcast %mul3A_2074 : i32 to vector<16xi32>
      %mul3A_2076 = arith.muli %mul3A_2075, %and3A_4 : vector<16xi32>
      %add3A_2077 = arith.addi %mul3A_2073, %mul3A_2076 : vector<16xi32>
      %gather3A_2078 = tpu.vector_load_idx %arg7[%add3A_2077] : memref<2048xi32, #tpu.memory_space<vmem>>[vector<16xi32>], vector<16xi32>,
      %add3A_2079 = arith.constant 1 : i32
      %add3A_2080 = vector.broadcast %add3A_2079 : i32 to vector<16xi32>
      %add3A_2081 = arith.addi %add3A_2077, %add3A_2080 : vector<16xi32>
      %gather3A_2082 = tpu.vector_load_idx %arg7[%add3A_2081] : memref<2048xi32, #tpu.memory_space<vmem>>[vector<16xi32>], vector<16xi32>,
      %shift_right_logical3A_2083 = arith.shrui %gather3A_2078, %shift_left3A_2070 : vector<16xi32>
      %and3A_2084 = arith.constant 65535 : i32
      %and3A_2085 = vector.broadcast %and3A_2084 : i32 to vector<16xi32>
      %and3A_2086 = arith.andi %shift_right_logical3A_2083, %and3A_2085 : vector<16xi32>
      %swap3A_2087 = arith.constant 960 : index
      %swap3A_2088 = tpu.vector_load %arg9[%swap3A_2087] {strides = array<i32>} : memref<1024xi32, #tpu.memory_space<vmem>>, vector<16xi32>,
      tpu.vector_store %arg9[%swap3A_2087], %and3A_2086 {strides = array<i32>} : memref<1024xi32, #tpu.memory_space<vmem>>, vector<16xi32>,
      %shift_right_logical3A_2089 = arith.shrui %gather3A_2082, %shift_left3A_2070 : vector<16xi32>
      %and3A_2090 = arith.constant 65535 : i32
      %and3A_2091 = vector.broadcast %and3A_2090 : i32 to vector<16xi32>
      %and3A_2092 = arith.andi %shift_right_logical3A_2089, %and3A_2091 : vector<16xi32>
      %swap3A_2093 = arith.constant 960 : index
      %swap3A_2094 = tpu.vector_load %arg10[%swap3A_2093] {strides = array<i32>} : memref<1024xi32, #tpu.memory_space<vmem>>, vector<16xi32>,
      tpu.vector_store %arg10[%swap3A_2093], %and3A_2092 {strides = array<i32>} : memref<1024xi32, #tpu.memory_space<vmem>>, vector<16xi32>,
      %add3A_2095 = arith.constant 244 : i32
      %add3A_2096 = vector.broadcast %add3A_2095 : i32 to vector<16xi32>
      %add3A_2097 = arith.addi %shift_right_logical3A_2, %add3A_2096 : vector<16xi32>
      %gather3A_2098 = tpu.vector_load_idx %arg8[%add3A_2097] : memref<256xi32, #tpu.memory_space<vmem>>[vector<16xi32>], vector<16xi32>,
      %and3A_2099 = arith.constant 1 : i32
      %and3A_2100 = vector.broadcast %and3A_2099 : i32 to vector<16xi32>
      %and3A_2101 = arith.andi %gather3A_2098, %and3A_2100 : vector<16xi32>
      %shift_left3A_2102 = arith.constant 4 : i32
      %shift_left3A_2103 = vector.broadcast %shift_left3A_2102 : i32 to vector<16xi32>
      %shift_left3A_2104 = arith.shli %and3A_2101, %shift_left3A_2103 : vector<16xi32>
      %mul3A_2105 = arith.constant 8 : i32
      %mul3A_2106 = vector.broadcast %mul3A_2105 : i32 to vector<16xi32>
      %mul3A_2107 = arith.muli %add3A_2097, %mul3A_2106 : vector<16xi32>
      %mul3A_2108 = arith.constant 2 : i32
      %mul3A_2109 = vector.broadcast %mul3A_2108 : i32 to vector<16xi32>
      %mul3A_2110 = arith.muli %mul3A_2109, %and3A_4 : vector<16xi32>
      %add3A_2111 = arith.addi %mul3A_2107, %mul3A_2110 : vector<16xi32>
      %gather3A_2112 = tpu.vector_load_idx %arg7[%add3A_2111] : memref<2048xi32, #tpu.memory_space<vmem>>[vector<16xi32>], vector<16xi32>,
      %add3A_2113 = arith.constant 1 : i32
      %add3A_2114 = vector.broadcast %add3A_2113 : i32 to vector<16xi32>
      %add3A_2115 = arith.addi %add3A_2111, %add3A_2114 : vector<16xi32>
      %gather3A_2116 = tpu.vector_load_idx %arg7[%add3A_2115] : memref<2048xi32, #tpu.memory_space<vmem>>[vector<16xi32>], vector<16xi32>,
      %shift_right_logical3A_2117 = arith.shrui %gather3A_2112, %shift_left3A_2104 : vector<16xi32>
      %and3A_2118 = arith.constant 65535 : i32
      %and3A_2119 = vector.broadcast %and3A_2118 : i32 to vector<16xi32>
      %and3A_2120 = arith.andi %shift_right_logical3A_2117, %and3A_2119 : vector<16xi32>
      %swap3A_2121 = arith.constant 976 : index
      %swap3A_2122 = tpu.vector_load %arg9[%swap3A_2121] {strides = array<i32>} : memref<1024xi32, #tpu.memory_space<vmem>>, vector<16xi32>,
      tpu.vector_store %arg9[%swap3A_2121], %and3A_2120 {strides = array<i32>} : memref<1024xi32, #tpu.memory_space<vmem>>, vector<16xi32>,
      %shift_right_logical3A_2123 = arith.shrui %gather3A_2116, %shift_left3A_2104 : vector<16xi32>
      %and3A_2124 = arith.constant 65535 : i32
      %and3A_2125 = vector.broadcast %and3A_2124 : i32 to vector<16xi32>
      %and3A_2126 = arith.andi %shift_right_logical3A_2123, %and3A_2125 : vector<16xi32>
      %swap3A_2127 = arith.constant 976 : index
      %swap3A_2128 = tpu.vector_load %arg10[%swap3A_2127] {strides = array<i32>} : memref<1024xi32, #tpu.memory_space<vmem>>, vector<16xi32>,
      tpu.vector_store %arg10[%swap3A_2127], %and3A_2126 {strides = array<i32>} : memref<1024xi32, #tpu.memory_space<vmem>>, vector<16xi32>,
      %add3A_2129 = arith.constant 248 : i32
      %add3A_2130 = vector.broadcast %add3A_2129 : i32 to vector<16xi32>
      %add3A_2131 = arith.addi %shift_right_logical3A_2, %add3A_2130 : vector<16xi32>
      %gather3A_2132 = tpu.vector_load_idx %arg8[%add3A_2131] : memref<256xi32, #tpu.memory_space<vmem>>[vector<16xi32>], vector<16xi32>,
      %and3A_2133 = arith.constant 1 : i32
      %and3A_2134 = vector.broadcast %and3A_2133 : i32 to vector<16xi32>
      %and3A_2135 = arith.andi %gather3A_2132, %and3A_2134 : vector<16xi32>
      %shift_left3A_2136 = arith.constant 4 : i32
      %shift_left3A_2137 = vector.broadcast %shift_left3A_2136 : i32 to vector<16xi32>
      %shift_left3A_2138 = arith.shli %and3A_2135, %shift_left3A_2137 : vector<16xi32>
      %mul3A_2139 = arith.constant 8 : i32
      %mul3A_2140 = vector.broadcast %mul3A_2139 : i32 to vector<16xi32>
      %mul3A_2141 = arith.muli %add3A_2131, %mul3A_2140 : vector<16xi32>
      %mul3A_2142 = arith.constant 2 : i32
      %mul3A_2143 = vector.broadcast %mul3A_2142 : i32 to vector<16xi32>
      %mul3A_2144 = arith.muli %mul3A_2143, %and3A_4 : vector<16xi32>
      %add3A_2145 = arith.addi %mul3A_2141, %mul3A_2144 : vector<16xi32>
      %gather3A_2146 = tpu.vector_load_idx %arg7[%add3A_2145] : memref<2048xi32, #tpu.memory_space<vmem>>[vector<16xi32>], vector<16xi32>,
      %add3A_2147 = arith.constant 1 : i32
      %add3A_2148 = vector.broadcast %add3A_2147 : i32 to vector<16xi32>
      %add3A_2149 = arith.addi %add3A_2145, %add3A_2148 : vector<16xi32>
      %gather3A_2150 = tpu.vector_load_idx %arg7[%add3A_2149] : memref<2048xi32, #tpu.memory_space<vmem>>[vector<16xi32>], vector<16xi32>,
      %shift_right_logical3A_2151 = arith.shrui %gather3A_2146, %shift_left3A_2138 : vector<16xi32>
      %and3A_2152 = arith.constant 65535 : i32
      %and3A_2153 = vector.broadcast %and3A_2152 : i32 to vector<16xi32>
      %and3A_2154 = arith.andi %shift_right_logical3A_2151, %and3A_2153 : vector<16xi32>
      %swap3A_2155 = arith.constant 992 : index
      %swap3A_2156 = tpu.vector_load %arg9[%swap3A_2155] {strides = array<i32>} : memref<1024xi32, #tpu.memory_space<vmem>>, vector<16xi32>,
      tpu.vector_store %arg9[%swap3A_2155], %and3A_2154 {strides = array<i32>} : memref<1024xi32, #tpu.memory_space<vmem>>, vector<16xi32>,
      %shift_right_logical3A_2157 = arith.shrui %gather3A_2150, %shift_left3A_2138 : vector<16xi32>
      %and3A_2158 = arith.constant 65535 : i32
      %and3A_2159 = vector.broadcast %and3A_2158 : i32 to vector<16xi32>
      %and3A_2160 = arith.andi %shift_right_logical3A_2157, %and3A_2159 : vector<16xi32>
      %swap3A_2161 = arith.constant 992 : index
      %swap3A_2162 = tpu.vector_load %arg10[%swap3A_2161] {strides = array<i32>} : memref<1024xi32, #tpu.memory_space<vmem>>, vector<16xi32>,
      tpu.vector_store %arg10[%swap3A_2161], %and3A_2160 {strides = array<i32>} : memref<1024xi32, #tpu.memory_space<vmem>>, vector<16xi32>,
      %add3A_2163 = arith.constant 252 : i32
      %add3A_2164 = vector.broadcast %add3A_2163 : i32 to vector<16xi32>
      %add3A_2165 = arith.addi %shift_right_logical3A_2, %add3A_2164 : vector<16xi32>
      %gather3A_2166 = tpu.vector_load_idx %arg8[%add3A_2165] : memref<256xi32, #tpu.memory_space<vmem>>[vector<16xi32>], vector<16xi32>,
      %and3A_2167 = arith.constant 1 : i32
      %and3A_2168 = vector.broadcast %and3A_2167 : i32 to vector<16xi32>
      %and3A_2169 = arith.andi %gather3A_2166, %and3A_2168 : vector<16xi32>
      %shift_left3A_2170 = arith.constant 4 : i32
      %shift_left3A_2171 = vector.broadcast %shift_left3A_2170 : i32 to vector<16xi32>
      %shift_left3A_2172 = arith.shli %and3A_2169, %shift_left3A_2171 : vector<16xi32>
      %mul3A_2173 = arith.constant 8 : i32
      %mul3A_2174 = vector.broadcast %mul3A_2173 : i32 to vector<16xi32>
      %mul3A_2175 = arith.muli %add3A_2165, %mul3A_2174 : vector<16xi32>
      %mul3A_2176 = arith.constant 2 : i32
      %mul3A_2177 = vector.broadcast %mul3A_2176 : i32 to vector<16xi32>
      %mul3A_2178 = arith.muli %mul3A_2177, %and3A_4 : vector<16xi32>
      %add3A_2179 = arith.addi %mul3A_2175, %mul3A_2178 : vector<16xi32>
      %gather3A_2180 = tpu.vector_load_idx %arg7[%add3A_2179] : memref<2048xi32, #tpu.memory_space<vmem>>[vector<16xi32>], vector<16xi32>,
      %add3A_2181 = arith.constant 1 : i32
      %add3A_2182 = vector.broadcast %add3A_2181 : i32 to vector<16xi32>
      %add3A_2183 = arith.addi %add3A_2179, %add3A_2182 : vector<16xi32>
      %gather3A_2184 = tpu.vector_load_idx %arg7[%add3A_2183] : memref<2048xi32, #tpu.memory_space<vmem>>[vector<16xi32>], vector<16xi32>,
      %shift_right_logical3A_2185 = arith.shrui %gather3A_2180, %shift_left3A_2172 : vector<16xi32>
      %and3A_2186 = arith.constant 65535 : i32
      %and3A_2187 = vector.broadcast %and3A_2186 : i32 to vector<16xi32>
      %and3A_2188 = arith.andi %shift_right_logical3A_2185, %and3A_2187 : vector<16xi32>
      %swap3A_2189 = arith.constant 1008 : index
      %swap3A_2190 = tpu.vector_load %arg9[%swap3A_2189] {strides = array<i32>} : memref<1024xi32, #tpu.memory_space<vmem>>, vector<16xi32>,
      tpu.vector_store %arg9[%swap3A_2189], %and3A_2188 {strides = array<i32>} : memref<1024xi32, #tpu.memory_space<vmem>>, vector<16xi32>,
      %shift_right_logical3A_2191 = arith.shrui %gather3A_2184, %shift_left3A_2172 : vector<16xi32>
      %and3A_2192 = arith.constant 65535 : i32
      %and3A_2193 = vector.broadcast %and3A_2192 : i32 to vector<16xi32>
      %and3A_2194 = arith.andi %shift_right_logical3A_2191, %and3A_2193 : vector<16xi32>
      %swap3A_2195 = arith.constant 1008 : index
      %swap3A_2196 = tpu.vector_load %arg10[%swap3A_2195] {strides = array<i32>} : memref<1024xi32, #tpu.memory_space<vmem>>, vector<16xi32>,
      tpu.vector_store %arg10[%swap3A_2195], %and3A_2194 {strides = array<i32>} : memref<1024xi32, #tpu.memory_space<vmem>>, vector<16xi32>,
      %dma_start3A_2197 = arith.constant 0 : i32
      %dma_start3A_2198 = arith.constant 0 : i32
      %dma_start3A_2199 = tpu.memref_slice %arg11[%dma_start3A_2197, %dma_start3A_2198] : memref<1024x8xf32, #tpu.memory_space<vmem>> -> memref<128x8xf32, #tpu.memory_space<vmem>>
      %dma_start3A_2200 = arith.constant 0 : i32
      %dma_start3A_2201 = tpu.memref_slice %arg9[%dma_start3A_2200] : memref<1024xi32, #tpu.memory_space<vmem>> -> memref<128xi32, #tpu.memory_space<vmem>>
      %dma_start3A_2202 = arith.constant 0 : i32
      %dma_start3A_2203 = arith.constant 0 : i32
      %dma_start3A_2204 = tpu.memref_slice %arg4[%dma_start3A_2202, %dma_start3A_2203] : memref<65536x8xf32, #tpu.memory_space<hbm>> -> memref<65536x8xf32, #tpu.memory_space<hbm>>
      tpu.enqueue_indirect_dma source(%dma_start3A_2204 : memref<65536x8xf32, #tpu.memory_space<hbm>>) target(%dma_start3A_2199 : memref<128x8xf32, #tpu.memory_space<vmem>>) offsets(%dma_start3A_2201 : memref<128xi32, #tpu.memory_space<vmem>>) semaphore(%arg16 : memref<!tpu.dma_semaphore, #tpu.memory_space<semaphore_mem>>)
      %dma_start3A_2205 = arith.constant 0 : i32
      %dma_start3A_2206 = arith.constant 0 : i32
      %dma_start3A_2207 = tpu.memref_slice %arg12[%dma_start3A_2205, %dma_start3A_2206] : memref<1024x8xf32, #tpu.memory_space<vmem>> -> memref<128x8xf32, #tpu.memory_space<vmem>>
      %dma_start3A_2208 = arith.constant 0 : i32
      %dma_start3A_2209 = tpu.memref_slice %arg10[%dma_start3A_2208] : memref<1024xi32, #tpu.memory_space<vmem>> -> memref<128xi32, #tpu.memory_space<vmem>>
      %dma_start3A_2210 = arith.constant 0 : i32
      %dma_start3A_2211 = arith.constant 0 : i32
      %dma_start3A_2212 = tpu.memref_slice %arg4[%dma_start3A_2210, %dma_start3A_2211] : memref<65536x8xf32, #tpu.memory_space<hbm>> -> memref<65536x8xf32, #tpu.memory_space<hbm>>
      tpu.enqueue_indirect_dma source(%dma_start3A_2212 : memref<65536x8xf32, #tpu.memory_space<hbm>>) target(%dma_start3A_2207 : memref<128x8xf32, #tpu.memory_space<vmem>>) offsets(%dma_start3A_2209 : memref<128xi32, #tpu.memory_space<vmem>>) semaphore(%arg16 : memref<!tpu.dma_semaphore, #tpu.memory_space<semaphore_mem>>)
      %dma_start3A_2213 = arith.constant 128 : i32
      %dma_start3A_2214 = arith.constant 0 : i32
      %dma_start3A_2215 = tpu.memref_slice %arg11[%dma_start3A_2213, %dma_start3A_2214] : memref<1024x8xf32, #tpu.memory_space<vmem>> -> memref<128x8xf32, #tpu.memory_space<vmem>>
      %dma_start3A_2216 = arith.constant 128 : i32
      %dma_start3A_2217 = tpu.memref_slice %arg9[%dma_start3A_2216] : memref<1024xi32, #tpu.memory_space<vmem>> -> memref<128xi32, #tpu.memory_space<vmem>>
      %dma_start3A_2218 = arith.constant 0 : i32
      %dma_start3A_2219 = arith.constant 0 : i32
      %dma_start3A_2220 = tpu.memref_slice %arg4[%dma_start3A_2218, %dma_start3A_2219] : memref<65536x8xf32, #tpu.memory_space<hbm>> -> memref<65536x8xf32, #tpu.memory_space<hbm>>
      tpu.enqueue_indirect_dma source(%dma_start3A_2220 : memref<65536x8xf32, #tpu.memory_space<hbm>>) target(%dma_start3A_2215 : memref<128x8xf32, #tpu.memory_space<vmem>>) offsets(%dma_start3A_2217 : memref<128xi32, #tpu.memory_space<vmem>>) semaphore(%arg16 : memref<!tpu.dma_semaphore, #tpu.memory_space<semaphore_mem>>)
      %dma_start3A_2221 = arith.constant 128 : i32
      %dma_start3A_2222 = arith.constant 0 : i32
      %dma_start3A_2223 = tpu.memref_slice %arg12[%dma_start3A_2221, %dma_start3A_2222] : memref<1024x8xf32, #tpu.memory_space<vmem>> -> memref<128x8xf32, #tpu.memory_space<vmem>>
      %dma_start3A_2224 = arith.constant 128 : i32
      %dma_start3A_2225 = tpu.memref_slice %arg10[%dma_start3A_2224] : memref<1024xi32, #tpu.memory_space<vmem>> -> memref<128xi32, #tpu.memory_space<vmem>>
      %dma_start3A_2226 = arith.constant 0 : i32
      %dma_start3A_2227 = arith.constant 0 : i32
      %dma_start3A_2228 = tpu.memref_slice %arg4[%dma_start3A_2226, %dma_start3A_2227] : memref<65536x8xf32, #tpu.memory_space<hbm>> -> memref<65536x8xf32, #tpu.memory_space<hbm>>
      tpu.enqueue_indirect_dma source(%dma_start3A_2228 : memref<65536x8xf32, #tpu.memory_space<hbm>>) target(%dma_start3A_2223 : memref<128x8xf32, #tpu.memory_space<vmem>>) offsets(%dma_start3A_2225 : memref<128xi32, #tpu.memory_space<vmem>>) semaphore(%arg16 : memref<!tpu.dma_semaphore, #tpu.memory_space<semaphore_mem>>)
      %dma_start3A_2229 = arith.constant 256 : i32
      %dma_start3A_2230 = arith.constant 0 : i32
      %dma_start3A_2231 = tpu.memref_slice %arg11[%dma_start3A_2229, %dma_start3A_2230] : memref<1024x8xf32, #tpu.memory_space<vmem>> -> memref<128x8xf32, #tpu.memory_space<vmem>>
      %dma_start3A_2232 = arith.constant 256 : i32
      %dma_start3A_2233 = tpu.memref_slice %arg9[%dma_start3A_2232] : memref<1024xi32, #tpu.memory_space<vmem>> -> memref<128xi32, #tpu.memory_space<vmem>>
      %dma_start3A_2234 = arith.constant 0 : i32
      %dma_start3A_2235 = arith.constant 0 : i32
      %dma_start3A_2236 = tpu.memref_slice %arg4[%dma_start3A_2234, %dma_start3A_2235] : memref<65536x8xf32, #tpu.memory_space<hbm>> -> memref<65536x8xf32, #tpu.memory_space<hbm>>
      tpu.enqueue_indirect_dma source(%dma_start3A_2236 : memref<65536x8xf32, #tpu.memory_space<hbm>>) target(%dma_start3A_2231 : memref<128x8xf32, #tpu.memory_space<vmem>>) offsets(%dma_start3A_2233 : memref<128xi32, #tpu.memory_space<vmem>>) semaphore(%arg16 : memref<!tpu.dma_semaphore, #tpu.memory_space<semaphore_mem>>)
      %dma_start3A_2237 = arith.constant 256 : i32
      %dma_start3A_2238 = arith.constant 0 : i32
      %dma_start3A_2239 = tpu.memref_slice %arg12[%dma_start3A_2237, %dma_start3A_2238] : memref<1024x8xf32, #tpu.memory_space<vmem>> -> memref<128x8xf32, #tpu.memory_space<vmem>>
      %dma_start3A_2240 = arith.constant 256 : i32
      %dma_start3A_2241 = tpu.memref_slice %arg10[%dma_start3A_2240] : memref<1024xi32, #tpu.memory_space<vmem>> -> memref<128xi32, #tpu.memory_space<vmem>>
      %dma_start3A_2242 = arith.constant 0 : i32
      %dma_start3A_2243 = arith.constant 0 : i32
      %dma_start3A_2244 = tpu.memref_slice %arg4[%dma_start3A_2242, %dma_start3A_2243] : memref<65536x8xf32, #tpu.memory_space<hbm>> -> memref<65536x8xf32, #tpu.memory_space<hbm>>
      tpu.enqueue_indirect_dma source(%dma_start3A_2244 : memref<65536x8xf32, #tpu.memory_space<hbm>>) target(%dma_start3A_2239 : memref<128x8xf32, #tpu.memory_space<vmem>>) offsets(%dma_start3A_2241 : memref<128xi32, #tpu.memory_space<vmem>>) semaphore(%arg16 : memref<!tpu.dma_semaphore, #tpu.memory_space<semaphore_mem>>)
      %dma_start3A_2245 = arith.constant 384 : i32
      %dma_start3A_2246 = arith.constant 0 : i32
      %dma_start3A_2247 = tpu.memref_slice %arg11[%dma_start3A_2245, %dma_start3A_2246] : memref<1024x8xf32, #tpu.memory_space<vmem>> -> memref<128x8xf32, #tpu.memory_space<vmem>>
      %dma_start3A_2248 = arith.constant 384 : i32
      %dma_start3A_2249 = tpu.memref_slice %arg9[%dma_start3A_2248] : memref<1024xi32, #tpu.memory_space<vmem>> -> memref<128xi32, #tpu.memory_space<vmem>>
      %dma_start3A_2250 = arith.constant 0 : i32
      %dma_start3A_2251 = arith.constant 0 : i32
      %dma_start3A_2252 = tpu.memref_slice %arg4[%dma_start3A_2250, %dma_start3A_2251] : memref<65536x8xf32, #tpu.memory_space<hbm>> -> memref<65536x8xf32, #tpu.memory_space<hbm>>
      tpu.enqueue_indirect_dma source(%dma_start3A_2252 : memref<65536x8xf32, #tpu.memory_space<hbm>>) target(%dma_start3A_2247 : memref<128x8xf32, #tpu.memory_space<vmem>>) offsets(%dma_start3A_2249 : memref<128xi32, #tpu.memory_space<vmem>>) semaphore(%arg16 : memref<!tpu.dma_semaphore, #tpu.memory_space<semaphore_mem>>)
      %dma_start3A_2253 = arith.constant 384 : i32
      %dma_start3A_2254 = arith.constant 0 : i32
      %dma_start3A_2255 = tpu.memref_slice %arg12[%dma_start3A_2253, %dma_start3A_2254] : memref<1024x8xf32, #tpu.memory_space<vmem>> -> memref<128x8xf32, #tpu.memory_space<vmem>>
      %dma_start3A_2256 = arith.constant 384 : i32
      %dma_start3A_2257 = tpu.memref_slice %arg10[%dma_start3A_2256] : memref<1024xi32, #tpu.memory_space<vmem>> -> memref<128xi32, #tpu.memory_space<vmem>>
      %dma_start3A_2258 = arith.constant 0 : i32
      %dma_start3A_2259 = arith.constant 0 : i32
      %dma_start3A_2260 = tpu.memref_slice %arg4[%dma_start3A_2258, %dma_start3A_2259] : memref<65536x8xf32, #tpu.memory_space<hbm>> -> memref<65536x8xf32, #tpu.memory_space<hbm>>
      tpu.enqueue_indirect_dma source(%dma_start3A_2260 : memref<65536x8xf32, #tpu.memory_space<hbm>>) target(%dma_start3A_2255 : memref<128x8xf32, #tpu.memory_space<vmem>>) offsets(%dma_start3A_2257 : memref<128xi32, #tpu.memory_space<vmem>>) semaphore(%arg16 : memref<!tpu.dma_semaphore, #tpu.memory_space<semaphore_mem>>)
      %dma_start3A_2261 = arith.constant 512 : i32
      %dma_start3A_2262 = arith.constant 0 : i32
      %dma_start3A_2263 = tpu.memref_slice %arg11[%dma_start3A_2261, %dma_start3A_2262] : memref<1024x8xf32, #tpu.memory_space<vmem>> -> memref<128x8xf32, #tpu.memory_space<vmem>>
      %dma_start3A_2264 = arith.constant 512 : i32
      %dma_start3A_2265 = tpu.memref_slice %arg9[%dma_start3A_2264] : memref<1024xi32, #tpu.memory_space<vmem>> -> memref<128xi32, #tpu.memory_space<vmem>>
      %dma_start3A_2266 = arith.constant 0 : i32
      %dma_start3A_2267 = arith.constant 0 : i32
      %dma_start3A_2268 = tpu.memref_slice %arg4[%dma_start3A_2266, %dma_start3A_2267] : memref<65536x8xf32, #tpu.memory_space<hbm>> -> memref<65536x8xf32, #tpu.memory_space<hbm>>
      tpu.enqueue_indirect_dma source(%dma_start3A_2268 : memref<65536x8xf32, #tpu.memory_space<hbm>>) target(%dma_start3A_2263 : memref<128x8xf32, #tpu.memory_space<vmem>>) offsets(%dma_start3A_2265 : memref<128xi32, #tpu.memory_space<vmem>>) semaphore(%arg16 : memref<!tpu.dma_semaphore, #tpu.memory_space<semaphore_mem>>)
      %dma_start3A_2269 = arith.constant 512 : i32
      %dma_start3A_2270 = arith.constant 0 : i32
      %dma_start3A_2271 = tpu.memref_slice %arg12[%dma_start3A_2269, %dma_start3A_2270] : memref<1024x8xf32, #tpu.memory_space<vmem>> -> memref<128x8xf32, #tpu.memory_space<vmem>>
      %dma_start3A_2272 = arith.constant 512 : i32
      %dma_start3A_2273 = tpu.memref_slice %arg10[%dma_start3A_2272] : memref<1024xi32, #tpu.memory_space<vmem>> -> memref<128xi32, #tpu.memory_space<vmem>>
      %dma_start3A_2274 = arith.constant 0 : i32
      %dma_start3A_2275 = arith.constant 0 : i32
      %dma_start3A_2276 = tpu.memref_slice %arg4[%dma_start3A_2274, %dma_start3A_2275] : memref<65536x8xf32, #tpu.memory_space<hbm>> -> memref<65536x8xf32, #tpu.memory_space<hbm>>
      tpu.enqueue_indirect_dma source(%dma_start3A_2276 : memref<65536x8xf32, #tpu.memory_space<hbm>>) target(%dma_start3A_2271 : memref<128x8xf32, #tpu.memory_space<vmem>>) offsets(%dma_start3A_2273 : memref<128xi32, #tpu.memory_space<vmem>>) semaphore(%arg16 : memref<!tpu.dma_semaphore, #tpu.memory_space<semaphore_mem>>)
      %dma_start3A_2277 = arith.constant 640 : i32
      %dma_start3A_2278 = arith.constant 0 : i32
      %dma_start3A_2279 = tpu.memref_slice %arg11[%dma_start3A_2277, %dma_start3A_2278] : memref<1024x8xf32, #tpu.memory_space<vmem>> -> memref<128x8xf32, #tpu.memory_space<vmem>>
      %dma_start3A_2280 = arith.constant 640 : i32
      %dma_start3A_2281 = tpu.memref_slice %arg9[%dma_start3A_2280] : memref<1024xi32, #tpu.memory_space<vmem>> -> memref<128xi32, #tpu.memory_space<vmem>>
      %dma_start3A_2282 = arith.constant 0 : i32
      %dma_start3A_2283 = arith.constant 0 : i32
      %dma_start3A_2284 = tpu.memref_slice %arg4[%dma_start3A_2282, %dma_start3A_2283] : memref<65536x8xf32, #tpu.memory_space<hbm>> -> memref<65536x8xf32, #tpu.memory_space<hbm>>
      tpu.enqueue_indirect_dma source(%dma_start3A_2284 : memref<65536x8xf32, #tpu.memory_space<hbm>>) target(%dma_start3A_2279 : memref<128x8xf32, #tpu.memory_space<vmem>>) offsets(%dma_start3A_2281 : memref<128xi32, #tpu.memory_space<vmem>>) semaphore(%arg16 : memref<!tpu.dma_semaphore, #tpu.memory_space<semaphore_mem>>)
      %dma_start3A_2285 = arith.constant 640 : i32
      %dma_start3A_2286 = arith.constant 0 : i32
      %dma_start3A_2287 = tpu.memref_slice %arg12[%dma_start3A_2285, %dma_start3A_2286] : memref<1024x8xf32, #tpu.memory_space<vmem>> -> memref<128x8xf32, #tpu.memory_space<vmem>>
      %dma_start3A_2288 = arith.constant 640 : i32
      %dma_start3A_2289 = tpu.memref_slice %arg10[%dma_start3A_2288] : memref<1024xi32, #tpu.memory_space<vmem>> -> memref<128xi32, #tpu.memory_space<vmem>>
      %dma_start3A_2290 = arith.constant 0 : i32
      %dma_start3A_2291 = arith.constant 0 : i32
      %dma_start3A_2292 = tpu.memref_slice %arg4[%dma_start3A_2290, %dma_start3A_2291] : memref<65536x8xf32, #tpu.memory_space<hbm>> -> memref<65536x8xf32, #tpu.memory_space<hbm>>
      tpu.enqueue_indirect_dma source(%dma_start3A_2292 : memref<65536x8xf32, #tpu.memory_space<hbm>>) target(%dma_start3A_2287 : memref<128x8xf32, #tpu.memory_space<vmem>>) offsets(%dma_start3A_2289 : memref<128xi32, #tpu.memory_space<vmem>>) semaphore(%arg16 : memref<!tpu.dma_semaphore, #tpu.memory_space<semaphore_mem>>)
      %dma_start3A_2293 = arith.constant 768 : i32
      %dma_start3A_2294 = arith.constant 0 : i32
      %dma_start3A_2295 = tpu.memref_slice %arg11[%dma_start3A_2293, %dma_start3A_2294] : memref<1024x8xf32, #tpu.memory_space<vmem>> -> memref<128x8xf32, #tpu.memory_space<vmem>>
      %dma_start3A_2296 = arith.constant 768 : i32
      %dma_start3A_2297 = tpu.memref_slice %arg9[%dma_start3A_2296] : memref<1024xi32, #tpu.memory_space<vmem>> -> memref<128xi32, #tpu.memory_space<vmem>>
      %dma_start3A_2298 = arith.constant 0 : i32
      %dma_start3A_2299 = arith.constant 0 : i32
      %dma_start3A_2300 = tpu.memref_slice %arg4[%dma_start3A_2298, %dma_start3A_2299] : memref<65536x8xf32, #tpu.memory_space<hbm>> -> memref<65536x8xf32, #tpu.memory_space<hbm>>
      tpu.enqueue_indirect_dma source(%dma_start3A_2300 : memref<65536x8xf32, #tpu.memory_space<hbm>>) target(%dma_start3A_2295 : memref<128x8xf32, #tpu.memory_space<vmem>>) offsets(%dma_start3A_2297 : memref<128xi32, #tpu.memory_space<vmem>>) semaphore(%arg16 : memref<!tpu.dma_semaphore, #tpu.memory_space<semaphore_mem>>)
      %dma_start3A_2301 = arith.constant 768 : i32
      %dma_start3A_2302 = arith.constant 0 : i32
      %dma_start3A_2303 = tpu.memref_slice %arg12[%dma_start3A_2301, %dma_start3A_2302] : memref<1024x8xf32, #tpu.memory_space<vmem>> -> memref<128x8xf32, #tpu.memory_space<vmem>>
      %dma_start3A_2304 = arith.constant 768 : i32
      %dma_start3A_2305 = tpu.memref_slice %arg10[%dma_start3A_2304] : memref<1024xi32, #tpu.memory_space<vmem>> -> memref<128xi32, #tpu.memory_space<vmem>>
      %dma_start3A_2306 = arith.constant 0 : i32
      %dma_start3A_2307 = arith.constant 0 : i32
      %dma_start3A_2308 = tpu.memref_slice %arg4[%dma_start3A_2306, %dma_start3A_2307] : memref<65536x8xf32, #tpu.memory_space<hbm>> -> memref<65536x8xf32, #tpu.memory_space<hbm>>
      tpu.enqueue_indirect_dma source(%dma_start3A_2308 : memref<65536x8xf32, #tpu.memory_space<hbm>>) target(%dma_start3A_2303 : memref<128x8xf32, #tpu.memory_space<vmem>>) offsets(%dma_start3A_2305 : memref<128xi32, #tpu.memory_space<vmem>>) semaphore(%arg16 : memref<!tpu.dma_semaphore, #tpu.memory_space<semaphore_mem>>)
      %dma_start3A_2309 = arith.constant 896 : i32
      %dma_start3A_2310 = arith.constant 0 : i32
      %dma_start3A_2311 = tpu.memref_slice %arg11[%dma_start3A_2309, %dma_start3A_2310] : memref<1024x8xf32, #tpu.memory_space<vmem>> -> memref<128x8xf32, #tpu.memory_space<vmem>>
      %dma_start3A_2312 = arith.constant 896 : i32
      %dma_start3A_2313 = tpu.memref_slice %arg9[%dma_start3A_2312] : memref<1024xi32, #tpu.memory_space<vmem>> -> memref<128xi32, #tpu.memory_space<vmem>>
      %dma_start3A_2314 = arith.constant 0 : i32
      %dma_start3A_2315 = arith.constant 0 : i32
      %dma_start3A_2316 = tpu.memref_slice %arg4[%dma_start3A_2314, %dma_start3A_2315] : memref<65536x8xf32, #tpu.memory_space<hbm>> -> memref<65536x8xf32, #tpu.memory_space<hbm>>
      tpu.enqueue_indirect_dma source(%dma_start3A_2316 : memref<65536x8xf32, #tpu.memory_space<hbm>>) target(%dma_start3A_2311 : memref<128x8xf32, #tpu.memory_space<vmem>>) offsets(%dma_start3A_2313 : memref<128xi32, #tpu.memory_space<vmem>>) semaphore(%arg16 : memref<!tpu.dma_semaphore, #tpu.memory_space<semaphore_mem>>)
      %dma_start3A_2317 = arith.constant 896 : i32
      %dma_start3A_2318 = arith.constant 0 : i32
      %dma_start3A_2319 = tpu.memref_slice %arg12[%dma_start3A_2317, %dma_start3A_2318] : memref<1024x8xf32, #tpu.memory_space<vmem>> -> memref<128x8xf32, #tpu.memory_space<vmem>>
      %dma_start3A_2320 = arith.constant 896 : i32
      %dma_start3A_2321 = tpu.memref_slice %arg10[%dma_start3A_2320] : memref<1024xi32, #tpu.memory_space<vmem>> -> memref<128xi32, #tpu.memory_space<vmem>>
      %dma_start3A_2322 = arith.constant 0 : i32
      %dma_start3A_2323 = arith.constant 0 : i32
      %dma_start3A_2324 = tpu.memref_slice %arg4[%dma_start3A_2322, %dma_start3A_2323] : memref<65536x8xf32, #tpu.memory_space<hbm>> -> memref<65536x8xf32, #tpu.memory_space<hbm>>
      tpu.enqueue_indirect_dma source(%dma_start3A_2324 : memref<65536x8xf32, #tpu.memory_space<hbm>>) target(%dma_start3A_2319 : memref<128x8xf32, #tpu.memory_space<vmem>>) offsets(%dma_start3A_2321 : memref<128xi32, #tpu.memory_space<vmem>>) semaphore(%arg16 : memref<!tpu.dma_semaphore, #tpu.memory_space<semaphore_mem>>)
      %dma_wait3A_2325 = arith.constant 0 : i32
      %dma_wait3A_2326 = arith.constant 0 : i32
      %dma_wait3A_2327 = tpu.memref_slice %arg11[%dma_wait3A_2325, %dma_wait3A_2326] : memref<1024x8xf32, #tpu.memory_space<vmem>> -> memref<128x8xf32, #tpu.memory_space<vmem>>
      %dma_wait3A_2328 = arith.constant 0 : i32
      %dma_wait3A_2329 = tpu.memref_slice %arg9[%dma_wait3A_2328] : memref<1024xi32, #tpu.memory_space<vmem>> -> memref<128xi32, #tpu.memory_space<vmem>>
      %dma_wait3A_2330 = arith.constant 0 : i32
      %dma_wait3A_2331 = arith.constant 0 : i32
      %dma_wait3A_2332 = tpu.memref_slice %arg4[%dma_wait3A_2330, %dma_wait3A_2331] : memref<65536x8xf32, #tpu.memory_space<hbm>> -> memref<65536x8xf32, #tpu.memory_space<hbm>>
      tpu.wait_indirect_dma semaphore(%arg16 : memref<!tpu.dma_semaphore, #tpu.memory_space<semaphore_mem>>) src(%dma_wait3A_2332 : memref<65536x8xf32, #tpu.memory_space<hbm>>) dst(%dma_wait3A_2327 : memref<128x8xf32, #tpu.memory_space<vmem>>)
      %dma_wait3A_2333 = arith.constant 0 : i32
      %dma_wait3A_2334 = arith.constant 0 : i32
      %dma_wait3A_2335 = tpu.memref_slice %arg12[%dma_wait3A_2333, %dma_wait3A_2334] : memref<1024x8xf32, #tpu.memory_space<vmem>> -> memref<128x8xf32, #tpu.memory_space<vmem>>
      %dma_wait3A_2336 = arith.constant 0 : i32
      %dma_wait3A_2337 = tpu.memref_slice %arg10[%dma_wait3A_2336] : memref<1024xi32, #tpu.memory_space<vmem>> -> memref<128xi32, #tpu.memory_space<vmem>>
      %dma_wait3A_2338 = arith.constant 0 : i32
      %dma_wait3A_2339 = arith.constant 0 : i32
      %dma_wait3A_2340 = tpu.memref_slice %arg4[%dma_wait3A_2338, %dma_wait3A_2339] : memref<65536x8xf32, #tpu.memory_space<hbm>> -> memref<65536x8xf32, #tpu.memory_space<hbm>>
      tpu.wait_indirect_dma semaphore(%arg16 : memref<!tpu.dma_semaphore, #tpu.memory_space<semaphore_mem>>) src(%dma_wait3A_2340 : memref<65536x8xf32, #tpu.memory_space<hbm>>) dst(%dma_wait3A_2335 : memref<128x8xf32, #tpu.memory_space<vmem>>)
      %dma_wait3A_2341 = arith.constant 128 : i32
      %dma_wait3A_2342 = arith.constant 0 : i32
      %dma_wait3A_2343 = tpu.memref_slice %arg11[%dma_wait3A_2341, %dma_wait3A_2342] : memref<1024x8xf32, #tpu.memory_space<vmem>> -> memref<128x8xf32, #tpu.memory_space<vmem>>
      %dma_wait3A_2344 = arith.constant 128 : i32
      %dma_wait3A_2345 = tpu.memref_slice %arg9[%dma_wait3A_2344] : memref<1024xi32, #tpu.memory_space<vmem>> -> memref<128xi32, #tpu.memory_space<vmem>>
      %dma_wait3A_2346 = arith.constant 0 : i32
      %dma_wait3A_2347 = arith.constant 0 : i32
      %dma_wait3A_2348 = tpu.memref_slice %arg4[%dma_wait3A_2346, %dma_wait3A_2347] : memref<65536x8xf32, #tpu.memory_space<hbm>> -> memref<65536x8xf32, #tpu.memory_space<hbm>>
      tpu.wait_indirect_dma semaphore(%arg16 : memref<!tpu.dma_semaphore, #tpu.memory_space<semaphore_mem>>) src(%dma_wait3A_2348 : memref<65536x8xf32, #tpu.memory_space<hbm>>) dst(%dma_wait3A_2343 : memref<128x8xf32, #tpu.memory_space<vmem>>)
      %dma_wait3A_2349 = arith.constant 128 : i32
      %dma_wait3A_2350 = arith.constant 0 : i32
      %dma_wait3A_2351 = tpu.memref_slice %arg12[%dma_wait3A_2349, %dma_wait3A_2350] : memref<1024x8xf32, #tpu.memory_space<vmem>> -> memref<128x8xf32, #tpu.memory_space<vmem>>
      %dma_wait3A_2352 = arith.constant 128 : i32
      %dma_wait3A_2353 = tpu.memref_slice %arg10[%dma_wait3A_2352] : memref<1024xi32, #tpu.memory_space<vmem>> -> memref<128xi32, #tpu.memory_space<vmem>>
      %dma_wait3A_2354 = arith.constant 0 : i32
      %dma_wait3A_2355 = arith.constant 0 : i32
      %dma_wait3A_2356 = tpu.memref_slice %arg4[%dma_wait3A_2354, %dma_wait3A_2355] : memref<65536x8xf32, #tpu.memory_space<hbm>> -> memref<65536x8xf32, #tpu.memory_space<hbm>>
      tpu.wait_indirect_dma semaphore(%arg16 : memref<!tpu.dma_semaphore, #tpu.memory_space<semaphore_mem>>) src(%dma_wait3A_2356 : memref<65536x8xf32, #tpu.memory_space<hbm>>) dst(%dma_wait3A_2351 : memref<128x8xf32, #tpu.memory_space<vmem>>)
      %dma_wait3A_2357 = arith.constant 256 : i32
      %dma_wait3A_2358 = arith.constant 0 : i32
      %dma_wait3A_2359 = tpu.memref_slice %arg11[%dma_wait3A_2357, %dma_wait3A_2358] : memref<1024x8xf32, #tpu.memory_space<vmem>> -> memref<128x8xf32, #tpu.memory_space<vmem>>
      %dma_wait3A_2360 = arith.constant 256 : i32
      %dma_wait3A_2361 = tpu.memref_slice %arg9[%dma_wait3A_2360] : memref<1024xi32, #tpu.memory_space<vmem>> -> memref<128xi32, #tpu.memory_space<vmem>>
      %dma_wait3A_2362 = arith.constant 0 : i32
      %dma_wait3A_2363 = arith.constant 0 : i32
      %dma_wait3A_2364 = tpu.memref_slice %arg4[%dma_wait3A_2362, %dma_wait3A_2363] : memref<65536x8xf32, #tpu.memory_space<hbm>> -> memref<65536x8xf32, #tpu.memory_space<hbm>>
      tpu.wait_indirect_dma semaphore(%arg16 : memref<!tpu.dma_semaphore, #tpu.memory_space<semaphore_mem>>) src(%dma_wait3A_2364 : memref<65536x8xf32, #tpu.memory_space<hbm>>) dst(%dma_wait3A_2359 : memref<128x8xf32, #tpu.memory_space<vmem>>)
      %dma_wait3A_2365 = arith.constant 256 : i32
      %dma_wait3A_2366 = arith.constant 0 : i32
      %dma_wait3A_2367 = tpu.memref_slice %arg12[%dma_wait3A_2365, %dma_wait3A_2366] : memref<1024x8xf32, #tpu.memory_space<vmem>> -> memref<128x8xf32, #tpu.memory_space<vmem>>
      %dma_wait3A_2368 = arith.constant 256 : i32
      %dma_wait3A_2369 = tpu.memref_slice %arg10[%dma_wait3A_2368] : memref<1024xi32, #tpu.memory_space<vmem>> -> memref<128xi32, #tpu.memory_space<vmem>>
      %dma_wait3A_2370 = arith.constant 0 : i32
      %dma_wait3A_2371 = arith.constant 0 : i32
      %dma_wait3A_2372 = tpu.memref_slice %arg4[%dma_wait3A_2370, %dma_wait3A_2371] : memref<65536x8xf32, #tpu.memory_space<hbm>> -> memref<65536x8xf32, #tpu.memory_space<hbm>>
      tpu.wait_indirect_dma semaphore(%arg16 : memref<!tpu.dma_semaphore, #tpu.memory_space<semaphore_mem>>) src(%dma_wait3A_2372 : memref<65536x8xf32, #tpu.memory_space<hbm>>) dst(%dma_wait3A_2367 : memref<128x8xf32, #tpu.memory_space<vmem>>)
      %dma_wait3A_2373 = arith.constant 384 : i32
      %dma_wait3A_2374 = arith.constant 0 : i32
      %dma_wait3A_2375 = tpu.memref_slice %arg11[%dma_wait3A_2373, %dma_wait3A_2374] : memref<1024x8xf32, #tpu.memory_space<vmem>> -> memref<128x8xf32, #tpu.memory_space<vmem>>
      %dma_wait3A_2376 = arith.constant 384 : i32
      %dma_wait3A_2377 = tpu.memref_slice %arg9[%dma_wait3A_2376] : memref<1024xi32, #tpu.memory_space<vmem>> -> memref<128xi32, #tpu.memory_space<vmem>>
      %dma_wait3A_2378 = arith.constant 0 : i32
      %dma_wait3A_2379 = arith.constant 0 : i32
      %dma_wait3A_2380 = tpu.memref_slice %arg4[%dma_wait3A_2378, %dma_wait3A_2379] : memref<65536x8xf32, #tpu.memory_space<hbm>> -> memref<65536x8xf32, #tpu.memory_space<hbm>>
      tpu.wait_indirect_dma semaphore(%arg16 : memref<!tpu.dma_semaphore, #tpu.memory_space<semaphore_mem>>) src(%dma_wait3A_2380 : memref<65536x8xf32, #tpu.memory_space<hbm>>) dst(%dma_wait3A_2375 : memref<128x8xf32, #tpu.memory_space<vmem>>)
      %dma_wait3A_2381 = arith.constant 384 : i32
      %dma_wait3A_2382 = arith.constant 0 : i32
      %dma_wait3A_2383 = tpu.memref_slice %arg12[%dma_wait3A_2381, %dma_wait3A_2382] : memref<1024x8xf32, #tpu.memory_space<vmem>> -> memref<128x8xf32, #tpu.memory_space<vmem>>
      %dma_wait3A_2384 = arith.constant 384 : i32
      %dma_wait3A_2385 = tpu.memref_slice %arg10[%dma_wait3A_2384] : memref<1024xi32, #tpu.memory_space<vmem>> -> memref<128xi32, #tpu.memory_space<vmem>>
      %dma_wait3A_2386 = arith.constant 0 : i32
      %dma_wait3A_2387 = arith.constant 0 : i32
      %dma_wait3A_2388 = tpu.memref_slice %arg4[%dma_wait3A_2386, %dma_wait3A_2387] : memref<65536x8xf32, #tpu.memory_space<hbm>> -> memref<65536x8xf32, #tpu.memory_space<hbm>>
      tpu.wait_indirect_dma semaphore(%arg16 : memref<!tpu.dma_semaphore, #tpu.memory_space<semaphore_mem>>) src(%dma_wait3A_2388 : memref<65536x8xf32, #tpu.memory_space<hbm>>) dst(%dma_wait3A_2383 : memref<128x8xf32, #tpu.memory_space<vmem>>)
      %dma_wait3A_2389 = arith.constant 512 : i32
      %dma_wait3A_2390 = arith.constant 0 : i32
      %dma_wait3A_2391 = tpu.memref_slice %arg11[%dma_wait3A_2389, %dma_wait3A_2390] : memref<1024x8xf32, #tpu.memory_space<vmem>> -> memref<128x8xf32, #tpu.memory_space<vmem>>
      %dma_wait3A_2392 = arith.constant 512 : i32
      %dma_wait3A_2393 = tpu.memref_slice %arg9[%dma_wait3A_2392] : memref<1024xi32, #tpu.memory_space<vmem>> -> memref<128xi32, #tpu.memory_space<vmem>>
      %dma_wait3A_2394 = arith.constant 0 : i32
      %dma_wait3A_2395 = arith.constant 0 : i32
      %dma_wait3A_2396 = tpu.memref_slice %arg4[%dma_wait3A_2394, %dma_wait3A_2395] : memref<65536x8xf32, #tpu.memory_space<hbm>> -> memref<65536x8xf32, #tpu.memory_space<hbm>>
      tpu.wait_indirect_dma semaphore(%arg16 : memref<!tpu.dma_semaphore, #tpu.memory_space<semaphore_mem>>) src(%dma_wait3A_2396 : memref<65536x8xf32, #tpu.memory_space<hbm>>) dst(%dma_wait3A_2391 : memref<128x8xf32, #tpu.memory_space<vmem>>)
      %dma_wait3A_2397 = arith.constant 512 : i32
      %dma_wait3A_2398 = arith.constant 0 : i32
      %dma_wait3A_2399 = tpu.memref_slice %arg12[%dma_wait3A_2397, %dma_wait3A_2398] : memref<1024x8xf32, #tpu.memory_space<vmem>> -> memref<128x8xf32, #tpu.memory_space<vmem>>
      %dma_wait3A_2400 = arith.constant 512 : i32
      %dma_wait3A_2401 = tpu.memref_slice %arg10[%dma_wait3A_2400] : memref<1024xi32, #tpu.memory_space<vmem>> -> memref<128xi32, #tpu.memory_space<vmem>>
      %dma_wait3A_2402 = arith.constant 0 : i32
      %dma_wait3A_2403 = arith.constant 0 : i32
      %dma_wait3A_2404 = tpu.memref_slice %arg4[%dma_wait3A_2402, %dma_wait3A_2403] : memref<65536x8xf32, #tpu.memory_space<hbm>> -> memref<65536x8xf32, #tpu.memory_space<hbm>>
      tpu.wait_indirect_dma semaphore(%arg16 : memref<!tpu.dma_semaphore, #tpu.memory_space<semaphore_mem>>) src(%dma_wait3A_2404 : memref<65536x8xf32, #tpu.memory_space<hbm>>) dst(%dma_wait3A_2399 : memref<128x8xf32, #tpu.memory_space<vmem>>)
      %dma_wait3A_2405 = arith.constant 640 : i32
      %dma_wait3A_2406 = arith.constant 0 : i32
      %dma_wait3A_2407 = tpu.memref_slice %arg11[%dma_wait3A_2405, %dma_wait3A_2406] : memref<1024x8xf32, #tpu.memory_space<vmem>> -> memref<128x8xf32, #tpu.memory_space<vmem>>
      %dma_wait3A_2408 = arith.constant 640 : i32
      %dma_wait3A_2409 = tpu.memref_slice %arg9[%dma_wait3A_2408] : memref<1024xi32, #tpu.memory_space<vmem>> -> memref<128xi32, #tpu.memory_space<vmem>>
      %dma_wait3A_2410 = arith.constant 0 : i32
      %dma_wait3A_2411 = arith.constant 0 : i32
      %dma_wait3A_2412 = tpu.memref_slice %arg4[%dma_wait3A_2410, %dma_wait3A_2411] : memref<65536x8xf32, #tpu.memory_space<hbm>> -> memref<65536x8xf32, #tpu.memory_space<hbm>>
      tpu.wait_indirect_dma semaphore(%arg16 : memref<!tpu.dma_semaphore, #tpu.memory_space<semaphore_mem>>) src(%dma_wait3A_2412 : memref<65536x8xf32, #tpu.memory_space<hbm>>) dst(%dma_wait3A_2407 : memref<128x8xf32, #tpu.memory_space<vmem>>)
      %dma_wait3A_2413 = arith.constant 640 : i32
      %dma_wait3A_2414 = arith.constant 0 : i32
      %dma_wait3A_2415 = tpu.memref_slice %arg12[%dma_wait3A_2413, %dma_wait3A_2414] : memref<1024x8xf32, #tpu.memory_space<vmem>> -> memref<128x8xf32, #tpu.memory_space<vmem>>
      %dma_wait3A_2416 = arith.constant 640 : i32
      %dma_wait3A_2417 = tpu.memref_slice %arg10[%dma_wait3A_2416] : memref<1024xi32, #tpu.memory_space<vmem>> -> memref<128xi32, #tpu.memory_space<vmem>>
      %dma_wait3A_2418 = arith.constant 0 : i32
      %dma_wait3A_2419 = arith.constant 0 : i32
      %dma_wait3A_2420 = tpu.memref_slice %arg4[%dma_wait3A_2418, %dma_wait3A_2419] : memref<65536x8xf32, #tpu.memory_space<hbm>> -> memref<65536x8xf32, #tpu.memory_space<hbm>>
      tpu.wait_indirect_dma semaphore(%arg16 : memref<!tpu.dma_semaphore, #tpu.memory_space<semaphore_mem>>) src(%dma_wait3A_2420 : memref<65536x8xf32, #tpu.memory_space<hbm>>) dst(%dma_wait3A_2415 : memref<128x8xf32, #tpu.memory_space<vmem>>)
      %dma_wait3A_2421 = arith.constant 768 : i32
      %dma_wait3A_2422 = arith.constant 0 : i32
      %dma_wait3A_2423 = tpu.memref_slice %arg11[%dma_wait3A_2421, %dma_wait3A_2422] : memref<1024x8xf32, #tpu.memory_space<vmem>> -> memref<128x8xf32, #tpu.memory_space<vmem>>
      %dma_wait3A_2424 = arith.constant 768 : i32
      %dma_wait3A_2425 = tpu.memref_slice %arg9[%dma_wait3A_2424] : memref<1024xi32, #tpu.memory_space<vmem>> -> memref<128xi32, #tpu.memory_space<vmem>>
      %dma_wait3A_2426 = arith.constant 0 : i32
      %dma_wait3A_2427 = arith.constant 0 : i32
      %dma_wait3A_2428 = tpu.memref_slice %arg4[%dma_wait3A_2426, %dma_wait3A_2427] : memref<65536x8xf32, #tpu.memory_space<hbm>> -> memref<65536x8xf32, #tpu.memory_space<hbm>>
      tpu.wait_indirect_dma semaphore(%arg16 : memref<!tpu.dma_semaphore, #tpu.memory_space<semaphore_mem>>) src(%dma_wait3A_2428 : memref<65536x8xf32, #tpu.memory_space<hbm>>) dst(%dma_wait3A_2423 : memref<128x8xf32, #tpu.memory_space<vmem>>)
      %dma_wait3A_2429 = arith.constant 768 : i32
      %dma_wait3A_2430 = arith.constant 0 : i32
      %dma_wait3A_2431 = tpu.memref_slice %arg12[%dma_wait3A_2429, %dma_wait3A_2430] : memref<1024x8xf32, #tpu.memory_space<vmem>> -> memref<128x8xf32, #tpu.memory_space<vmem>>
      %dma_wait3A_2432 = arith.constant 768 : i32
      %dma_wait3A_2433 = tpu.memref_slice %arg10[%dma_wait3A_2432] : memref<1024xi32, #tpu.memory_space<vmem>> -> memref<128xi32, #tpu.memory_space<vmem>>
      %dma_wait3A_2434 = arith.constant 0 : i32
      %dma_wait3A_2435 = arith.constant 0 : i32
      %dma_wait3A_2436 = tpu.memref_slice %arg4[%dma_wait3A_2434, %dma_wait3A_2435] : memref<65536x8xf32, #tpu.memory_space<hbm>> -> memref<65536x8xf32, #tpu.memory_space<hbm>>
      tpu.wait_indirect_dma semaphore(%arg16 : memref<!tpu.dma_semaphore, #tpu.memory_space<semaphore_mem>>) src(%dma_wait3A_2436 : memref<65536x8xf32, #tpu.memory_space<hbm>>) dst(%dma_wait3A_2431 : memref<128x8xf32, #tpu.memory_space<vmem>>)
      %dma_wait3A_2437 = arith.constant 896 : i32
      %dma_wait3A_2438 = arith.constant 0 : i32
      %dma_wait3A_2439 = tpu.memref_slice %arg11[%dma_wait3A_2437, %dma_wait3A_2438] : memref<1024x8xf32, #tpu.memory_space<vmem>> -> memref<128x8xf32, #tpu.memory_space<vmem>>
      %dma_wait3A_2440 = arith.constant 896 : i32
      %dma_wait3A_2441 = tpu.memref_slice %arg9[%dma_wait3A_2440] : memref<1024xi32, #tpu.memory_space<vmem>> -> memref<128xi32, #tpu.memory_space<vmem>>
      %dma_wait3A_2442 = arith.constant 0 : i32
      %dma_wait3A_2443 = arith.constant 0 : i32
      %dma_wait3A_2444 = tpu.memref_slice %arg4[%dma_wait3A_2442, %dma_wait3A_2443] : memref<65536x8xf32, #tpu.memory_space<hbm>> -> memref<65536x8xf32, #tpu.memory_space<hbm>>
      tpu.wait_indirect_dma semaphore(%arg16 : memref<!tpu.dma_semaphore, #tpu.memory_space<semaphore_mem>>) src(%dma_wait3A_2444 : memref<65536x8xf32, #tpu.memory_space<hbm>>) dst(%dma_wait3A_2439 : memref<128x8xf32, #tpu.memory_space<vmem>>)
      %dma_wait3A_2445 = arith.constant 896 : i32
      %dma_wait3A_2446 = arith.constant 0 : i32
      %dma_wait3A_2447 = tpu.memref_slice %arg12[%dma_wait3A_2445, %dma_wait3A_2446] : memref<1024x8xf32, #tpu.memory_space<vmem>> -> memref<128x8xf32, #tpu.memory_space<vmem>>
      %dma_wait3A_2448 = arith.constant 896 : i32
      %dma_wait3A_2449 = tpu.memref_slice %arg10[%dma_wait3A_2448] : memref<1024xi32, #tpu.memory_space<vmem>> -> memref<128xi32, #tpu.memory_space<vmem>>
      %dma_wait3A_2450 = arith.constant 0 : i32
      %dma_wait3A_2451 = arith.constant 0 : i32
      %dma_wait3A_2452 = tpu.memref_slice %arg4[%dma_wait3A_2450, %dma_wait3A_2451] : memref<65536x8xf32, #tpu.memory_space<hbm>> -> memref<65536x8xf32, #tpu.memory_space<hbm>>
      tpu.wait_indirect_dma semaphore(%arg16 : memref<!tpu.dma_semaphore, #tpu.memory_space<semaphore_mem>>) src(%dma_wait3A_2452 : memref<65536x8xf32, #tpu.memory_space<hbm>>) dst(%dma_wait3A_2447 : memref<128x8xf32, #tpu.memory_space<vmem>>)
      %scan3A_2453 = arith.constant 0 : i32
      %scan3A_2454 = arith.constant 0 : i32
      %scan3A_2455 = arith.constant 512 : i32
      %scan3A_2456 = arith.addi %scan3A_2454, %scan3A_2455 : i32
      %scan3A_2457 = arith.constant 1 : i32
      scf.for %scan3A_2492 = %scan3A_2454 to %scan3A_2456 step %scan3A_2457  : i32 {
        %mul3A_2493 = arith.constant 16 : i32
        %mul3A_2494 = arith.muli %scan3A_2492, %mul3A_2493 : i32
        %add3A_2495 = vector.broadcast %mul3A_2494 : i32 to vector<16xi32>
        %add3A_2496 = arith.addi %add3A_2495, %iota3A : vector<16xi32>
        %shift_right_logical3A_2497 = arith.constant 3 : i32
        %shift_right_logical3A_2498 = vector.broadcast %shift_right_logical3A_2497 : i32 to vector<16xi32>
        %shift_right_logical3A_2499 = arith.shrui %add3A_2496, %shift_right_logical3A_2498 : vector<16xi32>
        %and3A_2500 = arith.constant 7 : i32
        %and3A_2501 = vector.broadcast %and3A_2500 : i32 to vector<16xi32>
        %and3A_2502 = arith.andi %add3A_2496, %and3A_2501 : vector<16xi32>
        %gather3A_2503 = tpu.vector_load_idx %arg11[%shift_right_logical3A_2499, %and3A_2502] : memref<1024x8xf32, #tpu.memory_space<vmem>>[vector<16xi32>, vector<16xi32>], vector<16xf32>,
        %gather3A_2504 = tpu.vector_load_idx %arg12[%shift_right_logical3A_2499, %and3A_2502] : memref<1024x8xf32, #tpu.memory_space<vmem>>[vector<16xi32>, vector<16xi32>], vector<16xf32>,
        %shift_right_logical3A_2505 = arith.constant 3 : i32
        %shift_right_logical3A_2506 = arith.shrui %scan3A_2492, %shift_right_logical3A_2505 : i32
        %and3A_2507 = arith.constant 7 : i32
        %and3A_2508 = arith.andi %scan3A_2492, %and3A_2507 : i32
        %mul3A_2509 = arith.constant 16 : i32
        %mul3A_2510 = arith.muli %and3A_2508, %mul3A_2509 : i32
        %swap3A_2511 = arith.index_cast %shift_right_logical3A_2506 : i32 to index
        %swap3A_2512 = arith.index_cast %mul3A_2510 : i32 to index
        %swap3A_2513 = tpu.vector_load %arg13[%swap3A_2511, %swap3A_2512] {strides = array<i32>} : memref<64x128xf32, #tpu.memory_space<vmem>>, vector<16xf32>,
        tpu.vector_store %arg13[%swap3A_2511, %swap3A_2512], %gather3A_2503 {strides = array<i32>} : memref<64x128xf32, #tpu.memory_space<vmem>>, vector<16xf32>,
        %swap3A_2514 = arith.index_cast %shift_right_logical3A_2506 : i32 to index
        %swap3A_2515 = arith.index_cast %mul3A_2510 : i32 to index
        %swap3A_2516 = tpu.vector_load %arg14[%swap3A_2514, %swap3A_2515] {strides = array<i32>} : memref<64x128xf32, #tpu.memory_space<vmem>>, vector<16xf32>,
        tpu.vector_store %arg14[%swap3A_2514, %swap3A_2515], %gather3A_2504 {strides = array<i32>} : memref<64x128xf32, #tpu.memory_space<vmem>>, vector<16xf32>,
      }
      %scan3A_2458 = arith.constant 512 : i32
      %jit3A = arith.constant 4 : i32
      %div3A = arith.divsi %add3A_15, %jit3A : i32
      %sign3A = arith.constant 0 : i32
      %sign3A_2459 = arith.cmpi sgt, %add3A_15, %sign3A : i32
      %sign3A_2460 = arith.extui %sign3A_2459 : i1 to i32
      %sign3A_2461 = arith.constant 0 : i32
      %sign3A_2462 = arith.cmpi slt, %add3A_15, %sign3A_2461 : i32
      %sign3A_2463 = arith.extui %sign3A_2462 : i1 to i32
      %sign3A_2464 = arith.subi %sign3A_2460, %sign3A_2463 : i32
      %sign3A_2465 = arith.constant 0 : i32
      %sign3A_2466 = arith.cmpi sgt, %jit3A, %sign3A_2465 : i32
      %sign3A_2467 = arith.extui %sign3A_2466 : i1 to i32
      %sign3A_2468 = arith.constant 0 : i32
      %sign3A_2469 = arith.cmpi slt, %jit3A, %sign3A_2468 : i32
      %sign3A_2470 = arith.extui %sign3A_2469 : i1 to i32
      %sign3A_2471 = arith.subi %sign3A_2467, %sign3A_2470 : i32
      %ne3A = arith.cmpi ne, %sign3A_2464, %sign3A_2471 : i32
      %rem3A = arith.remsi %add3A_15, %jit3A : i32
      %ne3A_2472 = arith.constant 0 : i32
      %ne3A_2473 = arith.cmpi ne, %rem3A, %ne3A_2472 : i32
      %and3A_2474 = arith.andi %ne3A, %ne3A_2473 : i1
      %sub3A = arith.constant 1 : i32
      %sub3A_2475 = arith.subi %div3A, %sub3A : i32
      %select_n3A = arith.select %and3A_2474, %sub3A_2475, %div3A : i32
      %dma_start3A_2476 = arith.constant 0 : i32
      %dma_start3A_2477 = tpu.memref_slice %arg5[%select_n3A, %dma_start3A_2476] : memref<81920x128xf32, #tpu.memory_space<hbm>> -> memref<64x128xf32, #tpu.memory_space<hbm>>
      %dma_start3A_2478 = arith.constant 0 : i32
      %dma_start3A_2479 = tpu.memref_slice %arg5[%select_n3A, %dma_start3A_2478] : memref<81920x128xf32, #tpu.memory_space<hbm>> -> memref<64x128xf32, #tpu.memory_space<hbm>>
      tpu.enqueue_dma source(%arg13 : memref<64x128xf32, #tpu.memory_space<vmem>>) target(%dma_start3A_2479 : memref<64x128xf32, #tpu.memory_space<hbm>>) target_semaphore(%arg17 : memref<!tpu.dma_semaphore, #tpu.memory_space<semaphore_mem>>)
      %dma_start3A_2480 = arith.constant 0 : i32
      %dma_start3A_2481 = tpu.memref_slice %arg6[%select_n3A, %dma_start3A_2480] : memref<81920x128xf32, #tpu.memory_space<hbm>> -> memref<64x128xf32, #tpu.memory_space<hbm>>
      %dma_start3A_2482 = arith.constant 0 : i32
      %dma_start3A_2483 = tpu.memref_slice %arg6[%select_n3A, %dma_start3A_2482] : memref<81920x128xf32, #tpu.memory_space<hbm>> -> memref<64x128xf32, #tpu.memory_space<hbm>>
      tpu.enqueue_dma source(%arg14 : memref<64x128xf32, #tpu.memory_space<vmem>>) target(%dma_start3A_2483 : memref<64x128xf32, #tpu.memory_space<hbm>>) target_semaphore(%arg17 : memref<!tpu.dma_semaphore, #tpu.memory_space<semaphore_mem>>)
      %dma_wait3A_2484 = arith.constant 0 : i32
      %dma_wait3A_2485 = tpu.memref_slice %arg5[%select_n3A, %dma_wait3A_2484] : memref<81920x128xf32, #tpu.memory_space<hbm>> -> memref<64x128xf32, #tpu.memory_space<hbm>>
      %dma_wait3A_2486 = arith.constant 0 : i32
      %dma_wait3A_2487 = tpu.memref_slice %arg5[%select_n3A, %dma_wait3A_2486] : memref<81920x128xf32, #tpu.memory_space<hbm>> -> memref<64x128xf32, #tpu.memory_space<hbm>>
      tpu.wait_dma2 semaphore(%arg17 : memref<!tpu.dma_semaphore, #tpu.memory_space<semaphore_mem>>) src(%arg13 : memref<64x128xf32, #tpu.memory_space<vmem>>) dst(%dma_wait3A_2487 : memref<64x128xf32, #tpu.memory_space<hbm>>)
      %dma_wait3A_2488 = arith.constant 0 : i32
      %dma_wait3A_2489 = tpu.memref_slice %arg6[%select_n3A, %dma_wait3A_2488] : memref<81920x128xf32, #tpu.memory_space<hbm>> -> memref<64x128xf32, #tpu.memory_space<hbm>>
      %dma_wait3A_2490 = arith.constant 0 : i32
      %dma_wait3A_2491 = tpu.memref_slice %arg6[%select_n3A, %dma_wait3A_2490] : memref<81920x128xf32, #tpu.memory_space<hbm>> -> memref<64x128xf32, #tpu.memory_space<hbm>>
      tpu.wait_dma2 semaphore(%arg17 : memref<!tpu.dma_semaphore, #tpu.memory_space<semaphore_mem>>) src(%arg14 : memref<64x128xf32, #tpu.memory_space<vmem>>) dst(%dma_wait3A_2491 : memref<64x128xf32, #tpu.memory_space<hbm>>)
    }
    %scan3A_9 = arith.constant 40 : i32
    return
  }
}

module attributes {stable_mosaic.version = 14 : i64} {
  func.func @_pack_body(%arg0: i32, %arg1: memref<8000x8xi16, #tpu.memory_space<vmem>>, %arg2: memref<4000x8xi32, #tpu.memory_space<vmem>>) attributes {dimension_semantics = [#tpu.dimension_semantics<arbitrary>], iteration_bounds = array<i64: 125>, scalar_prefetch = 0 : i64, scratch_operands = 0 : i64, tpu.core_type = #tpu.core_type<tc>, window_params = [{transform_indices = @transform_0, window_bounds = array<i64: 8000, 8>}, {transform_indices = @transform_1, window_bounds = array<i64: 4000, 8>}]} {
    %get3A = arith.constant 0 : index
    %get3A_0 = arith.constant 0 : index
    %get3A_1 = vector.load %arg1[%get3A, %get3A_0] : memref<8000x8xi16, #tpu.memory_space<vmem>>, vector<8000x8xi16>
    %bitcast3A = tpu.bitcast %get3A_1 : vector<8000x8xi16> -> vector<4000x8xi32>
    %swap3A = arith.constant 0 : index
    %swap3A_2 = arith.constant 0 : index
    %swap3A_3 = vector.load %arg2[%swap3A, %swap3A_2] : memref<4000x8xi32, #tpu.memory_space<vmem>>, vector<4000x8xi32>
    tpu.vector_store %arg2[%swap3A, %swap3A_2], %bitcast3A {strides = array<i32>} : memref<4000x8xi32, #tpu.memory_space<vmem>>, vector<4000x8xi32>,
    return
  }
  func.func @transform_0(%arg0: i32) -> (i32, i32) {
    %c0_i32 = arith.constant 0 : i32
    %c0_i32_0 = arith.constant 0 : i32
    return %arg0, %c0_i32 : i32, i32
  }
  func.func @transform_1(%arg0: i32) -> (i32, i32) {
    %c0_i32 = arith.constant 0 : i32
    %c0_i32_0 = arith.constant 0 : i32
    return %arg0, %c0_i32 : i32, i32
  }
}

module attributes {stable_mosaic.version = 14 : i64} {
  func.func @_tc_body(%arg0: i32, %arg1: memref<1024x128xf32, #tpu.memory_space<vmem>>, %arg2: memref<1024x128xf32, #tpu.memory_space<vmem>>, %arg3: memref<128x256xf32, #tpu.memory_space<vmem>>, %arg4: memref<128x256xf32, #tpu.memory_space<vmem>>, %arg5: memref<1x256xf32, #tpu.memory_space<vmem>>, %arg6: memref<1024x256xi16, #tpu.memory_space<vmem>>) attributes {dimension_semantics = [#tpu.dimension_semantics<arbitrary>], iteration_bounds = array<i64: 80>, scalar_prefetch = 0 : i64, scratch_operands = 0 : i64, tpu.core_type = #tpu.core_type<tc>, window_params = [{transform_indices = @transform_0, window_bounds = array<i64: 1024, 128>}, {transform_indices = @transform_1, window_bounds = array<i64: 1024, 128>}, {pipeline_mode = #tpu.pipeline_mode<synchronous>, transform_indices = @transform_2, window_bounds = array<i64: 128, 256>}, {pipeline_mode = #tpu.pipeline_mode<synchronous>, transform_indices = @transform_3, window_bounds = array<i64: 128, 256>}, {pipeline_mode = #tpu.pipeline_mode<synchronous>, transform_indices = @transform_4, window_bounds = array<i64: 1, 256>}, {transform_indices = @transform_5, window_bounds = array<i64: 1024, 256>}]} {
    %get3A = arith.constant 0 : index
    %get3A_0 = arith.constant 0 : index
    %get3A_1 = vector.load %arg3[%get3A, %get3A_0] : memref<128x256xf32, #tpu.memory_space<vmem>>, vector<128x256xf32>
    %get3A_2 = arith.constant 0 : index
    %get3A_3 = arith.constant 0 : index
    %get3A_4 = vector.load %arg5[%get3A_2, %get3A_3] : memref<1x256xf32, #tpu.memory_space<vmem>>, vector<1x256xf32>
    %mul3A = vector.broadcast %get3A_4 : vector<1x256xf32> to vector<128x256xf32>
    %mul3A_5 = arith.mulf %get3A_1, %mul3A : vector<128x256xf32>
    %get3A_6 = arith.constant 0 : index
    %get3A_7 = arith.constant 0 : index
    %get3A_8 = vector.load %arg4[%get3A_6, %get3A_7] : memref<128x256xf32, #tpu.memory_space<vmem>>, vector<128x256xf32>
    %get3A_9 = arith.constant 0 : index
    %get3A_10 = arith.constant 0 : index
    %get3A_11 = vector.load %arg5[%get3A_9, %get3A_10] : memref<1x256xf32, #tpu.memory_space<vmem>>, vector<1x256xf32>
    %mul3A_12 = vector.broadcast %get3A_11 : vector<1x256xf32> to vector<128x256xf32>
    %mul3A_13 = arith.mulf %get3A_8, %mul3A_12 : vector<128x256xf32>
    %get3A_14 = arith.constant 0 : index
    %get3A_15 = arith.constant 0 : index
    %get3A_16 = vector.load %arg1[%get3A_14, %get3A_15] : memref<1024x128xf32, #tpu.memory_space<vmem>>, vector<1024x128xf32>
    %dot_general3A = arith.constant dense<0.000000e+00> : vector<1024x256xf32>
    %dot_general3A_17 = tpu.matmul %get3A_16, %mul3A_5, %dot_general3A {dimension_numbers = #tpu.dot_dimension_numbers<[1], [0], [0], [1], [0, 0, 1, 1], [], []>, transpose_lhs_hint = false} : vector<1024x128xf32>, vector<128x256xf32>, vector<1024x256xf32> -> vector<1024x256xf32>
    %get3A_18 = arith.constant 0 : index
    %get3A_19 = arith.constant 0 : index
    %get3A_20 = vector.load %arg2[%get3A_18, %get3A_19] : memref<1024x128xf32, #tpu.memory_space<vmem>>, vector<1024x128xf32>
    %dot_general3A_21 = arith.constant dense<0.000000e+00> : vector<1024x256xf32>
    %dot_general3A_22 = tpu.matmul %get3A_20, %mul3A_13, %dot_general3A_21 {dimension_numbers = #tpu.dot_dimension_numbers<[1], [0], [0], [1], [0, 0, 1, 1], [], []>, transpose_lhs_hint = false} : vector<1024x128xf32>, vector<128x256xf32>, vector<1024x256xf32> -> vector<1024x256xf32>
    %add3A = arith.addf %dot_general3A_17, %dot_general3A_22 : vector<1024x256xf32>
    %bitcast_convert_type3A = tpu.bitcast %add3A : vector<1024x256xf32> -> vector<1024x256xi32>
    %shift_right_logical3A = arith.constant 16 : i32
    %shift_right_logical3A_23 = vector.broadcast %shift_right_logical3A : i32 to vector<1024x256xi32>
    %shift_right_logical3A_24 = arith.shrui %bitcast_convert_type3A, %shift_right_logical3A_23 : vector<1024x256xi32>
    %and3A = arith.constant 32768 : i32
    %and3A_25 = vector.broadcast %and3A : i32 to vector<1024x256xi32>
    %and3A_26 = arith.andi %shift_right_logical3A_24, %and3A_25 : vector<1024x256xi32>
    %and3A_27 = arith.constant 2147483647 : i32
    %and3A_28 = vector.broadcast %and3A_27 : i32 to vector<1024x256xi32>
    %and3A_29 = arith.andi %bitcast_convert_type3A, %and3A_28 : vector<1024x256xi32>
    %add3A_30 = arith.constant 4096 : i32
    %add3A_31 = vector.broadcast %add3A_30 : i32 to vector<1024x256xi32>
    %add3A_32 = arith.addi %and3A_29, %add3A_31 : vector<1024x256xi32>
    %shift_right_logical3A_33 = arith.constant 13 : i32
    %shift_right_logical3A_34 = vector.broadcast %shift_right_logical3A_33 : i32 to vector<1024x256xi32>
    %shift_right_logical3A_35 = arith.shrui %add3A_32, %shift_right_logical3A_34 : vector<1024x256xi32>
    %sub3A = arith.constant 114688 : i32
    %sub3A_36 = vector.broadcast %sub3A : i32 to vector<1024x256xi32>
    %sub3A_37 = arith.subi %shift_right_logical3A_35, %sub3A_36 : vector<1024x256xi32>
    %max3A = arith.constant 0 : i32
    %max3A_38 = vector.broadcast %max3A : i32 to vector<1024x256xi32>
    %max3A_39 = arith.maxsi %sub3A_37, %max3A_38 : vector<1024x256xi32>
    %or3A = arith.ori %and3A_26, %max3A_39 : vector<1024x256xi32>
    %convert_element_type3A = arith.trunci %or3A : vector<1024x256xi32> to vector<1024x256xi16>
    %swap3A = arith.constant 0 : index
    %swap3A_40 = arith.constant 0 : index
    %swap3A_41 = vector.load %arg6[%swap3A, %swap3A_40] : memref<1024x256xi16, #tpu.memory_space<vmem>>, vector<1024x256xi16>
    tpu.vector_store %arg6[%swap3A, %swap3A_40], %convert_element_type3A {strides = array<i32>} : memref<1024x256xi16, #tpu.memory_space<vmem>>, vector<1024x256xi16>,
    return
  }
  func.func @transform_0(%arg0: i32) -> (i32, i32) {
    %c0_i32 = arith.constant 0 : i32
    %c0_i32_0 = arith.constant 0 : i32
    return %arg0, %c0_i32 : i32, i32
  }
  func.func @transform_1(%arg0: i32) -> (i32, i32) {
    %c0_i32 = arith.constant 0 : i32
    %c0_i32_0 = arith.constant 0 : i32
    return %arg0, %c0_i32 : i32, i32
  }
  func.func @transform_2(%arg0: i32) -> (i32, i32) {
    %c0_i32 = arith.constant 0 : i32
    %c0_i32_0 = arith.constant 0 : i32
    %c0_i32_1 = arith.constant 0 : i32
    return %c0_i32, %c0_i32_0 : i32, i32
  }
  func.func @transform_3(%arg0: i32) -> (i32, i32) {
    %c0_i32 = arith.constant 0 : i32
    %c0_i32_0 = arith.constant 0 : i32
    %c0_i32_1 = arith.constant 0 : i32
    return %c0_i32, %c0_i32_0 : i32, i32
  }
  func.func @transform_4(%arg0: i32) -> (i32, i32) {
    %c0_i32 = arith.constant 0 : i32
    %c0_i32_0 = arith.constant 0 : i32
    %c0_i32_1 = arith.constant 0 : i32
    return %c0_i32, %c0_i32_0 : i32, i32
  }
  func.func @transform_5(%arg0: i32) -> (i32, i32) {
    %c0_i32 = arith.constant 0 : i32
    %c0_i32_0 = arith.constant 0 : i32
    return %arg0, %c0_i32 : i32, i32
  }
}

</mosaic_0001>

<sc_bundles>
// kernel: kernel.6.cloned.1.call-start
scs
__scs_entry_jumppad:
0x0: {  	(pc) =	sbr.rel $0x88, $3  }
0x1: {  	(tag) =	ssettag $0x0;
	lr =	simm.s32 $0x1  }
0x2: {  	[smem:$0x3F9C] =	sst lr;
	_ =	strace $0xD0000000  }
0x3: {  	_ = 	snop  }
0x4: {  	_ = 	snop  }
0x5: {  	_ = 	snop  }
0x6: {  	_ = 	snop  }
0x7: {  	_ = 	snop  }
__scs_overlays_trampoline_lowered:
0x8: {  	[smem:$0x3FAB] =	sst s0  }
0x9: {  	[smem:$0x3FAC] =	sst s1  }
0xa: {  	[smem:$0x3FAD] =	sst s2  }
0xb: {  	[smem:$0x3FAE] =	sst s3  }
0xc: {  	[smem:$0x3FAF] =	sst s4  }
0xd: {  	[smem:$0x3FB0] =	sst s5  }
0xe: {  	[smem:$0x3FB1] =	sst s6  }
0xf: {  	[smem:$0x3FB2] =	sst s7  }
0x10: {  	[smem:$0x3FB3] =	sst s8  }
0x11: {  	[smem:$0x3FB4] =	sst s9;
	s0 =	simm.s32 @!p0 $0x0  }
0x12: {  	s1 =	sld [smem:$0x3F9A];
	s0 =	simm.s32 @p0 $0x1  }
0x13: {  	[smem:$0x3FB5] =	sst s0;
	s0 =	simm.s32 @!p1 $0x0  }
0x14: {  	s2 =	sld [smem:$0x3F99];
	s0 =	simm.s32 @p1 $0x1  }
0x15: {  	[smem:$0x3FB6] =	sst s0;
	s0 =	simm.s32 @!p2 $0x0  }
0x16: {  	s3 =	sld [smem:$0x3FDB];
	s0 =	simm.s32 @p2 $0x1  }
0x17: {  	s4 =	simm.s32 $0x1BF5;
	[smem:$0x3FB8] =	sst s0  }
0x18: {  	s0 =	sld [smem:$0x3F9B];
	_ =	swait.ge [sflag:s4], $0x0  }
0x19: {  	s7 =	sld [smem:$0x3F9C]  }
0x1a: {  	s8 =	sadd.s32 $0xFFFFE003, lr  }
0x1b: {  	s9 =	sadd.s32 $0xFFFFFEF7, lr;
	s5 =	simm.s32 $0xFFFFFFFF;
	p2 =	slt.u32 s8, $0xFFFFF086  }
0x1c: {  	p1 =	slt.u32 s9, $0xF7A;
	s5 =	simm.s32 @!p2 $0x0  }
0x1d: {  	s5 =	simm.s32 @p1 $0x1;
	p0 =	seq.s32 s7, s2  }
0x1e: {  	s7 =	smul.u32 @!p0 $0xF7A, s2;
	p2 =	seq.s32 @!p0 s5, $0x0  }
0x1f: {  	s9 =	smul.u32 $0xF7A, s1;
	s8 =	simm.s32 @!p0 $0x1BF5;
	p2 =	por !p2, p0  }
0x20: {  	[sflag:s8] =	ssyncset.s32 @!p0 $0xFFFFF086;
	s6 =	sadd.s32 @!p0 s3, s7;
	s7 =	simm.s32 @!p0 $0x108  }
0x21: {  	s3 =	sadd.s32 s3, s9;
	s6 =	sadd.s32 @!p0 $0x88, s6;
	s7 =	simm.s32 @p2 $0x1082  }
0x22: {  	[simem:s7], [sflag:s8] =	dma.local @!p0 [hbm:s6], $0xF7A  }
0x23: {  	s9 =	sor.u32 $0xD0000000, s2;
	s6 =	simm.s32 $0x108;
	_ =	swait.ge @!p0 [sflag:s8], $0x0  }
0x24: {  	s3 =	sadd.s32 $0x88, s3;
	s6 =	simm.s32 @!p1 $0x1082;
	[sflag:s4] =	ssyncset.s32 $0xFFFFF086  }
0x25: {  	[simem:s6], [sflag:s4] =	dma.local [hbm:s3], $0xF7A  }
0x26: {  	[smem:$0x3F9C] =	sst s1;
	(tag) =	ssettag s2;
	_ =	strace s9  }
0x27: {  	s1 =	sld [smem:$0x3FAC]  }
0x28: {  	s2 =	sld [smem:$0x3FAD]  }
0x29: {  	s4 =	sld [smem:$0x3FAF]  }
0x2a: {  	p0 =	seq.s32 s5, $0x0;
	s5 =	sld [smem:$0x3FB0]  }
0x2b: {  	s6 =	sld [smem:$0x3FB1]  }
0x2c: {  	s7 =	sld [smem:$0x3FB2]  }
0x2d: {  	s3 =	simm.s32 $0x108;
	s8 =	sld [smem:$0x3FB3]  }
0x2e: {  	s3 =	simm.s32 @!p0 $0x1082;
	s9 =	sld [smem:$0x3FB4]  }
0x2f: {  	lr =	sadd.s32 s0, s3;
	s0 =	sld [smem:$0x3FAB]  }
0x30: {  	s3 =	sld [smem:$0x3FAE]  }
0x31: {  	[smem:$0x3FB7] =	sst s10  }
0x32: {  	s10 =	sld [smem:$0x3FB5];
	_ =	sdelay $0x3  }
0x33: {  	p0 =	seq.s32 s10, $0x1;
	s10 =	sld [smem:$0x3FB7];
	_ =	sdelay $0x3  }
0x34: {  	[smem:$0x3FB7] =	sst s10  }
0x35: {  	s10 =	sld [smem:$0x3FB6];
	_ =	sdelay $0x3  }
0x36: {  	p1 =	seq.s32 s10, $0x1;
	s10 =	sld [smem:$0x3FB7];
	_ =	sdelay $0x3  }
0x37: {  	[smem:$0x3FB7] =	sst s10  }
0x38: {  	s10 =	sld [smem:$0x3FB8]  }
0x39: {  	_ = 	snop;
	(pc) =	sbr.ind lr, $3  }
0x3a: {  	_ = 	snop  }
0x3b: {  	_ = 	snop  }
0x3c: {  	p2 =	seq.s32 s10, $0x1;
	s10 =	sld [smem:$0x3FB7]  }
0x3d: {  	_ =	shalt  }
0x3e: {  	_ =	shalt  }
0x3f: {  	_ =	shalt  }
0x40: {  	_ =	shalt  }
0x41: {  	_ =	shalt  }
0x42: {  	_ =	shalt  }
0x43: {  	_ =	shalt  }
0x44: {  	_ =	shalt  }
0x45: {  	_ =	shalt  }
0x46: {  	_ =	shalt  }
0x47: {  	_ =	shalt  }
0x48: {  	_ =	shalt  }
0x49: {  	_ =	shalt  }
0x4a: {  	_ =	shalt  }
0x4b: {  	_ =	shalt  }
0x4c: {  	_ =	shalt  }
0x4d: {  	_ =	shalt  }
0x4e: {  	_ =	shalt  }
0x4f: {  	_ =	shalt  }
0x50: {  	_ =	shalt  }
0x51: {  	_ =	shalt  }
0x52: {  	_ =	shalt  }
0x53: {  	_ =	shalt  }
0x54: {  	_ =	shalt  }
0x55: {  	_ =	shalt  }
0x56: {  	_ =	shalt  }
0x57: {  	_ =	shalt  }
0x58: {  	_ =	shalt  }
0x59: {  	_ =	shalt  }
0x5a: {  	_ =	shalt  }
0x5b: {  	_ =	shalt  }
0x5c: {  	_ =	shalt  }
0x5d: {  	_ =	shalt  }
0x5e: {  	_ =	shalt  }
0x5f: {  	_ =	shalt  }
0x60: {  	_ =	shalt  }
0x61: {  	_ =	shalt  }
0x62: {  	_ =	shalt  }
0x63: {  	_ =	shalt  }
0x64: {  	_ =	shalt  }
0x65: {  	_ =	shalt  }
0x66: {  	_ =	shalt  }
0x67: {  	_ =	shalt  }
0x68: {  	_ =	shalt  }
0x69: {  	_ =	shalt  }
0x6a: {  	_ =	shalt  }
0x6b: {  	_ =	shalt  }
0x6c: {  	_ =	shalt  }
0x6d: {  	_ =	shalt  }
0x6e: {  	_ =	shalt  }
0x6f: {  	_ =	shalt  }
0x70: {  	_ =	shalt  }
0x71: {  	_ =	shalt  }
0x72: {  	_ =	shalt  }
0x73: {  	_ =	shalt  }
0x74: {  	_ =	shalt  }
0x75: {  	_ =	shalt  }
0x76: {  	_ =	shalt  }
0x77: {  	_ =	shalt  }
0x78: {  	_ =	shalt  }
0x79: {  	_ =	shalt  }
0x7a: {  	_ =	shalt  }
0x7b: {  	_ =	shalt  }
0x7c: {  	_ =	shalt  }
0x7d: {  	_ =	shalt  }
0x7e: {  	_ =	shalt  }
0x7f: {  	_ =	shalt  }
0x80: {  	_ =	shalt  }
0x81: {  	_ =	shalt  }
0x82: {  	_ =	shalt  }
0x83: {  	_ =	shalt  }
0x84: {  	_ =	shalt  }
0x85: {  	_ =	shalt  }
0x86: {  	_ =	shalt  }
0x87: {  	_ =	shalt  }
.Lfunc_end0:
.L_simem_size_0:
called_computation.1_lowered:
.L_overlay_start_0:
0x88: {  	s2 =	sld [smem:$0x3FD9]  }
0x89: {  	s3 =	sld [smem:$0x3FFE];
	_ =	sdelay $0x1  }
0x8a: {  	s1 =	srdreg.scid  }
0x8b: {  	s0 =	sand.u32 $0x1, s1  }
0x8c: {  	s16 =	sshll.u32 s0, $0xA;
	s2 =	sadd.s32 s3, s2  }
0x8d: {  	s2 =	sadd.s32 s2, s16  }
0x8e: {  	[smem:$0x3FC3] =	sst s2  }
0x8f: {  	_ = 	snop  }
0x90: {  	(tm) =	ssettm $0x1  }
0x91: {  	s17 =	sld [smem:$0x3FFB];
	_ =	sdelay $0x3  }
0x92: {  	_ =	strace s17  }
0x93: {  	s2 =	sld [smem:$0x3FFC];
	_ =	sdelay $0x3  }
0x94: {  	_ =	strace s2  }
0x95: {  	s2 =	sld [smem:$0x3FFD];
	_ =	sdelay $0x3  }
0x96: {  	_ =	strace s2  }
0x97: {  	_ =	strace $0x8FFFFFFF  }
0x98: {  	s18 =	sld [smem:$0x3FDB];
	_ =	sdelay $0x1  }
0x99: {  	s19 =	simm.s32 $_scs_section_size  }
0x9a: {  	s4 =	simm.s32 $_size__tile_overlayer_lowered;
	s5 =	simm.s32 $_tile_overlayer_lowered  }
0x9b: {  	s22 =	simm.s32 $0x1BFF;
	s21 =	sshll.u32 s5, $0x1;
	s2 =	sadd.s32 s19, s18  }
0x9c: {  	s6 =	simm.s32 $0x0;
	s20 =	sshll.u32 s4, $0x1;
	s4 =	sadd.s32 s21, s2  }
0x9d: {  	[timem:s6], [sflag:s22] =	dma.local [hbm:s4], s20  }
0x9e: {  	_ =	swait.ge [sflag:s22], s20  }
0x9f: {  	s3 =	ssub.s32 $0x0, s20;
	[sflag:s22] =	ssyncset.done $0x0  }
0xa0: {  	[sflag:s22] =	ssyncadd.s32 s3;
	_ =	sdelay $0x1  }
0xa1: {  	s23 =	simm.s32 $0x1B8B  }
0xa2: {  	_ =	swait.ge [sflag:s23], $0x1  }
0xa3: {  	[sflag:s23] =	ssyncset.done $0x0  }
0xa4: {  	s25 =	simm.s32 $0x1B8E;
	s24 =	sld [smem:$0x3FFE];
	[sflag:s23] =	ssyncadd.s32 $0xFFFFFFFF  }
0xa5: {  	s26 =	simm.s32 $execute0_lowered;
	[smem:$0x3FD2] =	sst s25  }
0xa6: {  	s4 =	sshll.u32 s26, $0x1;
	_ =	strace $0x80000046;
	[dreg:$0x1] =	wrdreg $0xFFFFFFFF  }
0xa7: {  	s28 =	simm.s32 $_size_execute0_lowered;
	s2 =	sadd.s32 s2, s4;
	[dreg:$0x0] =	wrdreg $0x0  }
0xa8: {  	s4 =	sshll.u32 s28, $0x1;
	[dreg:$0x2] =	wrdreg s2  }
0xa9: {  	[dreg:$0x3] =	wrdreg s4  }
0xaa: {  	[dreg:$0x4] =	wrdreg $0xC0  }
0xab: {  	_ =	task [dreg:s6], $0x5FFFF  }
0xac: {  	[dreg:$0x1] =	wrdreg $0xFFFFFFFF  }
0xad: {  	[dreg:$0x0] =	wrdreg $0x60  }
0xae: {  	[dreg:$0x2] =	wrdreg s24  }
0xaf: {  	[dreg:$0x3] =	wrdreg $0x9  }
0xb0: {  	_ =	task.clear_ibuf [dreg:s6], $0x4FFFF;
	_ =	strace $0x90000046  }
0xb1: {  	s29 =	simm.s32 $0x9;
	_ =	strace $0x80000048  }
0xb2: {  	_ =	swait.ge [sflag:s29], $0x1  }
0xb3: {  	[sflag:s29] =	ssyncadd.s32 $0xFFFFFFFF  }
0xb4: {  	_ =	strace $0x90000048  }
0xb5: {  	_ =	sfence  }
0xb6: {  	s30 =	sld [smem:$0x0];
	_ =	sdelay $0x2  }
0xb7: {  	s31 =	sshll.u32 s1, $0xD;
	s1 =	sshrl.u32 s1, $0x2  }
0xb8: {  	s3 =	sand.u32 $0x4000, s31;
	s1 =	sadd.s32 s1, s30  }
0xb9: {  	s0 =	sor.u32 s3, s0;
	s1 =	sshll.u32 s1, $0x11  }
0xba: {  	s0 =	sor.u32 s1, s0  }
0xbb: {  	s0 =	sadd.s32 $0x8F2B, s0  }
0xbc: {  	[sflag:s0] =	ssyncadd.remote.s32 $0x1  }
0xbd: {  	_ =	sfence.sel $0xFFFF  }
0xbe: {  	[dreg:$0x0] =	wrdreg $0xFFFFFFFF;
	(pc) =	sbr.abs _section_cstart, $3  }
0xbf: {  	[dreg:$0x1] =	wrdreg $0xFFFFFFFF  }
0xc0: {  	_ =	task.clear_ibuf [dreg:s6], $0x2FFFF;
	_ =	strace $0x9FFFFFFF  }
0xc1: {  	(tm) =	ssettm $0x7FFFFFFF  }
tec
execute0_lowered:
.L_overlay_start_1:
0x0: {  	(tag) =	ssettag $0x1  }
0x1: {  	s0 =	srdreg.scid  }
0x2: {  	s1 =	stileid.u32;
	s4 =	rddreg [dreg:$0x0];
	s2 =	simm.s32 $0x0  }
0x3: {  	s7 =	simm.s32 $0x3;
	s8 =	simm.s32 $0x80;
	s10 =	simm.s32 $0x5000  }
0x4: {  	s14 =	simm.s32 $0x16C00;
	s15 =	simm.s32 $0x4C00;
	s16 =	simm.s32 $0x17000  }
0x5: {  	s17 =	simm.s32 $0x4C80;
	s18 =	simm.s32 $0x17400;
	s19 =	simm.s32 $0x4D00  }
0x6: {  	s20 =	simm.s32 $0x17800;
	s21 =	simm.s32 $0x4D80;
	s22 =	simm.s32 $0x17C00  }
0x7: {  	s23 =	simm.s32 $0x4E00;
	s24 =	simm.s32 $0x18000;
	s25 =	simm.s32 $0x4E80  }
0x8: {  	s26 =	simm.s32 $0x18400;
	s28 =	simm.s32 $0x4F00;
	s29 =	simm.s32 $0x18800  }
0x9: {  	s30 =	simm.s32 $0x4F80;
	s0 =	sand.u32 $0x1, s0;
	s1 =	sshll.u32 s1, $0x1  }
0xa: {  	s31 =	simm.s32 $0x18C00;
	s9 =	simm.s32 $0x0;
	s1 =	sor.u32 s0, s1  }
0xb: {  	[smem:$0x7FF] =	sst s2;
	s0 =	ssub.s32 $0x2, s0;
	s3 =	smul.u32 $0x500, s1  }
0xc: {  	_ =	strace $0x80000047;
	s1 =	smul.u32 $0x2800, s1;
	s6 =	sshrl.u32 s0, $0x1  }
0xd: {  	s0 =	ssub.s32 s0, s6;
	s5 =	sadd.s32 s3, s4;
	s3 =	sadd.s32 $0xB800, s4  }
0xe: {  	s1 =	sadd.s32 s1, s4;
	s6 =	smax.u32 s0, $0x1;
	s0 =	simm.s32 $0x2  }
0xf: {  	s4 =	sadd.s32 $0x1800, s5;
	s5 =	sadd.s32 $0x85A00, s1;
	s1 =	simm.s32 $0x1  }
.LBB2_1:
0x10: {  	[tilespmem:s2], [sflag:$0x3] =	stream.linear.gather [hbm4b:s4+s2], $0x2800, $0x38;
	[tilespmem:$0x19000] =	vst v63  }
0x11: {  	_ =	swait.ge [sflag:s7], $0x2800  }
0x12: {  	[sflag:s7] =	ssyncset.done $0x0  }
0x13: {  	s11 =	simm.s32 $0x0;
	[sflag:s7] =	ssyncadd.s32 $0xFFFFD800  }
0x14: {  	s12 =	simm.s32 $0x40;
	v0 =	vld [tilespmem:s11+$0x0]  }
.LBB2_2:
0x15: {  	p0 =	sne.s32 s12, $0x9FC0  }
.Ltmp0:
0x16: {  	_ = 	snop;
	(pc) =	sbr.rel @p0 .LBB2_2-.Ltmp0, $3  }
0x17: {  	_ =	sdelay $0x1  }
0x18: {  	s13 =	sshra.s32 s12, $0x2;
	s12 =	sadd.s32 $0x40, s12;
	v1 =	vshrl.u32 v0, $0x1  }
0x19: {  	v0 =	vld [tilespmem:s13+$0x0];
	[tilespmem:s11+$0x2800] =	vst v1;
	s11 =	smov.u32 s13  }
0x1a: {  	_ =	sdelay $0x3  }
0x1b: {  	v0 =	vshrl.u32 v0, $0x1  }
0x1c: {  	s12 =	simm.s32 $0x2800;
	[tilespmem:s11+$0x2800] =	vst v0  }
0x1d: {  	[tilespmem:s10], [sflag:$0x1] =	stream.indirect.gather [hbm4b:s3+s8], $0x8, s12, s8, $0xb8;
	[tilespmem:$0x19000] =	vst v63  }
0x1e: {  	s13 =	simm.s32 $0x2880;
	s12 =	simm.s32 $0x5400  }
0x1f: {  	[tilespmem:s12], [sflag:$0x1] =	stream.indirect.gather [hbm4b:s3+s8], $0x8, s13, s8, $0xb8;
	[tilespmem:$0x19000] =	vst v63  }
0x20: {  	s12 =	simm.s32 $0x2900;
	s13 =	simm.s32 $0x5800  }
0x21: {  	[tilespmem:s13], [sflag:$0x1] =	stream.indirect.gather [hbm4b:s3+s8], $0x8, s12, s8, $0xb8;
	[tilespmem:$0x19000] =	vst v63  }
0x22: {  	s12 =	simm.s32 $0x2980;
	s13 =	simm.s32 $0x5C00  }
0x23: {  	[tilespmem:s13], [sflag:$0x1] =	stream.indirect.gather [hbm4b:s3+s8], $0x8, s12, s8, $0xb8;
	[tilespmem:$0x19000] =	vst v63  }
0x24: {  	s12 =	simm.s32 $0x2A00;
	s13 =	simm.s32 $0x6000  }
0x25: {  	[tilespmem:s13], [sflag:$0x1] =	stream.indirect.gather [hbm4b:s3+s8], $0x8, s12, s8, $0xb8;
	[tilespmem:$0x19000] =	vst v63  }
0x26: {  	s12 =	simm.s32 $0x2A80;
	s13 =	simm.s32 $0x6400  }
0x27: {  	[tilespmem:s13], [sflag:$0x1] =	stream.indirect.gather [hbm4b:s3+s8], $0x8, s12, s8, $0xb8;
	[tilespmem:$0x19000] =	vst v63  }
0x28: {  	s12 =	simm.s32 $0x2B00;
	s13 =	simm.s32 $0x6800  }
0x29: {  	[tilespmem:s13], [sflag:$0x1] =	stream.indirect.gather [hbm4b:s3+s8], $0x8, s12, s8, $0xb8;
	[tilespmem:$0x19000] =	vst v63  }
0x2a: {  	s12 =	simm.s32 $0x2B80;
	s13 =	simm.s32 $0x6C00  }
0x2b: {  	[tilespmem:s13], [sflag:$0x1] =	stream.indirect.gather [hbm4b:s3+s8], $0x8, s12, s8, $0xb8;
	[tilespmem:$0x19000] =	vst v63  }
0x2c: {  	s12 =	simm.s32 $0x2C00;
	s13 =	simm.s32 $0x7000  }
0x2d: {  	[tilespmem:s13], [sflag:$0x1] =	stream.indirect.gather [hbm4b:s3+s8], $0x8, s12, s8, $0xb8;
	[tilespmem:$0x19000] =	vst v63  }
0x2e: {  	s12 =	simm.s32 $0x2C80;
	s13 =	simm.s32 $0x7400  }
0x2f: {  	[tilespmem:s13], [sflag:$0x1] =	stream.indirect.gather [hbm4b:s3+s8], $0x8, s12, s8, $0xb8;
	[tilespmem:$0x19000] =	vst v63  }
0x30: {  	s12 =	simm.s32 $0x2D00;
	s13 =	simm.s32 $0x7800  }
0x31: {  	[tilespmem:s13], [sflag:$0x1] =	stream.indirect.gather [hbm4b:s3+s8], $0x8, s12, s8, $0xb8;
	[tilespmem:$0x19000] =	vst v63  }
0x32: {  	s12 =	simm.s32 $0x2D80;
	s13 =	simm.s32 $0x7C00  }
0x33: {  	[tilespmem:s13], [sflag:$0x1] =	stream.indirect.gather [hbm4b:s3+s8], $0x8, s12, s8, $0xb8;
	[tilespmem:$0x19000] =	vst v63  }
0x34: {  	s12 =	simm.s32 $0x2E00;
	s13 =	simm.s32 $0x8000  }
0x35: {  	[tilespmem:s13], [sflag:$0x1] =	stream.indirect.gather [hbm4b:s3+s8], $0x8, s12, s8, $0xb8;
	[tilespmem:$0x19000] =	vst v63  }
0x36: {  	s12 =	simm.s32 $0x2E80;
	s13 =	simm.s32 $0x8400  }
0x37: {  	[tilespmem:s13], [sflag:$0x1] =	stream.indirect.gather [hbm4b:s3+s8], $0x8, s12, s8, $0xb8;
	[tilespmem:$0x19000] =	vst v63  }
0x38: {  	s12 =	simm.s32 $0x2F00;
	s13 =	simm.s32 $0x8800  }
0x39: {  	[tilespmem:s13], [sflag:$0x1] =	stream.indirect.gather [hbm4b:s3+s8], $0x8, s12, s8, $0xb8;
	[tilespmem:$0x19000] =	vst v63  }
0x3a: {  	s12 =	simm.s32 $0x2F80;
	s13 =	simm.s32 $0x8C00  }
0x3b: {  	[tilespmem:s13], [sflag:$0x1] =	stream.indirect.gather [hbm4b:s3+s8], $0x8, s12, s8, $0xb8;
	[tilespmem:$0x19000] =	vst v63  }
0x3c: {  	s12 =	simm.s32 $0x3000;
	s13 =	simm.s32 $0x9000  }
0x3d: {  	[tilespmem:s13], [sflag:$0x1] =	stream.indirect.gather [hbm4b:s3+s8], $0x8, s12, s8, $0xb8;
	[tilespmem:$0x19000] =	vst v63  }
0x3e: {  	s12 =	simm.s32 $0x3080;
	s13 =	simm.s32 $0x9400  }
0x3f: {  	[tilespmem:s13], [sflag:$0x1] =	stream.indirect.gather [hbm4b:s3+s8], $0x8, s12, s8, $0xb8;
	[tilespmem:$0x19000] =	vst v63  }
0x40: {  	s12 =	simm.s32 $0x3100;
	s13 =	simm.s32 $0x9800  }
0x41: {  	[tilespmem:s13], [sflag:$0x1] =	stream.indirect.gather [hbm4b:s3+s8], $0x8, s12, s8, $0xb8;
	[tilespmem:$0x19000] =	vst v63  }
0x42: {  	s12 =	simm.s32 $0x3180;
	s13 =	simm.s32 $0x9C00  }
0x43: {  	[tilespmem:s13], [sflag:$0x1] =	stream.indirect.gather [hbm4b:s3+s8], $0x8, s12, s8, $0xb8;
	[tilespmem:$0x19000] =	vst v63  }
0x44: {  	s12 =	simm.s32 $0x3200;
	s13 =	simm.s32 $0xA000  }
0x45: {  	[tilespmem:s13], [sflag:$0x1] =	stream.indirect.gather [hbm4b:s3+s8], $0x8, s12, s8, $0xb8;
	[tilespmem:$0x19000] =	vst v63  }
0x46: {  	s12 =	simm.s32 $0x3280;
	s13 =	simm.s32 $0xA400  }
0x47: {  	[tilespmem:s13], [sflag:$0x1] =	stream.indirect.gather [hbm4b:s3+s8], $0x8, s12, s8, $0xb8;
	[tilespmem:$0x19000] =	vst v63  }
0x48: {  	s12 =	simm.s32 $0x3300;
	s13 =	simm.s32 $0xA800  }
0x49: {  	[tilespmem:s13], [sflag:$0x1] =	stream.indirect.gather [hbm4b:s3+s8], $0x8, s12, s8, $0xb8;
	[tilespmem:$0x19000] =	vst v63  }
0x4a: {  	s12 =	simm.s32 $0x3380;
	s13 =	simm.s32 $0xAC00  }
0x4b: {  	[tilespmem:s13], [sflag:$0x1] =	stream.indirect.gather [hbm4b:s3+s8], $0x8, s12, s8, $0xb8;
	[tilespmem:$0x19000] =	vst v63  }
0x4c: {  	s12 =	simm.s32 $0x3400;
	s13 =	simm.s32 $0xB000  }
0x4d: {  	[tilespmem:s13], [sflag:$0x1] =	stream.indirect.gather [hbm4b:s3+s8], $0x8, s12, s8, $0xb8;
	[tilespmem:$0x19000] =	vst v63  }
0x4e: {  	s12 =	simm.s32 $0x3480;
	s13 =	simm.s32 $0xB400  }
0x4f: {  	[tilespmem:s13], [sflag:$0x1] =	stream.indirect.gather [hbm4b:s3+s8], $0x8, s12, s8, $0xb8;
	[tilespmem:$0x19000] =	vst v63  }
0x50: {  	s12 =	simm.s32 $0x3500;
	s13 =	simm.s32 $0xB800  }
0x51: {  	[tilespmem:s13], [sflag:$0x1] =	stream.indirect.gather [hbm4b:s3+s8], $0x8, s12, s8, $0xb8;
	[tilespmem:$0x19000] =	vst v63  }
0x52: {  	s12 =	simm.s32 $0x3580;
	s13 =	simm.s32 $0xBC00  }
0x53: {  	[tilespmem:s13], [sflag:$0x1] =	stream.indirect.gather [hbm4b:s3+s8], $0x8, s12, s8, $0xb8;
	[tilespmem:$0x19000] =	vst v63  }
0x54: {  	s12 =	simm.s32 $0x3600;
	s13 =	simm.s32 $0xC000  }
0x55: {  	[tilespmem:s13], [sflag:$0x1] =	stream.indirect.gather [hbm4b:s3+s8], $0x8, s12, s8, $0xb8;
	[tilespmem:$0x19000] =	vst v63  }
0x56: {  	s12 =	simm.s32 $0x3680;
	s13 =	simm.s32 $0xC400  }
0x57: {  	[tilespmem:s13], [sflag:$0x1] =	stream.indirect.gather [hbm4b:s3+s8], $0x8, s12, s8, $0xb8;
	[tilespmem:$0x19000] =	vst v63  }
0x58: {  	s12 =	simm.s32 $0x3700;
	s13 =	simm.s32 $0xC800  }
0x59: {  	[tilespmem:s13], [sflag:$0x1] =	stream.indirect.gather [hbm4b:s3+s8], $0x8, s12, s8, $0xb8;
	[tilespmem:$0x19000] =	vst v63  }
0x5a: {  	s12 =	simm.s32 $0x3780;
	s13 =	simm.s32 $0xCC00  }
0x5b: {  	[tilespmem:s13], [sflag:$0x1] =	stream.indirect.gather [hbm4b:s3+s8], $0x8, s12, s8, $0xb8;
	[tilespmem:$0x19000] =	vst v63  }
0x5c: {  	s12 =	simm.s32 $0x3800;
	s13 =	simm.s32 $0xD000  }
0x5d: {  	[tilespmem:s13], [sflag:$0x1] =	stream.indirect.gather [hbm4b:s3+s8], $0x8, s12, s8, $0xb8;
	[tilespmem:$0x19000] =	vst v63  }
0x5e: {  	s12 =	simm.s32 $0x3880;
	s13 =	simm.s32 $0xD400  }
0x5f: {  	[tilespmem:s13], [sflag:$0x1] =	stream.indirect.gather [hbm4b:s3+s8], $0x8, s12, s8, $0xb8;
	[tilespmem:$0x19000] =	vst v63  }
0x60: {  	s12 =	simm.s32 $0x3900;
	s13 =	simm.s32 $0xD800  }
0x61: {  	[tilespmem:s13], [sflag:$0x1] =	stream.indirect.gather [hbm4b:s3+s8], $0x8, s12, s8, $0xb8;
	[tilespmem:$0x19000] =	vst v63  }
0x62: {  	s12 =	simm.s32 $0x3980;
	s13 =	simm.s32 $0xDC00  }
0x63: {  	[tilespmem:s13], [sflag:$0x1] =	stream.indirect.gather [hbm4b:s3+s8], $0x8, s12, s8, $0xb8;
	[tilespmem:$0x19000] =	vst v63  }
0x64: {  	s12 =	simm.s32 $0x3A00;
	s13 =	simm.s32 $0xE000  }
0x65: {  	[tilespmem:s13], [sflag:$0x1] =	stream.indirect.gather [hbm4b:s3+s8], $0x8, s12, s8, $0xb8;
	[tilespmem:$0x19000] =	vst v63  }
0x66: {  	s12 =	simm.s32 $0x3A80;
	s13 =	simm.s32 $0xE400  }
0x67: {  	[tilespmem:s13], [sflag:$0x1] =	stream.indirect.gather [hbm4b:s3+s8], $0x8, s12, s8, $0xb8;
	[tilespmem:$0x19000] =	vst v63  }
0x68: {  	s12 =	simm.s32 $0x3B00;
	s13 =	simm.s32 $0xE800  }
0x69: {  	[tilespmem:s13], [sflag:$0x1] =	stream.indirect.gather [hbm4b:s3+s8], $0x8, s12, s8, $0xb8;
	[tilespmem:$0x19000] =	vst v63  }
0x6a: {  	s12 =	simm.s32 $0x3B80;
	s13 =	simm.s32 $0xEC00  }
0x6b: {  	[tilespmem:s13], [sflag:$0x1] =	stream.indirect.gather [hbm4b:s3+s8], $0x8, s12, s8, $0xb8;
	[tilespmem:$0x19000] =	vst v63  }
0x6c: {  	s12 =	simm.s32 $0x3C00;
	s13 =	simm.s32 $0xF000  }
0x6d: {  	[tilespmem:s13], [sflag:$0x1] =	stream.indirect.gather [hbm4b:s3+s8], $0x8, s12, s8, $0xb8;
	[tilespmem:$0x19000] =	vst v63  }
0x6e: {  	s12 =	simm.s32 $0x3C80;
	s13 =	simm.s32 $0xF400  }
0x6f: {  	[tilespmem:s13], [sflag:$0x1] =	stream.indirect.gather [hbm4b:s3+s8], $0x8, s12, s8, $0xb8;
	[tilespmem:$0x19000] =	vst v63  }
0x70: {  	s12 =	simm.s32 $0x3D00;
	s13 =	simm.s32 $0xF800  }
0x71: {  	[tilespmem:s13], [sflag:$0x1] =	stream.indirect.gather [hbm4b:s3+s8], $0x8, s12, s8, $0xb8;
	[tilespmem:$0x19000] =	vst v63  }
0x72: {  	s12 =	simm.s32 $0x3D80;
	s13 =	simm.s32 $0xFC00  }
0x73: {  	[tilespmem:s13], [sflag:$0x1] =	stream.indirect.gather [hbm4b:s3+s8], $0x8, s12, s8, $0xb8;
	[tilespmem:$0x19000] =	vst v63  }
0x74: {  	s12 =	simm.s32 $0x3E00;
	s13 =	simm.s32 $0x10000  }
0x75: {  	[tilespmem:s13], [sflag:$0x1] =	stream.indirect.gather [hbm4b:s3+s8], $0x8, s12, s8, $0xb8;
	[tilespmem:$0x19000] =	vst v63  }
0x76: {  	s12 =	simm.s32 $0x3E80;
	s13 =	simm.s32 $0x10400  }
0x77: {  	[tilespmem:s13], [sflag:$0x1] =	stream.indirect.gather [hbm4b:s3+s8], $0x8, s12, s8, $0xb8;
	[tilespmem:$0x19000] =	vst v63  }
0x78: {  	s12 =	simm.s32 $0x3F00;
	s13 =	simm.s32 $0x10800  }
0x79: {  	[tilespmem:s13], [sflag:$0x1] =	stream.indirect.gather [hbm4b:s3+s8], $0x8, s12, s8, $0xb8;
	[tilespmem:$0x19000] =	vst v63  }
0x7a: {  	s12 =	simm.s32 $0x3F80;
	s13 =	simm.s32 $0x10C00  }
0x7b: {  	[tilespmem:s13], [sflag:$0x1] =	stream.indirect.gather [hbm4b:s3+s8], $0x8, s12, s8, $0xb8;
	[tilespmem:$0x19000] =	vst v63  }
0x7c: {  	s12 =	simm.s32 $0x4000;
	s13 =	simm.s32 $0x11000  }
0x7d: {  	[tilespmem:s13], [sflag:$0x1] =	stream.indirect.gather [hbm4b:s3+s8], $0x8, s12, s8, $0xb8;
	[tilespmem:$0x19000] =	vst v63  }
0x7e: {  	s12 =	simm.s32 $0x4080;
	s13 =	simm.s32 $0x11400  }
0x7f: {  	[tilespmem:s13], [sflag:$0x1] =	stream.indirect.gather [hbm4b:s3+s8], $0x8, s12, s8, $0xb8;
	[tilespmem:$0x19000] =	vst v63  }
0x80: {  	s12 =	simm.s32 $0x4100;
	s13 =	simm.s32 $0x11800  }
0x81: {  	[tilespmem:s13], [sflag:$0x1] =	stream.indirect.gather [hbm4b:s3+s8], $0x8, s12, s8, $0xb8;
	[tilespmem:$0x19000] =	vst v63  }
0x82: {  	s12 =	simm.s32 $0x4180;
	s13 =	simm.s32 $0x11C00  }
0x83: {  	[tilespmem:s13], [sflag:$0x1] =	stream.indirect.gather [hbm4b:s3+s8], $0x8, s12, s8, $0xb8;
	[tilespmem:$0x19000] =	vst v63  }
0x84: {  	s12 =	simm.s32 $0x4200;
	s13 =	simm.s32 $0x12000  }
0x85: {  	[tilespmem:s13], [sflag:$0x1] =	stream.indirect.gather [hbm4b:s3+s8], $0x8, s12, s8, $0xb8;
	[tilespmem:$0x19000] =	vst v63  }
0x86: {  	s12 =	simm.s32 $0x4280;
	s13 =	simm.s32 $0x12400  }
0x87: {  	[tilespmem:s13], [sflag:$0x1] =	stream.indirect.gather [hbm4b:s3+s8], $0x8, s12, s8, $0xb8;
	[tilespmem:$0x19000] =	vst v63  }
0x88: {  	s12 =	simm.s32 $0x4300;
	s13 =	simm.s32 $0x12800  }
0x89: {  	[tilespmem:s13], [sflag:$0x1] =	stream.indirect.gather [hbm4b:s3+s8], $0x8, s12, s8, $0xb8;
	[tilespmem:$0x19000] =	vst v63  }
0x8a: {  	s12 =	simm.s32 $0x4380;
	s13 =	simm.s32 $0x12C00  }
0x8b: {  	[tilespmem:s13], [sflag:$0x1] =	stream.indirect.gather [hbm4b:s3+s8], $0x8, s12, s8, $0xb8;
	[tilespmem:$0x19000] =	vst v63  }
0x8c: {  	s12 =	simm.s32 $0x4400;
	s13 =	simm.s32 $0x13000  }
0x8d: {  	[tilespmem:s13], [sflag:$0x1] =	stream.indirect.gather [hbm4b:s3+s8], $0x8, s12, s8, $0xb8;
	[tilespmem:$0x19000] =	vst v63  }
0x8e: {  	s12 =	simm.s32 $0x4480;
	s13 =	simm.s32 $0x13400  }
0x8f: {  	[tilespmem:s13], [sflag:$0x1] =	stream.indirect.gather [hbm4b:s3+s8], $0x8, s12, s8, $0xb8;
	[tilespmem:$0x19000] =	vst v63  }
0x90: {  	s12 =	simm.s32 $0x4500;
	s13 =	simm.s32 $0x13800  }
0x91: {  	[tilespmem:s13], [sflag:$0x1] =	stream.indirect.gather [hbm4b:s3+s8], $0x8, s12, s8, $0xb8;
	[tilespmem:$0x19000] =	vst v63  }
0x92: {  	s12 =	simm.s32 $0x4580;
	s13 =	simm.s32 $0x13C00  }
0x93: {  	[tilespmem:s13], [sflag:$0x1] =	stream.indirect.gather [hbm4b:s3+s8], $0x8, s12, s8, $0xb8;
	[tilespmem:$0x19000] =	vst v63  }
0x94: {  	s12 =	simm.s32 $0x4600;
	s13 =	simm.s32 $0x14000  }
0x95: {  	[tilespmem:s13], [sflag:$0x1] =	stream.indirect.gather [hbm4b:s3+s8], $0x8, s12, s8, $0xb8;
	[tilespmem:$0x19000] =	vst v63  }
0x96: {  	s12 =	simm.s32 $0x4680;
	s13 =	simm.s32 $0x14400  }
0x97: {  	[tilespmem:s13], [sflag:$0x1] =	stream.indirect.gather [hbm4b:s3+s8], $0x8, s12, s8, $0xb8;
	[tilespmem:$0x19000] =	vst v63  }
0x98: {  	s12 =	simm.s32 $0x4700;
	s13 =	simm.s32 $0x14800  }
0x99: {  	[tilespmem:s13], [sflag:$0x1] =	stream.indirect.gather [hbm4b:s3+s8], $0x8, s12, s8, $0xb8;
	[tilespmem:$0x19000] =	vst v63  }
0x9a: {  	s12 =	simm.s32 $0x4780;
	s13 =	simm.s32 $0x14C00  }
0x9b: {  	[tilespmem:s13], [sflag:$0x1] =	stream.indirect.gather [hbm4b:s3+s8], $0x8, s12, s8, $0xb8;
	[tilespmem:$0x19000] =	vst v63  }
0x9c: {  	s12 =	simm.s32 $0x4800;
	s13 =	simm.s32 $0x15000  }
0x9d: {  	[tilespmem:s13], [sflag:$0x1] =	stream.indirect.gather [hbm4b:s3+s8], $0x8, s12, s8, $0xb8;
	[tilespmem:$0x19000] =	vst v63  }
0x9e: {  	s12 =	simm.s32 $0x4880;
	s13 =	simm.s32 $0x15400  }
0x9f: {  	[tilespmem:s13], [sflag:$0x1] =	stream.indirect.gather [hbm4b:s3+s8], $0x8, s12, s8, $0xb8;
	[tilespmem:$0x19000] =	vst v63  }
0xa0: {  	s12 =	simm.s32 $0x4900;
	s13 =	simm.s32 $0x15800  }
0xa1: {  	[tilespmem:s13], [sflag:$0x1] =	stream.indirect.gather [hbm4b:s3+s8], $0x8, s12, s8, $0xb8;
	[tilespmem:$0x19000] =	vst v63  }
0xa2: {  	s12 =	simm.s32 $0x4980;
	s13 =	simm.s32 $0x15C00  }
0xa3: {  	[tilespmem:s13], [sflag:$0x1] =	stream.indirect.gather [hbm4b:s3+s8], $0x8, s12, s8, $0xb8;
	[tilespmem:$0x19000] =	vst v63  }
0xa4: {  	s12 =	simm.s32 $0x4A00;
	s13 =	simm.s32 $0x16000  }
0xa5: {  	[tilespmem:s13], [sflag:$0x1] =	stream.indirect.gather [hbm4b:s3+s8], $0x8, s12, s8, $0xb8;
	[tilespmem:$0x19000] =	vst v63  }
0xa6: {  	s12 =	simm.s32 $0x4A80;
	s13 =	simm.s32 $0x16400  }
0xa7: {  	[tilespmem:s13], [sflag:$0x1] =	stream.indirect.gather [hbm4b:s3+s8], $0x8, s12, s8, $0xb8;
	[tilespmem:$0x19000] =	vst v63  }
0xa8: {  	s12 =	simm.s32 $0x4B00;
	s13 =	simm.s32 $0x16800  }
0xa9: {  	[tilespmem:s13], [sflag:$0x1] =	stream.indirect.gather [hbm4b:s3+s8], $0x8, s12, s8, $0xb8;
	[tilespmem:$0x19000] =	vst v63  }
0xaa: {  	s13 =	simm.s32 $0x4B80  }
0xab: {  	[tilespmem:s14], [sflag:$0x1] =	stream.indirect.gather [hbm4b:s3+s8], $0x8, s13, s8, $0xb8;
	[tilespmem:$0x19000] =	vst v63  }
0xac: {  	_ = 	snop  }
0xad: {  	[tilespmem:s16], [sflag:$0x1] =	stream.indirect.gather [hbm4b:s3+s8], $0x8, s15, s8, $0xb8;
	[tilespmem:$0x19000] =	vst v63  }
0xae: {  	_ = 	snop  }
0xaf: {  	[tilespmem:s18], [sflag:$0x1] =	stream.indirect.gather [hbm4b:s3+s8], $0x8, s17, s8, $0xb8;
	[tilespmem:$0x19000] =	vst v63  }
0xb0: {  	_ = 	snop  }
0xb1: {  	[tilespmem:s20], [sflag:$0x1] =	stream.indirect.gather [hbm4b:s3+s8], $0x8, s19, s8, $0xb8;
	[tilespmem:$0x19000] =	vst v63  }
0xb2: {  	_ = 	snop  }
0xb3: {  	[tilespmem:s22], [sflag:$0x1] =	stream.indirect.gather [hbm4b:s3+s8], $0x8, s21, s8, $0xb8;
	[tilespmem:$0x19000] =	vst v63  }
0xb4: {  	_ = 	snop  }
0xb5: {  	[tilespmem:s24], [sflag:$0x1] =	stream.indirect.gather [hbm4b:s3+s8], $0x8, s23, s8, $0xb8;
	[tilespmem:$0x19000] =	vst v63  }
0xb6: {  	_ = 	snop  }
0xb7: {  	[tilespmem:s26], [sflag:$0x1] =	stream.indirect.gather [hbm4b:s3+s8], $0x8, s25, s8, $0xb8;
	[tilespmem:$0x19000] =	vst v63  }
0xb8: {  	_ = 	snop  }
0xb9: {  	[tilespmem:s29], [sflag:$0x1] =	stream.indirect.gather [hbm4b:s3+s8], $0x8, s28, s8, $0xb8;
	[tilespmem:$0x19000] =	vst v63  }
0xba: {  	_ = 	snop  }
0xbb: {  	[tilespmem:s31], [sflag:$0x1] =	stream.indirect.gather [hbm4b:s3+s8], $0x8, s30, s8, $0xb8;
	[tilespmem:$0x19000] =	vst v63  }
0xbc: {  	_ =	swait.ge [sflag:s1], $0x400  }
0xbd: {  	[sflag:s1] =	ssyncset.done $0x0  }
0xbe: {  	[sflag:s1] =	ssyncadd.s32 $0xFFFFFC00  }
0xbf: {  	_ =	swait.ge [sflag:s1], $0x400  }
0xc0: {  	[sflag:s1] =	ssyncset.done $0x0  }
0xc1: {  	[sflag:s1] =	ssyncadd.s32 $0xFFFFFC00  }
0xc2: {  	_ =	swait.ge [sflag:s1], $0x400  }
0xc3: {  	[sflag:s1] =	ssyncset.done $0x0  }
0xc4: {  	[sflag:s1] =	ssyncadd.s32 $0xFFFFFC00  }
0xc5: {  	_ =	swait.ge [sflag:s1], $0x400  }
0xc6: {  	[sflag:s1] =	ssyncset.done $0x0  }
0xc7: {  	[sflag:s1] =	ssyncadd.s32 $0xFFFFFC00  }
0xc8: {  	_ =	swait.ge [sflag:s1], $0x400  }
0xc9: {  	[sflag:s1] =	ssyncset.done $0x0  }
0xca: {  	[sflag:s1] =	ssyncadd.s32 $0xFFFFFC00  }
0xcb: {  	_ =	swait.ge [sflag:s1], $0x400  }
0xcc: {  	[sflag:s1] =	ssyncset.done $0x0  }
0xcd: {  	[sflag:s1] =	ssyncadd.s32 $0xFFFFFC00  }
0xce: {  	_ =	swait.ge [sflag:s1], $0x400  }
0xcf: {  	[sflag:s1] =	ssyncset.done $0x0  }
0xd0: {  	[sflag:s1] =	ssyncadd.s32 $0xFFFFFC00  }
0xd1: {  	_ =	swait.ge [sflag:s1], $0x400  }
0xd2: {  	[sflag:s1] =	ssyncset.done $0x0  }
0xd3: {  	[sflag:s1] =	ssyncadd.s32 $0xFFFFFC00  }
0xd4: {  	_ =	swait.ge [sflag:s1], $0x400  }
0xd5: {  	[sflag:s1] =	ssyncset.done $0x0  }
0xd6: {  	[sflag:s1] =	ssyncadd.s32 $0xFFFFFC00  }
0xd7: {  	_ =	swait.ge [sflag:s1], $0x400  }
0xd8: {  	[sflag:s1] =	ssyncset.done $0x0  }
0xd9: {  	[sflag:s1] =	ssyncadd.s32 $0xFFFFFC00  }
0xda: {  	_ =	swait.ge [sflag:s1], $0x400  }
0xdb: {  	[sflag:s1] =	ssyncset.done $0x0  }
0xdc: {  	[sflag:s1] =	ssyncadd.s32 $0xFFFFFC00  }
0xdd: {  	_ =	swait.ge [sflag:s1], $0x400  }
0xde: {  	[sflag:s1] =	ssyncset.done $0x0  }
0xdf: {  	[sflag:s1] =	ssyncadd.s32 $0xFFFFFC00  }
0xe0: {  	_ =	swait.ge [sflag:s1], $0x400  }
0xe1: {  	[sflag:s1] =	ssyncset.done $0x0  }
0xe2: {  	[sflag:s1] =	ssyncadd.s32 $0xFFFFFC00  }
0xe3: {  	_ =	swait.ge [sflag:s1], $0x400  }
0xe4: {  	[sflag:s1] =	ssyncset.done $0x0  }
0xe5: {  	[sflag:s1] =	ssyncadd.s32 $0xFFFFFC00  }
0xe6: {  	_ =	swait.ge [sflag:s1], $0x400  }
0xe7: {  	[sflag:s1] =	ssyncset.done $0x0  }
0xe8: {  	[sflag:s1] =	ssyncadd.s32 $0xFFFFFC00  }
0xe9: {  	_ =	swait.ge [sflag:s1], $0x400  }
0xea: {  	[sflag:s1] =	ssyncset.done $0x0  }
0xeb: {  	[sflag:s1] =	ssyncadd.s32 $0xFFFFFC00  }
0xec: {  	_ =	swait.ge [sflag:s1], $0x400  }
0xed: {  	[sflag:s1] =	ssyncset.done $0x0  }
0xee: {  	[sflag:s1] =	ssyncadd.s32 $0xFFFFFC00  }
0xef: {  	_ =	swait.ge [sflag:s1], $0x400  }
0xf0: {  	[sflag:s1] =	ssyncset.done $0x0  }
0xf1: {  	[sflag:s1] =	ssyncadd.s32 $0xFFFFFC00  }
0xf2: {  	_ =	swait.ge [sflag:s1], $0x400  }
0xf3: {  	[sflag:s1] =	ssyncset.done $0x0  }
0xf4: {  	[sflag:s1] =	ssyncadd.s32 $0xFFFFFC00  }
0xf5: {  	_ =	swait.ge [sflag:s1], $0x400  }
0xf6: {  	[sflag:s1] =	ssyncset.done $0x0  }
0xf7: {  	[sflag:s1] =	ssyncadd.s32 $0xFFFFFC00  }
0xf8: {  	_ =	swait.ge [sflag:s1], $0x400  }
0xf9: {  	[sflag:s1] =	ssyncset.done $0x0  }
0xfa: {  	[sflag:s1] =	ssyncadd.s32 $0xFFFFFC00  }
0xfb: {  	_ =	swait.ge [sflag:s1], $0x400  }
0xfc: {  	[sflag:s1] =	ssyncset.done $0x0  }
0xfd: {  	[sflag:s1] =	ssyncadd.s32 $0xFFFFFC00  }
0xfe: {  	_ =	swait.ge [sflag:s1], $0x400  }
0xff: {  	[sflag:s1] =	ssyncset.done $0x0  }
0x100: {  	[sflag:s1] =	ssyncadd.s32 $0xFFFFFC00  }
0x101: {  	_ =	swait.ge [sflag:s1], $0x400  }
0x102: {  	[sflag:s1] =	ssyncset.done $0x0  }
0x103: {  	[sflag:s1] =	ssyncadd.s32 $0xFFFFFC00  }
0x104: {  	_ =	swait.ge [sflag:s1], $0x400  }
0x105: {  	[sflag:s1] =	ssyncset.done $0x0  }
0x106: {  	[sflag:s1] =	ssyncadd.s32 $0xFFFFFC00  }
0x107: {  	_ =	swait.ge [sflag:s1], $0x400  }
0x108: {  	[sflag:s1] =	ssyncset.done $0x0  }
0x109: {  	[sflag:s1] =	ssyncadd.s32 $0xFFFFFC00  }
0x10a: {  	_ =	swait.ge [sflag:s1], $0x400  }
0x10b: {  	[sflag:s1] =	ssyncset.done $0x0  }
0x10c: {  	[sflag:s1] =	ssyncadd.s32 $0xFFFFFC00  }
0x10d: {  	_ =	swait.ge [sflag:s1], $0x400  }
0x10e: {  	[sflag:s1] =	ssyncset.done $0x0  }
0x10f: {  	[sflag:s1] =	ssyncadd.s32 $0xFFFFFC00  }
0x110: {  	_ =	swait.ge [sflag:s1], $0x400  }
0x111: {  	[sflag:s1] =	ssyncset.done $0x0  }
0x112: {  	[sflag:s1] =	ssyncadd.s32 $0xFFFFFC00  }
0x113: {  	_ =	swait.ge [sflag:s1], $0x400  }
0x114: {  	[sflag:s1] =	ssyncset.done $0x0  }
0x115: {  	[sflag:s1] =	ssyncadd.s32 $0xFFFFFC00  }
0x116: {  	_ =	swait.ge [sflag:s1], $0x400  }
0x117: {  	[sflag:s1] =	ssyncset.done $0x0  }
0x118: {  	[sflag:s1] =	ssyncadd.s32 $0xFFFFFC00  }
0x119: {  	_ =	swait.ge [sflag:s1], $0x400  }
0x11a: {  	[sflag:s1] =	ssyncset.done $0x0  }
0x11b: {  	[sflag:s1] =	ssyncadd.s32 $0xFFFFFC00  }
0x11c: {  	_ =	swait.ge [sflag:s1], $0x400  }
0x11d: {  	[sflag:s1] =	ssyncset.done $0x0  }
0x11e: {  	[sflag:s1] =	ssyncadd.s32 $0xFFFFFC00  }
0x11f: {  	_ =	swait.ge [sflag:s1], $0x400  }
0x120: {  	[sflag:s1] =	ssyncset.done $0x0  }
0x121: {  	[sflag:s1] =	ssyncadd.s32 $0xFFFFFC00  }
0x122: {  	_ =	swait.ge [sflag:s1], $0x400  }
0x123: {  	[sflag:s1] =	ssyncset.done $0x0  }
0x124: {  	[sflag:s1] =	ssyncadd.s32 $0xFFFFFC00  }
0x125: {  	_ =	swait.ge [sflag:s1], $0x400  }
0x126: {  	[sflag:s1] =	ssyncset.done $0x0  }
0x127: {  	[sflag:s1] =	ssyncadd.s32 $0xFFFFFC00  }
0x128: {  	_ =	swait.ge [sflag:s1], $0x400  }
0x129: {  	[sflag:s1] =	ssyncset.done $0x0  }
0x12a: {  	[sflag:s1] =	ssyncadd.s32 $0xFFFFFC00  }
0x12b: {  	_ =	swait.ge [sflag:s1], $0x400  }
0x12c: {  	[sflag:s1] =	ssyncset.done $0x0  }
0x12d: {  	[sflag:s1] =	ssyncadd.s32 $0xFFFFFC00  }
0x12e: {  	_ =	swait.ge [sflag:s1], $0x400  }
0x12f: {  	[sflag:s1] =	ssyncset.done $0x0  }
0x130: {  	[sflag:s1] =	ssyncadd.s32 $0xFFFFFC00  }
0x131: {  	_ =	swait.ge [sflag:s1], $0x400  }
0x132: {  	[sflag:s1] =	ssyncset.done $0x0  }
0x133: {  	[sflag:s1] =	ssyncadd.s32 $0xFFFFFC00  }
0x134: {  	_ =	swait.ge [sflag:s1], $0x400  }
0x135: {  	[sflag:s1] =	ssyncset.done $0x0  }
0x136: {  	[sflag:s1] =	ssyncadd.s32 $0xFFFFFC00  }
0x137: {  	_ =	swait.ge [sflag:s1], $0x400  }
0x138: {  	[sflag:s1] =	ssyncset.done $0x0  }
0x139: {  	[sflag:s1] =	ssyncadd.s32 $0xFFFFFC00  }
0x13a: {  	_ =	swait.ge [sflag:s1], $0x400  }
0x13b: {  	[sflag:s1] =	ssyncset.done $0x0  }
0x13c: {  	[sflag:s1] =	ssyncadd.s32 $0xFFFFFC00  }
0x13d: {  	_ =	swait.ge [sflag:s1], $0x400  }
0x13e: {  	[sflag:s1] =	ssyncset.done $0x0  }
0x13f: {  	[sflag:s1] =	ssyncadd.s32 $0xFFFFFC00  }
0x140: {  	_ =	swait.ge [sflag:s1], $0x400  }
0x141: {  	[sflag:s1] =	ssyncset.done $0x0  }
0x142: {  	[sflag:s1] =	ssyncadd.s32 $0xFFFFFC00  }
0x143: {  	_ =	swait.ge [sflag:s1], $0x400  }
0x144: {  	[sflag:s1] =	ssyncset.done $0x0  }
0x145: {  	[sflag:s1] =	ssyncadd.s32 $0xFFFFFC00  }
0x146: {  	_ =	swait.ge [sflag:s1], $0x400  }
0x147: {  	[sflag:s1] =	ssyncset.done $0x0  }
0x148: {  	[sflag:s1] =	ssyncadd.s32 $0xFFFFFC00  }
0x149: {  	_ =	swait.ge [sflag:s1], $0x400  }
0x14a: {  	[sflag:s1] =	ssyncset.done $0x0  }
0x14b: {  	[sflag:s1] =	ssyncadd.s32 $0xFFFFFC00  }
0x14c: {  	_ =	swait.ge [sflag:s1], $0x400  }
0x14d: {  	[sflag:s1] =	ssyncset.done $0x0  }
0x14e: {  	[sflag:s1] =	ssyncadd.s32 $0xFFFFFC00  }
0x14f: {  	_ =	swait.ge [sflag:s1], $0x400  }
0x150: {  	[sflag:s1] =	ssyncset.done $0x0  }
0x151: {  	[sflag:s1] =	ssyncadd.s32 $0xFFFFFC00  }
0x152: {  	_ =	swait.ge [sflag:s1], $0x400  }
0x153: {  	[sflag:s1] =	ssyncset.done $0x0  }
0x154: {  	[sflag:s1] =	ssyncadd.s32 $0xFFFFFC00  }
0x155: {  	_ =	swait.ge [sflag:s1], $0x400  }
0x156: {  	[sflag:s1] =	ssyncset.done $0x0  }
0x157: {  	[sflag:s1] =	ssyncadd.s32 $0xFFFFFC00  }
0x158: {  	_ =	swait.ge [sflag:s1], $0x400  }
0x159: {  	[sflag:s1] =	ssyncset.done $0x0  }
0x15a: {  	[sflag:s1] =	ssyncadd.s32 $0xFFFFFC00  }
0x15b: {  	_ =	swait.ge [sflag:s1], $0x400  }
0x15c: {  	[sflag:s1] =	ssyncset.done $0x0  }
0x15d: {  	[sflag:s1] =	ssyncadd.s32 $0xFFFFFC00  }
0x15e: {  	_ =	swait.ge [sflag:s1], $0x400  }
0x15f: {  	[sflag:s1] =	ssyncset.done $0x0  }
0x160: {  	[sflag:s1] =	ssyncadd.s32 $0xFFFFFC00  }
0x161: {  	_ =	swait.ge [sflag:s1], $0x400  }
0x162: {  	[sflag:s1] =	ssyncset.done $0x0  }
0x163: {  	[sflag:s1] =	ssyncadd.s32 $0xFFFFFC00  }
0x164: {  	_ =	swait.ge [sflag:s1], $0x400  }
0x165: {  	[sflag:s1] =	ssyncset.done $0x0  }
0x166: {  	[sflag:s1] =	ssyncadd.s32 $0xFFFFFC00  }
0x167: {  	_ =	swait.ge [sflag:s1], $0x400  }
0x168: {  	[sflag:s1] =	ssyncset.done $0x0  }
0x169: {  	[sflag:s1] =	ssyncadd.s32 $0xFFFFFC00  }
0x16a: {  	_ =	swait.ge [sflag:s1], $0x400  }
0x16b: {  	[sflag:s1] =	ssyncset.done $0x0  }
0x16c: {  	[sflag:s1] =	ssyncadd.s32 $0xFFFFFC00  }
0x16d: {  	_ =	swait.ge [sflag:s1], $0x400  }
0x16e: {  	[sflag:s1] =	ssyncset.done $0x0  }
0x16f: {  	[sflag:s1] =	ssyncadd.s32 $0xFFFFFC00  }
0x170: {  	_ =	swait.ge [sflag:s1], $0x400  }
0x171: {  	[sflag:s1] =	ssyncset.done $0x0  }
0x172: {  	[sflag:s1] =	ssyncadd.s32 $0xFFFFFC00  }
0x173: {  	_ =	swait.ge [sflag:s1], $0x400  }
0x174: {  	[sflag:s1] =	ssyncset.done $0x0  }
0x175: {  	[sflag:s1] =	ssyncadd.s32 $0xFFFFFC00  }
0x176: {  	_ =	swait.ge [sflag:s1], $0x400  }
0x177: {  	[sflag:s1] =	ssyncset.done $0x0  }
0x178: {  	[sflag:s1] =	ssyncadd.s32 $0xFFFFFC00  }
0x179: {  	_ =	swait.ge [sflag:s1], $0x400  }
0x17a: {  	[sflag:s1] =	ssyncset.done $0x0  }
0x17b: {  	[sflag:s1] =	ssyncadd.s32 $0xFFFFFC00  }
0x17c: {  	_ =	swait.ge [sflag:s1], $0x400  }
0x17d: {  	[sflag:s1] =	ssyncset.done $0x0  }
0x17e: {  	[sflag:s1] =	ssyncadd.s32 $0xFFFFFC00  }
0x17f: {  	_ =	swait.ge [sflag:s1], $0x400  }
0x180: {  	[sflag:s1] =	ssyncset.done $0x0  }
0x181: {  	[sflag:s1] =	ssyncadd.s32 $0xFFFFFC00  }
0x182: {  	_ =	swait.ge [sflag:s1], $0x400  }
0x183: {  	[sflag:s1] =	ssyncset.done $0x0  }
0x184: {  	[sflag:s1] =	ssyncadd.s32 $0xFFFFFC00  }
0x185: {  	_ =	swait.ge [sflag:s1], $0x400  }
0x186: {  	[sflag:s1] =	ssyncset.done $0x0  }
0x187: {  	[sflag:s1] =	ssyncadd.s32 $0xFFFFFC00  }
0x188: {  	_ =	swait.ge [sflag:s1], $0x400  }
0x189: {  	[sflag:s1] =	ssyncset.done $0x0  }
0x18a: {  	[sflag:s1] =	ssyncadd.s32 $0xFFFFFC00  }
0x18b: {  	_ =	swait.ge [sflag:s1], $0x400  }
0x18c: {  	[sflag:s1] =	ssyncset.done $0x0  }
0x18d: {  	[sflag:s1] =	ssyncadd.s32 $0xFFFFFC00  }
0x18e: {  	_ =	swait.ge [sflag:s1], $0x400  }
0x18f: {  	[sflag:s1] =	ssyncset.done $0x0  }
0x190: {  	[sflag:s1] =	ssyncadd.s32 $0xFFFFFC00  }
0x191: {  	_ =	swait.ge [sflag:s1], $0x400  }
0x192: {  	[sflag:s1] =	ssyncset.done $0x0  }
0x193: {  	[sflag:s1] =	ssyncadd.s32 $0xFFFFFC00  }
0x194: {  	_ =	swait.ge [sflag:s1], $0x400  }
0x195: {  	[sflag:s1] =	ssyncset.done $0x0  }
0x196: {  	[sflag:s1] =	ssyncadd.s32 $0xFFFFFC00  }
0x197: {  	_ =	swait.ge [sflag:s1], $0x400  }
0x198: {  	[sflag:s1] =	ssyncset.done $0x0  }
0x199: {  	[sflag:s1] =	ssyncadd.s32 $0xFFFFFC00  }
0x19a: {  	_ =	swait.ge [sflag:s1], $0x400  }
0x19b: {  	[sflag:s1] =	ssyncset.done $0x0  }
0x19c: {  	[sflag:s1] =	ssyncadd.s32 $0xFFFFFC00  }
0x19d: {  	_ =	swait.ge [sflag:s1], $0x400  }
0x19e: {  	[sflag:s1] =	ssyncset.done $0x0  }
0x19f: {  	[sflag:s1] =	ssyncadd.s32 $0xFFFFFC00  }
0x1a0: {  	_ =	swait.ge [sflag:s1], $0x400  }
0x1a1: {  	[sflag:s1] =	ssyncset.done $0x0  }
0x1a2: {  	[sflag:s1] =	ssyncadd.s32 $0xFFFFFC00  }
0x1a3: {  	_ =	swait.ge [sflag:s1], $0x400  }
0x1a4: {  	[sflag:s1] =	ssyncset.done $0x0  }
0x1a5: {  	[sflag:s1] =	ssyncadd.s32 $0xFFFFFC00  }
0x1a6: {  	_ =	swait.ge [sflag:s1], $0x400  }
0x1a7: {  	[sflag:s1] =	ssyncset.done $0x0  }
0x1a8: {  	[sflag:s1] =	ssyncadd.s32 $0xFFFFFC00  }
0x1a9: {  	s9 =	sadd.s32 $0x1, s9;
	_ =	swait.ge [sflag:s1], $0x400  }
0x1aa: {  	p0 =	sne.s32 s9, s6;
	[sflag:s1] =	ssyncset.done $0x0  }
.Ltmp1:
0x1ab: {  	[sflag:s1] =	ssyncadd.s32 $0xFFFFFC00;
	(pc) =	sbr.rel @p0 .LBB2_1-.Ltmp1, $4  }
0x1ac: {  	[hbm4b:s5+s2] =	stream.linear.scatter [tilespmem:s10], [sflag:$0x2], $0x14000, $0x38;
	[tilespmem:$0x19000] =	vst v63  }
0x1ad: {  	_ =	swait.ge [sflag:s0], $0x14000  }
0x1ae: {  	[sflag:s0] =	ssyncset.done $0x0  }
0x1af: {  	[sflag:s0] =	ssyncadd.s32 $0xFFFEC000  }
0x1b0: {  	_ =	sfence.sel $0x180000  }
0x1b1: {  	[bflag:$0x0] =	sbarrier.arrive $0xFFFF  }
0x1b2: {  	_ =	strace $0x90000047  }
0x1b3: {  	s0 =	stileid.u32;
	[bflag:$0x2] =	sbarrier.arrive $0xFFFF  }
0x1b4: {  	p0 =	sne.s32 s0, $0x0;
	s0 =	rddreg [dreg:$0x1]  }
0x1b5: {  	s0 =	sadd.s32 @!p0 $0x100000, s0  }
0x1b6: {  	[sflag:s0] =	ssyncadd.tile.s32 @!p0 $0x1;
	_ =	shalt  }
.Lfunc_end2:
_tile_overlayer_lowered:
.L_overlay_start_2:
0x1b7: {  	(tag) =	ssettag $0x2  }
0x1b8: {  	s0 =	rddreg [dreg:$0x0];
	s2 =	stileid.u32  }
0x1b9: {  	s1 =	rddreg [dreg:$0x1];
	p0 =	sne.s32 s2, $0x0  }
0x1ba: {  	s3 =	rddreg [dreg:$0x2];
	[bflag:$0x3] =	sbarrier.arrive $0xFFFF;
	s2 =	simm.s32 @!p0 $0x1C03  }
0x1bb: {  	[timem:s3], [sflag:s2] =	dma.local @!p0 [hbm:s0], s1  }
0x1bc: {  	s0 =	simm.s32 @!p0 $0x3  }
0x1bd: {  	_ =	swait.ge @!p0 [sflag:s0], s1  }
0x1be: {  	s1 =	ssub.s32 @!p0 $0x0, s1;
	[sflag:s0] =	ssyncset.done @!p0 $0x0  }
0x1bf: {  	[sflag:s0] =	ssyncadd.s32 @!p0 s1  }
0x1c0: {  	[bflag:$0x3] =	sbarrier.arrive $0xFFFF  }
0x1c1: {  	_ =	shalt  }

// kernel: kernel.9.cloned.1.call-start
scs
__scs_entry_jumppad:
0x0: {  	(pc) =	sbr.rel $0x88, $3  }
0x1: {  	(tag) =	ssettag $0x0;
	lr =	simm.s32 $0x1  }
0x2: {  	[smem:$0x3F9C] =	sst lr;
	_ =	strace $0xD0000000  }
0x3: {  	_ = 	snop  }
0x4: {  	_ = 	snop  }
0x5: {  	_ = 	snop  }
0x6: {  	_ = 	snop  }
0x7: {  	_ = 	snop  }
__scs_overlays_trampoline_lowered:
0x8: {  	[smem:$0x3FAB] =	sst s0  }
0x9: {  	[smem:$0x3FAC] =	sst s1  }
0xa: {  	[smem:$0x3FAD] =	sst s2  }
0xb: {  	[smem:$0x3FAE] =	sst s3  }
0xc: {  	[smem:$0x3FAF] =	sst s4  }
0xd: {  	[smem:$0x3FB0] =	sst s5  }
0xe: {  	[smem:$0x3FB1] =	sst s6  }
0xf: {  	[smem:$0x3FB2] =	sst s7  }
0x10: {  	[smem:$0x3FB3] =	sst s8  }
0x11: {  	[smem:$0x3FB4] =	sst s9;
	s0 =	simm.s32 @!p0 $0x0  }
0x12: {  	s1 =	sld [smem:$0x3F9A];
	s0 =	simm.s32 @p0 $0x1  }
0x13: {  	[smem:$0x3FB5] =	sst s0;
	s0 =	simm.s32 @!p1 $0x0  }
0x14: {  	s2 =	sld [smem:$0x3F99];
	s0 =	simm.s32 @p1 $0x1  }
0x15: {  	[smem:$0x3FB6] =	sst s0;
	s0 =	simm.s32 @!p2 $0x0  }
0x16: {  	s3 =	sld [smem:$0x3FDB];
	s0 =	simm.s32 @p2 $0x1  }
0x17: {  	s4 =	simm.s32 $0x1BF5;
	[smem:$0x3FB8] =	sst s0  }
0x18: {  	s0 =	sld [smem:$0x3F9B];
	_ =	swait.ge [sflag:s4], $0x0  }
0x19: {  	s7 =	sld [smem:$0x3F9C]  }
0x1a: {  	s8 =	sadd.s32 $0xFFFFE003, lr  }
0x1b: {  	s9 =	sadd.s32 $0xFFFFFEF7, lr;
	s5 =	simm.s32 $0xFFFFFFFF;
	p2 =	slt.u32 s8, $0xFFFFF086  }
0x1c: {  	p1 =	slt.u32 s9, $0xF7A;
	s5 =	simm.s32 @!p2 $0x0  }
0x1d: {  	s5 =	simm.s32 @p1 $0x1;
	p0 =	seq.s32 s7, s2  }
0x1e: {  	s7 =	smul.u32 @!p0 $0xF7A, s2;
	p2 =	seq.s32 @!p0 s5, $0x0  }
0x1f: {  	s9 =	smul.u32 $0xF7A, s1;
	s8 =	simm.s32 @!p0 $0x1BF5;
	p2 =	por !p2, p0  }
0x20: {  	[sflag:s8] =	ssyncset.s32 @!p0 $0xFFFFF086;
	s6 =	sadd.s32 @!p0 s3, s7;
	s7 =	simm.s32 @!p0 $0x108  }
0x21: {  	s3 =	sadd.s32 s3, s9;
	s6 =	sadd.s32 @!p0 $0x88, s6;
	s7 =	simm.s32 @p2 $0x1082  }
0x22: {  	[simem:s7], [sflag:s8] =	dma.local @!p0 [hbm:s6], $0xF7A  }
0x23: {  	s9 =	sor.u32 $0xD0000000, s2;
	s6 =	simm.s32 $0x108;
	_ =	swait.ge @!p0 [sflag:s8], $0x0  }
0x24: {  	s3 =	sadd.s32 $0x88, s3;
	s6 =	simm.s32 @!p1 $0x1082;
	[sflag:s4] =	ssyncset.s32 $0xFFFFF086  }
0x25: {  	[simem:s6], [sflag:s4] =	dma.local [hbm:s3], $0xF7A  }
0x26: {  	[smem:$0x3F9C] =	sst s1;
	(tag) =	ssettag s2;
	_ =	strace s9  }
0x27: {  	s1 =	sld [smem:$0x3FAC]  }
0x28: {  	s2 =	sld [smem:$0x3FAD]  }
0x29: {  	s4 =	sld [smem:$0x3FAF]  }
0x2a: {  	p0 =	seq.s32 s5, $0x0;
	s5 =	sld [smem:$0x3FB0]  }
0x2b: {  	s6 =	sld [smem:$0x3FB1]  }
0x2c: {  	s7 =	sld [smem:$0x3FB2]  }
0x2d: {  	s3 =	simm.s32 $0x108;
	s8 =	sld [smem:$0x3FB3]  }
0x2e: {  	s3 =	simm.s32 @!p0 $0x1082;
	s9 =	sld [smem:$0x3FB4]  }
0x2f: {  	lr =	sadd.s32 s0, s3;
	s0 =	sld [smem:$0x3FAB]  }
0x30: {  	s3 =	sld [smem:$0x3FAE]  }
0x31: {  	[smem:$0x3FB7] =	sst s10  }
0x32: {  	s10 =	sld [smem:$0x3FB5];
	_ =	sdelay $0x3  }
0x33: {  	p0 =	seq.s32 s10, $0x1;
	s10 =	sld [smem:$0x3FB7];
	_ =	sdelay $0x3  }
0x34: {  	[smem:$0x3FB7] =	sst s10  }
0x35: {  	s10 =	sld [smem:$0x3FB6];
	_ =	sdelay $0x3  }
0x36: {  	p1 =	seq.s32 s10, $0x1;
	s10 =	sld [smem:$0x3FB7];
	_ =	sdelay $0x3  }
0x37: {  	[smem:$0x3FB7] =	sst s10  }
0x38: {  	s10 =	sld [smem:$0x3FB8]  }
0x39: {  	_ = 	snop;
	(pc) =	sbr.ind lr, $3  }
0x3a: {  	_ = 	snop  }
0x3b: {  	_ = 	snop  }
0x3c: {  	p2 =	seq.s32 s10, $0x1;
	s10 =	sld [smem:$0x3FB7]  }
0x3d: {  	_ =	shalt  }
0x3e: {  	_ =	shalt  }
0x3f: {  	_ =	shalt  }
0x40: {  	_ =	shalt  }
0x41: {  	_ =	shalt  }
0x42: {  	_ =	shalt  }
0x43: {  	_ =	shalt  }
0x44: {  	_ =	shalt  }
0x45: {  	_ =	shalt  }
0x46: {  	_ =	shalt  }
0x47: {  	_ =	shalt  }
0x48: {  	_ =	shalt  }
0x49: {  	_ =	shalt  }
0x4a: {  	_ =	shalt  }
0x4b: {  	_ =	shalt  }
0x4c: {  	_ =	shalt  }
0x4d: {  	_ =	shalt  }
0x4e: {  	_ =	shalt  }
0x4f: {  	_ =	shalt  }
0x50: {  	_ =	shalt  }
0x51: {  	_ =	shalt  }
0x52: {  	_ =	shalt  }
0x53: {  	_ =	shalt  }
0x54: {  	_ =	shalt  }
0x55: {  	_ =	shalt  }
0x56: {  	_ =	shalt  }
0x57: {  	_ =	shalt  }
0x58: {  	_ =	shalt  }
0x59: {  	_ =	shalt  }
0x5a: {  	_ =	shalt  }
0x5b: {  	_ =	shalt  }
0x5c: {  	_ =	shalt  }
0x5d: {  	_ =	shalt  }
0x5e: {  	_ =	shalt  }
0x5f: {  	_ =	shalt  }
0x60: {  	_ =	shalt  }
0x61: {  	_ =	shalt  }
0x62: {  	_ =	shalt  }
0x63: {  	_ =	shalt  }
0x64: {  	_ =	shalt  }
0x65: {  	_ =	shalt  }
0x66: {  	_ =	shalt  }
0x67: {  	_ =	shalt  }
0x68: {  	_ =	shalt  }
0x69: {  	_ =	shalt  }
0x6a: {  	_ =	shalt  }
0x6b: {  	_ =	shalt  }
0x6c: {  	_ =	shalt  }
0x6d: {  	_ =	shalt  }
0x6e: {  	_ =	shalt  }
0x6f: {  	_ =	shalt  }
0x70: {  	_ =	shalt  }
0x71: {  	_ =	shalt  }
0x72: {  	_ =	shalt  }
0x73: {  	_ =	shalt  }
0x74: {  	_ =	shalt  }
0x75: {  	_ =	shalt  }
0x76: {  	_ =	shalt  }
0x77: {  	_ =	shalt  }
0x78: {  	_ =	shalt  }
0x79: {  	_ =	shalt  }
0x7a: {  	_ =	shalt  }
0x7b: {  	_ =	shalt  }
0x7c: {  	_ =	shalt  }
0x7d: {  	_ =	shalt  }
0x7e: {  	_ =	shalt  }
0x7f: {  	_ =	shalt  }
0x80: {  	_ =	shalt  }
0x81: {  	_ =	shalt  }
0x82: {  	_ =	shalt  }
0x83: {  	_ =	shalt  }
0x84: {  	_ =	shalt  }
0x85: {  	_ =	shalt  }
0x86: {  	_ =	shalt  }
0x87: {  	_ =	shalt  }
.Lfunc_end0:
.L_simem_size_0:
called_computation.2_lowered:
.L_overlay_start_0:
0x88: {  	s2 =	sld [smem:$0x3FD9]  }
0x89: {  	s3 =	sld [smem:$0x3FFE];
	_ =	sdelay $0x1  }
0x8a: {  	s1 =	srdreg.scid  }
0x8b: {  	s0 =	sand.u32 $0x1, s1  }
0x8c: {  	s16 =	sshll.u32 s0, $0xA;
	s2 =	sadd.s32 s3, s2  }
0x8d: {  	s2 =	sadd.s32 s2, s16  }
0x8e: {  	[smem:$0x3FC3] =	sst s2  }
0x8f: {  	_ = 	snop  }
0x90: {  	(tm) =	ssettm $0x1  }
0x91: {  	s17 =	sld [smem:$0x3FFB];
	_ =	sdelay $0x3  }
0x92: {  	_ =	strace s17  }
0x93: {  	s2 =	sld [smem:$0x3FFC];
	_ =	sdelay $0x3  }
0x94: {  	_ =	strace s2  }
0x95: {  	s2 =	sld [smem:$0x3FFD];
	_ =	sdelay $0x3  }
0x96: {  	_ =	strace s2  }
0x97: {  	_ =	strace $0x8FFFFFFF  }
0x98: {  	s18 =	sld [smem:$0x3FDB];
	_ =	sdelay $0x1  }
0x99: {  	s19 =	simm.s32 $_scs_section_size  }
0x9a: {  	s4 =	simm.s32 $_size__tile_overlayer_lowered;
	s5 =	simm.s32 $_tile_overlayer_lowered  }
0x9b: {  	s22 =	simm.s32 $0x1BFF;
	s21 =	sshll.u32 s5, $0x1;
	s2 =	sadd.s32 s19, s18  }
0x9c: {  	s6 =	simm.s32 $0x0;
	s20 =	sshll.u32 s4, $0x1;
	s4 =	sadd.s32 s21, s2  }
0x9d: {  	[timem:s6], [sflag:s22] =	dma.local [hbm:s4], s20  }
0x9e: {  	_ =	swait.ge [sflag:s22], s20  }
0x9f: {  	s3 =	ssub.s32 $0x0, s20;
	[sflag:s22] =	ssyncset.done $0x0  }
0xa0: {  	[sflag:s22] =	ssyncadd.s32 s3;
	_ =	sdelay $0x1  }
0xa1: {  	s23 =	simm.s32 $0x1B8B  }
0xa2: {  	_ =	swait.ge [sflag:s23], $0x1  }
0xa3: {  	[sflag:s23] =	ssyncset.done $0x0  }
0xa4: {  	s25 =	simm.s32 $0x1B8E;
	s24 =	sld [smem:$0x3FFE];
	[sflag:s23] =	ssyncadd.s32 $0xFFFFFFFF  }
0xa5: {  	s26 =	simm.s32 $execute0_lowered;
	[smem:$0x3FD2] =	sst s25  }
0xa6: {  	s4 =	sshll.u32 s26, $0x1;
	_ =	strace $0x80000049;
	[dreg:$0x1] =	wrdreg $0xFFFFFFFF  }
0xa7: {  	s28 =	simm.s32 $_size_execute0_lowered;
	s2 =	sadd.s32 s2, s4;
	[dreg:$0x0] =	wrdreg $0x0  }
0xa8: {  	s4 =	sshll.u32 s28, $0x1;
	[dreg:$0x2] =	wrdreg s2  }
0xa9: {  	[dreg:$0x3] =	wrdreg s4  }
0xaa: {  	[dreg:$0x4] =	wrdreg $0xC0  }
0xab: {  	_ =	task [dreg:s6], $0x5FFFF  }
0xac: {  	[dreg:$0x1] =	wrdreg $0xFFFFFFFF  }
0xad: {  	[dreg:$0x0] =	wrdreg $0x60  }
0xae: {  	[dreg:$0x2] =	wrdreg s24  }
0xaf: {  	[dreg:$0x3] =	wrdreg $0x9  }
0xb0: {  	_ =	task.clear_ibuf [dreg:s6], $0x4FFFF;
	_ =	strace $0x90000049  }
0xb1: {  	s29 =	simm.s32 $0x9;
	_ =	strace $0x8000004B  }
0xb2: {  	_ =	swait.ge [sflag:s29], $0x1  }
0xb3: {  	[sflag:s29] =	ssyncadd.s32 $0xFFFFFFFF  }
0xb4: {  	_ =	strace $0x9000004B  }
0xb5: {  	_ =	sfence  }
0xb6: {  	s30 =	sld [smem:$0x0];
	_ =	sdelay $0x2  }
0xb7: {  	s31 =	sshll.u32 s1, $0xD;
	s1 =	sshrl.u32 s1, $0x2  }
0xb8: {  	s3 =	sand.u32 $0x4000, s31;
	s1 =	sadd.s32 s1, s30  }
0xb9: {  	s0 =	sor.u32 s3, s0;
	s1 =	sshll.u32 s1, $0x11  }
0xba: {  	s0 =	sor.u32 s1, s0  }
0xbb: {  	s0 =	sadd.s32 $0x8F2B, s0  }
0xbc: {  	[sflag:s0] =	ssyncadd.remote.s32 $0x1  }
0xbd: {  	_ =	sfence.sel $0xFFFF  }
0xbe: {  	[dreg:$0x0] =	wrdreg $0xFFFFFFFF;
	(pc) =	sbr.abs _section_cstart, $3  }
0xbf: {  	[dreg:$0x1] =	wrdreg $0xFFFFFFFF  }
0xc0: {  	_ =	task.clear_ibuf [dreg:s6], $0x2FFFF;
	_ =	strace $0x9FFFFFFF  }
0xc1: {  	(tm) =	ssettm $0x7FFFFFFF  }
tec
execute0_lowered:
.L_overlay_start_1:
0x0: {  	(tag) =	ssettag $0x1  }
0x1: {  	v0 =	vlaneseq.u32  }
0x2: {  	v2 =	vshrl.u32 v0, $0x2  }
0x3: {  	v1 =	vmul.u32 $0x2, v0;
	v7 =	vor.u32 $0x8, v2  }
0x4: {  	v10 =	vor.u32 $0xC, v2;
	v13 =	vor.u32 $0x10, v2;
	v16 =	vor.u32 $0x14, v2  }
0x5: {  	v19 =	vor.u32 $0x18, v2;
	v22 =	vor.u32 $0x1C, v2;
	v25 =	vor.u32 $0x20, v2  }
0x6: {  	v28 =	vor.u32 $0x24, v2;
	v31 =	vor.u32 $0x28, v2;
	v34 =	vor.u32 $0x2C, v2  }
0x7: {  	v37 =	vor.u32 $0x30, v2;
	v40 =	vor.u32 $0x34, v2;
	v43 =	vor.u32 $0x38, v2  }
0x8: {  	v46 =	vor.u32 $0x3C, v2;
	v49 =	vor.u32 $0x40, v2;
	v52 =	vor.u32 $0x44, v2  }
0x9: {  	v55 =	vor.u32 $0x48, v2;
	v58 =	vor.u32 $0x4C, v2;
	v61 =	vor.u32 $0x50, v2  }
0xa: {  	s0 =	rddreg [dreg:$0x0];
	v3 =	vor.u32 $0x1, v1;
	v8 =	vor.u32 $0x40, v1;
	v9 =	vor.u32 $0x41, v1  }
0xb: {  	s1 =	simm.s32 $0x0;
	s4 =	srdreg.scid;
	s7 =	stileid.u32;
	v11 =	vor.u32 $0x60, v1;
	v12 =	vor.u32 $0x61, v1;
	v14 =	vor.u32 $0x80, v1  }
0xc: {  	s11 =	simm.s32 $0x1;
	s12 =	simm.s32 $0x80;
	s14 =	simm.s32 $0x1100;
	v15 =	vor.u32 $0x81, v1;
	v17 =	vor.u32 $0xA0, v1;
	v18 =	vor.u32 $0xA1, v1  }
0xd: {  	s16 =	simm.s32 $0x3100;
	s15 =	simm.s32 $0xF80;
	s17 =	simm.s32 $0x4500;
	v20 =	vor.u32 $0xC0, v1;
	v21 =	vor.u32 $0xC1, v1;
	v23 =	vor.u32 $0xE0, v1  }
0xe: {  	s18 =	simm.s32 $0xC00;
	s19 =	simm.s32 $0x2900;
	s20 =	simm.s32 $0x1000;
	v24 =	vor.u32 $0xE1, v1;
	v26 =	vor.u32 $0x100, v1;
	v27 =	vor.u32 $0x101, v1  }
0xf: {  	s21 =	simm.s32 $0x4900;
	s22 =	simm.s32 $0xC80;
	s23 =	simm.s32 $0x2D00;
	v29 =	vor.u32 $0x120, v1;
	v30 =	vor.u32 $0x121, v1;
	v32 =	vor.u32 $0x140, v1  }
0x10: {  	s24 =	simm.s32 $0x1080;
	s25 =	simm.s32 $0x4D00;
	s26 =	simm.s32 $0x2;
	v33 =	vor.u32 $0x141, v1;
	v35 =	vor.u32 $0x160, v1;
	v36 =	vor.u32 $0x161, v1  }
0x11: {  	s28 =	simm.s32 $0x5100;
	s29 =	simm.s32 $0x7100;
	s30 =	simm.s32 $0x3;
	v38 =	vor.u32 $0x180, v1;
	v39 =	vor.u32 $0x181, v1;
	v41 =	vor.u32 $0x1A0, v1  }
0x12: {  	[smem:$0x7FF] =	sst s1;
	s2 =	sadd.s32 $0x85A00, s0;
	s4 =	sand.u32 $0x1, s4;
	v42 =	vor.u32 $0x1A1, v1;
	v44 =	vor.u32 $0x1C0, v1;
	v45 =	vor.u32 $0x1C1, v1  }
0x13: {  	s3 =	sadd.s32 $0x1800, s0;
	s5 =	sadd.s32 $0xD5A00, s0;
	s8 =	ssub.s32 $0x2, s4;
	v47 =	vor.u32 $0x1E0, v1;
	v48 =	vor.u32 $0x1E1, v1;
	[tilespmem:$0x1FFC0] =	vst v3;
	v3 =	vor.u32 $0x4, v2  }
0x14: {  	s6 =	sadd.s32 $0xE5A00, s0;
	s10 =	sshll.u32 s7, $0x1;
	s9 =	sshrl.u32 s8, $0x1;
	v50 =	vor.u32 $0x200, v1;
	v51 =	vor.u32 $0x201, v1;
	[tilespmem:$0x1FFD0] =	vst v3;
	v3 =	vor.u32 $0x20, v1  }
0x15: {  	s7 =	sadd.s32 $0x225A00, s0;
	s4 =	sor.u32 s4, s10;
	v53 =	vor.u32 $0x220, v1;
	v54 =	vor.u32 $0x221, v1;
	s31 =	ssub.s32 s8, s9;
	[tilespmem:$0x1FFE0] =	vst v3;
	v3 =	vor.u32 $0x21, v1  }
0x16: {  	s10 =	simm.s32 $0x800;
	v56 =	vor.u32 $0x240, v1;
	v57 =	vor.u32 $0x241, v1;
	v59 =	vor.u32 $0x260, v1;
	s8 =	smul.u32 $0x2800, s4;
	s0 =	smax.u32 s31, $0x1;
	[tilespmem:$0x1FFF0] =	vst v3  }
0x17: {  	v60 =	vor.u32 $0x261, v1;
	v62 =	vor.u32 $0x280, v1;
	v63 =	vor.u32 $0x281, v1;
	s4 =	simm.s32 $0x0;
	_ =	strace $0x8000004A;
	[dreg:$0x2] =	wrdreg s0  }
.LBB2_1:
0x18: {  	[dreg:$0x3] =	wrdreg s4;
	s31 =	simm.s32 $0x0  }
.LBB2_2:
0x19: {  	s0 =	sshll.u32 s31, $0x8  }
0x1a: {  	s0 =	sadd.s32 s8, s0  }
0x1b: {  	s4 =	simm.s32 $0x0;
	s9 =	sadd.s32 s2, s0;
	s13 =	sshrl.u32 s0, $0x3  }
0x1c: {  	[tilespmem:s4], [sflag:$0x1] =	stream.linear.gather [hbm4b:s9+s4], $0x800, $0x38;
	[tilespmem:$0x9100] =	vst v63  }
0x1d: {  	s9 =	sadd.s32 s3, s13  }
0x1e: {  	[tilespmem:s10], [sflag:$0x1] =	stream.linear.gather [hbm4b:s9+s4], $0x100, $0x38;
	[tilespmem:$0x9100] =	vst v63  }
0x1f: {  	_ =	swait.ge [sflag:s11], $0x800  }
0x20: {  	[sflag:s11] =	ssyncset.done $0x0  }
0x21: {  	[sflag:s11] =	ssyncadd.s32 $0xFFFFF800  }
0x22: {  	_ =	swait.ge [sflag:s11], $0x100  }
0x23: {  	v5 =	vld [tilespmem:$0x1FFC0];
	_ =	sdelay $0x3  }
0x24: {  	[sflag:s11] =	ssyncset.done $0x0  }
0x25: {  	[sflag:s11] =	ssyncadd.s32 $0xFFFFFF00  }
0x26: {  	v3 =	vld.idx.msk [tilespmem:v2+s10+$0x0], $0xffff  }
0x27: {  	v4 =	vld.idx.msk [tilespmem:v1+s4+$0x0], $0xffff  }
0x28: {  	v5 =	vld.idx.msk [tilespmem:v5+s4+$0x0], $0xffff;
	_ =	sdelay $0x2  }
0x29: {  	v3 =	vshll.u32 v3, $0x4  }
0x2a: {  	v3 =	vand.u32 $0x10, v3  }
0x2b: {  	v4 =	vshrl.u32 v4, v3;
	v3 =	vshrl.u32 v5, v3  }
0x2c: {  	v3 =	vand.u32 $0xFFFF, v3  }
0x2d: {  	[tilespmem:$0xD00] =	vst v3;
	v3 =	vld [tilespmem:$0x1FFD0]  }
0x2e: {  	v4 =	vand.u32 $0xFFFF, v4  }
0x2f: {  	[tilespmem:$0x900] =	vst v4;
	v4 =	vld [tilespmem:$0x1FFE0]  }
0x30: {  	v5 =	vld [tilespmem:$0x1FFF0];
	_ =	sdelay $0x4  }
0x31: {  	v3 =	vld.idx.msk [tilespmem:v3+s10+$0x0], $0xffff;
	_ =	sdelay $0x1  }
0x32: {  	v4 =	vld.idx.msk [tilespmem:v4+s4+$0x0], $0xffff  }
0x33: {  	v5 =	vld.idx.msk [tilespmem:v5+s4+$0x0], $0xffff;
	_ =	sdelay $0x1  }
0x34: {  	v3 =	vshll.u32 v3, $0x4  }
0x35: {  	v3 =	vand.u32 $0x10, v3  }
0x36: {  	v4 =	vshrl.u32 v4, v3  }
0x37: {  	v3 =	vshrl.u32 v5, v3;
	v4 =	vand.u32 $0xFFFF, v4  }
0x38: {  	v3 =	vand.u32 $0xFFFF, v3;
	[tilespmem:$0x910] =	vst v4  }
0x39: {  	[tilespmem:$0xD10] =	vst v3  }
0x3a: {  	v3 =	vld.idx.msk [tilespmem:v7+s10+$0x0], $0xffff;
	_ =	sdelay $0x1  }
0x3b: {  	v4 =	vld.idx.msk [tilespmem:v8+s4+$0x0], $0xffff  }
0x3c: {  	v5 =	vld.idx.msk [tilespmem:v9+s4+$0x0], $0xffff;
	_ =	sdelay $0x1  }
0x3d: {  	v3 =	vshll.u32 v3, $0x4  }
0x3e: {  	v3 =	vand.u32 $0x10, v3  }
0x3f: {  	v4 =	vshrl.u32 v4, v3  }
0x40: {  	v3 =	vshrl.u32 v5, v3;
	v4 =	vand.u32 $0xFFFF, v4  }
0x41: {  	v3 =	vand.u32 $0xFFFF, v3;
	[tilespmem:$0x920] =	vst v4  }
0x42: {  	[tilespmem:$0xD20] =	vst v3  }
0x43: {  	v3 =	vld.idx.msk [tilespmem:v10+s10+$0x0], $0xffff;
	_ =	sdelay $0x1  }
0x44: {  	v4 =	vld.idx.msk [tilespmem:v11+s4+$0x0], $0xffff  }
0x45: {  	v5 =	vld.idx.msk [tilespmem:v12+s4+$0x0], $0xffff;
	_ =	sdelay $0x1  }
0x46: {  	v3 =	vshll.u32 v3, $0x4  }
0x47: {  	v3 =	vand.u32 $0x10, v3  }
0x48: {  	v4 =	vshrl.u32 v4, v3  }
0x49: {  	v3 =	vshrl.u32 v5, v3;
	v4 =	vand.u32 $0xFFFF, v4  }
0x4a: {  	v3 =	vand.u32 $0xFFFF, v3;
	[tilespmem:$0x930] =	vst v4  }
0x4b: {  	[tilespmem:$0xD30] =	vst v3  }
0x4c: {  	v3 =	vld.idx.msk [tilespmem:v13+s10+$0x0], $0xffff;
	_ =	sdelay $0x1  }
0x4d: {  	v4 =	vld.idx.msk [tilespmem:v14+s4+$0x0], $0xffff  }
0x4e: {  	v5 =	vld.idx.msk [tilespmem:v15+s4+$0x0], $0xffff;
	_ =	sdelay $0x1  }
0x4f: {  	v3 =	vshll.u32 v3, $0x4  }
0x50: {  	v3 =	vand.u32 $0x10, v3  }
0x51: {  	v4 =	vshrl.u32 v4, v3  }
0x52: {  	v3 =	vshrl.u32 v5, v3;
	v4 =	vand.u32 $0xFFFF, v4  }
0x53: {  	v3 =	vand.u32 $0xFFFF, v3;
	[tilespmem:$0x940] =	vst v4  }
0x54: {  	[tilespmem:$0xD40] =	vst v3  }
0x55: {  	v3 =	vld.idx.msk [tilespmem:v16+s10+$0x0], $0xffff;
	_ =	sdelay $0x1  }
0x56: {  	v4 =	vld.idx.msk [tilespmem:v17+s4+$0x0], $0xffff  }
0x57: {  	v5 =	vld.idx.msk [tilespmem:v18+s4+$0x0], $0xffff;
	_ =	sdelay $0x1  }
0x58: {  	v3 =	vshll.u32 v3, $0x4  }
0x59: {  	v3 =	vand.u32 $0x10, v3  }
0x5a: {  	v4 =	vshrl.u32 v4, v3  }
0x5b: {  	v3 =	vshrl.u32 v5, v3;
	v4 =	vand.u32 $0xFFFF, v4  }
0x5c: {  	v3 =	vand.u32 $0xFFFF, v3;
	[tilespmem:$0x950] =	vst v4  }
0x5d: {  	[tilespmem:$0xD50] =	vst v3  }
0x5e: {  	v3 =	vld.idx.msk [tilespmem:v19+s10+$0x0], $0xffff;
	_ =	sdelay $0x1  }
0x5f: {  	v4 =	vld.idx.msk [tilespmem:v20+s4+$0x0], $0xffff  }
0x60: {  	v5 =	vld.idx.msk [tilespmem:v21+s4+$0x0], $0xffff;
	_ =	sdelay $0x1  }
0x61: {  	v3 =	vshll.u32 v3, $0x4  }
0x62: {  	v3 =	vand.u32 $0x10, v3  }
0x63: {  	v4 =	vshrl.u32 v4, v3  }
0x64: {  	v3 =	vshrl.u32 v5, v3;
	v4 =	vand.u32 $0xFFFF, v4  }
0x65: {  	v3 =	vand.u32 $0xFFFF, v3;
	[tilespmem:$0x960] =	vst v4  }
0x66: {  	[tilespmem:$0xD60] =	vst v3  }
0x67: {  	v3 =	vld.idx.msk [tilespmem:v22+s10+$0x0], $0xffff;
	_ =	sdelay $0x1  }
0x68: {  	v4 =	vld.idx.msk [tilespmem:v23+s4+$0x0], $0xffff  }
0x69: {  	v5 =	vld.idx.msk [tilespmem:v24+s4+$0x0], $0xffff;
	_ =	sdelay $0x1  }
0x6a: {  	v3 =	vshll.u32 v3, $0x4  }
0x6b: {  	v3 =	vand.u32 $0x10, v3  }
0x6c: {  	v4 =	vshrl.u32 v4, v3  }
0x6d: {  	v3 =	vshrl.u32 v5, v3;
	v4 =	vand.u32 $0xFFFF, v4  }
0x6e: {  	v3 =	vand.u32 $0xFFFF, v3;
	[tilespmem:$0x970] =	vst v4  }
0x6f: {  	[tilespmem:$0xD70] =	vst v3  }
0x70: {  	v3 =	vld.idx.msk [tilespmem:v25+s10+$0x0], $0xffff;
	_ =	sdelay $0x1  }
0x71: {  	v4 =	vld.idx.msk [tilespmem:v26+s4+$0x0], $0xffff  }
0x72: {  	v5 =	vld.idx.msk [tilespmem:v27+s4+$0x0], $0xffff;
	_ =	sdelay $0x1  }
0x73: {  	v3 =	vshll.u32 v3, $0x4  }
0x74: {  	v3 =	vand.u32 $0x10, v3  }
0x75: {  	v4 =	vshrl.u32 v4, v3  }
0x76: {  	v3 =	vshrl.u32 v5, v3;
	v4 =	vand.u32 $0xFFFF, v4  }
0x77: {  	v3 =	vand.u32 $0xFFFF, v3;
	[tilespmem:$0x980] =	vst v4  }
0x78: {  	[tilespmem:$0xD80] =	vst v3  }
0x79: {  	v3 =	vld.idx.msk [tilespmem:v28+s10+$0x0], $0xffff;
	_ =	sdelay $0x1  }
0x7a: {  	v4 =	vld.idx.msk [tilespmem:v29+s4+$0x0], $0xffff  }
0x7b: {  	v5 =	vld.idx.msk [tilespmem:v30+s4+$0x0], $0xffff;
	_ =	sdelay $0x1  }
0x7c: {  	v3 =	vshll.u32 v3, $0x4  }
0x7d: {  	v3 =	vand.u32 $0x10, v3  }
0x7e: {  	v4 =	vshrl.u32 v4, v3  }
0x7f: {  	v3 =	vshrl.u32 v5, v3;
	v4 =	vand.u32 $0xFFFF, v4  }
0x80: {  	v3 =	vand.u32 $0xFFFF, v3;
	[tilespmem:$0x990] =	vst v4  }
0x81: {  	[tilespmem:$0xD90] =	vst v3  }
0x82: {  	v3 =	vld.idx.msk [tilespmem:v31+s10+$0x0], $0xffff;
	_ =	sdelay $0x1  }
0x83: {  	v4 =	vld.idx.msk [tilespmem:v32+s4+$0x0], $0xffff  }
0x84: {  	v5 =	vld.idx.msk [tilespmem:v33+s4+$0x0], $0xffff;
	_ =	sdelay $0x1  }
0x85: {  	v3 =	vshll.u32 v3, $0x4  }
0x86: {  	v3 =	vand.u32 $0x10, v3  }
0x87: {  	v4 =	vshrl.u32 v4, v3  }
0x88: {  	v3 =	vshrl.u32 v5, v3;
	v4 =	vand.u32 $0xFFFF, v4  }
0x89: {  	v3 =	vand.u32 $0xFFFF, v3;
	[tilespmem:$0x9A0] =	vst v4  }
0x8a: {  	[tilespmem:$0xDA0] =	vst v3  }
0x8b: {  	v3 =	vld.idx.msk [tilespmem:v34+s10+$0x0], $0xffff;
	_ =	sdelay $0x1  }
0x8c: {  	v4 =	vld.idx.msk [tilespmem:v35+s4+$0x0], $0xffff  }
0x8d: {  	v5 =	vld.idx.msk [tilespmem:v36+s4+$0x0], $0xffff;
	_ =	sdelay $0x1  }
0x8e: {  	v3 =	vshll.u32 v3, $0x4  }
0x8f: {  	v3 =	vand.u32 $0x10, v3  }
0x90: {  	v4 =	vshrl.u32 v4, v3  }
0x91: {  	v3 =	vshrl.u32 v5, v3;
	v4 =	vand.u32 $0xFFFF, v4  }
0x92: {  	v3 =	vand.u32 $0xFFFF, v3;
	[tilespmem:$0x9B0] =	vst v4  }
0x93: {  	[tilespmem:$0xDB0] =	vst v3  }
0x94: {  	v3 =	vld.idx.msk [tilespmem:v37+s10+$0x0], $0xffff;
	_ =	sdelay $0x1  }
0x95: {  	v4 =	vld.idx.msk [tilespmem:v38+s4+$0x0], $0xffff  }
0x96: {  	v5 =	vld.idx.msk [tilespmem:v39+s4+$0x0], $0xffff;
	_ =	sdelay $0x1  }
0x97: {  	v3 =	vshll.u32 v3, $0x4  }
0x98: {  	v3 =	vand.u32 $0x10, v3  }
0x99: {  	v4 =	vshrl.u32 v4, v3  }
0x9a: {  	v3 =	vshrl.u32 v5, v3;
	v4 =	vand.u32 $0xFFFF, v4  }
0x9b: {  	v3 =	vand.u32 $0xFFFF, v3;
	[tilespmem:$0x9C0] =	vst v4  }
0x9c: {  	[tilespmem:$0xDC0] =	vst v3  }
0x9d: {  	v3 =	vld.idx.msk [tilespmem:v40+s10+$0x0], $0xffff;
	_ =	sdelay $0x1  }
0x9e: {  	v4 =	vld.idx.msk [tilespmem:v41+s4+$0x0], $0xffff  }
0x9f: {  	v5 =	vld.idx.msk [tilespmem:v42+s4+$0x0], $0xffff;
	_ =	sdelay $0x1  }
0xa0: {  	v3 =	vshll.u32 v3, $0x4  }
0xa1: {  	v3 =	vand.u32 $0x10, v3  }
0xa2: {  	v4 =	vshrl.u32 v4, v3  }
0xa3: {  	v3 =	vshrl.u32 v5, v3;
	v4 =	vand.u32 $0xFFFF, v4  }
0xa4: {  	v3 =	vand.u32 $0xFFFF, v3;
	[tilespmem:$0x9D0] =	vst v4  }
0xa5: {  	[tilespmem:$0xDD0] =	vst v3  }
0xa6: {  	v3 =	vld.idx.msk [tilespmem:v43+s10+$0x0], $0xffff;
	_ =	sdelay $0x1  }
0xa7: {  	v4 =	vld.idx.msk [tilespmem:v44+s4+$0x0], $0xffff  }
0xa8: {  	v5 =	vld.idx.msk [tilespmem:v45+s4+$0x0], $0xffff;
	_ =	sdelay $0x1  }
0xa9: {  	v3 =	vshll.u32 v3, $0x4  }
0xaa: {  	v3 =	vand.u32 $0x10, v3  }
0xab: {  	v4 =	vshrl.u32 v4, v3  }
0xac: {  	v3 =	vshrl.u32 v5, v3;
	v4 =	vand.u32 $0xFFFF, v4  }
0xad: {  	v3 =	vand.u32 $0xFFFF, v3;
	[tilespmem:$0x9E0] =	vst v4  }
0xae: {  	[tilespmem:$0xDE0] =	vst v3  }
0xaf: {  	v3 =	vld.idx.msk [tilespmem:v46+s10+$0x0], $0xffff;
	_ =	sdelay $0x1  }
0xb0: {  	v4 =	vld.idx.msk [tilespmem:v47+s4+$0x0], $0xffff  }
0xb1: {  	v5 =	vld.idx.msk [tilespmem:v48+s4+$0x0], $0xffff;
	_ =	sdelay $0x1  }
0xb2: {  	v3 =	vshll.u32 v3, $0x4  }
0xb3: {  	v3 =	vand.u32 $0x10, v3  }
0xb4: {  	v4 =	vshrl.u32 v4, v3  }
0xb5: {  	v3 =	vshrl.u32 v5, v3;
	v4 =	vand.u32 $0xFFFF, v4  }
0xb6: {  	v3 =	vand.u32 $0xFFFF, v3;
	[tilespmem:$0x9F0] =	vst v4  }
0xb7: {  	[tilespmem:$0xDF0] =	vst v3  }
0xb8: {  	v3 =	vld.idx.msk [tilespmem:v49+s10+$0x0], $0xffff;
	_ =	sdelay $0x1  }
0xb9: {  	v4 =	vld.idx.msk [tilespmem:v50+s4+$0x0], $0xffff  }
0xba: {  	v5 =	vld.idx.msk [tilespmem:v51+s4+$0x0], $0xffff;
	_ =	sdelay $0x1  }
0xbb: {  	v3 =	vshll.u32 v3, $0x4  }
0xbc: {  	v3 =	vand.u32 $0x10, v3  }
0xbd: {  	v4 =	vshrl.u32 v4, v3  }
0xbe: {  	v3 =	vshrl.u32 v5, v3;
	v4 =	vand.u32 $0xFFFF, v4  }
0xbf: {  	v3 =	vand.u32 $0xFFFF, v3;
	[tilespmem:$0xA00] =	vst v4  }
0xc0: {  	[tilespmem:$0xE00] =	vst v3  }
0xc1: {  	v3 =	vld.idx.msk [tilespmem:v52+s10+$0x0], $0xffff;
	_ =	sdelay $0x1  }
0xc2: {  	v4 =	vld.idx.msk [tilespmem:v53+s4+$0x0], $0xffff  }
0xc3: {  	v5 =	vld.idx.msk [tilespmem:v54+s4+$0x0], $0xffff;
	_ =	sdelay $0x1  }
0xc4: {  	v3 =	vshll.u32 v3, $0x4  }
0xc5: {  	v3 =	vand.u32 $0x10, v3  }
0xc6: {  	v4 =	vshrl.u32 v4, v3  }
0xc7: {  	v3 =	vshrl.u32 v5, v3;
	v4 =	vand.u32 $0xFFFF, v4  }
0xc8: {  	v3 =	vand.u32 $0xFFFF, v3;
	[tilespmem:$0xA10] =	vst v4  }
0xc9: {  	[tilespmem:$0xE10] =	vst v3  }
0xca: {  	v3 =	vld.idx.msk [tilespmem:v55+s10+$0x0], $0xffff;
	_ =	sdelay $0x1  }
0xcb: {  	v4 =	vld.idx.msk [tilespmem:v56+s4+$0x0], $0xffff  }
0xcc: {  	v5 =	vld.idx.msk [tilespmem:v57+s4+$0x0], $0xffff;
	_ =	sdelay $0x1  }
0xcd: {  	v3 =	vshll.u32 v3, $0x4  }
0xce: {  	v3 =	vand.u32 $0x10, v3  }
0xcf: {  	v4 =	vshrl.u32 v4, v3  }
0xd0: {  	v3 =	vshrl.u32 v5, v3;
	v4 =	vand.u32 $0xFFFF, v4  }
0xd1: {  	v3 =	vand.u32 $0xFFFF, v3;
	[tilespmem:$0xA20] =	vst v4  }
0xd2: {  	[tilespmem:$0xE20] =	vst v3  }
0xd3: {  	v3 =	vld.idx.msk [tilespmem:v58+s10+$0x0], $0xffff;
	_ =	sdelay $0x1  }
0xd4: {  	v4 =	vld.idx.msk [tilespmem:v59+s4+$0x0], $0xffff  }
0xd5: {  	v5 =	vld.idx.msk [tilespmem:v60+s4+$0x0], $0xffff;
	_ =	sdelay $0x1  }
0xd6: {  	v3 =	vshll.u32 v3, $0x4  }
0xd7: {  	v3 =	vand.u32 $0x10, v3  }
0xd8: {  	v4 =	vshrl.u32 v4, v3  }
0xd9: {  	v3 =	vshrl.u32 v5, v3;
	v4 =	vand.u32 $0xFFFF, v4  }
0xda: {  	v3 =	vand.u32 $0xFFFF, v3;
	[tilespmem:$0xA30] =	vst v4  }
0xdb: {  	[tilespmem:$0xE30] =	vst v3  }
0xdc: {  	v3 =	vld.idx.msk [tilespmem:v61+s10+$0x0], $0xffff;
	_ =	sdelay $0x1  }
0xdd: {  	v4 =	vld.idx.msk [tilespmem:v62+s4+$0x0], $0xffff  }
0xde: {  	v5 =	vld.idx.msk [tilespmem:v63+s4+$0x0], $0xffff;
	_ =	sdelay $0x1  }
0xdf: {  	v3 =	vshll.u32 v3, $0x4  }
0xe0: {  	v6 =	vor.u32 $0x54, v2;
	v3 =	vand.u32 $0x10, v3  }
0xe1: {  	v4 =	vshrl.u32 v4, v3  }
0xe2: {  	v3 =	vshrl.u32 v5, v3;
	v5 =	vor.u32 $0x2A0, v1;
	v4 =	vand.u32 $0xFFFF, v4  }
0xe3: {  	v3 =	vand.u32 $0xFFFF, v3;
	[tilespmem:$0xA40] =	vst v4;
	v4 =	vor.u32 $0x2A1, v1  }
0xe4: {  	[tilespmem:$0xE40] =	vst v3  }
0xe5: {  	v3 =	vld.idx.msk [tilespmem:v6+s10+$0x0], $0xffff;
	_ =	sdelay $0x1  }
0xe6: {  	v5 =	vld.idx.msk [tilespmem:v5+s4+$0x0], $0xffff  }
0xe7: {  	v4 =	vld.idx.msk [tilespmem:v4+s4+$0x0], $0xffff;
	_ =	sdelay $0x1  }
0xe8: {  	v3 =	vshll.u32 v3, $0x4  }
0xe9: {  	v6 =	vor.u32 $0x58, v2;
	v3 =	vand.u32 $0x10, v3  }
0xea: {  	v5 =	vshrl.u32 v5, v3  }
0xeb: {  	v5 =	vand.u32 $0xFFFF, v5;
	v3 =	vshrl.u32 v4, v3;
	v4 =	vor.u32 $0x2C0, v1  }
0xec: {  	[tilespmem:$0xA50] =	vst v5;
	v5 =	vor.u32 $0x2C1, v1;
	v3 =	vand.u32 $0xFFFF, v3  }
0xed: {  	[tilespmem:$0xE50] =	vst v3  }
0xee: {  	v3 =	vld.idx.msk [tilespmem:v6+s10+$0x0], $0xffff;
	_ =	sdelay $0x1  }
0xef: {  	v4 =	vld.idx.msk [tilespmem:v4+s4+$0x0], $0xffff  }
0xf0: {  	v5 =	vld.idx.msk [tilespmem:v5+s4+$0x0], $0xffff;
	_ =	sdelay $0x1  }
0xf1: {  	v3 =	vshll.u32 v3, $0x4  }
0xf2: {  	v6 =	vor.u32 $0x5C, v2;
	v3 =	vand.u32 $0x10, v3  }
0xf3: {  	v4 =	vshrl.u32 v4, v3  }
0xf4: {  	v3 =	vshrl.u32 v5, v3;
	v5 =	vor.u32 $0x2E0, v1;
	v4 =	vand.u32 $0xFFFF, v4  }
0xf5: {  	v3 =	vand.u32 $0xFFFF, v3;
	[tilespmem:$0xA60] =	vst v4;
	v4 =	vor.u32 $0x2E1, v1  }
0xf6: {  	[tilespmem:$0xE60] =	vst v3  }
0xf7: {  	v3 =	vld.idx.msk [tilespmem:v6+s10+$0x0], $0xffff;
	_ =	sdelay $0x1  }
0xf8: {  	v5 =	vld.idx.msk [tilespmem:v5+s4+$0x0], $0xffff  }
0xf9: {  	v4 =	vld.idx.msk [tilespmem:v4+s4+$0x0], $0xffff;
	_ =	sdelay $0x1  }
0xfa: {  	v3 =	vshll.u32 v3, $0x4  }
0xfb: {  	v6 =	vor.u32 $0x60, v2;
	v3 =	vand.u32 $0x10, v3  }
0xfc: {  	v5 =	vshrl.u32 v5, v3  }
0xfd: {  	v5 =	vand.u32 $0xFFFF, v5;
	v3 =	vshrl.u32 v4, v3;
	v4 =	vor.u32 $0x300, v1  }
0xfe: {  	[tilespmem:$0xA70] =	vst v5;
	v5 =	vor.u32 $0x301, v1;
	v3 =	vand.u32 $0xFFFF, v3  }
0xff: {  	[tilespmem:$0xE70] =	vst v3  }
0x100: {  	v3 =	vld.idx.msk [tilespmem:v6+s10+$0x0], $0xffff;
	_ =	sdelay $0x1  }
0x101: {  	v4 =	vld.idx.msk [tilespmem:v4+s4+$0x0], $0xffff  }
0x102: {  	v5 =	vld.idx.msk [tilespmem:v5+s4+$0x0], $0xffff;
	_ =	sdelay $0x1  }
0x103: {  	v3 =	vshll.u32 v3, $0x4  }
0x104: {  	v6 =	vor.u32 $0x64, v2;
	v3 =	vand.u32 $0x10, v3  }
0x105: {  	v4 =	vshrl.u32 v4, v3  }
0x106: {  	v3 =	vshrl.u32 v5, v3;
	v5 =	vor.u32 $0x320, v1;
	v4 =	vand.u32 $0xFFFF, v4  }
0x107: {  	v3 =	vand.u32 $0xFFFF, v3;
	[tilespmem:$0xA80] =	vst v4;
	v4 =	vor.u32 $0x321, v1  }
0x108: {  	[tilespmem:$0xE80] =	vst v3  }
0x109: {  	v3 =	vld.idx.msk [tilespmem:v6+s10+$0x0], $0xffff;
	_ =	sdelay $0x1  }
0x10a: {  	v5 =	vld.idx.msk [tilespmem:v5+s4+$0x0], $0xffff  }
0x10b: {  	v4 =	vld.idx.msk [tilespmem:v4+s4+$0x0], $0xffff;
	_ =	sdelay $0x1  }
0x10c: {  	v3 =	vshll.u32 v3, $0x4  }
0x10d: {  	v6 =	vor.u32 $0x68, v2;
	v3 =	vand.u32 $0x10, v3  }
0x10e: {  	v5 =	vshrl.u32 v5, v3  }
0x10f: {  	v5 =	vand.u32 $0xFFFF, v5;
	v3 =	vshrl.u32 v4, v3;
	v4 =	vor.u32 $0x340, v1  }
0x110: {  	[tilespmem:$0xA90] =	vst v5;
	v5 =	vor.u32 $0x341, v1;
	v3 =	vand.u32 $0xFFFF, v3  }
0x111: {  	[tilespmem:$0xE90] =	vst v3  }
0x112: {  	v3 =	vld.idx.msk [tilespmem:v6+s10+$0x0], $0xffff;
	_ =	sdelay $0x1  }
0x113: {  	v4 =	vld.idx.msk [tilespmem:v4+s4+$0x0], $0xffff  }
0x114: {  	v5 =	vld.idx.msk [tilespmem:v5+s4+$0x0], $0xffff;
	_ =	sdelay $0x1  }
0x115: {  	v3 =	vshll.u32 v3, $0x4  }
0x116: {  	v6 =	vor.u32 $0x6C, v2;
	v3 =	vand.u32 $0x10, v3  }
0x117: {  	v4 =	vshrl.u32 v4, v3  }
0x118: {  	v3 =	vshrl.u32 v5, v3;
	v5 =	vor.u32 $0x360, v1;
	v4 =	vand.u32 $0xFFFF, v4  }
0x119: {  	v3 =	vand.u32 $0xFFFF, v3;
	[tilespmem:$0xAA0] =	vst v4;
	v4 =	vor.u32 $0x361, v1  }
0x11a: {  	[tilespmem:$0xEA0] =	vst v3  }
0x11b: {  	v3 =	vld.idx.msk [tilespmem:v6+s10+$0x0], $0xffff;
	_ =	sdelay $0x1  }
0x11c: {  	v5 =	vld.idx.msk [tilespmem:v5+s4+$0x0], $0xffff  }
0x11d: {  	v4 =	vld.idx.msk [tilespmem:v4+s4+$0x0], $0xffff;
	_ =	sdelay $0x1  }
0x11e: {  	v3 =	vshll.u32 v3, $0x4  }
0x11f: {  	v6 =	vor.u32 $0x70, v2;
	v3 =	vand.u32 $0x10, v3  }
0x120: {  	v5 =	vshrl.u32 v5, v3  }
0x121: {  	v5 =	vand.u32 $0xFFFF, v5;
	v3 =	vshrl.u32 v4, v3;
	v4 =	vor.u32 $0x380, v1  }
0x122: {  	[tilespmem:$0xAB0] =	vst v5;
	v5 =	vor.u32 $0x381, v1;
	v3 =	vand.u32 $0xFFFF, v3  }
0x123: {  	[tilespmem:$0xEB0] =	vst v3  }
0x124: {  	v3 =	vld.idx.msk [tilespmem:v6+s10+$0x0], $0xffff;
	_ =	sdelay $0x1  }
0x125: {  	v4 =	vld.idx.msk [tilespmem:v4+s4+$0x0], $0xffff  }
0x126: {  	v5 =	vld.idx.msk [tilespmem:v5+s4+$0x0], $0xffff;
	_ =	sdelay $0x1  }
0x127: {  	v3 =	vshll.u32 v3, $0x4  }
0x128: {  	v6 =	vor.u32 $0x74, v2;
	v3 =	vand.u32 $0x10, v3  }
0x129: {  	v4 =	vshrl.u32 v4, v3  }
0x12a: {  	v3 =	vshrl.u32 v5, v3;
	v5 =	vor.u32 $0x3A0, v1;
	v4 =	vand.u32 $0xFFFF, v4  }
0x12b: {  	v3 =	vand.u32 $0xFFFF, v3;
	[tilespmem:$0xAC0] =	vst v4;
	v4 =	vor.u32 $0x3A1, v1  }
0x12c: {  	[tilespmem:$0xEC0] =	vst v3  }
0x12d: {  	v3 =	vld.idx.msk [tilespmem:v6+s10+$0x0], $0xffff;
	_ =	sdelay $0x1  }
0x12e: {  	v5 =	vld.idx.msk [tilespmem:v5+s4+$0x0], $0xffff  }
0x12f: {  	v4 =	vld.idx.msk [tilespmem:v4+s4+$0x0], $0xffff;
	_ =	sdelay $0x1  }
0x130: {  	v3 =	vshll.u32 v3, $0x4  }
0x131: {  	v6 =	vor.u32 $0x78, v2;
	v3 =	vand.u32 $0x10, v3  }
0x132: {  	v5 =	vshrl.u32 v5, v3  }
0x133: {  	v5 =	vand.u32 $0xFFFF, v5;
	v3 =	vshrl.u32 v4, v3;
	v4 =	vor.u32 $0x3C0, v1  }
0x134: {  	[tilespmem:$0xAD0] =	vst v5;
	v5 =	vor.u32 $0x3C1, v1;
	v3 =	vand.u32 $0xFFFF, v3  }
0x135: {  	[tilespmem:$0xED0] =	vst v3  }
0x136: {  	v3 =	vld.idx.msk [tilespmem:v6+s10+$0x0], $0xffff;
	_ =	sdelay $0x1  }
0x137: {  	v4 =	vld.idx.msk [tilespmem:v4+s4+$0x0], $0xffff  }
0x138: {  	v5 =	vld.idx.msk [tilespmem:v5+s4+$0x0], $0xffff;
	_ =	sdelay $0x1  }
0x139: {  	v3 =	vshll.u32 v3, $0x4  }
0x13a: {  	v6 =	vor.u32 $0x7C, v2;
	v3 =	vand.u32 $0x10, v3  }
0x13b: {  	v4 =	vshrl.u32 v4, v3  }
0x13c: {  	v3 =	vshrl.u32 v5, v3;
	v5 =	vor.u32 $0x3E0, v1;
	v4 =	vand.u32 $0xFFFF, v4  }
0x13d: {  	v3 =	vand.u32 $0xFFFF, v3;
	[tilespmem:$0xAE0] =	vst v4;
	v4 =	vor.u32 $0x3E1, v1  }
0x13e: {  	[tilespmem:$0xEE0] =	vst v3  }
0x13f: {  	v3 =	vld.idx.msk [tilespmem:v6+s10+$0x0], $0xffff;
	_ =	sdelay $0x1  }
0x140: {  	v5 =	vld.idx.msk [tilespmem:v5+s4+$0x0], $0xffff  }
0x141: {  	v4 =	vld.idx.msk [tilespmem:v4+s4+$0x0], $0xffff;
	_ =	sdelay $0x1  }
0x142: {  	v3 =	vshll.u32 v3, $0x4  }
0x143: {  	v6 =	vor.u32 $0x80, v2;
	v3 =	vand.u32 $0x10, v3  }
0x144: {  	v5 =	vshrl.u32 v5, v3  }
0x145: {  	v5 =	vand.u32 $0xFFFF, v5;
	v3 =	vshrl.u32 v4, v3;
	v4 =	vor.u32 $0x400, v1  }
0x146: {  	[tilespmem:$0xAF0] =	vst v5;
	v5 =	vor.u32 $0x401, v1;
	v3 =	vand.u32 $0xFFFF, v3  }
0x147: {  	[tilespmem:$0xEF0] =	vst v3  }
0x148: {  	v3 =	vld.idx.msk [tilespmem:v6+s10+$0x0], $0xffff;
	_ =	sdelay $0x1  }
0x149: {  	v4 =	vld.idx.msk [tilespmem:v4+s4+$0x0], $0xffff  }
0x14a: {  	v5 =	vld.idx.msk [tilespmem:v5+s4+$0x0], $0xffff;
	_ =	sdelay $0x1  }
0x14b: {  	v3 =	vshll.u32 v3, $0x4  }
0x14c: {  	v6 =	vor.u32 $0x84, v2;
	v3 =	vand.u32 $0x10, v3  }
0x14d: {  	v4 =	vshrl.u32 v4, v3  }
0x14e: {  	v3 =	vshrl.u32 v5, v3;
	v5 =	vor.u32 $0x420, v1;
	v4 =	vand.u32 $0xFFFF, v4  }
0x14f: {  	v3 =	vand.u32 $0xFFFF, v3;
	[tilespmem:$0xB00] =	vst v4;
	v4 =	vor.u32 $0x421, v1  }
0x150: {  	[tilespmem:$0xF00] =	vst v3  }
0x151: {  	v3 =	vld.idx.msk [tilespmem:v6+s10+$0x0], $0xffff;
	_ =	sdelay $0x1  }
0x152: {  	v5 =	vld.idx.msk [tilespmem:v5+s4+$0x0], $0xffff  }
0x153: {  	v4 =	vld.idx.msk [tilespmem:v4+s4+$0x0], $0xffff;
	_ =	sdelay $0x1  }
0x154: {  	v3 =	vshll.u32 v3, $0x4  }
0x155: {  	v6 =	vor.u32 $0x88, v2;
	v3 =	vand.u32 $0x10, v3  }
0x156: {  	v5 =	vshrl.u32 v5, v3  }
0x157: {  	v5 =	vand.u32 $0xFFFF, v5;
	v3 =	vshrl.u32 v4, v3;
	v4 =	vor.u32 $0x440, v1  }
0x158: {  	[tilespmem:$0xB10] =	vst v5;
	v5 =	vor.u32 $0x441, v1;
	v3 =	vand.u32 $0xFFFF, v3  }
0x159: {  	[tilespmem:$0xF10] =	vst v3  }
0x15a: {  	v3 =	vld.idx.msk [tilespmem:v6+s10+$0x0], $0xffff;
	_ =	sdelay $0x1  }
0x15b: {  	v4 =	vld.idx.msk [tilespmem:v4+s4+$0x0], $0xffff  }
0x15c: {  	v5 =	vld.idx.msk [tilespmem:v5+s4+$0x0], $0xffff;
	_ =	sdelay $0x1  }
0x15d: {  	v3 =	vshll.u32 v3, $0x4  }
0x15e: {  	v6 =	vor.u32 $0x8C, v2;
	v3 =	vand.u32 $0x10, v3  }
0x15f: {  	v4 =	vshrl.u32 v4, v3  }
0x160: {  	v3 =	vshrl.u32 v5, v3;
	v5 =	vor.u32 $0x460, v1;
	v4 =	vand.u32 $0xFFFF, v4  }
0x161: {  	v3 =	vand.u32 $0xFFFF, v3;
	[tilespmem:$0xB20] =	vst v4;
	v4 =	vor.u32 $0x461, v1  }
0x162: {  	[tilespmem:$0xF20] =	vst v3  }
0x163: {  	v3 =	vld.idx.msk [tilespmem:v6+s10+$0x0], $0xffff;
	_ =	sdelay $0x1  }
0x164: {  	v5 =	vld.idx.msk [tilespmem:v5+s4+$0x0], $0xffff  }
0x165: {  	v4 =	vld.idx.msk [tilespmem:v4+s4+$0x0], $0xffff;
	_ =	sdelay $0x1  }
0x166: {  	v3 =	vshll.u32 v3, $0x4  }
0x167: {  	v6 =	vor.u32 $0x90, v2;
	v3 =	vand.u32 $0x10, v3  }
0x168: {  	v5 =	vshrl.u32 v5, v3  }
0x169: {  	v5 =	vand.u32 $0xFFFF, v5;
	v3 =	vshrl.u32 v4, v3;
	v4 =	vor.u32 $0x480, v1  }
0x16a: {  	[tilespmem:$0xB30] =	vst v5;
	v5 =	vor.u32 $0x481, v1;
	v3 =	vand.u32 $0xFFFF, v3  }
0x16b: {  	[tilespmem:$0xF30] =	vst v3  }
0x16c: {  	v3 =	vld.idx.msk [tilespmem:v6+s10+$0x0], $0xffff;
	_ =	sdelay $0x1  }
0x16d: {  	v4 =	vld.idx.msk [tilespmem:v4+s4+$0x0], $0xffff  }
0x16e: {  	v5 =	vld.idx.msk [tilespmem:v5+s4+$0x0], $0xffff;
	_ =	sdelay $0x1  }
0x16f: {  	v3 =	vshll.u32 v3, $0x4  }
0x170: {  	v6 =	vor.u32 $0x94, v2;
	v3 =	vand.u32 $0x10, v3  }
0x171: {  	v4 =	vshrl.u32 v4, v3  }
0x172: {  	v3 =	vshrl.u32 v5, v3;
	v5 =	vor.u32 $0x4A0, v1;
	v4 =	vand.u32 $0xFFFF, v4  }
0x173: {  	v3 =	vand.u32 $0xFFFF, v3;
	[tilespmem:$0xB40] =	vst v4;
	v4 =	vor.u32 $0x4A1, v1  }
0x174: {  	[tilespmem:$0xF40] =	vst v3  }
0x175: {  	v3 =	vld.idx.msk [tilespmem:v6+s10+$0x0], $0xffff;
	_ =	sdelay $0x1  }
0x176: {  	v5 =	vld.idx.msk [tilespmem:v5+s4+$0x0], $0xffff  }
0x177: {  	v4 =	vld.idx.msk [tilespmem:v4+s4+$0x0], $0xffff;
	_ =	sdelay $0x1  }
0x178: {  	v3 =	vshll.u32 v3, $0x4  }
0x179: {  	v6 =	vor.u32 $0x98, v2;
	v3 =	vand.u32 $0x10, v3  }
0x17a: {  	v5 =	vshrl.u32 v5, v3  }
0x17b: {  	v5 =	vand.u32 $0xFFFF, v5;
	v3 =	vshrl.u32 v4, v3;
	v4 =	vor.u32 $0x4C0, v1  }
0x17c: {  	[tilespmem:$0xB50] =	vst v5;
	v5 =	vor.u32 $0x4C1, v1;
	v3 =	vand.u32 $0xFFFF, v3  }
0x17d: {  	[tilespmem:$0xF50] =	vst v3  }
0x17e: {  	v3 =	vld.idx.msk [tilespmem:v6+s10+$0x0], $0xffff;
	_ =	sdelay $0x1  }
0x17f: {  	v4 =	vld.idx.msk [tilespmem:v4+s4+$0x0], $0xffff  }
0x180: {  	v5 =	vld.idx.msk [tilespmem:v5+s4+$0x0], $0xffff;
	_ =	sdelay $0x1  }
0x181: {  	v3 =	vshll.u32 v3, $0x4  }
0x182: {  	v6 =	vor.u32 $0x9C, v2;
	v3 =	vand.u32 $0x10, v3  }
0x183: {  	v4 =	vshrl.u32 v4, v3  }
0x184: {  	v3 =	vshrl.u32 v5, v3;
	v5 =	vor.u32 $0x4E0, v1;
	v4 =	vand.u32 $0xFFFF, v4  }
0x185: {  	v3 =	vand.u32 $0xFFFF, v3;
	[tilespmem:$0xB60] =	vst v4;
	v4 =	vor.u32 $0x4E1, v1  }
0x186: {  	[tilespmem:$0xF60] =	vst v3  }
0x187: {  	v3 =	vld.idx.msk [tilespmem:v6+s10+$0x0], $0xffff;
	_ =	sdelay $0x1  }
0x188: {  	v5 =	vld.idx.msk [tilespmem:v5+s4+$0x0], $0xffff  }
0x189: {  	v4 =	vld.idx.msk [tilespmem:v4+s4+$0x0], $0xffff;
	_ =	sdelay $0x1  }
0x18a: {  	v3 =	vshll.u32 v3, $0x4  }
0x18b: {  	v6 =	vor.u32 $0xA0, v2;
	v3 =	vand.u32 $0x10, v3  }
0x18c: {  	v5 =	vshrl.u32 v5, v3  }
0x18d: {  	v5 =	vand.u32 $0xFFFF, v5;
	v3 =	vshrl.u32 v4, v3;
	v4 =	vor.u32 $0x500, v1  }
0x18e: {  	[tilespmem:$0xB70] =	vst v5;
	v5 =	vor.u32 $0x501, v1;
	v3 =	vand.u32 $0xFFFF, v3  }
0x18f: {  	[tilespmem:$0xF70] =	vst v3  }
0x190: {  	v3 =	vld.idx.msk [tilespmem:v6+s10+$0x0], $0xffff;
	_ =	sdelay $0x1  }
0x191: {  	v4 =	vld.idx.msk [tilespmem:v4+s4+$0x0], $0xffff  }
0x192: {  	v5 =	vld.idx.msk [tilespmem:v5+s4+$0x0], $0xffff;
	_ =	sdelay $0x1  }
0x193: {  	v3 =	vshll.u32 v3, $0x4  }
0x194: {  	v6 =	vor.u32 $0xA4, v2;
	v3 =	vand.u32 $0x10, v3  }
0x195: {  	v4 =	vshrl.u32 v4, v3  }
0x196: {  	v3 =	vshrl.u32 v5, v3;
	v5 =	vor.u32 $0x520, v1;
	v4 =	vand.u32 $0xFFFF, v4  }
0x197: {  	v3 =	vand.u32 $0xFFFF, v3;
	[tilespmem:$0xB80] =	vst v4;
	v4 =	vor.u32 $0x521, v1  }
0x198: {  	[tilespmem:$0xF80] =	vst v3  }
0x199: {  	v3 =	vld.idx.msk [tilespmem:v6+s10+$0x0], $0xffff;
	_ =	sdelay $0x1  }
0x19a: {  	v5 =	vld.idx.msk [tilespmem:v5+s4+$0x0], $0xffff  }
0x19b: {  	v4 =	vld.idx.msk [tilespmem:v4+s4+$0x0], $0xffff;
	_ =	sdelay $0x1  }
0x19c: {  	v3 =	vshll.u32 v3, $0x4  }
0x19d: {  	v6 =	vor.u32 $0xA8, v2;
	v3 =	vand.u32 $0x10, v3  }
0x19e: {  	v5 =	vshrl.u32 v5, v3  }
0x19f: {  	v5 =	vand.u32 $0xFFFF, v5;
	v3 =	vshrl.u32 v4, v3;
	v4 =	vor.u32 $0x540, v1  }
0x1a0: {  	[tilespmem:$0xB90] =	vst v5;
	v5 =	vor.u32 $0x541, v1;
	v3 =	vand.u32 $0xFFFF, v3  }
0x1a1: {  	[tilespmem:$0xF90] =	vst v3  }
0x1a2: {  	v3 =	vld.idx.msk [tilespmem:v6+s10+$0x0], $0xffff;
	_ =	sdelay $0x1  }
0x1a3: {  	v4 =	vld.idx.msk [tilespmem:v4+s4+$0x0], $0xffff  }
0x1a4: {  	v5 =	vld.idx.msk [tilespmem:v5+s4+$0x0], $0xffff;
	_ =	sdelay $0x1  }
0x1a5: {  	v3 =	vshll.u32 v3, $0x4  }
0x1a6: {  	v6 =	vor.u32 $0xAC, v2;
	v3 =	vand.u32 $0x10, v3  }
0x1a7: {  	v4 =	vshrl.u32 v4, v3  }
0x1a8: {  	v3 =	vshrl.u32 v5, v3;
	v5 =	vor.u32 $0x560, v1;
	v4 =	vand.u32 $0xFFFF, v4  }
0x1a9: {  	v3 =	vand.u32 $0xFFFF, v3;
	[tilespmem:$0xBA0] =	vst v4;
	v4 =	vor.u32 $0x561, v1  }
0x1aa: {  	[tilespmem:$0xFA0] =	vst v3  }
0x1ab: {  	v3 =	vld.idx.msk [tilespmem:v6+s10+$0x0], $0xffff;
	_ =	sdelay $0x1  }
0x1ac: {  	v5 =	vld.idx.msk [tilespmem:v5+s4+$0x0], $0xffff  }
0x1ad: {  	v4 =	vld.idx.msk [tilespmem:v4+s4+$0x0], $0xffff;
	_ =	sdelay $0x1  }
0x1ae: {  	v3 =	vshll.u32 v3, $0x4  }
0x1af: {  	v6 =	vor.u32 $0xB0, v2;
	v3 =	vand.u32 $0x10, v3  }
0x1b0: {  	v5 =	vshrl.u32 v5, v3  }
0x1b1: {  	v5 =	vand.u32 $0xFFFF, v5;
	v3 =	vshrl.u32 v4, v3;
	v4 =	vor.u32 $0x580, v1  }
0x1b2: {  	[tilespmem:$0xBB0] =	vst v5;
	v5 =	vor.u32 $0x581, v1;
	v3 =	vand.u32 $0xFFFF, v3  }
0x1b3: {  	[tilespmem:$0xFB0] =	vst v3  }
0x1b4: {  	v3 =	vld.idx.msk [tilespmem:v6+s10+$0x0], $0xffff;
	_ =	sdelay $0x1  }
0x1b5: {  	v4 =	vld.idx.msk [tilespmem:v4+s4+$0x0], $0xffff  }
0x1b6: {  	v5 =	vld.idx.msk [tilespmem:v5+s4+$0x0], $0xffff;
	_ =	sdelay $0x1  }
0x1b7: {  	v3 =	vshll.u32 v3, $0x4  }
0x1b8: {  	v6 =	vor.u32 $0xB4, v2;
	v3 =	vand.u32 $0x10, v3  }
0x1b9: {  	v4 =	vshrl.u32 v4, v3  }
0x1ba: {  	v3 =	vshrl.u32 v5, v3;
	v5 =	vor.u32 $0x5A0, v1;
	v4 =	vand.u32 $0xFFFF, v4  }
0x1bb: {  	v3 =	vand.u32 $0xFFFF, v3;
	[tilespmem:$0xBC0] =	vst v4;
	v4 =	vor.u32 $0x5A1, v1  }
0x1bc: {  	[tilespmem:$0xFC0] =	vst v3  }
0x1bd: {  	v3 =	vld.idx.msk [tilespmem:v6+s10+$0x0], $0xffff;
	_ =	sdelay $0x1  }
0x1be: {  	v5 =	vld.idx.msk [tilespmem:v5+s4+$0x0], $0xffff  }
0x1bf: {  	v4 =	vld.idx.msk [tilespmem:v4+s4+$0x0], $0xffff;
	_ =	sdelay $0x1  }
0x1c0: {  	v3 =	vshll.u32 v3, $0x4  }
0x1c1: {  	v6 =	vor.u32 $0xB8, v2;
	v3 =	vand.u32 $0x10, v3  }
0x1c2: {  	v5 =	vshrl.u32 v5, v3  }
0x1c3: {  	v5 =	vand.u32 $0xFFFF, v5;
	v3 =	vshrl.u32 v4, v3;
	v4 =	vor.u32 $0x5C0, v1  }
0x1c4: {  	[tilespmem:$0xBD0] =	vst v5;
	v5 =	vor.u32 $0x5C1, v1;
	v3 =	vand.u32 $0xFFFF, v3  }
0x1c5: {  	[tilespmem:$0xFD0] =	vst v3  }
0x1c6: {  	v3 =	vld.idx.msk [tilespmem:v6+s10+$0x0], $0xffff;
	_ =	sdelay $0x1  }
0x1c7: {  	v4 =	vld.idx.msk [tilespmem:v4+s4+$0x0], $0xffff  }
0x1c8: {  	v5 =	vld.idx.msk [tilespmem:v5+s4+$0x0], $0xffff;
	_ =	sdelay $0x1  }
0x1c9: {  	v3 =	vshll.u32 v3, $0x4  }
0x1ca: {  	v6 =	vor.u32 $0xBC, v2;
	v3 =	vand.u32 $0x10, v3  }
0x1cb: {  	v4 =	vshrl.u32 v4, v3  }
0x1cc: {  	v3 =	vshrl.u32 v5, v3;
	v5 =	vor.u32 $0x5E0, v1;
	v4 =	vand.u32 $0xFFFF, v4  }
0x1cd: {  	v3 =	vand.u32 $0xFFFF, v3;
	[tilespmem:$0xBE0] =	vst v4;
	v4 =	vor.u32 $0x5E1, v1  }
0x1ce: {  	[tilespmem:$0xFE0] =	vst v3  }
0x1cf: {  	v3 =	vld.idx.msk [tilespmem:v6+s10+$0x0], $0xffff;
	_ =	sdelay $0x1  }
0x1d0: {  	v5 =	vld.idx.msk [tilespmem:v5+s4+$0x0], $0xffff  }
0x1d1: {  	v4 =	vld.idx.msk [tilespmem:v4+s4+$0x0], $0xffff;
	_ =	sdelay $0x1  }
0x1d2: {  	v3 =	vshll.u32 v3, $0x4  }
0x1d3: {  	v6 =	vor.u32 $0xC0, v2;
	v3 =	vand.u32 $0x10, v3  }
0x1d4: {  	v5 =	vshrl.u32 v5, v3  }
0x1d5: {  	v5 =	vand.u32 $0xFFFF, v5;
	v3 =	vshrl.u32 v4, v3;
	v4 =	vor.u32 $0x600, v1  }
0x1d6: {  	[tilespmem:$0xBF0] =	vst v5;
	v5 =	vor.u32 $0x601, v1;
	v3 =	vand.u32 $0xFFFF, v3  }
0x1d7: {  	[tilespmem:$0xFF0] =	vst v3  }
0x1d8: {  	v3 =	vld.idx.msk [tilespmem:v6+s10+$0x0], $0xffff;
	_ =	sdelay $0x1  }
0x1d9: {  	v4 =	vld.idx.msk [tilespmem:v4+s4+$0x0], $0xffff  }
0x1da: {  	v5 =	vld.idx.msk [tilespmem:v5+s4+$0x0], $0xffff;
	_ =	sdelay $0x1  }
0x1db: {  	v3 =	vshll.u32 v3, $0x4  }
0x1dc: {  	v6 =	vor.u32 $0xC4, v2;
	v3 =	vand.u32 $0x10, v3  }
0x1dd: {  	v4 =	vshrl.u32 v4, v3  }
0x1de: {  	v3 =	vshrl.u32 v5, v3;
	v5 =	vor.u32 $0x620, v1;
	v4 =	vand.u32 $0xFFFF, v4  }
0x1df: {  	v3 =	vand.u32 $0xFFFF, v3;
	[tilespmem:$0xC00] =	vst v4;
	v4 =	vor.u32 $0x621, v1  }
0x1e0: {  	[tilespmem:$0x1000] =	vst v3  }
0x1e1: {  	v3 =	vld.idx.msk [tilespmem:v6+s10+$0x0], $0xffff;
	_ =	sdelay $0x1  }
0x1e2: {  	v5 =	vld.idx.msk [tilespmem:v5+s4+$0x0], $0xffff  }
0x1e3: {  	v4 =	vld.idx.msk [tilespmem:v4+s4+$0x0], $0xffff;
	_ =	sdelay $0x1  }
0x1e4: {  	v3 =	vshll.u32 v3, $0x4  }
0x1e5: {  	v6 =	vor.u32 $0xC8, v2;
	v3 =	vand.u32 $0x10, v3  }
0x1e6: {  	v5 =	vshrl.u32 v5, v3  }
0x1e7: {  	v5 =	vand.u32 $0xFFFF, v5;
	v3 =	vshrl.u32 v4, v3;
	v4 =	vor.u32 $0x640, v1  }
0x1e8: {  	[tilespmem:$0xC10] =	vst v5;
	v5 =	vor.u32 $0x641, v1;
	v3 =	vand.u32 $0xFFFF, v3  }
0x1e9: {  	[tilespmem:$0x1010] =	vst v3  }
0x1ea: {  	v3 =	vld.idx.msk [tilespmem:v6+s10+$0x0], $0xffff;
	_ =	sdelay $0x1  }
0x1eb: {  	v4 =	vld.idx.msk [tilespmem:v4+s4+$0x0], $0xffff  }
0x1ec: {  	v5 =	vld.idx.msk [tilespmem:v5+s4+$0x0], $0xffff;
	_ =	sdelay $0x1  }
0x1ed: {  	v3 =	vshll.u32 v3, $0x4  }
0x1ee: {  	v6 =	vor.u32 $0xCC, v2;
	v3 =	vand.u32 $0x10, v3  }
0x1ef: {  	v4 =	vshrl.u32 v4, v3  }
0x1f0: {  	v3 =	vshrl.u32 v5, v3;
	v5 =	vor.u32 $0x660, v1;
	v4 =	vand.u32 $0xFFFF, v4  }
0x1f1: {  	v3 =	vand.u32 $0xFFFF, v3;
	[tilespmem:$0xC20] =	vst v4;
	v4 =	vor.u32 $0x661, v1  }
0x1f2: {  	[tilespmem:$0x1020] =	vst v3  }
0x1f3: {  	v3 =	vld.idx.msk [tilespmem:v6+s10+$0x0], $0xffff;
	_ =	sdelay $0x1  }
0x1f4: {  	v5 =	vld.idx.msk [tilespmem:v5+s4+$0x0], $0xffff  }
0x1f5: {  	v4 =	vld.idx.msk [tilespmem:v4+s4+$0x0], $0xffff;
	_ =	sdelay $0x1  }
0x1f6: {  	v3 =	vshll.u32 v3, $0x4  }
0x1f7: {  	v6 =	vor.u32 $0xD0, v2;
	v3 =	vand.u32 $0x10, v3  }
0x1f8: {  	v5 =	vshrl.u32 v5, v3  }
0x1f9: {  	v5 =	vand.u32 $0xFFFF, v5;
	v3 =	vshrl.u32 v4, v3;
	v4 =	vor.u32 $0x680, v1  }
0x1fa: {  	[tilespmem:$0xC30] =	vst v5;
	v5 =	vor.u32 $0x681, v1;
	v3 =	vand.u32 $0xFFFF, v3  }
0x1fb: {  	[tilespmem:$0x1030] =	vst v3  }
0x1fc: {  	v3 =	vld.idx.msk [tilespmem:v6+s10+$0x0], $0xffff;
	_ =	sdelay $0x1  }
0x1fd: {  	v4 =	vld.idx.msk [tilespmem:v4+s4+$0x0], $0xffff  }
0x1fe: {  	v5 =	vld.idx.msk [tilespmem:v5+s4+$0x0], $0xffff;
	_ =	sdelay $0x1  }
0x1ff: {  	v3 =	vshll.u32 v3, $0x4  }
0x200: {  	v6 =	vor.u32 $0xD4, v2;
	v3 =	vand.u32 $0x10, v3  }
0x201: {  	v4 =	vshrl.u32 v4, v3  }
0x202: {  	v3 =	vshrl.u32 v5, v3;
	v5 =	vor.u32 $0x6A0, v1;
	v4 =	vand.u32 $0xFFFF, v4  }
0x203: {  	v3 =	vand.u32 $0xFFFF, v3;
	[tilespmem:$0xC40] =	vst v4;
	v4 =	vor.u32 $0x6A1, v1  }
0x204: {  	[tilespmem:$0x1040] =	vst v3  }
0x205: {  	v3 =	vld.idx.msk [tilespmem:v6+s10+$0x0], $0xffff;
	_ =	sdelay $0x1  }
0x206: {  	v5 =	vld.idx.msk [tilespmem:v5+s4+$0x0], $0xffff  }
0x207: {  	v4 =	vld.idx.msk [tilespmem:v4+s4+$0x0], $0xffff;
	_ =	sdelay $0x1  }
0x208: {  	v3 =	vshll.u32 v3, $0x4  }
0x209: {  	v6 =	vor.u32 $0xD8, v2;
	v3 =	vand.u32 $0x10, v3  }
0x20a: {  	v5 =	vshrl.u32 v5, v3  }
0x20b: {  	v5 =	vand.u32 $0xFFFF, v5;
	v3 =	vshrl.u32 v4, v3;
	v4 =	vor.u32 $0x6C0, v1  }
0x20c: {  	[tilespmem:$0xC50] =	vst v5;
	v5 =	vor.u32 $0x6C1, v1;
	v3 =	vand.u32 $0xFFFF, v3  }
0x20d: {  	[tilespmem:$0x1050] =	vst v3  }
0x20e: {  	v3 =	vld.idx.msk [tilespmem:v6+s10+$0x0], $0xffff;
	_ =	sdelay $0x1  }
0x20f: {  	v4 =	vld.idx.msk [tilespmem:v4+s4+$0x0], $0xffff  }
0x210: {  	v5 =	vld.idx.msk [tilespmem:v5+s4+$0x0], $0xffff;
	_ =	sdelay $0x1  }
0x211: {  	v3 =	vshll.u32 v3, $0x4  }
0x212: {  	v6 =	vor.u32 $0xDC, v2;
	v3 =	vand.u32 $0x10, v3  }
0x213: {  	v4 =	vshrl.u32 v4, v3  }
0x214: {  	v3 =	vshrl.u32 v5, v3;
	v5 =	vor.u32 $0x6E0, v1;
	v4 =	vand.u32 $0xFFFF, v4  }
0x215: {  	v3 =	vand.u32 $0xFFFF, v3;
	[tilespmem:$0xC60] =	vst v4;
	v4 =	vor.u32 $0x6E1, v1  }
0x216: {  	[tilespmem:$0x1060] =	vst v3  }
0x217: {  	v3 =	vld.idx.msk [tilespmem:v6+s10+$0x0], $0xffff;
	_ =	sdelay $0x1  }
0x218: {  	v5 =	vld.idx.msk [tilespmem:v5+s4+$0x0], $0xffff  }
0x219: {  	v4 =	vld.idx.msk [tilespmem:v4+s4+$0x0], $0xffff;
	_ =	sdelay $0x1  }
0x21a: {  	v3 =	vshll.u32 v3, $0x4  }
0x21b: {  	v6 =	vor.u32 $0xE0, v2;
	v3 =	vand.u32 $0x10, v3  }
0x21c: {  	v5 =	vshrl.u32 v5, v3  }
0x21d: {  	v5 =	vand.u32 $0xFFFF, v5;
	v3 =	vshrl.u32 v4, v3;
	v4 =	vor.u32 $0x700, v1  }
0x21e: {  	[tilespmem:$0xC70] =	vst v5;
	v5 =	vor.u32 $0x701, v1;
	v3 =	vand.u32 $0xFFFF, v3  }
0x21f: {  	[tilespmem:$0x1070] =	vst v3  }
0x220: {  	v3 =	vld.idx.msk [tilespmem:v6+s10+$0x0], $0xffff;
	_ =	sdelay $0x1  }
0x221: {  	v4 =	vld.idx.msk [tilespmem:v4+s4+$0x0], $0xffff  }
0x222: {  	v5 =	vld.idx.msk [tilespmem:v5+s4+$0x0], $0xffff;
	_ =	sdelay $0x1  }
0x223: {  	v3 =	vshll.u32 v3, $0x4  }
0x224: {  	v6 =	vor.u32 $0xE4, v2;
	v3 =	vand.u32 $0x10, v3  }
0x225: {  	v4 =	vshrl.u32 v4, v3  }
0x226: {  	v3 =	vshrl.u32 v5, v3;
	v5 =	vor.u32 $0x720, v1;
	v4 =	vand.u32 $0xFFFF, v4  }
0x227: {  	v3 =	vand.u32 $0xFFFF, v3;
	[tilespmem:$0xC80] =	vst v4;
	v4 =	vor.u32 $0x721, v1  }
0x228: {  	[tilespmem:$0x1080] =	vst v3  }
0x229: {  	v3 =	vld.idx.msk [tilespmem:v6+s10+$0x0], $0xffff;
	_ =	sdelay $0x1  }
0x22a: {  	v5 =	vld.idx.msk [tilespmem:v5+s4+$0x0], $0xffff  }
0x22b: {  	v4 =	vld.idx.msk [tilespmem:v4+s4+$0x0], $0xffff;
	_ =	sdelay $0x1  }
0x22c: {  	v3 =	vshll.u32 v3, $0x4  }
0x22d: {  	v6 =	vor.u32 $0xE8, v2;
	v3 =	vand.u32 $0x10, v3  }
0x22e: {  	v5 =	vshrl.u32 v5, v3  }
0x22f: {  	v5 =	vand.u32 $0xFFFF, v5;
	v3 =	vshrl.u32 v4, v3;
	v4 =	vor.u32 $0x740, v1  }
0x230: {  	[tilespmem:$0xC90] =	vst v5;
	v5 =	vor.u32 $0x741, v1;
	v3 =	vand.u32 $0xFFFF, v3  }
0x231: {  	[tilespmem:$0x1090] =	vst v3  }
0x232: {  	v3 =	vld.idx.msk [tilespmem:v6+s10+$0x0], $0xffff;
	_ =	sdelay $0x1  }
0x233: {  	v4 =	vld.idx.msk [tilespmem:v4+s4+$0x0], $0xffff  }
0x234: {  	v5 =	vld.idx.msk [tilespmem:v5+s4+$0x0], $0xffff;
	_ =	sdelay $0x1  }
0x235: {  	v3 =	vshll.u32 v3, $0x4  }
0x236: {  	v6 =	vor.u32 $0xEC, v2;
	v3 =	vand.u32 $0x10, v3  }
0x237: {  	v4 =	vshrl.u32 v4, v3  }
0x238: {  	v3 =	vshrl.u32 v5, v3;
	v5 =	vor.u32 $0x760, v1;
	v4 =	vand.u32 $0xFFFF, v4  }
0x239: {  	v3 =	vand.u32 $0xFFFF, v3;
	[tilespmem:$0xCA0] =	vst v4;
	v4 =	vor.u32 $0x761, v1  }
0x23a: {  	[tilespmem:$0x10A0] =	vst v3  }
0x23b: {  	v3 =	vld.idx.msk [tilespmem:v6+s10+$0x0], $0xffff;
	_ =	sdelay $0x1  }
0x23c: {  	v5 =	vld.idx.msk [tilespmem:v5+s4+$0x0], $0xffff  }
0x23d: {  	v4 =	vld.idx.msk [tilespmem:v4+s4+$0x0], $0xffff;
	_ =	sdelay $0x1  }
0x23e: {  	v3 =	vshll.u32 v3, $0x4  }
0x23f: {  	v6 =	vor.u32 $0xF0, v2;
	v3 =	vand.u32 $0x10, v3  }
0x240: {  	v5 =	vshrl.u32 v5, v3  }
0x241: {  	v5 =	vand.u32 $0xFFFF, v5;
	v3 =	vshrl.u32 v4, v3;
	v4 =	vor.u32 $0x780, v1  }
0x242: {  	[tilespmem:$0xCB0] =	vst v5;
	v5 =	vor.u32 $0x781, v1;
	v3 =	vand.u32 $0xFFFF, v3  }
0x243: {  	[tilespmem:$0x10B0] =	vst v3  }
0x244: {  	v3 =	vld.idx.msk [tilespmem:v6+s10+$0x0], $0xffff;
	_ =	sdelay $0x1  }
0x245: {  	v4 =	vld.idx.msk [tilespmem:v4+s4+$0x0], $0xffff  }
0x246: {  	v5 =	vld.idx.msk [tilespmem:v5+s4+$0x0], $0xffff;
	_ =	sdelay $0x1  }
0x247: {  	v3 =	vshll.u32 v3, $0x4  }
0x248: {  	v6 =	vor.u32 $0xF4, v2;
	v3 =	vand.u32 $0x10, v3  }
0x249: {  	v4 =	vshrl.u32 v4, v3  }
0x24a: {  	v3 =	vshrl.u32 v5, v3;
	v5 =	vor.u32 $0x7A0, v1;
	v4 =	vand.u32 $0xFFFF, v4  }
0x24b: {  	v3 =	vand.u32 $0xFFFF, v3;
	[tilespmem:$0xCC0] =	vst v4;
	v4 =	vor.u32 $0x7A1, v1  }
0x24c: {  	[tilespmem:$0x10C0] =	vst v3  }
0x24d: {  	v3 =	vld.idx.msk [tilespmem:v6+s10+$0x0], $0xffff;
	_ =	sdelay $0x1  }
0x24e: {  	v5 =	vld.idx.msk [tilespmem:v5+s4+$0x0], $0xffff  }
0x24f: {  	v4 =	vld.idx.msk [tilespmem:v4+s4+$0x0], $0xffff;
	_ =	sdelay $0x1  }
0x250: {  	v3 =	vshll.u32 v3, $0x4  }
0x251: {  	v6 =	vor.u32 $0xF8, v2;
	v3 =	vand.u32 $0x10, v3  }
0x252: {  	v5 =	vshrl.u32 v5, v3  }
0x253: {  	v5 =	vand.u32 $0xFFFF, v5;
	v3 =	vshrl.u32 v4, v3;
	v4 =	vor.u32 $0x7C0, v1  }
0x254: {  	[tilespmem:$0xCD0] =	vst v5;
	v5 =	vor.u32 $0x7C1, v1;
	v3 =	vand.u32 $0xFFFF, v3  }
0x255: {  	[tilespmem:$0x10D0] =	vst v3  }
0x256: {  	v3 =	vld.idx.msk [tilespmem:v6+s10+$0x0], $0xffff;
	_ =	sdelay $0x1  }
0x257: {  	v4 =	vld.idx.msk [tilespmem:v4+s4+$0x0], $0xffff  }
0x258: {  	v5 =	vld.idx.msk [tilespmem:v5+s4+$0x0], $0xffff;
	_ =	sdelay $0x1  }
0x259: {  	v3 =	vshll.u32 v3, $0x4  }
0x25a: {  	v6 =	vor.u32 $0xFC, v2;
	v3 =	vand.u32 $0x10, v3  }
0x25b: {  	v4 =	vshrl.u32 v4, v3  }
0x25c: {  	v3 =	vshrl.u32 v5, v3;
	v5 =	vor.u32 $0x7E0, v1;
	v4 =	vand.u32 $0xFFFF, v4  }
0x25d: {  	v3 =	vand.u32 $0xFFFF, v3;
	[tilespmem:$0xCE0] =	vst v4;
	v4 =	vor.u32 $0x7E1, v1  }
0x25e: {  	[tilespmem:$0x10E0] =	vst v3  }
0x25f: {  	v3 =	vld.idx.msk [tilespmem:v6+s10+$0x0], $0xffff;
	_ =	sdelay $0x1  }
0x260: {  	v5 =	vld.idx.msk [tilespmem:v5+s4+$0x0], $0xffff  }
0x261: {  	v4 =	vld.idx.msk [tilespmem:v4+s4+$0x0], $0xffff;
	_ =	sdelay $0x1  }
0x262: {  	v3 =	vshll.u32 v3, $0x4  }
0x263: {  	v3 =	vand.u32 $0x10, v3  }
0x264: {  	v5 =	vshrl.u32 v5, v3  }
0x265: {  	v5 =	vand.u32 $0xFFFF, v5;
	v3 =	vshrl.u32 v4, v3  }
0x266: {  	[tilespmem:$0xCF0] =	vst v5;
	v3 =	vand.u32 $0xFFFF, v3  }
0x267: {  	s13 =	simm.s32 $0x900;
	[tilespmem:$0x10F0] =	vst v3  }
0x268: {  	[tilespmem:s14], [sflag:$0x2] =	stream.indirect.gather [hbm4b:s5+s12], $0x8, s13, s12, $0xb8;
	[tilespmem:$0x9100] =	vst v63  }
0x269: {  	s13 =	simm.s32 $0xD00  }
0x26a: {  	[tilespmem:s16], [sflag:$0x2] =	stream.indirect.gather [hbm4b:s5+s12], $0x8, s13, s12, $0xb8;
	[tilespmem:$0x9100] =	vst v63  }
0x26b: {  	s9 =	simm.s32 $0x980;
	s13 =	simm.s32 $0x1500  }
0x26c: {  	[tilespmem:s13], [sflag:$0x2] =	stream.indirect.gather [hbm4b:s5+s12], $0x8, s9, s12, $0xb8;
	[tilespmem:$0x9100] =	vst v63  }
0x26d: {  	s9 =	simm.s32 $0xD80;
	s13 =	simm.s32 $0x3500  }
0x26e: {  	[tilespmem:s13], [sflag:$0x2] =	stream.indirect.gather [hbm4b:s5+s12], $0x8, s9, s12, $0xb8;
	[tilespmem:$0x9100] =	vst v63  }
0x26f: {  	s9 =	simm.s32 $0xA00;
	s13 =	simm.s32 $0x1900  }
0x270: {  	[tilespmem:s13], [sflag:$0x2] =	stream.indirect.gather [hbm4b:s5+s12], $0x8, s9, s12, $0xb8;
	[tilespmem:$0x9100] =	vst v63  }
0x271: {  	s9 =	simm.s32 $0xE00;
	s13 =	simm.s32 $0x3900  }
0x272: {  	[tilespmem:s13], [sflag:$0x2] =	stream.indirect.gather [hbm4b:s5+s12], $0x8, s9, s12, $0xb8;
	[tilespmem:$0x9100] =	vst v63  }
0x273: {  	s9 =	simm.s32 $0xA80;
	s13 =	simm.s32 $0x1D00  }
0x274: {  	[tilespmem:s13], [sflag:$0x2] =	stream.indirect.gather [hbm4b:s5+s12], $0x8, s9, s12, $0xb8;
	[tilespmem:$0x9100] =	vst v63  }
0x275: {  	s9 =	simm.s32 $0xE80;
	s13 =	simm.s32 $0x3D00  }
0x276: {  	[tilespmem:s13], [sflag:$0x2] =	stream.indirect.gather [hbm4b:s5+s12], $0x8, s9, s12, $0xb8;
	[tilespmem:$0x9100] =	vst v63  }
0x277: {  	s9 =	simm.s32 $0xB00;
	s13 =	simm.s32 $0x2100  }
0x278: {  	[tilespmem:s13], [sflag:$0x2] =	stream.indirect.gather [hbm4b:s5+s12], $0x8, s9, s12, $0xb8;
	[tilespmem:$0x9100] =	vst v63  }
0x279: {  	s9 =	simm.s32 $0xF00;
	s13 =	simm.s32 $0x4100  }
0x27a: {  	[tilespmem:s13], [sflag:$0x2] =	stream.indirect.gather [hbm4b:s5+s12], $0x8, s9, s12, $0xb8;
	[tilespmem:$0x9100] =	vst v63  }
0x27b: {  	s9 =	simm.s32 $0xB80;
	s13 =	simm.s32 $0x2500  }
0x27c: {  	[tilespmem:s13], [sflag:$0x2] =	stream.indirect.gather [hbm4b:s5+s12], $0x8, s9, s12, $0xb8;
	[tilespmem:$0x9100] =	vst v63  }
0x27d: {  	_ = 	snop  }
0x27e: {  	[tilespmem:s17], [sflag:$0x2] =	stream.indirect.gather [hbm4b:s5+s12], $0x8, s15, s12, $0xb8;
	[tilespmem:$0x9100] =	vst v63  }
0x27f: {  	_ = 	snop  }
0x280: {  	[tilespmem:s19], [sflag:$0x2] =	stream.indirect.gather [hbm4b:s5+s12], $0x8, s18, s12, $0xb8;
	[tilespmem:$0x9100] =	vst v63  }
0x281: {  	_ = 	snop  }
0x282: {  	[tilespmem:s21], [sflag:$0x2] =	stream.indirect.gather [hbm4b:s5+s12], $0x8, s20, s12, $0xb8;
	[tilespmem:$0x9100] =	vst v63  }
0x283: {  	_ = 	snop  }
0x284: {  	[tilespmem:s23], [sflag:$0x2] =	stream.indirect.gather [hbm4b:s5+s12], $0x8, s22, s12, $0xb8;
	[tilespmem:$0x9100] =	vst v63  }
0x285: {  	_ = 	snop  }
0x286: {  	[tilespmem:s25], [sflag:$0x2] =	stream.indirect.gather [hbm4b:s5+s12], $0x8, s24, s12, $0xb8;
	[tilespmem:$0x9100] =	vst v63  }
0x287: {  	_ =	swait.ge [sflag:s26], $0x400  }
0x288: {  	[sflag:s26] =	ssyncset.done $0x0  }
0x289: {  	[sflag:s26] =	ssyncadd.s32 $0xFFFFFC00  }
0x28a: {  	_ =	swait.ge [sflag:s26], $0x400  }
0x28b: {  	[sflag:s26] =	ssyncset.done $0x0  }
0x28c: {  	[sflag:s26] =	ssyncadd.s32 $0xFFFFFC00  }
0x28d: {  	_ =	swait.ge [sflag:s26], $0x400  }
0x28e: {  	[sflag:s26] =	ssyncset.done $0x0  }
0x28f: {  	[sflag:s26] =	ssyncadd.s32 $0xFFFFFC00  }
0x290: {  	_ =	swait.ge [sflag:s26], $0x400  }
0x291: {  	[sflag:s26] =	ssyncset.done $0x0  }
0x292: {  	[sflag:s26] =	ssyncadd.s32 $0xFFFFFC00  }
0x293: {  	_ =	swait.ge [sflag:s26], $0x400  }
0x294: {  	[sflag:s26] =	ssyncset.done $0x0  }
0x295: {  	[sflag:s26] =	ssyncadd.s32 $0xFFFFFC00  }
0x296: {  	_ =	swait.ge [sflag:s26], $0x400  }
0x297: {  	[sflag:s26] =	ssyncset.done $0x0  }
0x298: {  	[sflag:s26] =	ssyncadd.s32 $0xFFFFFC00  }
0x299: {  	_ =	swait.ge [sflag:s26], $0x400  }
0x29a: {  	[sflag:s26] =	ssyncset.done $0x0  }
0x29b: {  	[sflag:s26] =	ssyncadd.s32 $0xFFFFFC00  }
0x29c: {  	_ =	swait.ge [sflag:s26], $0x400  }
0x29d: {  	[sflag:s26] =	ssyncset.done $0x0  }
0x29e: {  	[sflag:s26] =	ssyncadd.s32 $0xFFFFFC00  }
0x29f: {  	_ =	swait.ge [sflag:s26], $0x400  }
0x2a0: {  	[sflag:s26] =	ssyncset.done $0x0  }
0x2a1: {  	[sflag:s26] =	ssyncadd.s32 $0xFFFFFC00  }
0x2a2: {  	_ =	swait.ge [sflag:s26], $0x400  }
0x2a3: {  	[sflag:s26] =	ssyncset.done $0x0  }
0x2a4: {  	[sflag:s26] =	ssyncadd.s32 $0xFFFFFC00  }
0x2a5: {  	_ =	swait.ge [sflag:s26], $0x400  }
0x2a6: {  	[sflag:s26] =	ssyncset.done $0x0  }
0x2a7: {  	[sflag:s26] =	ssyncadd.s32 $0xFFFFFC00  }
0x2a8: {  	_ =	swait.ge [sflag:s26], $0x400  }
0x2a9: {  	[sflag:s26] =	ssyncset.done $0x0  }
0x2aa: {  	[sflag:s26] =	ssyncadd.s32 $0xFFFFFC00  }
0x2ab: {  	_ =	swait.ge [sflag:s26], $0x400  }
0x2ac: {  	[sflag:s26] =	ssyncset.done $0x0  }
0x2ad: {  	[sflag:s26] =	ssyncadd.s32 $0xFFFFFC00  }
0x2ae: {  	_ =	swait.ge [sflag:s26], $0x400  }
0x2af: {  	[sflag:s26] =	ssyncset.done $0x0  }
0x2b0: {  	[sflag:s26] =	ssyncadd.s32 $0xFFFFFC00  }
0x2b1: {  	_ =	swait.ge [sflag:s26], $0x400  }
0x2b2: {  	v3 =	vor.u32 s4, v0;
	[sflag:s26] =	ssyncset.done $0x0  }
0x2b3: {  	[sflag:s26] =	ssyncadd.s32 $0xFFFFFC00  }
0x2b4: {  	_ =	swait.ge [sflag:s26], $0x400  }
0x2b5: {  	[sflag:s26] =	ssyncset.done $0x0  }
0x2b6: {  	[sflag:s26] =	ssyncadd.s32 $0xFFFFFC00  }
0x2b7: {  	v4 =	vld.idx.msk [tilespmem:v3+s14+$0x0], $0xffff  }
0x2b8: {  	s13 =	simm.s32 $0x10;
	v3 =	vld.idx.msk [tilespmem:v3+s16+$0x0], $0xffff  }
0x2b9: {  	v6 =	vor.u32 s13, v0;
	_ =	sdelay $0x1  }
0x2ba: {  	s9 =	simm.s32 $0x5100  }
0x2bb: {  	s4 =	simm.s32 $0x7100;
	[tilespmem:s9+$0x0] =	vst v4  }
0x2bc: {  	[tilespmem:s4+$0x0] =	vst v3  }
0x2bd: {  	v5 =	vld.idx.msk [tilespmem:v6+s14+$0x0], $0xffff  }
0x2be: {  	s13 =	simm.s32 $0x20;
	v4 =	vld.idx.msk [tilespmem:v6+s16+$0x0], $0xffff  }
0x2bf: {  	v3 =	vor.u32 s13, v0  }
0x2c0: {  	s13 =	simm.s32 $0x30  }
.LBB2_3:
0x2c1: {  	p0 =	sne.s32 s13, $0x1FF0;
	s9 =	sadd.s32 $0x10, s9  }
0x2c2: {  	s4 =	sadd.s32 $0x10, s4;
	[tilespmem:s9+$0x0] =	vst v5  }
0x2c3: {  	[tilespmem:s4+$0x0] =	vst v4  }
.Ltmp0:
0x2c4: {  	v5 =	vld.idx.msk [tilespmem:v3+s14+$0x0], $0xffff;
	(pc) =	sbr.rel @p0 .LBB2_3-.Ltmp0, $3  }
0x2c5: {  	v4 =	vld.idx.msk [tilespmem:v3+s16+$0x0], $0xffff;
	_ =	sdelay $0x1  }
0x2c6: {  	v3 =	vor.u32 s13, v0  }
0x2c7: {  	s13 =	sadd.s32 $0x10, s13  }
0x2c8: {  	_ = 	snop  }
0x2c9: {  	s9 =	sadd.s32 $0x10, s9  }
0x2ca: {  	s4 =	sadd.s32 $0x10, s4;
	[tilespmem:s9+$0x0] =	vst v5  }
0x2cb: {  	[tilespmem:s4+$0x0] =	vst v4  }
0x2cc: {  	v4 =	vld.idx.msk [tilespmem:v3+s14+$0x0], $0xffff  }
0x2cd: {  	v3 =	vld.idx.msk [tilespmem:v3+s16+$0x0], $0xffff;
	_ =	sdelay $0x2  }
0x2ce: {  	s9 =	sadd.s32 $0x10, s9  }
0x2cf: {  	s0 =	sshll.u32 s0, $0x2;
	s4 =	sadd.s32 $0x10, s4;
	[tilespmem:s9+$0x0] =	vst v4  }
0x2d0: {  	s13 =	sadd.s32 s6, s0;
	[tilespmem:s4+$0x0] =	vst v3  }
0x2d1: {  	[hbm4b:s13+s1] =	stream.linear.scatter [tilespmem:s28], [sflag:$0x3], $0x2000, $0x38;
	[tilespmem:$0x9100] =	vst v63  }
0x2d2: {  	s31 =	sadd.s32 $0x1, s31;
	s0 =	sadd.s32 s7, s0  }
0x2d3: {  	[hbm4b:s0+s1] =	stream.linear.scatter [tilespmem:s29], [sflag:$0x3], $0x2000, $0x38;
	[tilespmem:$0x9100] =	vst v63  }
0x2d4: {  	p0 =	sne.s32 s31, $0x28;
	_ =	swait.ge [sflag:s30], $0x2000  }
.Ltmp1:
0x2d5: {  	[sflag:s30] =	ssyncset.done $0x0;
	(pc) =	sbr.rel @p0 .LBB2_2-.Ltmp1, $4  }
0x2d6: {  	[sflag:s30] =	ssyncadd.s32 $0xFFFFE000  }
0x2d7: {  	_ =	swait.ge [sflag:s30], $0x2000  }
0x2d8: {  	[sflag:s30] =	ssyncset.done $0x0  }
0x2d9: {  	[sflag:s30] =	ssyncadd.s32 $0xFFFFE000  }
0x2da: {  	s4 =	rddreg [dreg:$0x3]  }
0x2db: {  	s0 =	rddreg [dreg:$0x2];
	s4 =	sadd.s32 $0x1, s4  }
0x2dc: {  	p0 =	sne.s32 s4, s0  }
.Ltmp2:
0x2dd: {  	_ = 	snop;
	(pc) =	sbr.rel @p0 .LBB2_1-.Ltmp2, $1  }
0x2de: {  	_ =	sdelay $0x3  }
0x2df: {  	_ =	sfence.sel $0x180000  }
0x2e0: {  	[bflag:$0x0] =	sbarrier.arrive $0xFFFF  }
0x2e1: {  	_ =	strace $0x9000004A  }
0x2e2: {  	s0 =	stileid.u32;
	[bflag:$0x2] =	sbarrier.arrive $0xFFFF  }
0x2e3: {  	p0 =	sne.s32 s0, $0x0;
	s0 =	rddreg [dreg:$0x1]  }
0x2e4: {  	s0 =	sadd.s32 @!p0 $0x100000, s0  }
0x2e5: {  	[sflag:s0] =	ssyncadd.tile.s32 @!p0 $0x1;
	_ =	shalt  }
.Lfunc_end2:
_tile_overlayer_lowered:
.L_overlay_start_2:
0x2e6: {  	(tag) =	ssettag $0x2  }
0x2e7: {  	s0 =	rddreg [dreg:$0x0];
	s2 =	stileid.u32  }
0x2e8: {  	s1 =	rddreg [dreg:$0x1];
	p0 =	sne.s32 s2, $0x0  }
0x2e9: {  	s3 =	rddreg [dreg:$0x2];
	[bflag:$0x3] =	sbarrier.arrive $0xFFFF;
	s2 =	simm.s32 @!p0 $0x1C04  }
0x2ea: {  	[timem:s3], [sflag:s2] =	dma.local @!p0 [hbm:s0], s1  }
0x2eb: {  	s0 =	simm.s32 @!p0 $0x4  }
0x2ec: {  	_ =	swait.ge @!p0 [sflag:s0], s1  }
0x2ed: {  	s1 =	ssub.s32 @!p0 $0x0, s1;
	[sflag:s0] =	ssyncset.done @!p0 $0x0  }
0x2ee: {  	[sflag:s0] =	ssyncadd.s32 @!p0 s1  }
0x2ef: {  	[bflag:$0x3] =	sbarrier.arrive $0xFFFF  }
0x2f0: {  	_ =	shalt  }

// kernel: sparse-core-data-format-call.cloned.1.call-start
scs
called_computation_lowered:
.L_overlay_start_0:
0x0: {  	s2 =	sld [smem:$0x3FD9]  }
0x1: {  	s3 =	sld [smem:$0x3FFE];
	_ =	sdelay $0x1  }
0x2: {  	s1 =	srdreg.scid  }
0x3: {  	s0 =	sand.u32 $0x1, s1  }
0x4: {  	s18 =	sshll.u32 s0, $0xA;
	s2 =	sadd.s32 s3, s2  }
0x5: {  	s2 =	sadd.s32 s2, s18  }
0x6: {  	[smem:$0x3FC3] =	sst s2  }
0x7: {  	_ = 	snop  }
0x8: {  	s2 =	sld [smem:$0x3FD0];
	(tm) =	ssettm $0x1  }
0x9: {  	s19 =	sld [smem:$0x3FFB];
	_ =	sdelay $0x3  }
0xa: {  	_ =	strace s19  }
0xb: {  	s3 =	sld [smem:$0x3FFC];
	_ =	sdelay $0x3  }
0xc: {  	_ =	strace s3  }
0xd: {  	s3 =	sld [smem:$0x3FFD];
	_ =	sdelay $0x3  }
0xe: {  	_ =	strace s3  }
0xf: {  	_ =	strace $0x8FFFFFFF  }
0x10: {  	s20 =	sld [smem:$0x3FDB];
	_ =	sdelay $0x1  }
0x11: {  	s4 =	simm.s32 $_scs_section_size  }
0x12: {  	s5 =	simm.s32 $_size__tile_overlayer_lowered;
	s6 =	simm.s32 $_tile_overlayer_lowered  }
0x13: {  	s23 =	simm.s32 $0x1BFF;
	s22 =	sshll.u32 s6, $0x1;
	s3 =	sadd.s32 s4, s20  }
0x14: {  	s7 =	simm.s32 $0x0;
	s21 =	sshll.u32 s5, $0x1;
	s5 =	sadd.s32 s22, s3  }
0x15: {  	[timem:s7], [sflag:s23] =	dma.local [hbm:s5], s21  }
0x16: {  	_ =	swait.ge [sflag:s23], s21  }
0x17: {  	s4 =	ssub.s32 $0x0, s21;
	[sflag:s23] =	ssyncset.done $0x0  }
0x18: {  	[sflag:s23] =	ssyncadd.s32 s4;
	_ =	sdelay $0x1  }
0x19: {  	s24 =	simm.s32 $0x1B8B  }
0x1a: {  	_ =	swait.ge [sflag:s24], $0x1  }
0x1b: {  	[sflag:s24] =	ssyncset.done $0x0  }
0x1c: {  	s26 =	simm.s32 $0x1B8E;
	s25 =	sld [smem:$0x3FFE];
	[sflag:s24] =	ssyncadd.s32 $0xFFFFFFFF  }
0x1d: {  	s27 =	simm.s32 $execute0_lowered;
	[smem:$0x3FD2] =	sst s26  }
0x1e: {  	s5 =	sshll.u32 s27, $0x1;
	_ =	strace $0x8000004C;
	[dreg:$0x1] =	wrdreg $0xFFFFFFFF  }
0x1f: {  	s28 =	simm.s32 $_size_execute0_lowered;
	s3 =	sadd.s32 s3, s5;
	[dreg:$0x0] =	wrdreg $0x0  }
0x20: {  	s5 =	sshll.u32 s28, $0x1;
	[dreg:$0x2] =	wrdreg s3  }
0x21: {  	[dreg:$0x3] =	wrdreg s5  }
0x22: {  	[dreg:$0x4] =	wrdreg $0xC0  }
0x23: {  	_ =	task [dreg:s7], $0x5FFFF  }
0x24: {  	[dreg:$0x1] =	wrdreg $0xFFFFFFFF  }
0x25: {  	[dreg:$0x0] =	wrdreg $0x60  }
0x26: {  	[dreg:$0x2] =	wrdreg s25  }
0x27: {  	[dreg:$0x3] =	wrdreg s2  }
0x28: {  	[dreg:$0x4] =	wrdreg $0x9  }
0x29: {  	_ =	task.clear_ibuf [dreg:s7], $0x5FFFF;
	_ =	strace $0x9000004C  }
0x2a: {  	s29 =	simm.s32 $0x9;
	_ =	strace $0x8000004E  }
0x2b: {  	_ =	swait.ge [sflag:s29], $0x1  }
0x2c: {  	[sflag:s29] =	ssyncadd.s32 $0xFFFFFFFF  }
0x2d: {  	_ =	strace $0x9000004E  }
0x2e: {  	_ =	sfence  }
0x2f: {  	s30 =	sld [smem:$0x0];
	_ =	sdelay $0x2  }
0x30: {  	s31 =	sshll.u32 s1, $0xD;
	s1 =	sshrl.u32 s1, $0x2  }
0x31: {  	s3 =	sand.u32 $0x4000, s31;
	s1 =	sadd.s32 s1, s30  }
0x32: {  	s0 =	sor.u32 s3, s0;
	s1 =	sshll.u32 s1, $0x11  }
0x33: {  	s0 =	sor.u32 s1, s0  }
0x34: {  	s0 =	sadd.s32 $0x8F2B, s0  }
0x35: {  	[sflag:s0] =	ssyncadd.remote.s32 $0x1  }
0x36: {  	_ =	sfence.sel $0xFFFF  }
0x37: {  	[dreg:$0x0] =	wrdreg $0xFFFFFFFF;
	(pc) =	sbr.abs _section_cstart, $3  }
0x38: {  	[dreg:$0x1] =	wrdreg $0xFFFFFFFF  }
0x39: {  	_ =	task.clear_ibuf [dreg:s7], $0x2FFFF;
	_ =	strace $0x9FFFFFFF  }
0x3a: {  	(tm) =	ssettm $0x7FFFFFFF  }
0x3b: {  	_ =	shalt  }
tec
execute0_lowered:
.L_overlay_start_1:
0x0: {  	(tag) =	ssettag $0x1  }
0x1: {  	s0 =	srdreg.scid  }
0x2: {  	s1 =	sshll.u32 s0, $0x4  }
0x3: {  	s0 =	stileid.u32;
	s1 =	sand.u32 $0x10, s1  }
0x4: {  	s1 =	sor.u32 s0, s1  }
0x5: {  	s6 =	rddreg [dreg:$0x0];
	s4 =	simm.s32 $0x1;
	s2 =	sshll.u32 s1, $0x7  }
0x6: {  	s7 =	simm.s32 $0x2;
	s13 =	simm.s32 $0x0;
	s1 =	ssub.s32 $0x4000, s2  }
0x7: {  	s8 =	simm.s32 $0x10000;
	s12 =	simm.s32 $0x0;
	s3 =	sand.u32 $0xF80, s1  }
0x8: {  	s9 =	simm.s32 $0x0;
	s5 =	sshrl.u32 s1, $0xC;
	p0 =	sne.s32 s3, $0x0  }
.Ltmp0:
0x9: {  	s1 =	rddreg [dreg:$0x2];
	s4 =	simm.s32 @!p0 $0x0;
	(pc) =	sbr.rel .LBB1_1-.Ltmp0, $4  }
0xa: {  	s11 =	simm.s32 $0x0;
	s3 =	rddreg [dreg:$0x1];
	s5 =	sadd.s32 s4, s5  }
0xb: {  	_ =	strace $0x8000004D;
	s4 =	simm.s32 $0x1;
	s5 =	smul.u32 $0xA, s5  }
0xc: {  	s6 =	sadd.s32 $0x141800, s6;
	s10 =	smov.u32 s2;
	[sflag:s4] =	ssyncpa.u1 $0x0  }
0xd: {  	p0 =	por $0x0, $0x0;
	[sflag:s7] =	ssyncpa.u1 $0x0;
	s7 =	sor.u32 $0x1, s5  }
.LBB1_4:
0xe: {  	v1 =	vperm.xlane.i2c.b16 v1;
	v0 =	vperm.xlane.i2c.b16 v0  }
0xf: {  	v2 =	vperm.xlane.i2c.b16 v2;
	v3 =	vperm.xlane.i2c.b16 v3  }
0x10: {  	[tilespmem:s16+$0x0 ss:$0x81] =	vst.msk $0xffff, v5;
	s17 =	sshra.s32 s17, $0x2;
	s18 =	sshll.u32 s12, $0x3;
	s19 =	sshll.u32 s12, $0x1;
	v62 =	vcombine.low v0, v1  }
0x11: {  	s13 =	sshll.u32 s13, $0x10;
	s30 =	sshrl.u32 s12, $0x1;
	[tilespmem:s16+$0x1020 ss:$0x81] =	vst.msk $0xffff, v4;
	s15 =	sadd.s32 s17, s15;
	v63 =	vcombine.low v3, v2  }
0x12: {  	s31 =	sand.u32 $0x7, s12;
	s28 =	sand.u32 $0xF0, s19;
	s29 =	sand.u32 $0x3C00, s18;
	v0 =	vcombine.high v0, v1;
	[tilespmem:s15+$0x810 ss:$0x81] =	vst.msk $0xffff, v62  }
0x13: {  	s17 =	sand.u32 $0xFC00, s30;
	s13 =	sadd.s32 s3, s13;
	s16 =	sor.u32 s28, s29;
	v2 =	vcombine.high v3, v2;
	[tilespmem:s15+$0x0 ss:$0x81] =	vst.msk $0xffff, v63  }
0x14: {  	s12 =	sshll.u32 s31, $0x12;
	s13 =	sadd.s32 s17, s13;
	s16 =	sshrl.u32 s16, $0x4;
	[tilespmem:s15+$0x1830 ss:$0x81] =	vst.msk $0xffff, v0  }
0x15: {  	s12 =	sor.u32 $0x200, s12;
	s13 =	sadd.s32 s16, s13;
	[tilespmem:s15+$0x1020 ss:$0x81] =	vst.msk $0xffff, v2  }
0x16: {  	[hbm4b:s13+s12] =	stream.strided.scatter [tilespmem:s14], [sflag:$0x2], $0x2000, s8, s12, $0x20;
	[tilespmem:$0x8080] =	vst v63  }
.LBB1_5:
0x17: {  	s14 =	sadd.s32 $0x2, s9  }
0x18: {  	s12 =	sadd.s32 $0x1000, s10;
	s16 =	smov.u32 s10;
	p2 =	sgt.s32 s14, $0x13  }
0x19: {  	s16 =	smov.u32 @p2 s12  }
0x1a: {  	s14 =	simm.s32 @p2 $0x0;
	p2 =	sgt.s32 s16, $0x3FFF  }
0x1b: {  	s16 =	smov.u32 @p2 s2;
	p2 =	sne.s32 s11, s7  }
.Ltmp1:
0x1c: {  	p1 =	slt.u32 s11, $0x2;
	(pc) =	sbr.rel @!p2 .LBB1_6-.Ltmp1, $4  }
0x1d: {  	s15 =	simm.s32 @!p1 $0x2  }
0x1e: {  	s13 =	smov.u32 s9;
	p0 =	por !p0, !p0;
	_ =	swait.ge @!p1 [sflag:s15], $0x2000  }
0x1f: {  	s12 =	smov.u32 s10;
	[sflag:s15] =	ssyncset.done @!p1 $0x0;
	s9 =	smov.u32 s14  }
0x20: {  	s11 =	sadd.s32 $0x1, s11;
	[sflag:s15] =	ssyncadd.s32 @!p1 $0xFFFFE000;
	s10 =	smov.u32 s16  }
.LBB1_1:
0x21: {  	p1 =	sge.u32 s11, s5  }
0x22: {  	s14 =	sand.u32 @!p1 $0x1FFFFFE, s9  }
0x23: {  	s15 =	smulhi.u32 @!p1 $0xAAAAAAB, s14;
	_ =	sdelay $0x1  }
0x24: {  	s15 =	smul.u32 @!p1 $0x18, s15  }
0x25: {  	s31 =	sadd.s32 $0xFFFFFFFF, s11;
	s16 =	smul.u32 @!p1 $0xC0, s10  }
0x26: {  	s17 =	simm.s32 @!p1 $0x600;
	s14 =	ssub.s32 @!p1 s14, s15;
	s15 =	sxor.u32 @!p1 $0xFFFFFFFF, s11  }
0x27: {  	s16 =	sadd.s32 @!p1 s6, s16;
	s14 =	sshll.u32 @!p1 s14, $0x3;
	s15 =	sshll.u32 @!p1 s15, $0xD  }
0x28: {  	s14 =	sadd.s32 @!p1 s14, s16;
	s15 =	sand.u32 @!p1 $0x2000, s15;
	s16 =	simm.s32 @!p1 $0x40  }
0x29: {  	[tilespmem:s15], [sflag:$0x1] =	stream.strided.gather @!p1 [hbm4b:s14+s16], $0x2000, s17, s16, $0x38;
	[tilespmem:$0x8080] =	vst v63  }
0x2a: {  	p1 =	sge.u32 s31, s5  }
.Ltmp2:
0x2b: {  	_ = 	snop;
	(pc) =	sbr.rel @p1 .LBB1_5-.Ltmp2, $1  }
0x2c: {  	_ =	sdelay $0x3  }
0x2d: {  	s14 =	simm.s32 $0x1  }
0x2e: {  	_ =	swait.ge [sflag:s4], $0x2000;
	s14 =	simm.s32 @!p0 $0x0  }
0x2f: {  	[sflag:s4] =	ssyncset.done $0x0;
	s15 =	sshll.u32 s14, $0xD  }
0x30: {  	[sflag:s4] =	ssyncadd.s32 $0xFFFFE000;
	s15 =	sor.u32 $0x20, s15  }
0x31: {  	v0 =	vld [tilespmem:s15+$0x0]  }
0x32: {  	v1 =	vld [tilespmem:s15+$0x10]  }
0x33: {  	v2 =	vld [tilespmem:s15+$0xFFFFFFF0]  }
0x34: {  	v3 =	vld [tilespmem:s15+$0xFFFFFFE0];
	_ =	sdelay $0x1  }
0x35: {  	s14 =	smul.u32 $0x8100, s14;
	s19 =	sadd.s32 $0x40, s15  }
0x36: {  	s16 =	sand.u32 $0x1, s11;
	v4 =	vperm.xlane.i2c.b16 v1;
	v5 =	vperm.xlane.i2c.b16 v0;
	v0 =	vld [tilespmem:s19+$0x0]  }
0x37: {  	s16 =	smul.u32 $0x8100, s16;
	s14 =	sshrl.u32 s14, $0x2;
	v6 =	vperm.xlane.i2c.b16 v2;
	v1 =	vld [tilespmem:s19+$0x10]  }
0x38: {  	s15 =	sor.u32 $0x4000, s14;
	v8 =	vperm.xlane.i2c.b16 v3;
	v2 =	vld [tilespmem:s19+$0xFFFFFFF0];
	v7 =	vcombine.low v5, v4  }
0x39: {  	s31 =	sshrl.u32 s16, $0x2;
	s16 =	sadd.s32 $0x0, s15;
	v3 =	vld [tilespmem:s19+$0xFFFFFFE0];
	v9 =	vcombine.high v5, v4  }
0x3a: {  	s17 =	simm.s32 $0x4;
	v5 =	vcombine.low v8, v6;
	[tilespmem:s16+$0x810 ss:$0x81] =	vst.msk $0xffff, v7  }
0x3b: {  	s18 =	simm.s32 $0x8;
	s14 =	sor.u32 $0x4000, s31;
	s19 =	sadd.s32 $0x40, s19;
	v4 =	vcombine.high v8, v6;
	[tilespmem:s16+$0x1830 ss:$0x81] =	vst.msk $0xffff, v9  }
.LBB1_3:
0x3c: {  	v6 =	vperm.xlane.i2c.b16 v1;
	v7 =	vperm.xlane.i2c.b16 v0;
	v0 =	vld [tilespmem:s19+$0x0];
	[tilespmem:s16+$0x0 ss:$0x81] =	vst.msk $0xffff, v5;
	s20 =	smov.u32 s18;
	p1 =	sne.s32 s18, $0x1FC  }
.Ltmp3:
0x3d: {  	v8 =	vperm.xlane.i2c.b16 v2;
	v1 =	vld [tilespmem:s19+$0x10];
	[tilespmem:s16+$0x1020 ss:$0x81] =	vst.msk $0xffff, v4;
	(pc) =	sbr.rel @p1 .LBB1_3-.Ltmp3, $4  }
0x3e: {  	s18 =	sadd.s32 $0x4, s18;
	v4 =	vperm.xlane.i2c.b16 v3;
	s16 =	sshra.s32 s17, $0x2;
	v2 =	vld [tilespmem:s19+$0xFFFFFFF0];
	v9 =	vcombine.low v7, v6  }
0x3f: {  	s17 =	smov.u32 s20;
	s16 =	sadd.s32 s16, s15;
	v6 =	vcombine.high v7, v6;
	v3 =	vld [tilespmem:s19+$0xFFFFFFE0]  }
0x40: {  	v5 =	vcombine.low v4, v8;
	v4 =	vcombine.high v4, v8;
	[tilespmem:s16+$0x810 ss:$0x81] =	vst.msk $0xffff, v9  }
0x41: {  	s19 =	sadd.s32 $0x40, s19;
	[tilespmem:s16+$0x1830 ss:$0x81] =	vst.msk $0xffff, v6  }
.Ltmp4:
0x42: {  	_ = 	snop;
	(pc) =	sbr.rel .LBB1_4-.Ltmp4, $1  }
0x43: {  	_ =	sdelay $0x3  }
.LBB1_6:
0x44: {  	_ =	sfence.sel $0x180000  }
0x45: {  	s2 =	simm.s32 $0x1;
	[bflag:$0x0] =	sbarrier.arrive $0xFFFF  }
0x46: {  	s31 =	simm.s32 $0x2;
	[sflag:s2] =	ssyncpa.u1 $0x1  }
0x47: {  	[sflag:s31] =	ssyncpa.u1 $0x1  }
0x48: {  	p0 =	sne.s32 s0, $0x0;
	_ =	strace $0x9000004D  }
0x49: {  	s0 =	sadd.s32 @!p0 $0x100000, s1;
	[bflag:$0x2] =	sbarrier.arrive $0xFFFF  }
0x4a: {  	[sflag:s0] =	ssyncadd.tile.s32 @!p0 $0x1;
	_ =	shalt  }
.Lfunc_end1:
_tile_overlayer_lowered:
.L_overlay_start_2:
0x4b: {  	(tag) =	ssettag $0x2  }
0x4c: {  	s0 =	rddreg [dreg:$0x0];
	s2 =	stileid.u32  }
0x4d: {  	s1 =	rddreg [dreg:$0x1];
	p0 =	sne.s32 s2, $0x0  }
0x4e: {  	s3 =	rddreg [dreg:$0x2];
	[bflag:$0x3] =	sbarrier.arrive $0xFFFF;
	s2 =	simm.s32 @!p0 $0x1C01  }
0x4f: {  	[timem:s3], [sflag:s2] =	dma.local @!p0 [hbm:s0], s1  }
0x50: {  	s0 =	simm.s32 @!p0 $0x1  }
0x51: {  	_ =	swait.ge @!p0 [sflag:s0], s1  }
0x52: {  	s1 =	ssub.s32 @!p0 $0x0, s1;
	[sflag:s0] =	ssyncset.done @!p0 $0x0  }
0x53: {  	[sflag:s0] =	ssyncadd.s32 @!p0 s1  }
0x54: {  	[bflag:$0x3] =	sbarrier.arrive $0xFFFF  }
0x55: {  	_ =	shalt  }

</sc_bundles>
